<compile_context>
chip_gen: v7x
topology: tpu7x:2x2x1
jax: 0.10.2.dev20260603
libtpu: 0.0.44.dev20260713+nightly
codegen_flags: <defaults>
</compile_context>

<pallas_src>
import functools

import jax
import jax.numpy as jnp
from jax import lax
from jax.experimental import pallas as pl
from jax.experimental.pallas import tpu as pltpu
from jax.experimental.pallas import tpu_sc as plsc

_N = 10000
_NP = 10240
_E = 320000
_B = 8
_HID = 32
_LANES = 128
_CH = 160
_G = 16
_EPT = _CH * _LANES
_EPAD = _EPT * 16
_RPT = _NP // 16
_RB = 512


def _deg_body(edges, ones, deg, idx_v, ones_v, deg_sh):
    c = lax.axis_index("c")
    s = lax.axis_index("s")
    r0 = s * _RPT
    pltpu.sync_copy(ones.at[pl.ds(r0, _RPT)], deg_sh.at[pl.ds(r0, _RPT)])
    pltpu.sync_copy(ones.at[pl.ds(0, _LANES)], ones_v)
    pltpu.sync_copy(edges.at[c, s], idx_v)
    plsc.subcore_barrier()

    def step(j, carry):
        pltpu.sync_copy(ones_v, deg_sh.at[idx_v.at[j]], add=True)
        return carry

    lax.fori_loop(0, _CH, step, 0)
    plsc.subcore_barrier()
    pltpu.sync_copy(deg_sh.at[pl.ds(r0, _RPT)], deg.at[c, pl.ds(r0, _RPT)])




def _spmv_body(table, src2, edges, out, src_v, dst_v, rows_a, rows_b, y_sh,
               sem_a, sem_a2, sem_b, sem_b2):
    c = lax.axis_index("c")
    s = lax.axis_index("s")
    r0 = s * _RPT
    pltpu.sync_copy(table.at[pl.ds(c * _NP + r0, _RPT)], y_sh.at[pl.ds(r0, _RPT)])
    plsc.subcore_barrier()

    hl = _LANES // 2

    def gather2(j, rows, s1, s2):
        pltpu.async_copy(table.at[src_v.at[j, pl.ds(0, hl)]],
                         rows.at[pl.ds(0, hl)], s1)
        pltpu.async_copy(table.at[src_v.at[j, pl.ds(hl, hl)]],
                         rows.at[pl.ds(hl, hl)], s2)

    def wait2(rows, s1, s2):
        pltpu.make_async_copy(table.at[src_v.at[0, pl.ds(0, hl)]],
                              rows.at[pl.ds(0, hl)], s1).wait()
        pltpu.make_async_copy(table.at[src_v.at[0, pl.ds(0, hl)]],
                              rows.at[pl.ds(hl, hl)], s2).wait()

    def group(g, carry):
        pltpu.sync_copy(src2.at[c, s, pl.ds(g * _G, _G)], src_v)
        pltpu.sync_copy(edges.at[1, s, pl.ds(g * _G, _G)], dst_v)
        gather2(0, rows_a, sem_a, sem_a2)

        def pair(p, carry2):
            j0 = 2 * p
            gather2(j0 + 1, rows_b, sem_b, sem_b2)
            wait2(rows_a, sem_a, sem_a2)
            pltpu.sync_copy(rows_a, y_sh.at[dst_v.at[j0]], add=True)

            @pl.when(p < _G // 2 - 1)
            def _():
                gather2(j0 + 2, rows_a, sem_a, sem_a2)

            wait2(rows_b, sem_b, sem_b2)
            pltpu.sync_copy(rows_b, y_sh.at[dst_v.at[j0 + 1]], add=True)
            return carry2

        return lax.fori_loop(0, _G // 2, pair, carry)

    lax.fori_loop(0, _CH // _G, group, 0)
    plsc.subcore_barrier()
    pltpu.sync_copy(y_sh.at[pl.ds(r0, _RPT)], out.at[c, pl.ds(r0, _RPT)])


@functools.lru_cache
def _sc_kernels():
    mesh = plsc.VectorSubcoreMesh(core_axis_name="c", subcore_axis_name="s")
    deg = pl.kernel(
        _deg_body,
        out_type=jax.ShapeDtypeStruct((2, _NP, 128), jnp.float32),
        mesh=mesh,
        scratch_types=[
            pltpu.VMEM((_CH, _LANES), jnp.int32),
            pltpu.VMEM((_LANES, 128), jnp.float32),
            pltpu.VMEM_SHARED((_NP, 128), jnp.float32),
        ],
    )
    spmv = pl.kernel(
        _spmv_body,
        out_type=jax.ShapeDtypeStruct((2, _NP, 128), jnp.float32),
        mesh=mesh,
        scratch_types=[
            pltpu.VMEM((_G, _LANES), jnp.int32),
            pltpu.VMEM((_G, _LANES), jnp.int32),
            pltpu.VMEM((_LANES, 128), jnp.float32),
            pltpu.VMEM((_LANES, 128), jnp.float32),
            pltpu.VMEM_SHARED((_NP, 128), jnp.float32),
            pltpu.SemaphoreType.DMA,
            pltpu.SemaphoreType.DMA,
            pltpu.SemaphoreType.DMA,
            pltpu.SemaphoreType.DMA,
        ],
    )
    return deg, spmv



def _prep_body(gf_ref, deg_ref, out_ref):
    ns = lax.rsqrt(jnp.maximum(deg_ref[0, :, 0:1], 1.0))
    x = gf_ref[...] * ns
    z = jnp.zeros((_RB, 104), jnp.float32)
    out_ref[0] = jnp.concatenate([x[:, :24], z], axis=1)
    out_ref[1] = jnp.concatenate([x[:, 24:], z], axis=1)


def _prep_call(gf, degs):
    grid = _NP // _RB
    return pl.pallas_call(
        _prep_body,
        grid=(grid,),
        in_specs=[
            pl.BlockSpec((_RB, 48), lambda i: (i, 0)),
            pl.BlockSpec((2, _RB, 128), lambda i: (0, i, 0)),
        ],
        out_specs=pl.BlockSpec((2, _RB, 128), lambda i: (0, i, 0)),
        out_shape=jax.ShapeDtypeStruct((2, _NP, 128), jnp.float32),
    )(gf, degs)


def _mm_body(hw, y_ref, deg_ref, w_ref, b_ref, out_ref):
    a = jnp.concatenate([y_ref[0][:, :hw], y_ref[1][:, :hw]], axis=1)
    nd = lax.rsqrt(jnp.maximum(deg_ref[1, :, 0:1], 1.0))
    z = jnp.dot(a * nd, w_ref[...], preferred_element_type=jnp.float32)
    h = jnp.maximum(z + b_ref[...], 0.0)
    h = h * lax.rsqrt(jnp.maximum(deg_ref[0, :, 0:1], 1.0))
    out_ref[0] = h[:, :128]
    out_ref[1] = h[:, 128:]


def _mm_call(fin, y, degs, wbd, bt):
    grid = _NP // _RB
    return pl.pallas_call(
        functools.partial(_mm_body, fin // 2),
        grid=(grid,),
        in_specs=[
            pl.BlockSpec((2, _RB, 128), lambda i: (0, i, 0)),
            pl.BlockSpec((2, _RB, 128), lambda i: (0, i, 0)),
            pl.BlockSpec((fin, 256), lambda i: (0, 0)),
            pl.BlockSpec((1, 256), lambda i: (0, 0)),
        ],
        out_specs=pl.BlockSpec((2, _RB, 128), lambda i: (0, i, 0)),
        out_shape=jax.ShapeDtypeStruct((2, _NP, 128), jnp.float32),
    )(y, degs, wbd, bt)


def _fin_body(y_ref, deg_ref, w_ref, b_ref, out_ref):
    i = pl.program_id(0)
    a = jnp.concatenate([y_ref[0], y_ref[1]], axis=1)
    nd = lax.rsqrt(jnp.maximum(deg_ref[1, :, 0:1], 1.0))
    z = jnp.dot(a * nd, w_ref[...], preferred_element_type=jnp.float32)
    h = jnp.maximum(z + b_ref[...], 0.0)
    rows = i * _RB + lax.broadcasted_iota(jnp.int32, (_RB, 1), 0)
    h = jnp.where(rows < _N, h, 0.0)

    @pl.when(i == 0)
    def _():
        out_ref[...] = jnp.zeros_like(out_ref)

    out_ref[...] += jnp.sum(h, axis=0, keepdims=True)


def _fin_call(y, degs, wbd, bt):
    grid = _NP // _RB
    return pl.pallas_call(
        _fin_body,
        grid=(grid,),
        in_specs=[
            pl.BlockSpec((2, _RB, 128), lambda i: (0, i, 0)),
            pl.BlockSpec((2, _RB, 128), lambda i: (0, i, 0)),
            pl.BlockSpec((256, 256), lambda i: (0, 0)),
            pl.BlockSpec((1, 256), lambda i: (0, 0)),
        ],
        out_specs=pl.BlockSpec((1, 256), lambda i: (0, 0)),
        out_shape=jax.ShapeDtypeStruct((1, 256), jnp.float32),
    )(y, degs, wbd, bt)


def _head_body(hg_ref, vec_ref, we_ref, be_ref, wp_ref, bp_ref, wv_ref, bv_ref,
               pi_ref, vf_ref):
    hg = hg_ref[...] * (1.0 / _N)
    emb = jnp.dot(hg, we_ref[...], preferred_element_type=jnp.float32) + be_ref[...]
    comb = jnp.concatenate([vec_ref[:, :26], emb], axis=1)
    pi_ref[...] = jnp.maximum(
        jnp.dot(comb, wp_ref[...], preferred_element_type=jnp.float32) + bp_ref[...], 0.0)
    vf_ref[...] = jnp.maximum(
        jnp.dot(comb, wv_ref[...], preferred_element_type=jnp.float32) + bv_ref[...], 0.0)


def _head_call(hg, vector, We, be, Wp, bp, Wv, bv):
    return pl.pallas_call(
        _head_body,
        out_shape=(
            jax.ShapeDtypeStruct((_B, 512), jnp.float32),
            jax.ShapeDtypeStruct((_B, 512), jnp.float32),
        ),
    )(hg, vector, We, be, Wp, bp, Wv, bv)



def kernel(graph_feats, vector, edge_index, W1, b1, W2, b2, W3, b3, We, be, Wp, bp, Wv, bv):
    f32 = jnp.float32
    ei = edge_index.astype(jnp.int32)
    pad = jnp.full((2, _EPAD - _E), _N, jnp.int32)
    edges = jnp.concatenate([ei, pad], axis=1).reshape(2, 16, _CH, _LANES)
    src2 = jnp.stack([edges[0], edges[0] + _NP]).reshape(2, 16, _CH, _LANES)
    ones = jnp.ones((_NP, 128), f32)

    gf = jnp.transpose(graph_feats, (1, 0, 2)).reshape(_N, _B * 6)
    gf = jnp.concatenate([gf, jnp.zeros((_NP - _N, _B * 6), f32)], axis=0)

    eye = jnp.eye(_B, dtype=f32)
    W1bd = jnp.kron(eye, W1)
    W2bd = jnp.kron(eye, W2)
    W3bd = jnp.kron(eye, W3)
    b1t = jnp.tile(b1, _B)[None]
    b2t = jnp.tile(b2, _B)[None]
    b3t = jnp.tile(b3, _B)[None]

    _deg_kernel, _spmv128 = _sc_kernels()
    degs = _deg_kernel(edges, ones)
    t0 = _prep_call(gf, degs).reshape(2 * _NP, 128)
    y1 = _spmv128(t0, src2, edges)
    t1 = _mm_call(48, y1, degs, W1bd, b1t).reshape(2 * _NP, 128)
    y2 = _spmv128(t1, src2, edges)
    t2 = _mm_call(256, y2, degs, W2bd, b2t).reshape(2 * _NP, 128)
    y3 = _spmv128(t2, src2, edges)
    sums = _fin_call(y3, degs, W3bd, b3t)

    pi, vf = _head_call(sums.reshape(_B, _HID), vector,
                        We, be[None], Wp, bp[None], Wv, bv[None])
    return pi, vf

# --- scband reference (transcript-rebuilt; emitter-appended) ---
"""Pipeline reference for scband-custom-network-19189913879215 (READ-ONLY COPY).

The authoritative reference and input builder live on the scoring server;
editing this copy changes nothing except your own understanding.
"""

import jax, jax.numpy as jnp
import numpy as np

N = 10000
E = 320000
B = 8
HID = 32
EMB = 32
VEC = 26
PI = 512
VF = 512


def setup_inputs(seed: int = 0) -> dict:
    key = jax.random.key(seed)
    ks = jax.random.split(key, 16)
    graph_feats = jax.random.normal(ks[0], (B, N, 6), dtype=jnp.float32)
    vector = jax.random.normal(ks[1], (B, 64), dtype=jnp.float32)
    edge_index = jax.random.randint(ks[2], (2, E), 0, N, dtype=jnp.int32)
    W1 = jax.random.normal(ks[3], (6, HID), dtype=jnp.float32) * 0.1
    b1 = jnp.zeros((HID,), dtype=jnp.float32)
    W2 = jax.random.normal(ks[4], (HID, HID), dtype=jnp.float32) * 0.1
    b2 = jnp.zeros((HID,), dtype=jnp.float32)
    W3 = jax.random.normal(ks[5], (HID, HID), dtype=jnp.float32) * 0.1
    b3 = jnp.zeros((HID,), dtype=jnp.float32)
    We = jax.random.normal(ks[6], (HID, EMB), dtype=jnp.float32) * 0.1
    be = jnp.zeros((EMB,), dtype=jnp.float32)
    Wp = jax.random.normal(ks[7], (VEC + EMB, PI), dtype=jnp.float32) * 0.05
    bp = jnp.zeros((PI,), dtype=jnp.float32)
    Wv = jax.random.normal(ks[8], (VEC + EMB, VF), dtype=jnp.float32) * 0.05
    bv = jnp.zeros((VF,), dtype=jnp.float32)
    return {
        "graph_feats": graph_feats, "vector": vector, "edge_index": edge_index,
        "W1": W1, "b1": b1, "W2": W2, "b2": b2, "W3": W3, "b3": b3,
        "We": We, "be": be, "Wp": Wp, "bp": bp, "Wv": Wv, "bv": bv,
    }


def reference(graph_feats, vector, edge_index, W1, b1, W2, b2, W3, b3, We, be, Wp, bp, Wv, bv):
    n = graph_feats.shape[1]
    loop = jnp.arange(n, dtype=edge_index.dtype)
    # dgl.add_self_loop
    src = jnp.concatenate([edge_index[0], loop])
    dst = jnp.concatenate([edge_index[1], loop])
    ones = jnp.ones(src.shape[0], dtype=jnp.float32)
    deg_out = jax.ops.segment_sum(ones, src, num_segments=n)
    deg_in = jax.ops.segment_sum(ones, dst, num_segments=n)
    norm_src = jax.lax.rsqrt(jnp.maximum(deg_out, 1.0))
    norm_dst = jax.lax.rsqrt(jnp.maximum(deg_in, 1.0))

    def graph_conv(h, W, b):
        # DGL GraphConv with norm='both': D^-1/2 A D^-1/2 X W + b
        m = (h * norm_src[:, None])[src]
        agg = jax.ops.segment_sum(m, dst, num_segments=n)
        return (agg * norm_dst[:, None]) @ W + b

    def gnn_single(h):
        h = jax.nn.relu(graph_conv(h, W1, b1))
        h = jax.nn.relu(graph_conv(h, W2, b2))
        h = jax.nn.relu(graph_conv(h, W3, b3))  # three_layers == True (num_layers=3)
        return h

    h = jax.vmap(gnn_single)(graph_feats)          # [B, N, HID]
    hg = jnp.mean(h, axis=1)                        # dgl.mean_nodes -> [B, HID]
    emb = hg @ We + be                              # [B, EMB]
    combined = jnp.concatenate([vector[:, :26], emb], axis=1)
    latent_pi = jax.nn.relu(combined @ Wp + bp)
    latent_vf = jax.nn.relu(combined @ Wv + bv)
    return latent_pi, latent_vf

if __name__ == "__main__":
    import jax
    _d = setup_inputs()
    print(jax.jit(kernel)(*tuple(_d.values())))

</pallas_src>

<mosaic_0001>
#map = affine_map<(d0, d1) -> (0, 0)>
#map1 = affine_map<(d0, d1) -> (0, 0, 0, 0)>
#map2 = affine_map<(d0, d1) -> (0, 0, 0)>
module attributes {stable_mosaic.version = 14 : i64} {
  func.func @_spmv_body(%arg0: i32, %arg1: i32, %arg2: memref<20480x128xf32, #tpu.memory_space<hbm>>, %arg3: memref<2x16x160x128xi32, #tpu.memory_space<hbm>>, %arg4: memref<2x16x160x128xi32, #tpu.memory_space<hbm>>, %arg5: memref<2x10240x128xf32, #tpu.memory_space<hbm>>, %arg6: memref<16x128xi32, #tpu.memory_space<vmem>>, %arg7: memref<16x128xi32, #tpu.memory_space<vmem>>, %arg8: memref<128x128xf32, #tpu.memory_space<vmem>>, %arg9: memref<128x128xf32, #tpu.memory_space<vmem>>, %arg10: memref<10240x128xf32, #tpu.memory_space<vmem_shared>>, %arg11: memref<!tpu.dma_semaphore, #tpu.memory_space<semaphore_mem>>, %arg12: memref<!tpu.dma_semaphore, #tpu.memory_space<semaphore_mem>>, %arg13: memref<!tpu.dma_semaphore, #tpu.memory_space<semaphore_mem>>, %arg14: memref<!tpu.dma_semaphore, #tpu.memory_space<semaphore_mem>>) attributes {dimension_semantics = [#tpu.dimension_semantics<core_parallel>, #tpu.dimension_semantics<subcore_parallel>], iteration_bounds = array<i64: 2, 16>, scalar_prefetch = 0 : i64, scratch_operands = 9 : i64, tpu.core_type = #tpu.core_type<sc_vector_subcore>, window_params = [{transform_indices = #map}, {transform_indices = #map1}, {transform_indices = #map1}, {transform_indices = #map2}]} {
    %mul3A = arith.constant 640 : i32
    %mul3A_0 = arith.muli %arg1, %mul3A : i32
    %mul3A_1 = arith.constant 10240 : i32
    %mul3A_2 = arith.muli %arg0, %mul3A_1 : i32
    %add3A = arith.addi %mul3A_2, %mul3A_0 : i32
    "tpu.region"() ({
      %run_scoped3A = tpu.sem_alloc : memref<!tpu.dma_semaphore, #tpu.memory_space<semaphore_mem>>
      %dma_start3A = arith.constant 0 : i32
      %dma_start3A_9 = tpu.memref_slice %arg10[%mul3A_0, %dma_start3A] : memref<10240x128xf32, #tpu.memory_space<vmem_shared>> -> memref<640x128xf32, #tpu.memory_space<vmem_shared>>
      %dma_start3A_10 = arith.constant 0 : i32
      %dma_start3A_11 = tpu.memref_slice %arg2[%add3A, %dma_start3A_10] : memref<20480x128xf32, #tpu.memory_space<hbm>> -> memref<640x128xf32, #tpu.memory_space<hbm>>
      tpu.enqueue_dma source(%dma_start3A_11 : memref<640x128xf32, #tpu.memory_space<hbm>>) target(%dma_start3A_9 : memref<640x128xf32, #tpu.memory_space<vmem_shared>>) target_semaphore(%run_scoped3A : memref<!tpu.dma_semaphore, #tpu.memory_space<semaphore_mem>>)
      %dma_wait3A = arith.constant 0 : i32
      %dma_wait3A_12 = tpu.memref_slice %arg10[%mul3A_0, %dma_wait3A] : memref<10240x128xf32, #tpu.memory_space<vmem_shared>> -> memref<640x128xf32, #tpu.memory_space<vmem_shared>>
      %dma_wait3A_13 = arith.constant 0 : i32
      %dma_wait3A_14 = tpu.memref_slice %arg2[%add3A, %dma_wait3A_13] : memref<20480x128xf32, #tpu.memory_space<hbm>> -> memref<640x128xf32, #tpu.memory_space<hbm>>
      tpu.wait_dma2 semaphore(%run_scoped3A : memref<!tpu.dma_semaphore, #tpu.memory_space<semaphore_mem>>) src(%dma_wait3A_14 : memref<640x128xf32, #tpu.memory_space<hbm>>) dst(%dma_wait3A_12 : memref<640x128xf32, #tpu.memory_space<vmem_shared>>)
      tpu.yield
    }) : () -> ()
    %barrier3A = arith.constant 0 : index
    tpu.barrier barrier_id(%barrier3A)
    %scan3A = arith.constant 0 : i32
    %scan3A_3 = arith.constant 0 : i32
    %scan3A_4 = arith.constant 10 : i32
    %scan3A_5 = arith.addi %scan3A_3, %scan3A_4 : i32
    %scan3A_6 = arith.constant 1 : i32
    scf.for %scan3A_9 = %scan3A_3 to %scan3A_5 step %scan3A_6  : i32 {
      %mul3A_10 = arith.constant 16 : i32
      %mul3A_11 = arith.muli %scan3A_9, %mul3A_10 : i32
      "tpu.region"() ({
        %run_scoped3A_38 = tpu.sem_alloc : memref<!tpu.dma_semaphore, #tpu.memory_space<semaphore_mem>>
        %dma_start3A_39 = arith.constant 0 : i32
        %dma_start3A_40 = tpu.memref_slice %arg3[%arg0, %arg1, %mul3A_11, %dma_start3A_39] : memref<2x16x160x128xi32, #tpu.memory_space<hbm>> -> memref<1x1x16x128xi32, #tpu.memory_space<hbm>>
        %dma_start3A_41 = tpu.memref_squeeze %dma_start3A_40 : memref<1x1x16x128xi32, #tpu.memory_space<hbm>> -> memref<16x128xi32, #tpu.memory_space<hbm>>
        %dma_start3A_42 = arith.constant 0 : i32
        %dma_start3A_43 = tpu.memref_slice %arg3[%arg0, %arg1, %mul3A_11, %dma_start3A_42] : memref<2x16x160x128xi32, #tpu.memory_space<hbm>> -> memref<1x1x16x128xi32, #tpu.memory_space<hbm>>
        %dma_start3A_44 = tpu.memref_squeeze %dma_start3A_43 : memref<1x1x16x128xi32, #tpu.memory_space<hbm>> -> memref<16x128xi32, #tpu.memory_space<hbm>>
        tpu.enqueue_dma source(%dma_start3A_44 : memref<16x128xi32, #tpu.memory_space<hbm>>) target(%arg6 : memref<16x128xi32, #tpu.memory_space<vmem>>) target_semaphore(%run_scoped3A_38 : memref<!tpu.dma_semaphore, #tpu.memory_space<semaphore_mem>>)
        %dma_wait3A = arith.constant 0 : i32
        %dma_wait3A_45 = tpu.memref_slice %arg3[%arg0, %arg1, %mul3A_11, %dma_wait3A] : memref<2x16x160x128xi32, #tpu.memory_space<hbm>> -> memref<1x1x16x128xi32, #tpu.memory_space<hbm>>
        %dma_wait3A_46 = tpu.memref_squeeze %dma_wait3A_45 : memref<1x1x16x128xi32, #tpu.memory_space<hbm>> -> memref<16x128xi32, #tpu.memory_space<hbm>>
        %dma_wait3A_47 = arith.constant 0 : i32
        %dma_wait3A_48 = tpu.memref_slice %arg3[%arg0, %arg1, %mul3A_11, %dma_wait3A_47] : memref<2x16x160x128xi32, #tpu.memory_space<hbm>> -> memref<1x1x16x128xi32, #tpu.memory_space<hbm>>
        %dma_wait3A_49 = tpu.memref_squeeze %dma_wait3A_48 : memref<1x1x16x128xi32, #tpu.memory_space<hbm>> -> memref<16x128xi32, #tpu.memory_space<hbm>>
        tpu.wait_dma2 semaphore(%run_scoped3A_38 : memref<!tpu.dma_semaphore, #tpu.memory_space<semaphore_mem>>) src(%dma_wait3A_49 : memref<16x128xi32, #tpu.memory_space<hbm>>) dst(%arg6 : memref<16x128xi32, #tpu.memory_space<vmem>>)
        tpu.yield
      }) : () -> ()
      %mul3A_12 = arith.constant 16 : i32
      %mul3A_13 = arith.muli %scan3A_9, %mul3A_12 : i32
      %run_scoped3A = arith.constant 1 : i32
      "tpu.region"() ({
        %run_scoped3A_38 = tpu.sem_alloc : memref<!tpu.dma_semaphore, #tpu.memory_space<semaphore_mem>>
        %dma_start3A_39 = arith.constant 0 : i32
        %dma_start3A_40 = tpu.memref_slice %arg4[%run_scoped3A, %arg1, %mul3A_13, %dma_start3A_39] : memref<2x16x160x128xi32, #tpu.memory_space<hbm>> -> memref<1x1x16x128xi32, #tpu.memory_space<hbm>>
        %dma_start3A_41 = tpu.memref_squeeze %dma_start3A_40 : memref<1x1x16x128xi32, #tpu.memory_space<hbm>> -> memref<16x128xi32, #tpu.memory_space<hbm>>
        %dma_start3A_42 = arith.constant 0 : i32
        %dma_start3A_43 = tpu.memref_slice %arg4[%run_scoped3A, %arg1, %mul3A_13, %dma_start3A_42] : memref<2x16x160x128xi32, #tpu.memory_space<hbm>> -> memref<1x1x16x128xi32, #tpu.memory_space<hbm>>
        %dma_start3A_44 = tpu.memref_squeeze %dma_start3A_43 : memref<1x1x16x128xi32, #tpu.memory_space<hbm>> -> memref<16x128xi32, #tpu.memory_space<hbm>>
        tpu.enqueue_dma source(%dma_start3A_44 : memref<16x128xi32, #tpu.memory_space<hbm>>) target(%arg7 : memref<16x128xi32, #tpu.memory_space<vmem>>) target_semaphore(%run_scoped3A_38 : memref<!tpu.dma_semaphore, #tpu.memory_space<semaphore_mem>>)
        %dma_wait3A = arith.constant 0 : i32
        %dma_wait3A_45 = tpu.memref_slice %arg4[%run_scoped3A, %arg1, %mul3A_13, %dma_wait3A] : memref<2x16x160x128xi32, #tpu.memory_space<hbm>> -> memref<1x1x16x128xi32, #tpu.memory_space<hbm>>
        %dma_wait3A_46 = tpu.memref_squeeze %dma_wait3A_45 : memref<1x1x16x128xi32, #tpu.memory_space<hbm>> -> memref<16x128xi32, #tpu.memory_space<hbm>>
        %dma_wait3A_47 = arith.constant 0 : i32
        %dma_wait3A_48 = tpu.memref_slice %arg4[%run_scoped3A, %arg1, %mul3A_13, %dma_wait3A_47] : memref<2x16x160x128xi32, #tpu.memory_space<hbm>> -> memref<1x1x16x128xi32, #tpu.memory_space<hbm>>
        %dma_wait3A_49 = tpu.memref_squeeze %dma_wait3A_48 : memref<1x1x16x128xi32, #tpu.memory_space<hbm>> -> memref<16x128xi32, #tpu.memory_space<hbm>>
        tpu.wait_dma2 semaphore(%run_scoped3A_38 : memref<!tpu.dma_semaphore, #tpu.memory_space<semaphore_mem>>) src(%dma_wait3A_49 : memref<16x128xi32, #tpu.memory_space<hbm>>) dst(%arg7 : memref<16x128xi32, #tpu.memory_space<vmem>>)
        tpu.yield
      }) : () -> ()
      %dma_start3A = arith.constant 0 : i32
      %dma_start3A_14 = arith.constant 0 : i32
      %dma_start3A_15 = arith.constant 0 : i32
      %dma_start3A_16 = tpu.memref_slice %arg8[%dma_start3A_14, %dma_start3A_15] : memref<128x128xf32, #tpu.memory_space<vmem>> -> memref<64x128xf32, #tpu.memory_space<vmem>>
      %dma_start3A_17 = arith.constant 0 : i32
      %dma_start3A_18 = tpu.memref_slice %arg6[%dma_start3A, %dma_start3A_17] : memref<16x128xi32, #tpu.memory_space<vmem>> -> memref<1x64xi32, #tpu.memory_space<vmem>>
      %dma_start3A_19 = tpu.memref_squeeze %dma_start3A_18 : memref<1x64xi32, #tpu.memory_space<vmem>> -> memref<64xi32, #tpu.memory_space<vmem>>
      %dma_start3A_20 = arith.constant 0 : i32
      %dma_start3A_21 = arith.constant 0 : i32
      %dma_start3A_22 = tpu.memref_slice %arg2[%dma_start3A_20, %dma_start3A_21] : memref<20480x128xf32, #tpu.memory_space<hbm>> -> memref<20480x128xf32, #tpu.memory_space<hbm>>
      tpu.enqueue_indirect_dma source(%dma_start3A_22 : memref<20480x128xf32, #tpu.memory_space<hbm>>) target(%dma_start3A_16 : memref<64x128xf32, #tpu.memory_space<vmem>>) offsets(%dma_start3A_19 : memref<64xi32, #tpu.memory_space<vmem>>) semaphore(%arg11 : memref<!tpu.dma_semaphore, #tpu.memory_space<semaphore_mem>>)
      %dma_start3A_23 = arith.constant 0 : i32
      %dma_start3A_24 = arith.constant 64 : i32
      %dma_start3A_25 = arith.constant 0 : i32
      %dma_start3A_26 = tpu.memref_slice %arg8[%dma_start3A_24, %dma_start3A_25] : memref<128x128xf32, #tpu.memory_space<vmem>> -> memref<64x128xf32, #tpu.memory_space<vmem>>
      %dma_start3A_27 = arith.constant 64 : i32
      %dma_start3A_28 = tpu.memref_slice %arg6[%dma_start3A_23, %dma_start3A_27] : memref<16x128xi32, #tpu.memory_space<vmem>> -> memref<1x64xi32, #tpu.memory_space<vmem>>
      %dma_start3A_29 = tpu.memref_squeeze %dma_start3A_28 : memref<1x64xi32, #tpu.memory_space<vmem>> -> memref<64xi32, #tpu.memory_space<vmem>>
      %dma_start3A_30 = arith.constant 0 : i32
      %dma_start3A_31 = arith.constant 0 : i32
      %dma_start3A_32 = tpu.memref_slice %arg2[%dma_start3A_30, %dma_start3A_31] : memref<20480x128xf32, #tpu.memory_space<hbm>> -> memref<20480x128xf32, #tpu.memory_space<hbm>>
      tpu.enqueue_indirect_dma source(%dma_start3A_32 : memref<20480x128xf32, #tpu.memory_space<hbm>>) target(%dma_start3A_26 : memref<64x128xf32, #tpu.memory_space<vmem>>) offsets(%dma_start3A_29 : memref<64xi32, #tpu.memory_space<vmem>>) semaphore(%arg12 : memref<!tpu.dma_semaphore, #tpu.memory_space<semaphore_mem>>)
      %scan3A_33 = arith.constant 0 : i32
      %scan3A_34 = arith.constant 8 : i32
      %scan3A_35 = arith.addi %scan3A_33, %scan3A_34 : i32
      %scan3A_36 = arith.constant 1 : i32
      scf.for %scan3A_38 = %scan3A_33 to %scan3A_35 step %scan3A_36  : i32 {
        %mul3A_39 = arith.constant 2 : i32
        %mul3A_40 = arith.muli %mul3A_39, %scan3A_38 : i32
        %add3A_41 = arith.constant 1 : i32
        %add3A_42 = arith.addi %mul3A_40, %add3A_41 : i32
        %dma_start3A_43 = arith.constant 0 : i32
        %dma_start3A_44 = arith.constant 0 : i32
        %dma_start3A_45 = tpu.memref_slice %arg9[%dma_start3A_43, %dma_start3A_44] : memref<128x128xf32, #tpu.memory_space<vmem>> -> memref<64x128xf32, #tpu.memory_space<vmem>>
        %dma_start3A_46 = arith.constant 0 : i32
        %dma_start3A_47 = tpu.memref_slice %arg6[%add3A_42, %dma_start3A_46] : memref<16x128xi32, #tpu.memory_space<vmem>> -> memref<1x64xi32, #tpu.memory_space<vmem>>
        %dma_start3A_48 = tpu.memref_squeeze %dma_start3A_47 : memref<1x64xi32, #tpu.memory_space<vmem>> -> memref<64xi32, #tpu.memory_space<vmem>>
        %dma_start3A_49 = arith.constant 0 : i32
        %dma_start3A_50 = arith.constant 0 : i32
        %dma_start3A_51 = tpu.memref_slice %arg2[%dma_start3A_49, %dma_start3A_50] : memref<20480x128xf32, #tpu.memory_space<hbm>> -> memref<20480x128xf32, #tpu.memory_space<hbm>>
        tpu.enqueue_indirect_dma source(%dma_start3A_51 : memref<20480x128xf32, #tpu.memory_space<hbm>>) target(%dma_start3A_45 : memref<64x128xf32, #tpu.memory_space<vmem>>) offsets(%dma_start3A_48 : memref<64xi32, #tpu.memory_space<vmem>>) semaphore(%arg13 : memref<!tpu.dma_semaphore, #tpu.memory_space<semaphore_mem>>)
        %dma_start3A_52 = arith.constant 64 : i32
        %dma_start3A_53 = arith.constant 0 : i32
        %dma_start3A_54 = tpu.memref_slice %arg9[%dma_start3A_52, %dma_start3A_53] : memref<128x128xf32, #tpu.memory_space<vmem>> -> memref<64x128xf32, #tpu.memory_space<vmem>>
        %dma_start3A_55 = arith.constant 64 : i32
        %dma_start3A_56 = tpu.memref_slice %arg6[%add3A_42, %dma_start3A_55] : memref<16x128xi32, #tpu.memory_space<vmem>> -> memref<1x64xi32, #tpu.memory_space<vmem>>
        %dma_start3A_57 = tpu.memref_squeeze %dma_start3A_56 : memref<1x64xi32, #tpu.memory_space<vmem>> -> memref<64xi32, #tpu.memory_space<vmem>>
        %dma_start3A_58 = arith.constant 0 : i32
        %dma_start3A_59 = arith.constant 0 : i32
        %dma_start3A_60 = tpu.memref_slice %arg2[%dma_start3A_58, %dma_start3A_59] : memref<20480x128xf32, #tpu.memory_space<hbm>> -> memref<20480x128xf32, #tpu.memory_space<hbm>>
        tpu.enqueue_indirect_dma source(%dma_start3A_60 : memref<20480x128xf32, #tpu.memory_space<hbm>>) target(%dma_start3A_54 : memref<64x128xf32, #tpu.memory_space<vmem>>) offsets(%dma_start3A_57 : memref<64xi32, #tpu.memory_space<vmem>>) semaphore(%arg14 : memref<!tpu.dma_semaphore, #tpu.memory_space<semaphore_mem>>)
        %dma_wait3A = arith.constant 0 : i32
        %dma_wait3A_61 = arith.constant 0 : i32
        %dma_wait3A_62 = arith.constant 0 : i32
        %dma_wait3A_63 = tpu.memref_slice %arg8[%dma_wait3A_61, %dma_wait3A_62] : memref<128x128xf32, #tpu.memory_space<vmem>> -> memref<64x128xf32, #tpu.memory_space<vmem>>
        %dma_wait3A_64 = arith.constant 0 : i32
        %dma_wait3A_65 = tpu.memref_slice %arg6[%dma_wait3A, %dma_wait3A_64] : memref<16x128xi32, #tpu.memory_space<vmem>> -> memref<1x64xi32, #tpu.memory_space<vmem>>
        %dma_wait3A_66 = tpu.memref_squeeze %dma_wait3A_65 : memref<1x64xi32, #tpu.memory_space<vmem>> -> memref<64xi32, #tpu.memory_space<vmem>>
        %dma_wait3A_67 = arith.constant 0 : i32
        %dma_wait3A_68 = arith.constant 0 : i32
        %dma_wait3A_69 = tpu.memref_slice %arg2[%dma_wait3A_67, %dma_wait3A_68] : memref<20480x128xf32, #tpu.memory_space<hbm>> -> memref<20480x128xf32, #tpu.memory_space<hbm>>
        tpu.wait_indirect_dma semaphore(%arg11 : memref<!tpu.dma_semaphore, #tpu.memory_space<semaphore_mem>>) src(%dma_wait3A_69 : memref<20480x128xf32, #tpu.memory_space<hbm>>) dst(%dma_wait3A_63 : memref<64x128xf32, #tpu.memory_space<vmem>>)
        %dma_wait3A_70 = arith.constant 0 : i32
        %dma_wait3A_71 = arith.constant 64 : i32
        %dma_wait3A_72 = arith.constant 0 : i32
        %dma_wait3A_73 = tpu.memref_slice %arg8[%dma_wait3A_71, %dma_wait3A_72] : memref<128x128xf32, #tpu.memory_space<vmem>> -> memref<64x128xf32, #tpu.memory_space<vmem>>
        %dma_wait3A_74 = arith.constant 0 : i32
        %dma_wait3A_75 = tpu.memref_slice %arg6[%dma_wait3A_70, %dma_wait3A_74] : memref<16x128xi32, #tpu.memory_space<vmem>> -> memref<1x64xi32, #tpu.memory_space<vmem>>
        %dma_wait3A_76 = tpu.memref_squeeze %dma_wait3A_75 : memref<1x64xi32, #tpu.memory_space<vmem>> -> memref<64xi32, #tpu.memory_space<vmem>>
        %dma_wait3A_77 = arith.constant 0 : i32
        %dma_wait3A_78 = arith.constant 0 : i32
        %dma_wait3A_79 = tpu.memref_slice %arg2[%dma_wait3A_77, %dma_wait3A_78] : memref<20480x128xf32, #tpu.memory_space<hbm>> -> memref<20480x128xf32, #tpu.memory_space<hbm>>
        tpu.wait_indirect_dma semaphore(%arg12 : memref<!tpu.dma_semaphore, #tpu.memory_space<semaphore_mem>>) src(%dma_wait3A_79 : memref<20480x128xf32, #tpu.memory_space<hbm>>) dst(%dma_wait3A_73 : memref<64x128xf32, #tpu.memory_space<vmem>>)
        "tpu.region"() ({
          %run_scoped3A_104 = tpu.sem_alloc : memref<!tpu.dma_semaphore, #tpu.memory_space<semaphore_mem>>
          %dma_start3A_105 = arith.constant 0 : i32
          %dma_start3A_106 = tpu.memref_slice %arg7[%mul3A_40, %dma_start3A_105] : memref<16x128xi32, #tpu.memory_space<vmem>> -> memref<1x128xi32, #tpu.memory_space<vmem>>
          %dma_start3A_107 = tpu.memref_squeeze %dma_start3A_106 : memref<1x128xi32, #tpu.memory_space<vmem>> -> memref<128xi32, #tpu.memory_space<vmem>>
          %dma_start3A_108 = arith.constant 0 : i32
          %dma_start3A_109 = arith.constant 0 : i32
          %dma_start3A_110 = tpu.memref_slice %arg10[%dma_start3A_108, %dma_start3A_109] : memref<10240x128xf32, #tpu.memory_space<vmem_shared>> -> memref<10240x128xf32, #tpu.memory_space<vmem_shared>>
          tpu.enqueue_indirect_dma source(%arg8 : memref<128x128xf32, #tpu.memory_space<vmem>>) target(%dma_start3A_110 : memref<10240x128xf32, #tpu.memory_space<vmem_shared>>) offsets(%dma_start3A_107 : memref<128xi32, #tpu.memory_space<vmem>>) semaphore(%run_scoped3A_104 : memref<!tpu.dma_semaphore, #tpu.memory_space<semaphore_mem>>) {add = true}
          %dma_wait3A_111 = arith.constant 0 : i32
          %dma_wait3A_112 = tpu.memref_slice %arg7[%mul3A_40, %dma_wait3A_111] : memref<16x128xi32, #tpu.memory_space<vmem>> -> memref<1x128xi32, #tpu.memory_space<vmem>>
          %dma_wait3A_113 = tpu.memref_squeeze %dma_wait3A_112 : memref<1x128xi32, #tpu.memory_space<vmem>> -> memref<128xi32, #tpu.memory_space<vmem>>
          %dma_wait3A_114 = arith.constant 0 : i32
          %dma_wait3A_115 = arith.constant 0 : i32
          %dma_wait3A_116 = tpu.memref_slice %arg10[%dma_wait3A_114, %dma_wait3A_115] : memref<10240x128xf32, #tpu.memory_space<vmem_shared>> -> memref<10240x128xf32, #tpu.memory_space<vmem_shared>>
          tpu.wait_indirect_dma semaphore(%run_scoped3A_104 : memref<!tpu.dma_semaphore, #tpu.memory_space<semaphore_mem>>) src(%arg8 : memref<128x128xf32, #tpu.memory_space<vmem>>) dst(%dma_wait3A_116 : memref<10240x128xf32, #tpu.memory_space<vmem_shared>>)
          tpu.yield
        }) : () -> ()
        %lt3A = arith.constant 7 : i32
        %lt3A_80 = arith.cmpi slt, %scan3A_38, %lt3A : i32
        %convert_element_type3A = arith.extui %lt3A_80 : i1 to i32
        %cond3A = arith.constant 0 : i32
        %cond3A_81 = arith.cmpi ne, %convert_element_type3A, %cond3A : i32
        scf.if %cond3A_81 {
          %add3A_104 = arith.constant 2 : i32
          %add3A_105 = arith.addi %mul3A_40, %add3A_104 : i32
          %dma_start3A_106 = arith.constant 0 : i32
          %dma_start3A_107 = arith.constant 0 : i32
          %dma_start3A_108 = tpu.memref_slice %arg8[%dma_start3A_106, %dma_start3A_107] : memref<128x128xf32, #tpu.memory_space<vmem>> -> memref<64x128xf32, #tpu.memory_space<vmem>>
          %dma_start3A_109 = arith.constant 0 : i32
          %dma_start3A_110 = tpu.memref_slice %arg6[%add3A_105, %dma_start3A_109] : memref<16x128xi32, #tpu.memory_space<vmem>> -> memref<1x64xi32, #tpu.memory_space<vmem>>
          %dma_start3A_111 = tpu.memref_squeeze %dma_start3A_110 : memref<1x64xi32, #tpu.memory_space<vmem>> -> memref<64xi32, #tpu.memory_space<vmem>>
          %dma_start3A_112 = arith.constant 0 : i32
          %dma_start3A_113 = arith.constant 0 : i32
          %dma_start3A_114 = tpu.memref_slice %arg2[%dma_start3A_112, %dma_start3A_113] : memref<20480x128xf32, #tpu.memory_space<hbm>> -> memref<20480x128xf32, #tpu.memory_space<hbm>>
          tpu.enqueue_indirect_dma source(%dma_start3A_114 : memref<20480x128xf32, #tpu.memory_space<hbm>>) target(%dma_start3A_108 : memref<64x128xf32, #tpu.memory_space<vmem>>) offsets(%dma_start3A_111 : memref<64xi32, #tpu.memory_space<vmem>>) semaphore(%arg11 : memref<!tpu.dma_semaphore, #tpu.memory_space<semaphore_mem>>)
          %dma_start3A_115 = arith.constant 64 : i32
          %dma_start3A_116 = arith.constant 0 : i32
          %dma_start3A_117 = tpu.memref_slice %arg8[%dma_start3A_115, %dma_start3A_116] : memref<128x128xf32, #tpu.memory_space<vmem>> -> memref<64x128xf32, #tpu.memory_space<vmem>>
          %dma_start3A_118 = arith.constant 64 : i32
          %dma_start3A_119 = tpu.memref_slice %arg6[%add3A_105, %dma_start3A_118] : memref<16x128xi32, #tpu.memory_space<vmem>> -> memref<1x64xi32, #tpu.memory_space<vmem>>
          %dma_start3A_120 = tpu.memref_squeeze %dma_start3A_119 : memref<1x64xi32, #tpu.memory_space<vmem>> -> memref<64xi32, #tpu.memory_space<vmem>>
          %dma_start3A_121 = arith.constant 0 : i32
          %dma_start3A_122 = arith.constant 0 : i32
          %dma_start3A_123 = tpu.memref_slice %arg2[%dma_start3A_121, %dma_start3A_122] : memref<20480x128xf32, #tpu.memory_space<hbm>> -> memref<20480x128xf32, #tpu.memory_space<hbm>>
          tpu.enqueue_indirect_dma source(%dma_start3A_123 : memref<20480x128xf32, #tpu.memory_space<hbm>>) target(%dma_start3A_117 : memref<64x128xf32, #tpu.memory_space<vmem>>) offsets(%dma_start3A_120 : memref<64xi32, #tpu.memory_space<vmem>>) semaphore(%arg12 : memref<!tpu.dma_semaphore, #tpu.memory_space<semaphore_mem>>)
        } else {
        }
        %dma_wait3A_82 = arith.constant 0 : i32
        %dma_wait3A_83 = arith.constant 0 : i32
        %dma_wait3A_84 = arith.constant 0 : i32
        %dma_wait3A_85 = tpu.memref_slice %arg9[%dma_wait3A_83, %dma_wait3A_84] : memref<128x128xf32, #tpu.memory_space<vmem>> -> memref<64x128xf32, #tpu.memory_space<vmem>>
        %dma_wait3A_86 = arith.constant 0 : i32
        %dma_wait3A_87 = tpu.memref_slice %arg6[%dma_wait3A_82, %dma_wait3A_86] : memref<16x128xi32, #tpu.memory_space<vmem>> -> memref<1x64xi32, #tpu.memory_space<vmem>>
        %dma_wait3A_88 = tpu.memref_squeeze %dma_wait3A_87 : memref<1x64xi32, #tpu.memory_space<vmem>> -> memref<64xi32, #tpu.memory_space<vmem>>
        %dma_wait3A_89 = arith.constant 0 : i32
        %dma_wait3A_90 = arith.constant 0 : i32
        %dma_wait3A_91 = tpu.memref_slice %arg2[%dma_wait3A_89, %dma_wait3A_90] : memref<20480x128xf32, #tpu.memory_space<hbm>> -> memref<20480x128xf32, #tpu.memory_space<hbm>>
        tpu.wait_indirect_dma semaphore(%arg13 : memref<!tpu.dma_semaphore, #tpu.memory_space<semaphore_mem>>) src(%dma_wait3A_91 : memref<20480x128xf32, #tpu.memory_space<hbm>>) dst(%dma_wait3A_85 : memref<64x128xf32, #tpu.memory_space<vmem>>)
        %dma_wait3A_92 = arith.constant 0 : i32
        %dma_wait3A_93 = arith.constant 64 : i32
        %dma_wait3A_94 = arith.constant 0 : i32
        %dma_wait3A_95 = tpu.memref_slice %arg9[%dma_wait3A_93, %dma_wait3A_94] : memref<128x128xf32, #tpu.memory_space<vmem>> -> memref<64x128xf32, #tpu.memory_space<vmem>>
        %dma_wait3A_96 = arith.constant 0 : i32
        %dma_wait3A_97 = tpu.memref_slice %arg6[%dma_wait3A_92, %dma_wait3A_96] : memref<16x128xi32, #tpu.memory_space<vmem>> -> memref<1x64xi32, #tpu.memory_space<vmem>>
        %dma_wait3A_98 = tpu.memref_squeeze %dma_wait3A_97 : memref<1x64xi32, #tpu.memory_space<vmem>> -> memref<64xi32, #tpu.memory_space<vmem>>
        %dma_wait3A_99 = arith.constant 0 : i32
        %dma_wait3A_100 = arith.constant 0 : i32
        %dma_wait3A_101 = tpu.memref_slice %arg2[%dma_wait3A_99, %dma_wait3A_100] : memref<20480x128xf32, #tpu.memory_space<hbm>> -> memref<20480x128xf32, #tpu.memory_space<hbm>>
        tpu.wait_indirect_dma semaphore(%arg14 : memref<!tpu.dma_semaphore, #tpu.memory_space<semaphore_mem>>) src(%dma_wait3A_101 : memref<20480x128xf32, #tpu.memory_space<hbm>>) dst(%dma_wait3A_95 : memref<64x128xf32, #tpu.memory_space<vmem>>)
        %add3A_102 = arith.constant 1 : i32
        %add3A_103 = arith.addi %mul3A_40, %add3A_102 : i32
        "tpu.region"() ({
          %run_scoped3A_104 = tpu.sem_alloc : memref<!tpu.dma_semaphore, #tpu.memory_space<semaphore_mem>>
          %dma_start3A_105 = arith.constant 0 : i32
          %dma_start3A_106 = tpu.memref_slice %arg7[%add3A_103, %dma_start3A_105] : memref<16x128xi32, #tpu.memory_space<vmem>> -> memref<1x128xi32, #tpu.memory_space<vmem>>
          %dma_start3A_107 = tpu.memref_squeeze %dma_start3A_106 : memref<1x128xi32, #tpu.memory_space<vmem>> -> memref<128xi32, #tpu.memory_space<vmem>>
          %dma_start3A_108 = arith.constant 0 : i32
          %dma_start3A_109 = arith.constant 0 : i32
          %dma_start3A_110 = tpu.memref_slice %arg10[%dma_start3A_108, %dma_start3A_109] : memref<10240x128xf32, #tpu.memory_space<vmem_shared>> -> memref<10240x128xf32, #tpu.memory_space<vmem_shared>>
          tpu.enqueue_indirect_dma source(%arg9 : memref<128x128xf32, #tpu.memory_space<vmem>>) target(%dma_start3A_110 : memref<10240x128xf32, #tpu.memory_space<vmem_shared>>) offsets(%dma_start3A_107 : memref<128xi32, #tpu.memory_space<vmem>>) semaphore(%run_scoped3A_104 : memref<!tpu.dma_semaphore, #tpu.memory_space<semaphore_mem>>) {add = true}
          %dma_wait3A_111 = arith.constant 0 : i32
          %dma_wait3A_112 = tpu.memref_slice %arg7[%add3A_103, %dma_wait3A_111] : memref<16x128xi32, #tpu.memory_space<vmem>> -> memref<1x128xi32, #tpu.memory_space<vmem>>
          %dma_wait3A_113 = tpu.memref_squeeze %dma_wait3A_112 : memref<1x128xi32, #tpu.memory_space<vmem>> -> memref<128xi32, #tpu.memory_space<vmem>>
          %dma_wait3A_114 = arith.constant 0 : i32
          %dma_wait3A_115 = arith.constant 0 : i32
          %dma_wait3A_116 = tpu.memref_slice %arg10[%dma_wait3A_114, %dma_wait3A_115] : memref<10240x128xf32, #tpu.memory_space<vmem_shared>> -> memref<10240x128xf32, #tpu.memory_space<vmem_shared>>
          tpu.wait_indirect_dma semaphore(%run_scoped3A_104 : memref<!tpu.dma_semaphore, #tpu.memory_space<semaphore_mem>>) src(%arg9 : memref<128x128xf32, #tpu.memory_space<vmem>>) dst(%dma_wait3A_116 : memref<10240x128xf32, #tpu.memory_space<vmem_shared>>)
          tpu.yield
        }) : () -> ()
      }
      %scan3A_37 = arith.constant 8 : i32
    }
    %scan3A_7 = arith.constant 10 : i32
    %barrier3A_8 = arith.constant 0 : index
    tpu.barrier barrier_id(%barrier3A_8)
    "tpu.region"() ({
      %run_scoped3A = tpu.sem_alloc : memref<!tpu.dma_semaphore, #tpu.memory_space<semaphore_mem>>
      %dma_start3A = arith.constant 0 : i32
      %dma_start3A_9 = tpu.memref_slice %arg5[%arg0, %mul3A_0, %dma_start3A] : memref<2x10240x128xf32, #tpu.memory_space<hbm>> -> memref<1x640x128xf32, #tpu.memory_space<hbm>>
      %dma_start3A_10 = tpu.memref_squeeze %dma_start3A_9 : memref<1x640x128xf32, #tpu.memory_space<hbm>> -> memref<640x128xf32, #tpu.memory_space<hbm>>
      %dma_start3A_11 = arith.constant 0 : i32
      %dma_start3A_12 = tpu.memref_slice %arg10[%mul3A_0, %dma_start3A_11] : memref<10240x128xf32, #tpu.memory_space<vmem_shared>> -> memref<640x128xf32, #tpu.memory_space<vmem_shared>>
      tpu.enqueue_dma source(%dma_start3A_12 : memref<640x128xf32, #tpu.memory_space<vmem_shared>>) target(%dma_start3A_10 : memref<640x128xf32, #tpu.memory_space<hbm>>) target_semaphore(%run_scoped3A : memref<!tpu.dma_semaphore, #tpu.memory_space<semaphore_mem>>)
      %dma_wait3A = arith.constant 0 : i32
      %dma_wait3A_13 = tpu.memref_slice %arg5[%arg0, %mul3A_0, %dma_wait3A] : memref<2x10240x128xf32, #tpu.memory_space<hbm>> -> memref<1x640x128xf32, #tpu.memory_space<hbm>>
      %dma_wait3A_14 = tpu.memref_squeeze %dma_wait3A_13 : memref<1x640x128xf32, #tpu.memory_space<hbm>> -> memref<640x128xf32, #tpu.memory_space<hbm>>
      %dma_wait3A_15 = arith.constant 0 : i32
      %dma_wait3A_16 = tpu.memref_slice %arg10[%mul3A_0, %dma_wait3A_15] : memref<10240x128xf32, #tpu.memory_space<vmem_shared>> -> memref<640x128xf32, #tpu.memory_space<vmem_shared>>
      tpu.wait_dma2 semaphore(%run_scoped3A : memref<!tpu.dma_semaphore, #tpu.memory_space<semaphore_mem>>) src(%dma_wait3A_16 : memref<640x128xf32, #tpu.memory_space<vmem_shared>>) dst(%dma_wait3A_14 : memref<640x128xf32, #tpu.memory_space<hbm>>)
      tpu.yield
    }) : () -> ()
    return
  }
}

#map = affine_map<(d0, d1) -> (0, 0, 0, 0)>
#map1 = affine_map<(d0, d1) -> (0, 0)>
#map2 = affine_map<(d0, d1) -> (0, 0, 0)>
module attributes {stable_mosaic.version = 14 : i64} {
  func.func @_deg_body(%arg0: i32, %arg1: i32, %arg2: memref<2x16x160x128xi32, #tpu.memory_space<hbm>>, %arg3: memref<10240x128xf32, #tpu.memory_space<hbm>>, %arg4: memref<2x10240x128xf32, #tpu.memory_space<hbm>>, %arg5: memref<160x128xi32, #tpu.memory_space<vmem>>, %arg6: memref<128x128xf32, #tpu.memory_space<vmem>>, %arg7: memref<10240x128xf32, #tpu.memory_space<vmem_shared>>) attributes {dimension_semantics = [#tpu.dimension_semantics<core_parallel>, #tpu.dimension_semantics<subcore_parallel>], iteration_bounds = array<i64: 2, 16>, scalar_prefetch = 0 : i64, scratch_operands = 3 : i64, tpu.core_type = #tpu.core_type<sc_vector_subcore>, window_params = [{transform_indices = #map}, {transform_indices = #map1}, {transform_indices = #map2}]} {
    %mul3A = arith.constant 640 : i32
    %mul3A_0 = arith.muli %arg1, %mul3A : i32
    "tpu.region"() ({
      %run_scoped3A = tpu.sem_alloc : memref<!tpu.dma_semaphore, #tpu.memory_space<semaphore_mem>>
      %dma_start3A = arith.constant 0 : i32
      %dma_start3A_7 = tpu.memref_slice %arg7[%mul3A_0, %dma_start3A] : memref<10240x128xf32, #tpu.memory_space<vmem_shared>> -> memref<640x128xf32, #tpu.memory_space<vmem_shared>>
      %dma_start3A_8 = arith.constant 0 : i32
      %dma_start3A_9 = tpu.memref_slice %arg3[%mul3A_0, %dma_start3A_8] : memref<10240x128xf32, #tpu.memory_space<hbm>> -> memref<640x128xf32, #tpu.memory_space<hbm>>
      tpu.enqueue_dma source(%dma_start3A_9 : memref<640x128xf32, #tpu.memory_space<hbm>>) target(%dma_start3A_7 : memref<640x128xf32, #tpu.memory_space<vmem_shared>>) target_semaphore(%run_scoped3A : memref<!tpu.dma_semaphore, #tpu.memory_space<semaphore_mem>>)
      %dma_wait3A = arith.constant 0 : i32
      %dma_wait3A_10 = tpu.memref_slice %arg7[%mul3A_0, %dma_wait3A] : memref<10240x128xf32, #tpu.memory_space<vmem_shared>> -> memref<640x128xf32, #tpu.memory_space<vmem_shared>>
      %dma_wait3A_11 = arith.constant 0 : i32
      %dma_wait3A_12 = tpu.memref_slice %arg3[%mul3A_0, %dma_wait3A_11] : memref<10240x128xf32, #tpu.memory_space<hbm>> -> memref<640x128xf32, #tpu.memory_space<hbm>>
      tpu.wait_dma2 semaphore(%run_scoped3A : memref<!tpu.dma_semaphore, #tpu.memory_space<semaphore_mem>>) src(%dma_wait3A_12 : memref<640x128xf32, #tpu.memory_space<hbm>>) dst(%dma_wait3A_10 : memref<640x128xf32, #tpu.memory_space<vmem_shared>>)
      tpu.yield
    }) : () -> ()
    "tpu.region"() ({
      %run_scoped3A = tpu.sem_alloc : memref<!tpu.dma_semaphore, #tpu.memory_space<semaphore_mem>>
      %dma_start3A = arith.constant 0 : i32
      %dma_start3A_7 = arith.constant 0 : i32
      %dma_start3A_8 = tpu.memref_slice %arg3[%dma_start3A, %dma_start3A_7] : memref<10240x128xf32, #tpu.memory_space<hbm>> -> memref<128x128xf32, #tpu.memory_space<hbm>>
      %dma_start3A_9 = arith.constant 0 : i32
      %dma_start3A_10 = arith.constant 0 : i32
      %dma_start3A_11 = tpu.memref_slice %arg3[%dma_start3A_9, %dma_start3A_10] : memref<10240x128xf32, #tpu.memory_space<hbm>> -> memref<128x128xf32, #tpu.memory_space<hbm>>
      tpu.enqueue_dma source(%dma_start3A_11 : memref<128x128xf32, #tpu.memory_space<hbm>>) target(%arg6 : memref<128x128xf32, #tpu.memory_space<vmem>>) target_semaphore(%run_scoped3A : memref<!tpu.dma_semaphore, #tpu.memory_space<semaphore_mem>>)
      %dma_wait3A = arith.constant 0 : i32
      %dma_wait3A_12 = arith.constant 0 : i32
      %dma_wait3A_13 = tpu.memref_slice %arg3[%dma_wait3A, %dma_wait3A_12] : memref<10240x128xf32, #tpu.memory_space<hbm>> -> memref<128x128xf32, #tpu.memory_space<hbm>>
      %dma_wait3A_14 = arith.constant 0 : i32
      %dma_wait3A_15 = arith.constant 0 : i32
      %dma_wait3A_16 = tpu.memref_slice %arg3[%dma_wait3A_14, %dma_wait3A_15] : memref<10240x128xf32, #tpu.memory_space<hbm>> -> memref<128x128xf32, #tpu.memory_space<hbm>>
      tpu.wait_dma2 semaphore(%run_scoped3A : memref<!tpu.dma_semaphore, #tpu.memory_space<semaphore_mem>>) src(%dma_wait3A_16 : memref<128x128xf32, #tpu.memory_space<hbm>>) dst(%arg6 : memref<128x128xf32, #tpu.memory_space<vmem>>)
      tpu.yield
    }) : () -> ()
    "tpu.region"() ({
      %run_scoped3A = tpu.sem_alloc : memref<!tpu.dma_semaphore, #tpu.memory_space<semaphore_mem>>
      %dma_start3A = arith.constant 0 : i32
      %dma_start3A_7 = arith.constant 0 : i32
      %dma_start3A_8 = tpu.memref_slice %arg2[%arg0, %arg1, %dma_start3A, %dma_start3A_7] : memref<2x16x160x128xi32, #tpu.memory_space<hbm>> -> memref<1x1x160x128xi32, #tpu.memory_space<hbm>>
      %dma_start3A_9 = tpu.memref_squeeze %dma_start3A_8 : memref<1x1x160x128xi32, #tpu.memory_space<hbm>> -> memref<160x128xi32, #tpu.memory_space<hbm>>
      %dma_start3A_10 = arith.constant 0 : i32
      %dma_start3A_11 = arith.constant 0 : i32
      %dma_start3A_12 = tpu.memref_slice %arg2[%arg0, %arg1, %dma_start3A_10, %dma_start3A_11] : memref<2x16x160x128xi32, #tpu.memory_space<hbm>> -> memref<1x1x160x128xi32, #tpu.memory_space<hbm>>
      %dma_start3A_13 = tpu.memref_squeeze %dma_start3A_12 : memref<1x1x160x128xi32, #tpu.memory_space<hbm>> -> memref<160x128xi32, #tpu.memory_space<hbm>>
      tpu.enqueue_dma source(%dma_start3A_13 : memref<160x128xi32, #tpu.memory_space<hbm>>) target(%arg5 : memref<160x128xi32, #tpu.memory_space<vmem>>) target_semaphore(%run_scoped3A : memref<!tpu.dma_semaphore, #tpu.memory_space<semaphore_mem>>)
      %dma_wait3A = arith.constant 0 : i32
      %dma_wait3A_14 = arith.constant 0 : i32
      %dma_wait3A_15 = tpu.memref_slice %arg2[%arg0, %arg1, %dma_wait3A, %dma_wait3A_14] : memref<2x16x160x128xi32, #tpu.memory_space<hbm>> -> memref<1x1x160x128xi32, #tpu.memory_space<hbm>>
      %dma_wait3A_16 = tpu.memref_squeeze %dma_wait3A_15 : memref<1x1x160x128xi32, #tpu.memory_space<hbm>> -> memref<160x128xi32, #tpu.memory_space<hbm>>
      %dma_wait3A_17 = arith.constant 0 : i32
      %dma_wait3A_18 = arith.constant 0 : i32
      %dma_wait3A_19 = tpu.memref_slice %arg2[%arg0, %arg1, %dma_wait3A_17, %dma_wait3A_18] : memref<2x16x160x128xi32, #tpu.memory_space<hbm>> -> memref<1x1x160x128xi32, #tpu.memory_space<hbm>>
      %dma_wait3A_20 = tpu.memref_squeeze %dma_wait3A_19 : memref<1x1x160x128xi32, #tpu.memory_space<hbm>> -> memref<160x128xi32, #tpu.memory_space<hbm>>
      tpu.wait_dma2 semaphore(%run_scoped3A : memref<!tpu.dma_semaphore, #tpu.memory_space<semaphore_mem>>) src(%dma_wait3A_20 : memref<160x128xi32, #tpu.memory_space<hbm>>) dst(%arg5 : memref<160x128xi32, #tpu.memory_space<vmem>>)
      tpu.yield
    }) : () -> ()
    %barrier3A = arith.constant 0 : index
    tpu.barrier barrier_id(%barrier3A)
    %scan3A = arith.constant 0 : i32
    %scan3A_1 = arith.constant 0 : i32
    %scan3A_2 = arith.constant 160 : i32
    %scan3A_3 = arith.addi %scan3A_1, %scan3A_2 : i32
    %scan3A_4 = arith.constant 1 : i32
    scf.for %scan3A_7 = %scan3A_1 to %scan3A_3 step %scan3A_4  : i32 {
      "tpu.region"() ({
        %run_scoped3A = tpu.sem_alloc : memref<!tpu.dma_semaphore, #tpu.memory_space<semaphore_mem>>
        %dma_start3A = arith.constant 0 : i32
        %dma_start3A_8 = tpu.memref_slice %arg5[%scan3A_7, %dma_start3A] : memref<160x128xi32, #tpu.memory_space<vmem>> -> memref<1x128xi32, #tpu.memory_space<vmem>>
        %dma_start3A_9 = tpu.memref_squeeze %dma_start3A_8 : memref<1x128xi32, #tpu.memory_space<vmem>> -> memref<128xi32, #tpu.memory_space<vmem>>
        %dma_start3A_10 = arith.constant 0 : i32
        %dma_start3A_11 = arith.constant 0 : i32
        %dma_start3A_12 = tpu.memref_slice %arg7[%dma_start3A_10, %dma_start3A_11] : memref<10240x128xf32, #tpu.memory_space<vmem_shared>> -> memref<10240x128xf32, #tpu.memory_space<vmem_shared>>
        tpu.enqueue_indirect_dma source(%arg6 : memref<128x128xf32, #tpu.memory_space<vmem>>) target(%dma_start3A_12 : memref<10240x128xf32, #tpu.memory_space<vmem_shared>>) offsets(%dma_start3A_9 : memref<128xi32, #tpu.memory_space<vmem>>) semaphore(%run_scoped3A : memref<!tpu.dma_semaphore, #tpu.memory_space<semaphore_mem>>) {add = true}
        %dma_wait3A = arith.constant 0 : i32
        %dma_wait3A_13 = tpu.memref_slice %arg5[%scan3A_7, %dma_wait3A] : memref<160x128xi32, #tpu.memory_space<vmem>> -> memref<1x128xi32, #tpu.memory_space<vmem>>
        %dma_wait3A_14 = tpu.memref_squeeze %dma_wait3A_13 : memref<1x128xi32, #tpu.memory_space<vmem>> -> memref<128xi32, #tpu.memory_space<vmem>>
        %dma_wait3A_15 = arith.constant 0 : i32
        %dma_wait3A_16 = arith.constant 0 : i32
        %dma_wait3A_17 = tpu.memref_slice %arg7[%dma_wait3A_15, %dma_wait3A_16] : memref<10240x128xf32, #tpu.memory_space<vmem_shared>> -> memref<10240x128xf32, #tpu.memory_space<vmem_shared>>
        tpu.wait_indirect_dma semaphore(%run_scoped3A : memref<!tpu.dma_semaphore, #tpu.memory_space<semaphore_mem>>) src(%arg6 : memref<128x128xf32, #tpu.memory_space<vmem>>) dst(%dma_wait3A_17 : memref<10240x128xf32, #tpu.memory_space<vmem_shared>>)
        tpu.yield
      }) : () -> ()
    }
    %scan3A_5 = arith.constant 160 : i32
    %barrier3A_6 = arith.constant 0 : index
    tpu.barrier barrier_id(%barrier3A_6)
    "tpu.region"() ({
      %run_scoped3A = tpu.sem_alloc : memref<!tpu.dma_semaphore, #tpu.memory_space<semaphore_mem>>
      %dma_start3A = arith.constant 0 : i32
      %dma_start3A_7 = tpu.memref_slice %arg4[%arg0, %mul3A_0, %dma_start3A] : memref<2x10240x128xf32, #tpu.memory_space<hbm>> -> memref<1x640x128xf32, #tpu.memory_space<hbm>>
      %dma_start3A_8 = tpu.memref_squeeze %dma_start3A_7 : memref<1x640x128xf32, #tpu.memory_space<hbm>> -> memref<640x128xf32, #tpu.memory_space<hbm>>
      %dma_start3A_9 = arith.constant 0 : i32
      %dma_start3A_10 = tpu.memref_slice %arg7[%mul3A_0, %dma_start3A_9] : memref<10240x128xf32, #tpu.memory_space<vmem_shared>> -> memref<640x128xf32, #tpu.memory_space<vmem_shared>>
      tpu.enqueue_dma source(%dma_start3A_10 : memref<640x128xf32, #tpu.memory_space<vmem_shared>>) target(%dma_start3A_8 : memref<640x128xf32, #tpu.memory_space<hbm>>) target_semaphore(%run_scoped3A : memref<!tpu.dma_semaphore, #tpu.memory_space<semaphore_mem>>)
      %dma_wait3A = arith.constant 0 : i32
      %dma_wait3A_11 = tpu.memref_slice %arg4[%arg0, %mul3A_0, %dma_wait3A] : memref<2x10240x128xf32, #tpu.memory_space<hbm>> -> memref<1x640x128xf32, #tpu.memory_space<hbm>>
      %dma_wait3A_12 = tpu.memref_squeeze %dma_wait3A_11 : memref<1x640x128xf32, #tpu.memory_space<hbm>> -> memref<640x128xf32, #tpu.memory_space<hbm>>
      %dma_wait3A_13 = arith.constant 0 : i32
      %dma_wait3A_14 = tpu.memref_slice %arg7[%mul3A_0, %dma_wait3A_13] : memref<10240x128xf32, #tpu.memory_space<vmem_shared>> -> memref<640x128xf32, #tpu.memory_space<vmem_shared>>
      tpu.wait_dma2 semaphore(%run_scoped3A : memref<!tpu.dma_semaphore, #tpu.memory_space<semaphore_mem>>) src(%dma_wait3A_14 : memref<640x128xf32, #tpu.memory_space<vmem_shared>>) dst(%dma_wait3A_12 : memref<640x128xf32, #tpu.memory_space<hbm>>)
      tpu.yield
    }) : () -> ()
    return
  }
}

#map = affine_map<(d0, d1) -> (0, 0)>
#map1 = affine_map<(d0, d1) -> (0, 0, 0, 0)>
#map2 = affine_map<(d0, d1) -> (0, 0, 0)>
module attributes {stable_mosaic.version = 14 : i64} {
  func.func @_spmv_body(%arg0: i32, %arg1: i32, %arg2: memref<20480x128xf32, #tpu.memory_space<hbm>>, %arg3: memref<2x16x160x128xi32, #tpu.memory_space<hbm>>, %arg4: memref<2x16x160x128xi32, #tpu.memory_space<hbm>>, %arg5: memref<2x10240x128xf32, #tpu.memory_space<hbm>>, %arg6: memref<16x128xi32, #tpu.memory_space<vmem>>, %arg7: memref<16x128xi32, #tpu.memory_space<vmem>>, %arg8: memref<128x128xf32, #tpu.memory_space<vmem>>, %arg9: memref<128x128xf32, #tpu.memory_space<vmem>>, %arg10: memref<10240x128xf32, #tpu.memory_space<vmem_shared>>, %arg11: memref<!tpu.dma_semaphore, #tpu.memory_space<semaphore_mem>>, %arg12: memref<!tpu.dma_semaphore, #tpu.memory_space<semaphore_mem>>, %arg13: memref<!tpu.dma_semaphore, #tpu.memory_space<semaphore_mem>>, %arg14: memref<!tpu.dma_semaphore, #tpu.memory_space<semaphore_mem>>) attributes {dimension_semantics = [#tpu.dimension_semantics<core_parallel>, #tpu.dimension_semantics<subcore_parallel>], iteration_bounds = array<i64: 2, 16>, scalar_prefetch = 0 : i64, scratch_operands = 9 : i64, tpu.core_type = #tpu.core_type<sc_vector_subcore>, window_params = [{transform_indices = #map}, {transform_indices = #map1}, {transform_indices = #map1}, {transform_indices = #map2}]} {
    %mul3A = arith.constant 640 : i32
    %mul3A_0 = arith.muli %arg1, %mul3A : i32
    %mul3A_1 = arith.constant 10240 : i32
    %mul3A_2 = arith.muli %arg0, %mul3A_1 : i32
    %add3A = arith.addi %mul3A_2, %mul3A_0 : i32
    "tpu.region"() ({
      %run_scoped3A = tpu.sem_alloc : memref<!tpu.dma_semaphore, #tpu.memory_space<semaphore_mem>>
      %dma_start3A = arith.constant 0 : i32
      %dma_start3A_9 = tpu.memref_slice %arg10[%mul3A_0, %dma_start3A] : memref<10240x128xf32, #tpu.memory_space<vmem_shared>> -> memref<640x128xf32, #tpu.memory_space<vmem_shared>>
      %dma_start3A_10 = arith.constant 0 : i32
      %dma_start3A_11 = tpu.memref_slice %arg2[%add3A, %dma_start3A_10] : memref<20480x128xf32, #tpu.memory_space<hbm>> -> memref<640x128xf32, #tpu.memory_space<hbm>>
      tpu.enqueue_dma source(%dma_start3A_11 : memref<640x128xf32, #tpu.memory_space<hbm>>) target(%dma_start3A_9 : memref<640x128xf32, #tpu.memory_space<vmem_shared>>) target_semaphore(%run_scoped3A : memref<!tpu.dma_semaphore, #tpu.memory_space<semaphore_mem>>)
      %dma_wait3A = arith.constant 0 : i32
      %dma_wait3A_12 = tpu.memref_slice %arg10[%mul3A_0, %dma_wait3A] : memref<10240x128xf32, #tpu.memory_space<vmem_shared>> -> memref<640x128xf32, #tpu.memory_space<vmem_shared>>
      %dma_wait3A_13 = arith.constant 0 : i32
      %dma_wait3A_14 = tpu.memref_slice %arg2[%add3A, %dma_wait3A_13] : memref<20480x128xf32, #tpu.memory_space<hbm>> -> memref<640x128xf32, #tpu.memory_space<hbm>>
      tpu.wait_dma2 semaphore(%run_scoped3A : memref<!tpu.dma_semaphore, #tpu.memory_space<semaphore_mem>>) src(%dma_wait3A_14 : memref<640x128xf32, #tpu.memory_space<hbm>>) dst(%dma_wait3A_12 : memref<640x128xf32, #tpu.memory_space<vmem_shared>>)
      tpu.yield
    }) : () -> ()
    %barrier3A = arith.constant 0 : index
    tpu.barrier barrier_id(%barrier3A)
    %scan3A = arith.constant 0 : i32
    %scan3A_3 = arith.constant 0 : i32
    %scan3A_4 = arith.constant 10 : i32
    %scan3A_5 = arith.addi %scan3A_3, %scan3A_4 : i32
    %scan3A_6 = arith.constant 1 : i32
    scf.for %scan3A_9 = %scan3A_3 to %scan3A_5 step %scan3A_6  : i32 {
      %mul3A_10 = arith.constant 16 : i32
      %mul3A_11 = arith.muli %scan3A_9, %mul3A_10 : i32
      "tpu.region"() ({
        %run_scoped3A_38 = tpu.sem_alloc : memref<!tpu.dma_semaphore, #tpu.memory_space<semaphore_mem>>
        %dma_start3A_39 = arith.constant 0 : i32
        %dma_start3A_40 = tpu.memref_slice %arg3[%arg0, %arg1, %mul3A_11, %dma_start3A_39] : memref<2x16x160x128xi32, #tpu.memory_space<hbm>> -> memref<1x1x16x128xi32, #tpu.memory_space<hbm>>
        %dma_start3A_41 = tpu.memref_squeeze %dma_start3A_40 : memref<1x1x16x128xi32, #tpu.memory_space<hbm>> -> memref<16x128xi32, #tpu.memory_space<hbm>>
        %dma_start3A_42 = arith.constant 0 : i32
        %dma_start3A_43 = tpu.memref_slice %arg3[%arg0, %arg1, %mul3A_11, %dma_start3A_42] : memref<2x16x160x128xi32, #tpu.memory_space<hbm>> -> memref<1x1x16x128xi32, #tpu.memory_space<hbm>>
        %dma_start3A_44 = tpu.memref_squeeze %dma_start3A_43 : memref<1x1x16x128xi32, #tpu.memory_space<hbm>> -> memref<16x128xi32, #tpu.memory_space<hbm>>
        tpu.enqueue_dma source(%dma_start3A_44 : memref<16x128xi32, #tpu.memory_space<hbm>>) target(%arg6 : memref<16x128xi32, #tpu.memory_space<vmem>>) target_semaphore(%run_scoped3A_38 : memref<!tpu.dma_semaphore, #tpu.memory_space<semaphore_mem>>)
        %dma_wait3A = arith.constant 0 : i32
        %dma_wait3A_45 = tpu.memref_slice %arg3[%arg0, %arg1, %mul3A_11, %dma_wait3A] : memref<2x16x160x128xi32, #tpu.memory_space<hbm>> -> memref<1x1x16x128xi32, #tpu.memory_space<hbm>>
        %dma_wait3A_46 = tpu.memref_squeeze %dma_wait3A_45 : memref<1x1x16x128xi32, #tpu.memory_space<hbm>> -> memref<16x128xi32, #tpu.memory_space<hbm>>
        %dma_wait3A_47 = arith.constant 0 : i32
        %dma_wait3A_48 = tpu.memref_slice %arg3[%arg0, %arg1, %mul3A_11, %dma_wait3A_47] : memref<2x16x160x128xi32, #tpu.memory_space<hbm>> -> memref<1x1x16x128xi32, #tpu.memory_space<hbm>>
        %dma_wait3A_49 = tpu.memref_squeeze %dma_wait3A_48 : memref<1x1x16x128xi32, #tpu.memory_space<hbm>> -> memref<16x128xi32, #tpu.memory_space<hbm>>
        tpu.wait_dma2 semaphore(%run_scoped3A_38 : memref<!tpu.dma_semaphore, #tpu.memory_space<semaphore_mem>>) src(%dma_wait3A_49 : memref<16x128xi32, #tpu.memory_space<hbm>>) dst(%arg6 : memref<16x128xi32, #tpu.memory_space<vmem>>)
        tpu.yield
      }) : () -> ()
      %mul3A_12 = arith.constant 16 : i32
      %mul3A_13 = arith.muli %scan3A_9, %mul3A_12 : i32
      %run_scoped3A = arith.constant 1 : i32
      "tpu.region"() ({
        %run_scoped3A_38 = tpu.sem_alloc : memref<!tpu.dma_semaphore, #tpu.memory_space<semaphore_mem>>
        %dma_start3A_39 = arith.constant 0 : i32
        %dma_start3A_40 = tpu.memref_slice %arg4[%run_scoped3A, %arg1, %mul3A_13, %dma_start3A_39] : memref<2x16x160x128xi32, #tpu.memory_space<hbm>> -> memref<1x1x16x128xi32, #tpu.memory_space<hbm>>
        %dma_start3A_41 = tpu.memref_squeeze %dma_start3A_40 : memref<1x1x16x128xi32, #tpu.memory_space<hbm>> -> memref<16x128xi32, #tpu.memory_space<hbm>>
        %dma_start3A_42 = arith.constant 0 : i32
        %dma_start3A_43 = tpu.memref_slice %arg4[%run_scoped3A, %arg1, %mul3A_13, %dma_start3A_42] : memref<2x16x160x128xi32, #tpu.memory_space<hbm>> -> memref<1x1x16x128xi32, #tpu.memory_space<hbm>>
        %dma_start3A_44 = tpu.memref_squeeze %dma_start3A_43 : memref<1x1x16x128xi32, #tpu.memory_space<hbm>> -> memref<16x128xi32, #tpu.memory_space<hbm>>
        tpu.enqueue_dma source(%dma_start3A_44 : memref<16x128xi32, #tpu.memory_space<hbm>>) target(%arg7 : memref<16x128xi32, #tpu.memory_space<vmem>>) target_semaphore(%run_scoped3A_38 : memref<!tpu.dma_semaphore, #tpu.memory_space<semaphore_mem>>)
        %dma_wait3A = arith.constant 0 : i32
        %dma_wait3A_45 = tpu.memref_slice %arg4[%run_scoped3A, %arg1, %mul3A_13, %dma_wait3A] : memref<2x16x160x128xi32, #tpu.memory_space<hbm>> -> memref<1x1x16x128xi32, #tpu.memory_space<hbm>>
        %dma_wait3A_46 = tpu.memref_squeeze %dma_wait3A_45 : memref<1x1x16x128xi32, #tpu.memory_space<hbm>> -> memref<16x128xi32, #tpu.memory_space<hbm>>
        %dma_wait3A_47 = arith.constant 0 : i32
        %dma_wait3A_48 = tpu.memref_slice %arg4[%run_scoped3A, %arg1, %mul3A_13, %dma_wait3A_47] : memref<2x16x160x128xi32, #tpu.memory_space<hbm>> -> memref<1x1x16x128xi32, #tpu.memory_space<hbm>>
        %dma_wait3A_49 = tpu.memref_squeeze %dma_wait3A_48 : memref<1x1x16x128xi32, #tpu.memory_space<hbm>> -> memref<16x128xi32, #tpu.memory_space<hbm>>
        tpu.wait_dma2 semaphore(%run_scoped3A_38 : memref<!tpu.dma_semaphore, #tpu.memory_space<semaphore_mem>>) src(%dma_wait3A_49 : memref<16x128xi32, #tpu.memory_space<hbm>>) dst(%arg7 : memref<16x128xi32, #tpu.memory_space<vmem>>)
        tpu.yield
      }) : () -> ()
      %dma_start3A = arith.constant 0 : i32
      %dma_start3A_14 = arith.constant 0 : i32
      %dma_start3A_15 = arith.constant 0 : i32
      %dma_start3A_16 = tpu.memref_slice %arg8[%dma_start3A_14, %dma_start3A_15] : memref<128x128xf32, #tpu.memory_space<vmem>> -> memref<64x128xf32, #tpu.memory_space<vmem>>
      %dma_start3A_17 = arith.constant 0 : i32
      %dma_start3A_18 = tpu.memref_slice %arg6[%dma_start3A, %dma_start3A_17] : memref<16x128xi32, #tpu.memory_space<vmem>> -> memref<1x64xi32, #tpu.memory_space<vmem>>
      %dma_start3A_19 = tpu.memref_squeeze %dma_start3A_18 : memref<1x64xi32, #tpu.memory_space<vmem>> -> memref<64xi32, #tpu.memory_space<vmem>>
      %dma_start3A_20 = arith.constant 0 : i32
      %dma_start3A_21 = arith.constant 0 : i32
      %dma_start3A_22 = tpu.memref_slice %arg2[%dma_start3A_20, %dma_start3A_21] : memref<20480x128xf32, #tpu.memory_space<hbm>> -> memref<20480x128xf32, #tpu.memory_space<hbm>>
      tpu.enqueue_indirect_dma source(%dma_start3A_22 : memref<20480x128xf32, #tpu.memory_space<hbm>>) target(%dma_start3A_16 : memref<64x128xf32, #tpu.memory_space<vmem>>) offsets(%dma_start3A_19 : memref<64xi32, #tpu.memory_space<vmem>>) semaphore(%arg11 : memref<!tpu.dma_semaphore, #tpu.memory_space<semaphore_mem>>)
      %dma_start3A_23 = arith.constant 0 : i32
      %dma_start3A_24 = arith.constant 64 : i32
      %dma_start3A_25 = arith.constant 0 : i32
      %dma_start3A_26 = tpu.memref_slice %arg8[%dma_start3A_24, %dma_start3A_25] : memref<128x128xf32, #tpu.memory_space<vmem>> -> memref<64x128xf32, #tpu.memory_space<vmem>>
      %dma_start3A_27 = arith.constant 64 : i32
      %dma_start3A_28 = tpu.memref_slice %arg6[%dma_start3A_23, %dma_start3A_27] : memref<16x128xi32, #tpu.memory_space<vmem>> -> memref<1x64xi32, #tpu.memory_space<vmem>>
      %dma_start3A_29 = tpu.memref_squeeze %dma_start3A_28 : memref<1x64xi32, #tpu.memory_space<vmem>> -> memref<64xi32, #tpu.memory_space<vmem>>
      %dma_start3A_30 = arith.constant 0 : i32
      %dma_start3A_31 = arith.constant 0 : i32
      %dma_start3A_32 = tpu.memref_slice %arg2[%dma_start3A_30, %dma_start3A_31] : memref<20480x128xf32, #tpu.memory_space<hbm>> -> memref<20480x128xf32, #tpu.memory_space<hbm>>
      tpu.enqueue_indirect_dma source(%dma_start3A_32 : memref<20480x128xf32, #tpu.memory_space<hbm>>) target(%dma_start3A_26 : memref<64x128xf32, #tpu.memory_space<vmem>>) offsets(%dma_start3A_29 : memref<64xi32, #tpu.memory_space<vmem>>) semaphore(%arg12 : memref<!tpu.dma_semaphore, #tpu.memory_space<semaphore_mem>>)
      %scan3A_33 = arith.constant 0 : i32
      %scan3A_34 = arith.constant 8 : i32
      %scan3A_35 = arith.addi %scan3A_33, %scan3A_34 : i32
      %scan3A_36 = arith.constant 1 : i32
      scf.for %scan3A_38 = %scan3A_33 to %scan3A_35 step %scan3A_36  : i32 {
        %mul3A_39 = arith.constant 2 : i32
        %mul3A_40 = arith.muli %mul3A_39, %scan3A_38 : i32
        %add3A_41 = arith.constant 1 : i32
        %add3A_42 = arith.addi %mul3A_40, %add3A_41 : i32
        %dma_start3A_43 = arith.constant 0 : i32
        %dma_start3A_44 = arith.constant 0 : i32
        %dma_start3A_45 = tpu.memref_slice %arg9[%dma_start3A_43, %dma_start3A_44] : memref<128x128xf32, #tpu.memory_space<vmem>> -> memref<64x128xf32, #tpu.memory_space<vmem>>
        %dma_start3A_46 = arith.constant 0 : i32
        %dma_start3A_47 = tpu.memref_slice %arg6[%add3A_42, %dma_start3A_46] : memref<16x128xi32, #tpu.memory_space<vmem>> -> memref<1x64xi32, #tpu.memory_space<vmem>>
        %dma_start3A_48 = tpu.memref_squeeze %dma_start3A_47 : memref<1x64xi32, #tpu.memory_space<vmem>> -> memref<64xi32, #tpu.memory_space<vmem>>
        %dma_start3A_49 = arith.constant 0 : i32
        %dma_start3A_50 = arith.constant 0 : i32
        %dma_start3A_51 = tpu.memref_slice %arg2[%dma_start3A_49, %dma_start3A_50] : memref<20480x128xf32, #tpu.memory_space<hbm>> -> memref<20480x128xf32, #tpu.memory_space<hbm>>
        tpu.enqueue_indirect_dma source(%dma_start3A_51 : memref<20480x128xf32, #tpu.memory_space<hbm>>) target(%dma_start3A_45 : memref<64x128xf32, #tpu.memory_space<vmem>>) offsets(%dma_start3A_48 : memref<64xi32, #tpu.memory_space<vmem>>) semaphore(%arg13 : memref<!tpu.dma_semaphore, #tpu.memory_space<semaphore_mem>>)
        %dma_start3A_52 = arith.constant 64 : i32
        %dma_start3A_53 = arith.constant 0 : i32
        %dma_start3A_54 = tpu.memref_slice %arg9[%dma_start3A_52, %dma_start3A_53] : memref<128x128xf32, #tpu.memory_space<vmem>> -> memref<64x128xf32, #tpu.memory_space<vmem>>
        %dma_start3A_55 = arith.constant 64 : i32
        %dma_start3A_56 = tpu.memref_slice %arg6[%add3A_42, %dma_start3A_55] : memref<16x128xi32, #tpu.memory_space<vmem>> -> memref<1x64xi32, #tpu.memory_space<vmem>>
        %dma_start3A_57 = tpu.memref_squeeze %dma_start3A_56 : memref<1x64xi32, #tpu.memory_space<vmem>> -> memref<64xi32, #tpu.memory_space<vmem>>
        %dma_start3A_58 = arith.constant 0 : i32
        %dma_start3A_59 = arith.constant 0 : i32
        %dma_start3A_60 = tpu.memref_slice %arg2[%dma_start3A_58, %dma_start3A_59] : memref<20480x128xf32, #tpu.memory_space<hbm>> -> memref<20480x128xf32, #tpu.memory_space<hbm>>
        tpu.enqueue_indirect_dma source(%dma_start3A_60 : memref<20480x128xf32, #tpu.memory_space<hbm>>) target(%dma_start3A_54 : memref<64x128xf32, #tpu.memory_space<vmem>>) offsets(%dma_start3A_57 : memref<64xi32, #tpu.memory_space<vmem>>) semaphore(%arg14 : memref<!tpu.dma_semaphore, #tpu.memory_space<semaphore_mem>>)
        %dma_wait3A = arith.constant 0 : i32
        %dma_wait3A_61 = arith.constant 0 : i32
        %dma_wait3A_62 = arith.constant 0 : i32
        %dma_wait3A_63 = tpu.memref_slice %arg8[%dma_wait3A_61, %dma_wait3A_62] : memref<128x128xf32, #tpu.memory_space<vmem>> -> memref<64x128xf32, #tpu.memory_space<vmem>>
        %dma_wait3A_64 = arith.constant 0 : i32
        %dma_wait3A_65 = tpu.memref_slice %arg6[%dma_wait3A, %dma_wait3A_64] : memref<16x128xi32, #tpu.memory_space<vmem>> -> memref<1x64xi32, #tpu.memory_space<vmem>>
        %dma_wait3A_66 = tpu.memref_squeeze %dma_wait3A_65 : memref<1x64xi32, #tpu.memory_space<vmem>> -> memref<64xi32, #tpu.memory_space<vmem>>
        %dma_wait3A_67 = arith.constant 0 : i32
        %dma_wait3A_68 = arith.constant 0 : i32
        %dma_wait3A_69 = tpu.memref_slice %arg2[%dma_wait3A_67, %dma_wait3A_68] : memref<20480x128xf32, #tpu.memory_space<hbm>> -> memref<20480x128xf32, #tpu.memory_space<hbm>>
        tpu.wait_indirect_dma semaphore(%arg11 : memref<!tpu.dma_semaphore, #tpu.memory_space<semaphore_mem>>) src(%dma_wait3A_69 : memref<20480x128xf32, #tpu.memory_space<hbm>>) dst(%dma_wait3A_63 : memref<64x128xf32, #tpu.memory_space<vmem>>)
        %dma_wait3A_70 = arith.constant 0 : i32
        %dma_wait3A_71 = arith.constant 64 : i32
        %dma_wait3A_72 = arith.constant 0 : i32
        %dma_wait3A_73 = tpu.memref_slice %arg8[%dma_wait3A_71, %dma_wait3A_72] : memref<128x128xf32, #tpu.memory_space<vmem>> -> memref<64x128xf32, #tpu.memory_space<vmem>>
        %dma_wait3A_74 = arith.constant 0 : i32
        %dma_wait3A_75 = tpu.memref_slice %arg6[%dma_wait3A_70, %dma_wait3A_74] : memref<16x128xi32, #tpu.memory_space<vmem>> -> memref<1x64xi32, #tpu.memory_space<vmem>>
        %dma_wait3A_76 = tpu.memref_squeeze %dma_wait3A_75 : memref<1x64xi32, #tpu.memory_space<vmem>> -> memref<64xi32, #tpu.memory_space<vmem>>
        %dma_wait3A_77 = arith.constant 0 : i32
        %dma_wait3A_78 = arith.constant 0 : i32
        %dma_wait3A_79 = tpu.memref_slice %arg2[%dma_wait3A_77, %dma_wait3A_78] : memref<20480x128xf32, #tpu.memory_space<hbm>> -> memref<20480x128xf32, #tpu.memory_space<hbm>>
        tpu.wait_indirect_dma semaphore(%arg12 : memref<!tpu.dma_semaphore, #tpu.memory_space<semaphore_mem>>) src(%dma_wait3A_79 : memref<20480x128xf32, #tpu.memory_space<hbm>>) dst(%dma_wait3A_73 : memref<64x128xf32, #tpu.memory_space<vmem>>)
        "tpu.region"() ({
          %run_scoped3A_104 = tpu.sem_alloc : memref<!tpu.dma_semaphore, #tpu.memory_space<semaphore_mem>>
          %dma_start3A_105 = arith.constant 0 : i32
          %dma_start3A_106 = tpu.memref_slice %arg7[%mul3A_40, %dma_start3A_105] : memref<16x128xi32, #tpu.memory_space<vmem>> -> memref<1x128xi32, #tpu.memory_space<vmem>>
          %dma_start3A_107 = tpu.memref_squeeze %dma_start3A_106 : memref<1x128xi32, #tpu.memory_space<vmem>> -> memref<128xi32, #tpu.memory_space<vmem>>
          %dma_start3A_108 = arith.constant 0 : i32
          %dma_start3A_109 = arith.constant 0 : i32
          %dma_start3A_110 = tpu.memref_slice %arg10[%dma_start3A_108, %dma_start3A_109] : memref<10240x128xf32, #tpu.memory_space<vmem_shared>> -> memref<10240x128xf32, #tpu.memory_space<vmem_shared>>
          tpu.enqueue_indirect_dma source(%arg8 : memref<128x128xf32, #tpu.memory_space<vmem>>) target(%dma_start3A_110 : memref<10240x128xf32, #tpu.memory_space<vmem_shared>>) offsets(%dma_start3A_107 : memref<128xi32, #tpu.memory_space<vmem>>) semaphore(%run_scoped3A_104 : memref<!tpu.dma_semaphore, #tpu.memory_space<semaphore_mem>>) {add = true}
          %dma_wait3A_111 = arith.constant 0 : i32
          %dma_wait3A_112 = tpu.memref_slice %arg7[%mul3A_40, %dma_wait3A_111] : memref<16x128xi32, #tpu.memory_space<vmem>> -> memref<1x128xi32, #tpu.memory_space<vmem>>
          %dma_wait3A_113 = tpu.memref_squeeze %dma_wait3A_112 : memref<1x128xi32, #tpu.memory_space<vmem>> -> memref<128xi32, #tpu.memory_space<vmem>>
          %dma_wait3A_114 = arith.constant 0 : i32
          %dma_wait3A_115 = arith.constant 0 : i32
          %dma_wait3A_116 = tpu.memref_slice %arg10[%dma_wait3A_114, %dma_wait3A_115] : memref<10240x128xf32, #tpu.memory_space<vmem_shared>> -> memref<10240x128xf32, #tpu.memory_space<vmem_shared>>
          tpu.wait_indirect_dma semaphore(%run_scoped3A_104 : memref<!tpu.dma_semaphore, #tpu.memory_space<semaphore_mem>>) src(%arg8 : memref<128x128xf32, #tpu.memory_space<vmem>>) dst(%dma_wait3A_116 : memref<10240x128xf32, #tpu.memory_space<vmem_shared>>)
          tpu.yield
        }) : () -> ()
        %lt3A = arith.constant 7 : i32
        %lt3A_80 = arith.cmpi slt, %scan3A_38, %lt3A : i32
        %convert_element_type3A = arith.extui %lt3A_80 : i1 to i32
        %cond3A = arith.constant 0 : i32
        %cond3A_81 = arith.cmpi ne, %convert_element_type3A, %cond3A : i32
        scf.if %cond3A_81 {
          %add3A_104 = arith.constant 2 : i32
          %add3A_105 = arith.addi %mul3A_40, %add3A_104 : i32
          %dma_start3A_106 = arith.constant 0 : i32
          %dma_start3A_107 = arith.constant 0 : i32
          %dma_start3A_108 = tpu.memref_slice %arg8[%dma_start3A_106, %dma_start3A_107] : memref<128x128xf32, #tpu.memory_space<vmem>> -> memref<64x128xf32, #tpu.memory_space<vmem>>
          %dma_start3A_109 = arith.constant 0 : i32
          %dma_start3A_110 = tpu.memref_slice %arg6[%add3A_105, %dma_start3A_109] : memref<16x128xi32, #tpu.memory_space<vmem>> -> memref<1x64xi32, #tpu.memory_space<vmem>>
          %dma_start3A_111 = tpu.memref_squeeze %dma_start3A_110 : memref<1x64xi32, #tpu.memory_space<vmem>> -> memref<64xi32, #tpu.memory_space<vmem>>
          %dma_start3A_112 = arith.constant 0 : i32
          %dma_start3A_113 = arith.constant 0 : i32
          %dma_start3A_114 = tpu.memref_slice %arg2[%dma_start3A_112, %dma_start3A_113] : memref<20480x128xf32, #tpu.memory_space<hbm>> -> memref<20480x128xf32, #tpu.memory_space<hbm>>
          tpu.enqueue_indirect_dma source(%dma_start3A_114 : memref<20480x128xf32, #tpu.memory_space<hbm>>) target(%dma_start3A_108 : memref<64x128xf32, #tpu.memory_space<vmem>>) offsets(%dma_start3A_111 : memref<64xi32, #tpu.memory_space<vmem>>) semaphore(%arg11 : memref<!tpu.dma_semaphore, #tpu.memory_space<semaphore_mem>>)
          %dma_start3A_115 = arith.constant 64 : i32
          %dma_start3A_116 = arith.constant 0 : i32
          %dma_start3A_117 = tpu.memref_slice %arg8[%dma_start3A_115, %dma_start3A_116] : memref<128x128xf32, #tpu.memory_space<vmem>> -> memref<64x128xf32, #tpu.memory_space<vmem>>
          %dma_start3A_118 = arith.constant 64 : i32
          %dma_start3A_119 = tpu.memref_slice %arg6[%add3A_105, %dma_start3A_118] : memref<16x128xi32, #tpu.memory_space<vmem>> -> memref<1x64xi32, #tpu.memory_space<vmem>>
          %dma_start3A_120 = tpu.memref_squeeze %dma_start3A_119 : memref<1x64xi32, #tpu.memory_space<vmem>> -> memref<64xi32, #tpu.memory_space<vmem>>
          %dma_start3A_121 = arith.constant 0 : i32
          %dma_start3A_122 = arith.constant 0 : i32
          %dma_start3A_123 = tpu.memref_slice %arg2[%dma_start3A_121, %dma_start3A_122] : memref<20480x128xf32, #tpu.memory_space<hbm>> -> memref<20480x128xf32, #tpu.memory_space<hbm>>
          tpu.enqueue_indirect_dma source(%dma_start3A_123 : memref<20480x128xf32, #tpu.memory_space<hbm>>) target(%dma_start3A_117 : memref<64x128xf32, #tpu.memory_space<vmem>>) offsets(%dma_start3A_120 : memref<64xi32, #tpu.memory_space<vmem>>) semaphore(%arg12 : memref<!tpu.dma_semaphore, #tpu.memory_space<semaphore_mem>>)
        } else {
        }
        %dma_wait3A_82 = arith.constant 0 : i32
        %dma_wait3A_83 = arith.constant 0 : i32
        %dma_wait3A_84 = arith.constant 0 : i32
        %dma_wait3A_85 = tpu.memref_slice %arg9[%dma_wait3A_83, %dma_wait3A_84] : memref<128x128xf32, #tpu.memory_space<vmem>> -> memref<64x128xf32, #tpu.memory_space<vmem>>
        %dma_wait3A_86 = arith.constant 0 : i32
        %dma_wait3A_87 = tpu.memref_slice %arg6[%dma_wait3A_82, %dma_wait3A_86] : memref<16x128xi32, #tpu.memory_space<vmem>> -> memref<1x64xi32, #tpu.memory_space<vmem>>
        %dma_wait3A_88 = tpu.memref_squeeze %dma_wait3A_87 : memref<1x64xi32, #tpu.memory_space<vmem>> -> memref<64xi32, #tpu.memory_space<vmem>>
        %dma_wait3A_89 = arith.constant 0 : i32
        %dma_wait3A_90 = arith.constant 0 : i32
        %dma_wait3A_91 = tpu.memref_slice %arg2[%dma_wait3A_89, %dma_wait3A_90] : memref<20480x128xf32, #tpu.memory_space<hbm>> -> memref<20480x128xf32, #tpu.memory_space<hbm>>
        tpu.wait_indirect_dma semaphore(%arg13 : memref<!tpu.dma_semaphore, #tpu.memory_space<semaphore_mem>>) src(%dma_wait3A_91 : memref<20480x128xf32, #tpu.memory_space<hbm>>) dst(%dma_wait3A_85 : memref<64x128xf32, #tpu.memory_space<vmem>>)
        %dma_wait3A_92 = arith.constant 0 : i32
        %dma_wait3A_93 = arith.constant 64 : i32
        %dma_wait3A_94 = arith.constant 0 : i32
        %dma_wait3A_95 = tpu.memref_slice %arg9[%dma_wait3A_93, %dma_wait3A_94] : memref<128x128xf32, #tpu.memory_space<vmem>> -> memref<64x128xf32, #tpu.memory_space<vmem>>
        %dma_wait3A_96 = arith.constant 0 : i32
        %dma_wait3A_97 = tpu.memref_slice %arg6[%dma_wait3A_92, %dma_wait3A_96] : memref<16x128xi32, #tpu.memory_space<vmem>> -> memref<1x64xi32, #tpu.memory_space<vmem>>
        %dma_wait3A_98 = tpu.memref_squeeze %dma_wait3A_97 : memref<1x64xi32, #tpu.memory_space<vmem>> -> memref<64xi32, #tpu.memory_space<vmem>>
        %dma_wait3A_99 = arith.constant 0 : i32
        %dma_wait3A_100 = arith.constant 0 : i32
        %dma_wait3A_101 = tpu.memref_slice %arg2[%dma_wait3A_99, %dma_wait3A_100] : memref<20480x128xf32, #tpu.memory_space<hbm>> -> memref<20480x128xf32, #tpu.memory_space<hbm>>
        tpu.wait_indirect_dma semaphore(%arg14 : memref<!tpu.dma_semaphore, #tpu.memory_space<semaphore_mem>>) src(%dma_wait3A_101 : memref<20480x128xf32, #tpu.memory_space<hbm>>) dst(%dma_wait3A_95 : memref<64x128xf32, #tpu.memory_space<vmem>>)
        %add3A_102 = arith.constant 1 : i32
        %add3A_103 = arith.addi %mul3A_40, %add3A_102 : i32
        "tpu.region"() ({
          %run_scoped3A_104 = tpu.sem_alloc : memref<!tpu.dma_semaphore, #tpu.memory_space<semaphore_mem>>
          %dma_start3A_105 = arith.constant 0 : i32
          %dma_start3A_106 = tpu.memref_slice %arg7[%add3A_103, %dma_start3A_105] : memref<16x128xi32, #tpu.memory_space<vmem>> -> memref<1x128xi32, #tpu.memory_space<vmem>>
          %dma_start3A_107 = tpu.memref_squeeze %dma_start3A_106 : memref<1x128xi32, #tpu.memory_space<vmem>> -> memref<128xi32, #tpu.memory_space<vmem>>
          %dma_start3A_108 = arith.constant 0 : i32
          %dma_start3A_109 = arith.constant 0 : i32
          %dma_start3A_110 = tpu.memref_slice %arg10[%dma_start3A_108, %dma_start3A_109] : memref<10240x128xf32, #tpu.memory_space<vmem_shared>> -> memref<10240x128xf32, #tpu.memory_space<vmem_shared>>
          tpu.enqueue_indirect_dma source(%arg9 : memref<128x128xf32, #tpu.memory_space<vmem>>) target(%dma_start3A_110 : memref<10240x128xf32, #tpu.memory_space<vmem_shared>>) offsets(%dma_start3A_107 : memref<128xi32, #tpu.memory_space<vmem>>) semaphore(%run_scoped3A_104 : memref<!tpu.dma_semaphore, #tpu.memory_space<semaphore_mem>>) {add = true}
          %dma_wait3A_111 = arith.constant 0 : i32
          %dma_wait3A_112 = tpu.memref_slice %arg7[%add3A_103, %dma_wait3A_111] : memref<16x128xi32, #tpu.memory_space<vmem>> -> memref<1x128xi32, #tpu.memory_space<vmem>>
          %dma_wait3A_113 = tpu.memref_squeeze %dma_wait3A_112 : memref<1x128xi32, #tpu.memory_space<vmem>> -> memref<128xi32, #tpu.memory_space<vmem>>
          %dma_wait3A_114 = arith.constant 0 : i32
          %dma_wait3A_115 = arith.constant 0 : i32
          %dma_wait3A_116 = tpu.memref_slice %arg10[%dma_wait3A_114, %dma_wait3A_115] : memref<10240x128xf32, #tpu.memory_space<vmem_shared>> -> memref<10240x128xf32, #tpu.memory_space<vmem_shared>>
          tpu.wait_indirect_dma semaphore(%run_scoped3A_104 : memref<!tpu.dma_semaphore, #tpu.memory_space<semaphore_mem>>) src(%arg9 : memref<128x128xf32, #tpu.memory_space<vmem>>) dst(%dma_wait3A_116 : memref<10240x128xf32, #tpu.memory_space<vmem_shared>>)
          tpu.yield
        }) : () -> ()
      }
      %scan3A_37 = arith.constant 8 : i32
    }
    %scan3A_7 = arith.constant 10 : i32
    %barrier3A_8 = arith.constant 0 : index
    tpu.barrier barrier_id(%barrier3A_8)
    "tpu.region"() ({
      %run_scoped3A = tpu.sem_alloc : memref<!tpu.dma_semaphore, #tpu.memory_space<semaphore_mem>>
      %dma_start3A = arith.constant 0 : i32
      %dma_start3A_9 = tpu.memref_slice %arg5[%arg0, %mul3A_0, %dma_start3A] : memref<2x10240x128xf32, #tpu.memory_space<hbm>> -> memref<1x640x128xf32, #tpu.memory_space<hbm>>
      %dma_start3A_10 = tpu.memref_squeeze %dma_start3A_9 : memref<1x640x128xf32, #tpu.memory_space<hbm>> -> memref<640x128xf32, #tpu.memory_space<hbm>>
      %dma_start3A_11 = arith.constant 0 : i32
      %dma_start3A_12 = tpu.memref_slice %arg10[%mul3A_0, %dma_start3A_11] : memref<10240x128xf32, #tpu.memory_space<vmem_shared>> -> memref<640x128xf32, #tpu.memory_space<vmem_shared>>
      tpu.enqueue_dma source(%dma_start3A_12 : memref<640x128xf32, #tpu.memory_space<vmem_shared>>) target(%dma_start3A_10 : memref<640x128xf32, #tpu.memory_space<hbm>>) target_semaphore(%run_scoped3A : memref<!tpu.dma_semaphore, #tpu.memory_space<semaphore_mem>>)
      %dma_wait3A = arith.constant 0 : i32
      %dma_wait3A_13 = tpu.memref_slice %arg5[%arg0, %mul3A_0, %dma_wait3A] : memref<2x10240x128xf32, #tpu.memory_space<hbm>> -> memref<1x640x128xf32, #tpu.memory_space<hbm>>
      %dma_wait3A_14 = tpu.memref_squeeze %dma_wait3A_13 : memref<1x640x128xf32, #tpu.memory_space<hbm>> -> memref<640x128xf32, #tpu.memory_space<hbm>>
      %dma_wait3A_15 = arith.constant 0 : i32
      %dma_wait3A_16 = tpu.memref_slice %arg10[%mul3A_0, %dma_wait3A_15] : memref<10240x128xf32, #tpu.memory_space<vmem_shared>> -> memref<640x128xf32, #tpu.memory_space<vmem_shared>>
      tpu.wait_dma2 semaphore(%run_scoped3A : memref<!tpu.dma_semaphore, #tpu.memory_space<semaphore_mem>>) src(%dma_wait3A_16 : memref<640x128xf32, #tpu.memory_space<vmem_shared>>) dst(%dma_wait3A_14 : memref<640x128xf32, #tpu.memory_space<hbm>>)
      tpu.yield
    }) : () -> ()
    return
  }
}

#map = affine_map<(d0, d1) -> (0, 0)>
#map1 = affine_map<(d0, d1) -> (0, 0, 0, 0)>
#map2 = affine_map<(d0, d1) -> (0, 0, 0)>
module attributes {stable_mosaic.version = 14 : i64} {
  func.func @_spmv_body(%arg0: i32, %arg1: i32, %arg2: memref<20480x128xf32, #tpu.memory_space<hbm>>, %arg3: memref<2x16x160x128xi32, #tpu.memory_space<hbm>>, %arg4: memref<2x16x160x128xi32, #tpu.memory_space<hbm>>, %arg5: memref<2x10240x128xf32, #tpu.memory_space<hbm>>, %arg6: memref<16x128xi32, #tpu.memory_space<vmem>>, %arg7: memref<16x128xi32, #tpu.memory_space<vmem>>, %arg8: memref<128x128xf32, #tpu.memory_space<vmem>>, %arg9: memref<128x128xf32, #tpu.memory_space<vmem>>, %arg10: memref<10240x128xf32, #tpu.memory_space<vmem_shared>>, %arg11: memref<!tpu.dma_semaphore, #tpu.memory_space<semaphore_mem>>, %arg12: memref<!tpu.dma_semaphore, #tpu.memory_space<semaphore_mem>>, %arg13: memref<!tpu.dma_semaphore, #tpu.memory_space<semaphore_mem>>, %arg14: memref<!tpu.dma_semaphore, #tpu.memory_space<semaphore_mem>>) attributes {dimension_semantics = [#tpu.dimension_semantics<core_parallel>, #tpu.dimension_semantics<subcore_parallel>], iteration_bounds = array<i64: 2, 16>, scalar_prefetch = 0 : i64, scratch_operands = 9 : i64, tpu.core_type = #tpu.core_type<sc_vector_subcore>, window_params = [{transform_indices = #map}, {transform_indices = #map1}, {transform_indices = #map1}, {transform_indices = #map2}]} {
    %mul3A = arith.constant 640 : i32
    %mul3A_0 = arith.muli %arg1, %mul3A : i32
    %mul3A_1 = arith.constant 10240 : i32
    %mul3A_2 = arith.muli %arg0, %mul3A_1 : i32
    %add3A = arith.addi %mul3A_2, %mul3A_0 : i32
    "tpu.region"() ({
      %run_scoped3A = tpu.sem_alloc : memref<!tpu.dma_semaphore, #tpu.memory_space<semaphore_mem>>
      %dma_start3A = arith.constant 0 : i32
      %dma_start3A_9 = tpu.memref_slice %arg10[%mul3A_0, %dma_start3A] : memref<10240x128xf32, #tpu.memory_space<vmem_shared>> -> memref<640x128xf32, #tpu.memory_space<vmem_shared>>
      %dma_start3A_10 = arith.constant 0 : i32
      %dma_start3A_11 = tpu.memref_slice %arg2[%add3A, %dma_start3A_10] : memref<20480x128xf32, #tpu.memory_space<hbm>> -> memref<640x128xf32, #tpu.memory_space<hbm>>
      tpu.enqueue_dma source(%dma_start3A_11 : memref<640x128xf32, #tpu.memory_space<hbm>>) target(%dma_start3A_9 : memref<640x128xf32, #tpu.memory_space<vmem_shared>>) target_semaphore(%run_scoped3A : memref<!tpu.dma_semaphore, #tpu.memory_space<semaphore_mem>>)
      %dma_wait3A = arith.constant 0 : i32
      %dma_wait3A_12 = tpu.memref_slice %arg10[%mul3A_0, %dma_wait3A] : memref<10240x128xf32, #tpu.memory_space<vmem_shared>> -> memref<640x128xf32, #tpu.memory_space<vmem_shared>>
      %dma_wait3A_13 = arith.constant 0 : i32
      %dma_wait3A_14 = tpu.memref_slice %arg2[%add3A, %dma_wait3A_13] : memref<20480x128xf32, #tpu.memory_space<hbm>> -> memref<640x128xf32, #tpu.memory_space<hbm>>
      tpu.wait_dma2 semaphore(%run_scoped3A : memref<!tpu.dma_semaphore, #tpu.memory_space<semaphore_mem>>) src(%dma_wait3A_14 : memref<640x128xf32, #tpu.memory_space<hbm>>) dst(%dma_wait3A_12 : memref<640x128xf32, #tpu.memory_space<vmem_shared>>)
      tpu.yield
    }) : () -> ()
    %barrier3A = arith.constant 0 : index
    tpu.barrier barrier_id(%barrier3A)
    %scan3A = arith.constant 0 : i32
    %scan3A_3 = arith.constant 0 : i32
    %scan3A_4 = arith.constant 10 : i32
    %scan3A_5 = arith.addi %scan3A_3, %scan3A_4 : i32
    %scan3A_6 = arith.constant 1 : i32
    scf.for %scan3A_9 = %scan3A_3 to %scan3A_5 step %scan3A_6  : i32 {
      %mul3A_10 = arith.constant 16 : i32
      %mul3A_11 = arith.muli %scan3A_9, %mul3A_10 : i32
      "tpu.region"() ({
        %run_scoped3A_38 = tpu.sem_alloc : memref<!tpu.dma_semaphore, #tpu.memory_space<semaphore_mem>>
        %dma_start3A_39 = arith.constant 0 : i32
        %dma_start3A_40 = tpu.memref_slice %arg3[%arg0, %arg1, %mul3A_11, %dma_start3A_39] : memref<2x16x160x128xi32, #tpu.memory_space<hbm>> -> memref<1x1x16x128xi32, #tpu.memory_space<hbm>>
        %dma_start3A_41 = tpu.memref_squeeze %dma_start3A_40 : memref<1x1x16x128xi32, #tpu.memory_space<hbm>> -> memref<16x128xi32, #tpu.memory_space<hbm>>
        %dma_start3A_42 = arith.constant 0 : i32
        %dma_start3A_43 = tpu.memref_slice %arg3[%arg0, %arg1, %mul3A_11, %dma_start3A_42] : memref<2x16x160x128xi32, #tpu.memory_space<hbm>> -> memref<1x1x16x128xi32, #tpu.memory_space<hbm>>
        %dma_start3A_44 = tpu.memref_squeeze %dma_start3A_43 : memref<1x1x16x128xi32, #tpu.memory_space<hbm>> -> memref<16x128xi32, #tpu.memory_space<hbm>>
        tpu.enqueue_dma source(%dma_start3A_44 : memref<16x128xi32, #tpu.memory_space<hbm>>) target(%arg6 : memref<16x128xi32, #tpu.memory_space<vmem>>) target_semaphore(%run_scoped3A_38 : memref<!tpu.dma_semaphore, #tpu.memory_space<semaphore_mem>>)
        %dma_wait3A = arith.constant 0 : i32
        %dma_wait3A_45 = tpu.memref_slice %arg3[%arg0, %arg1, %mul3A_11, %dma_wait3A] : memref<2x16x160x128xi32, #tpu.memory_space<hbm>> -> memref<1x1x16x128xi32, #tpu.memory_space<hbm>>
        %dma_wait3A_46 = tpu.memref_squeeze %dma_wait3A_45 : memref<1x1x16x128xi32, #tpu.memory_space<hbm>> -> memref<16x128xi32, #tpu.memory_space<hbm>>
        %dma_wait3A_47 = arith.constant 0 : i32
        %dma_wait3A_48 = tpu.memref_slice %arg3[%arg0, %arg1, %mul3A_11, %dma_wait3A_47] : memref<2x16x160x128xi32, #tpu.memory_space<hbm>> -> memref<1x1x16x128xi32, #tpu.memory_space<hbm>>
        %dma_wait3A_49 = tpu.memref_squeeze %dma_wait3A_48 : memref<1x1x16x128xi32, #tpu.memory_space<hbm>> -> memref<16x128xi32, #tpu.memory_space<hbm>>
        tpu.wait_dma2 semaphore(%run_scoped3A_38 : memref<!tpu.dma_semaphore, #tpu.memory_space<semaphore_mem>>) src(%dma_wait3A_49 : memref<16x128xi32, #tpu.memory_space<hbm>>) dst(%arg6 : memref<16x128xi32, #tpu.memory_space<vmem>>)
        tpu.yield
      }) : () -> ()
      %mul3A_12 = arith.constant 16 : i32
      %mul3A_13 = arith.muli %scan3A_9, %mul3A_12 : i32
      %run_scoped3A = arith.constant 1 : i32
      "tpu.region"() ({
        %run_scoped3A_38 = tpu.sem_alloc : memref<!tpu.dma_semaphore, #tpu.memory_space<semaphore_mem>>
        %dma_start3A_39 = arith.constant 0 : i32
        %dma_start3A_40 = tpu.memref_slice %arg4[%run_scoped3A, %arg1, %mul3A_13, %dma_start3A_39] : memref<2x16x160x128xi32, #tpu.memory_space<hbm>> -> memref<1x1x16x128xi32, #tpu.memory_space<hbm>>
        %dma_start3A_41 = tpu.memref_squeeze %dma_start3A_40 : memref<1x1x16x128xi32, #tpu.memory_space<hbm>> -> memref<16x128xi32, #tpu.memory_space<hbm>>
        %dma_start3A_42 = arith.constant 0 : i32
        %dma_start3A_43 = tpu.memref_slice %arg4[%run_scoped3A, %arg1, %mul3A_13, %dma_start3A_42] : memref<2x16x160x128xi32, #tpu.memory_space<hbm>> -> memref<1x1x16x128xi32, #tpu.memory_space<hbm>>
        %dma_start3A_44 = tpu.memref_squeeze %dma_start3A_43 : memref<1x1x16x128xi32, #tpu.memory_space<hbm>> -> memref<16x128xi32, #tpu.memory_space<hbm>>
        tpu.enqueue_dma source(%dma_start3A_44 : memref<16x128xi32, #tpu.memory_space<hbm>>) target(%arg7 : memref<16x128xi32, #tpu.memory_space<vmem>>) target_semaphore(%run_scoped3A_38 : memref<!tpu.dma_semaphore, #tpu.memory_space<semaphore_mem>>)
        %dma_wait3A = arith.constant 0 : i32
        %dma_wait3A_45 = tpu.memref_slice %arg4[%run_scoped3A, %arg1, %mul3A_13, %dma_wait3A] : memref<2x16x160x128xi32, #tpu.memory_space<hbm>> -> memref<1x1x16x128xi32, #tpu.memory_space<hbm>>
        %dma_wait3A_46 = tpu.memref_squeeze %dma_wait3A_45 : memref<1x1x16x128xi32, #tpu.memory_space<hbm>> -> memref<16x128xi32, #tpu.memory_space<hbm>>
        %dma_wait3A_47 = arith.constant 0 : i32
        %dma_wait3A_48 = tpu.memref_slice %arg4[%run_scoped3A, %arg1, %mul3A_13, %dma_wait3A_47] : memref<2x16x160x128xi32, #tpu.memory_space<hbm>> -> memref<1x1x16x128xi32, #tpu.memory_space<hbm>>
        %dma_wait3A_49 = tpu.memref_squeeze %dma_wait3A_48 : memref<1x1x16x128xi32, #tpu.memory_space<hbm>> -> memref<16x128xi32, #tpu.memory_space<hbm>>
        tpu.wait_dma2 semaphore(%run_scoped3A_38 : memref<!tpu.dma_semaphore, #tpu.memory_space<semaphore_mem>>) src(%dma_wait3A_49 : memref<16x128xi32, #tpu.memory_space<hbm>>) dst(%arg7 : memref<16x128xi32, #tpu.memory_space<vmem>>)
        tpu.yield
      }) : () -> ()
      %dma_start3A = arith.constant 0 : i32
      %dma_start3A_14 = arith.constant 0 : i32
      %dma_start3A_15 = arith.constant 0 : i32
      %dma_start3A_16 = tpu.memref_slice %arg8[%dma_start3A_14, %dma_start3A_15] : memref<128x128xf32, #tpu.memory_space<vmem>> -> memref<64x128xf32, #tpu.memory_space<vmem>>
      %dma_start3A_17 = arith.constant 0 : i32
      %dma_start3A_18 = tpu.memref_slice %arg6[%dma_start3A, %dma_start3A_17] : memref<16x128xi32, #tpu.memory_space<vmem>> -> memref<1x64xi32, #tpu.memory_space<vmem>>
      %dma_start3A_19 = tpu.memref_squeeze %dma_start3A_18 : memref<1x64xi32, #tpu.memory_space<vmem>> -> memref<64xi32, #tpu.memory_space<vmem>>
      %dma_start3A_20 = arith.constant 0 : i32
      %dma_start3A_21 = arith.constant 0 : i32
      %dma_start3A_22 = tpu.memref_slice %arg2[%dma_start3A_20, %dma_start3A_21] : memref<20480x128xf32, #tpu.memory_space<hbm>> -> memref<20480x128xf32, #tpu.memory_space<hbm>>
      tpu.enqueue_indirect_dma source(%dma_start3A_22 : memref<20480x128xf32, #tpu.memory_space<hbm>>) target(%dma_start3A_16 : memref<64x128xf32, #tpu.memory_space<vmem>>) offsets(%dma_start3A_19 : memref<64xi32, #tpu.memory_space<vmem>>) semaphore(%arg11 : memref<!tpu.dma_semaphore, #tpu.memory_space<semaphore_mem>>)
      %dma_start3A_23 = arith.constant 0 : i32
      %dma_start3A_24 = arith.constant 64 : i32
      %dma_start3A_25 = arith.constant 0 : i32
      %dma_start3A_26 = tpu.memref_slice %arg8[%dma_start3A_24, %dma_start3A_25] : memref<128x128xf32, #tpu.memory_space<vmem>> -> memref<64x128xf32, #tpu.memory_space<vmem>>
      %dma_start3A_27 = arith.constant 64 : i32
      %dma_start3A_28 = tpu.memref_slice %arg6[%dma_start3A_23, %dma_start3A_27] : memref<16x128xi32, #tpu.memory_space<vmem>> -> memref<1x64xi32, #tpu.memory_space<vmem>>
      %dma_start3A_29 = tpu.memref_squeeze %dma_start3A_28 : memref<1x64xi32, #tpu.memory_space<vmem>> -> memref<64xi32, #tpu.memory_space<vmem>>
      %dma_start3A_30 = arith.constant 0 : i32
      %dma_start3A_31 = arith.constant 0 : i32
      %dma_start3A_32 = tpu.memref_slice %arg2[%dma_start3A_30, %dma_start3A_31] : memref<20480x128xf32, #tpu.memory_space<hbm>> -> memref<20480x128xf32, #tpu.memory_space<hbm>>
      tpu.enqueue_indirect_dma source(%dma_start3A_32 : memref<20480x128xf32, #tpu.memory_space<hbm>>) target(%dma_start3A_26 : memref<64x128xf32, #tpu.memory_space<vmem>>) offsets(%dma_start3A_29 : memref<64xi32, #tpu.memory_space<vmem>>) semaphore(%arg12 : memref<!tpu.dma_semaphore, #tpu.memory_space<semaphore_mem>>)
      %scan3A_33 = arith.constant 0 : i32
      %scan3A_34 = arith.constant 8 : i32
      %scan3A_35 = arith.addi %scan3A_33, %scan3A_34 : i32
      %scan3A_36 = arith.constant 1 : i32
      scf.for %scan3A_38 = %scan3A_33 to %scan3A_35 step %scan3A_36  : i32 {
        %mul3A_39 = arith.constant 2 : i32
        %mul3A_40 = arith.muli %mul3A_39, %scan3A_38 : i32
        %add3A_41 = arith.constant 1 : i32
        %add3A_42 = arith.addi %mul3A_40, %add3A_41 : i32
        %dma_start3A_43 = arith.constant 0 : i32
        %dma_start3A_44 = arith.constant 0 : i32
        %dma_start3A_45 = tpu.memref_slice %arg9[%dma_start3A_43, %dma_start3A_44] : memref<128x128xf32, #tpu.memory_space<vmem>> -> memref<64x128xf32, #tpu.memory_space<vmem>>
        %dma_start3A_46 = arith.constant 0 : i32
        %dma_start3A_47 = tpu.memref_slice %arg6[%add3A_42, %dma_start3A_46] : memref<16x128xi32, #tpu.memory_space<vmem>> -> memref<1x64xi32, #tpu.memory_space<vmem>>
        %dma_start3A_48 = tpu.memref_squeeze %dma_start3A_47 : memref<1x64xi32, #tpu.memory_space<vmem>> -> memref<64xi32, #tpu.memory_space<vmem>>
        %dma_start3A_49 = arith.constant 0 : i32
        %dma_start3A_50 = arith.constant 0 : i32
        %dma_start3A_51 = tpu.memref_slice %arg2[%dma_start3A_49, %dma_start3A_50] : memref<20480x128xf32, #tpu.memory_space<hbm>> -> memref<20480x128xf32, #tpu.memory_space<hbm>>
        tpu.enqueue_indirect_dma source(%dma_start3A_51 : memref<20480x128xf32, #tpu.memory_space<hbm>>) target(%dma_start3A_45 : memref<64x128xf32, #tpu.memory_space<vmem>>) offsets(%dma_start3A_48 : memref<64xi32, #tpu.memory_space<vmem>>) semaphore(%arg13 : memref<!tpu.dma_semaphore, #tpu.memory_space<semaphore_mem>>)
        %dma_start3A_52 = arith.constant 64 : i32
        %dma_start3A_53 = arith.constant 0 : i32
        %dma_start3A_54 = tpu.memref_slice %arg9[%dma_start3A_52, %dma_start3A_53] : memref<128x128xf32, #tpu.memory_space<vmem>> -> memref<64x128xf32, #tpu.memory_space<vmem>>
        %dma_start3A_55 = arith.constant 64 : i32
        %dma_start3A_56 = tpu.memref_slice %arg6[%add3A_42, %dma_start3A_55] : memref<16x128xi32, #tpu.memory_space<vmem>> -> memref<1x64xi32, #tpu.memory_space<vmem>>
        %dma_start3A_57 = tpu.memref_squeeze %dma_start3A_56 : memref<1x64xi32, #tpu.memory_space<vmem>> -> memref<64xi32, #tpu.memory_space<vmem>>
        %dma_start3A_58 = arith.constant 0 : i32
        %dma_start3A_59 = arith.constant 0 : i32
        %dma_start3A_60 = tpu.memref_slice %arg2[%dma_start3A_58, %dma_start3A_59] : memref<20480x128xf32, #tpu.memory_space<hbm>> -> memref<20480x128xf32, #tpu.memory_space<hbm>>
        tpu.enqueue_indirect_dma source(%dma_start3A_60 : memref<20480x128xf32, #tpu.memory_space<hbm>>) target(%dma_start3A_54 : memref<64x128xf32, #tpu.memory_space<vmem>>) offsets(%dma_start3A_57 : memref<64xi32, #tpu.memory_space<vmem>>) semaphore(%arg14 : memref<!tpu.dma_semaphore, #tpu.memory_space<semaphore_mem>>)
        %dma_wait3A = arith.constant 0 : i32
        %dma_wait3A_61 = arith.constant 0 : i32
        %dma_wait3A_62 = arith.constant 0 : i32
        %dma_wait3A_63 = tpu.memref_slice %arg8[%dma_wait3A_61, %dma_wait3A_62] : memref<128x128xf32, #tpu.memory_space<vmem>> -> memref<64x128xf32, #tpu.memory_space<vmem>>
        %dma_wait3A_64 = arith.constant 0 : i32
        %dma_wait3A_65 = tpu.memref_slice %arg6[%dma_wait3A, %dma_wait3A_64] : memref<16x128xi32, #tpu.memory_space<vmem>> -> memref<1x64xi32, #tpu.memory_space<vmem>>
        %dma_wait3A_66 = tpu.memref_squeeze %dma_wait3A_65 : memref<1x64xi32, #tpu.memory_space<vmem>> -> memref<64xi32, #tpu.memory_space<vmem>>
        %dma_wait3A_67 = arith.constant 0 : i32
        %dma_wait3A_68 = arith.constant 0 : i32
        %dma_wait3A_69 = tpu.memref_slice %arg2[%dma_wait3A_67, %dma_wait3A_68] : memref<20480x128xf32, #tpu.memory_space<hbm>> -> memref<20480x128xf32, #tpu.memory_space<hbm>>
        tpu.wait_indirect_dma semaphore(%arg11 : memref<!tpu.dma_semaphore, #tpu.memory_space<semaphore_mem>>) src(%dma_wait3A_69 : memref<20480x128xf32, #tpu.memory_space<hbm>>) dst(%dma_wait3A_63 : memref<64x128xf32, #tpu.memory_space<vmem>>)
        %dma_wait3A_70 = arith.constant 0 : i32
        %dma_wait3A_71 = arith.constant 64 : i32
        %dma_wait3A_72 = arith.constant 0 : i32
        %dma_wait3A_73 = tpu.memref_slice %arg8[%dma_wait3A_71, %dma_wait3A_72] : memref<128x128xf32, #tpu.memory_space<vmem>> -> memref<64x128xf32, #tpu.memory_space<vmem>>
        %dma_wait3A_74 = arith.constant 0 : i32
        %dma_wait3A_75 = tpu.memref_slice %arg6[%dma_wait3A_70, %dma_wait3A_74] : memref<16x128xi32, #tpu.memory_space<vmem>> -> memref<1x64xi32, #tpu.memory_space<vmem>>
        %dma_wait3A_76 = tpu.memref_squeeze %dma_wait3A_75 : memref<1x64xi32, #tpu.memory_space<vmem>> -> memref<64xi32, #tpu.memory_space<vmem>>
        %dma_wait3A_77 = arith.constant 0 : i32
        %dma_wait3A_78 = arith.constant 0 : i32
        %dma_wait3A_79 = tpu.memref_slice %arg2[%dma_wait3A_77, %dma_wait3A_78] : memref<20480x128xf32, #tpu.memory_space<hbm>> -> memref<20480x128xf32, #tpu.memory_space<hbm>>
        tpu.wait_indirect_dma semaphore(%arg12 : memref<!tpu.dma_semaphore, #tpu.memory_space<semaphore_mem>>) src(%dma_wait3A_79 : memref<20480x128xf32, #tpu.memory_space<hbm>>) dst(%dma_wait3A_73 : memref<64x128xf32, #tpu.memory_space<vmem>>)
        "tpu.region"() ({
          %run_scoped3A_104 = tpu.sem_alloc : memref<!tpu.dma_semaphore, #tpu.memory_space<semaphore_mem>>
          %dma_start3A_105 = arith.constant 0 : i32
          %dma_start3A_106 = tpu.memref_slice %arg7[%mul3A_40, %dma_start3A_105] : memref<16x128xi32, #tpu.memory_space<vmem>> -> memref<1x128xi32, #tpu.memory_space<vmem>>
          %dma_start3A_107 = tpu.memref_squeeze %dma_start3A_106 : memref<1x128xi32, #tpu.memory_space<vmem>> -> memref<128xi32, #tpu.memory_space<vmem>>
          %dma_start3A_108 = arith.constant 0 : i32
          %dma_start3A_109 = arith.constant 0 : i32
          %dma_start3A_110 = tpu.memref_slice %arg10[%dma_start3A_108, %dma_start3A_109] : memref<10240x128xf32, #tpu.memory_space<vmem_shared>> -> memref<10240x128xf32, #tpu.memory_space<vmem_shared>>
          tpu.enqueue_indirect_dma source(%arg8 : memref<128x128xf32, #tpu.memory_space<vmem>>) target(%dma_start3A_110 : memref<10240x128xf32, #tpu.memory_space<vmem_shared>>) offsets(%dma_start3A_107 : memref<128xi32, #tpu.memory_space<vmem>>) semaphore(%run_scoped3A_104 : memref<!tpu.dma_semaphore, #tpu.memory_space<semaphore_mem>>) {add = true}
          %dma_wait3A_111 = arith.constant 0 : i32
          %dma_wait3A_112 = tpu.memref_slice %arg7[%mul3A_40, %dma_wait3A_111] : memref<16x128xi32, #tpu.memory_space<vmem>> -> memref<1x128xi32, #tpu.memory_space<vmem>>
          %dma_wait3A_113 = tpu.memref_squeeze %dma_wait3A_112 : memref<1x128xi32, #tpu.memory_space<vmem>> -> memref<128xi32, #tpu.memory_space<vmem>>
          %dma_wait3A_114 = arith.constant 0 : i32
          %dma_wait3A_115 = arith.constant 0 : i32
          %dma_wait3A_116 = tpu.memref_slice %arg10[%dma_wait3A_114, %dma_wait3A_115] : memref<10240x128xf32, #tpu.memory_space<vmem_shared>> -> memref<10240x128xf32, #tpu.memory_space<vmem_shared>>
          tpu.wait_indirect_dma semaphore(%run_scoped3A_104 : memref<!tpu.dma_semaphore, #tpu.memory_space<semaphore_mem>>) src(%arg8 : memref<128x128xf32, #tpu.memory_space<vmem>>) dst(%dma_wait3A_116 : memref<10240x128xf32, #tpu.memory_space<vmem_shared>>)
          tpu.yield
        }) : () -> ()
        %lt3A = arith.constant 7 : i32
        %lt3A_80 = arith.cmpi slt, %scan3A_38, %lt3A : i32
        %convert_element_type3A = arith.extui %lt3A_80 : i1 to i32
        %cond3A = arith.constant 0 : i32
        %cond3A_81 = arith.cmpi ne, %convert_element_type3A, %cond3A : i32
        scf.if %cond3A_81 {
          %add3A_104 = arith.constant 2 : i32
          %add3A_105 = arith.addi %mul3A_40, %add3A_104 : i32
          %dma_start3A_106 = arith.constant 0 : i32
          %dma_start3A_107 = arith.constant 0 : i32
          %dma_start3A_108 = tpu.memref_slice %arg8[%dma_start3A_106, %dma_start3A_107] : memref<128x128xf32, #tpu.memory_space<vmem>> -> memref<64x128xf32, #tpu.memory_space<vmem>>
          %dma_start3A_109 = arith.constant 0 : i32
          %dma_start3A_110 = tpu.memref_slice %arg6[%add3A_105, %dma_start3A_109] : memref<16x128xi32, #tpu.memory_space<vmem>> -> memref<1x64xi32, #tpu.memory_space<vmem>>
          %dma_start3A_111 = tpu.memref_squeeze %dma_start3A_110 : memref<1x64xi32, #tpu.memory_space<vmem>> -> memref<64xi32, #tpu.memory_space<vmem>>
          %dma_start3A_112 = arith.constant 0 : i32
          %dma_start3A_113 = arith.constant 0 : i32
          %dma_start3A_114 = tpu.memref_slice %arg2[%dma_start3A_112, %dma_start3A_113] : memref<20480x128xf32, #tpu.memory_space<hbm>> -> memref<20480x128xf32, #tpu.memory_space<hbm>>
          tpu.enqueue_indirect_dma source(%dma_start3A_114 : memref<20480x128xf32, #tpu.memory_space<hbm>>) target(%dma_start3A_108 : memref<64x128xf32, #tpu.memory_space<vmem>>) offsets(%dma_start3A_111 : memref<64xi32, #tpu.memory_space<vmem>>) semaphore(%arg11 : memref<!tpu.dma_semaphore, #tpu.memory_space<semaphore_mem>>)
          %dma_start3A_115 = arith.constant 64 : i32
          %dma_start3A_116 = arith.constant 0 : i32
          %dma_start3A_117 = tpu.memref_slice %arg8[%dma_start3A_115, %dma_start3A_116] : memref<128x128xf32, #tpu.memory_space<vmem>> -> memref<64x128xf32, #tpu.memory_space<vmem>>
          %dma_start3A_118 = arith.constant 64 : i32
          %dma_start3A_119 = tpu.memref_slice %arg6[%add3A_105, %dma_start3A_118] : memref<16x128xi32, #tpu.memory_space<vmem>> -> memref<1x64xi32, #tpu.memory_space<vmem>>
          %dma_start3A_120 = tpu.memref_squeeze %dma_start3A_119 : memref<1x64xi32, #tpu.memory_space<vmem>> -> memref<64xi32, #tpu.memory_space<vmem>>
          %dma_start3A_121 = arith.constant 0 : i32
          %dma_start3A_122 = arith.constant 0 : i32
          %dma_start3A_123 = tpu.memref_slice %arg2[%dma_start3A_121, %dma_start3A_122] : memref<20480x128xf32, #tpu.memory_space<hbm>> -> memref<20480x128xf32, #tpu.memory_space<hbm>>
          tpu.enqueue_indirect_dma source(%dma_start3A_123 : memref<20480x128xf32, #tpu.memory_space<hbm>>) target(%dma_start3A_117 : memref<64x128xf32, #tpu.memory_space<vmem>>) offsets(%dma_start3A_120 : memref<64xi32, #tpu.memory_space<vmem>>) semaphore(%arg12 : memref<!tpu.dma_semaphore, #tpu.memory_space<semaphore_mem>>)
        } else {
        }
        %dma_wait3A_82 = arith.constant 0 : i32
        %dma_wait3A_83 = arith.constant 0 : i32
        %dma_wait3A_84 = arith.constant 0 : i32
        %dma_wait3A_85 = tpu.memref_slice %arg9[%dma_wait3A_83, %dma_wait3A_84] : memref<128x128xf32, #tpu.memory_space<vmem>> -> memref<64x128xf32, #tpu.memory_space<vmem>>
        %dma_wait3A_86 = arith.constant 0 : i32
        %dma_wait3A_87 = tpu.memref_slice %arg6[%dma_wait3A_82, %dma_wait3A_86] : memref<16x128xi32, #tpu.memory_space<vmem>> -> memref<1x64xi32, #tpu.memory_space<vmem>>
        %dma_wait3A_88 = tpu.memref_squeeze %dma_wait3A_87 : memref<1x64xi32, #tpu.memory_space<vmem>> -> memref<64xi32, #tpu.memory_space<vmem>>
        %dma_wait3A_89 = arith.constant 0 : i32
        %dma_wait3A_90 = arith.constant 0 : i32
        %dma_wait3A_91 = tpu.memref_slice %arg2[%dma_wait3A_89, %dma_wait3A_90] : memref<20480x128xf32, #tpu.memory_space<hbm>> -> memref<20480x128xf32, #tpu.memory_space<hbm>>
        tpu.wait_indirect_dma semaphore(%arg13 : memref<!tpu.dma_semaphore, #tpu.memory_space<semaphore_mem>>) src(%dma_wait3A_91 : memref<20480x128xf32, #tpu.memory_space<hbm>>) dst(%dma_wait3A_85 : memref<64x128xf32, #tpu.memory_space<vmem>>)
        %dma_wait3A_92 = arith.constant 0 : i32
        %dma_wait3A_93 = arith.constant 64 : i32
        %dma_wait3A_94 = arith.constant 0 : i32
        %dma_wait3A_95 = tpu.memref_slice %arg9[%dma_wait3A_93, %dma_wait3A_94] : memref<128x128xf32, #tpu.memory_space<vmem>> -> memref<64x128xf32, #tpu.memory_space<vmem>>
        %dma_wait3A_96 = arith.constant 0 : i32
        %dma_wait3A_97 = tpu.memref_slice %arg6[%dma_wait3A_92, %dma_wait3A_96] : memref<16x128xi32, #tpu.memory_space<vmem>> -> memref<1x64xi32, #tpu.memory_space<vmem>>
        %dma_wait3A_98 = tpu.memref_squeeze %dma_wait3A_97 : memref<1x64xi32, #tpu.memory_space<vmem>> -> memref<64xi32, #tpu.memory_space<vmem>>
        %dma_wait3A_99 = arith.constant 0 : i32
        %dma_wait3A_100 = arith.constant 0 : i32
        %dma_wait3A_101 = tpu.memref_slice %arg2[%dma_wait3A_99, %dma_wait3A_100] : memref<20480x128xf32, #tpu.memory_space<hbm>> -> memref<20480x128xf32, #tpu.memory_space<hbm>>
        tpu.wait_indirect_dma semaphore(%arg14 : memref<!tpu.dma_semaphore, #tpu.memory_space<semaphore_mem>>) src(%dma_wait3A_101 : memref<20480x128xf32, #tpu.memory_space<hbm>>) dst(%dma_wait3A_95 : memref<64x128xf32, #tpu.memory_space<vmem>>)
        %add3A_102 = arith.constant 1 : i32
        %add3A_103 = arith.addi %mul3A_40, %add3A_102 : i32
        "tpu.region"() ({
          %run_scoped3A_104 = tpu.sem_alloc : memref<!tpu.dma_semaphore, #tpu.memory_space<semaphore_mem>>
          %dma_start3A_105 = arith.constant 0 : i32
          %dma_start3A_106 = tpu.memref_slice %arg7[%add3A_103, %dma_start3A_105] : memref<16x128xi32, #tpu.memory_space<vmem>> -> memref<1x128xi32, #tpu.memory_space<vmem>>
          %dma_start3A_107 = tpu.memref_squeeze %dma_start3A_106 : memref<1x128xi32, #tpu.memory_space<vmem>> -> memref<128xi32, #tpu.memory_space<vmem>>
          %dma_start3A_108 = arith.constant 0 : i32
          %dma_start3A_109 = arith.constant 0 : i32
          %dma_start3A_110 = tpu.memref_slice %arg10[%dma_start3A_108, %dma_start3A_109] : memref<10240x128xf32, #tpu.memory_space<vmem_shared>> -> memref<10240x128xf32, #tpu.memory_space<vmem_shared>>
          tpu.enqueue_indirect_dma source(%arg9 : memref<128x128xf32, #tpu.memory_space<vmem>>) target(%dma_start3A_110 : memref<10240x128xf32, #tpu.memory_space<vmem_shared>>) offsets(%dma_start3A_107 : memref<128xi32, #tpu.memory_space<vmem>>) semaphore(%run_scoped3A_104 : memref<!tpu.dma_semaphore, #tpu.memory_space<semaphore_mem>>) {add = true}
          %dma_wait3A_111 = arith.constant 0 : i32
          %dma_wait3A_112 = tpu.memref_slice %arg7[%add3A_103, %dma_wait3A_111] : memref<16x128xi32, #tpu.memory_space<vmem>> -> memref<1x128xi32, #tpu.memory_space<vmem>>
          %dma_wait3A_113 = tpu.memref_squeeze %dma_wait3A_112 : memref<1x128xi32, #tpu.memory_space<vmem>> -> memref<128xi32, #tpu.memory_space<vmem>>
          %dma_wait3A_114 = arith.constant 0 : i32
          %dma_wait3A_115 = arith.constant 0 : i32
          %dma_wait3A_116 = tpu.memref_slice %arg10[%dma_wait3A_114, %dma_wait3A_115] : memref<10240x128xf32, #tpu.memory_space<vmem_shared>> -> memref<10240x128xf32, #tpu.memory_space<vmem_shared>>
          tpu.wait_indirect_dma semaphore(%run_scoped3A_104 : memref<!tpu.dma_semaphore, #tpu.memory_space<semaphore_mem>>) src(%arg9 : memref<128x128xf32, #tpu.memory_space<vmem>>) dst(%dma_wait3A_116 : memref<10240x128xf32, #tpu.memory_space<vmem_shared>>)
          tpu.yield
        }) : () -> ()
      }
      %scan3A_37 = arith.constant 8 : i32
    }
    %scan3A_7 = arith.constant 10 : i32
    %barrier3A_8 = arith.constant 0 : index
    tpu.barrier barrier_id(%barrier3A_8)
    "tpu.region"() ({
      %run_scoped3A = tpu.sem_alloc : memref<!tpu.dma_semaphore, #tpu.memory_space<semaphore_mem>>
      %dma_start3A = arith.constant 0 : i32
      %dma_start3A_9 = tpu.memref_slice %arg5[%arg0, %mul3A_0, %dma_start3A] : memref<2x10240x128xf32, #tpu.memory_space<hbm>> -> memref<1x640x128xf32, #tpu.memory_space<hbm>>
      %dma_start3A_10 = tpu.memref_squeeze %dma_start3A_9 : memref<1x640x128xf32, #tpu.memory_space<hbm>> -> memref<640x128xf32, #tpu.memory_space<hbm>>
      %dma_start3A_11 = arith.constant 0 : i32
      %dma_start3A_12 = tpu.memref_slice %arg10[%mul3A_0, %dma_start3A_11] : memref<10240x128xf32, #tpu.memory_space<vmem_shared>> -> memref<640x128xf32, #tpu.memory_space<vmem_shared>>
      tpu.enqueue_dma source(%dma_start3A_12 : memref<640x128xf32, #tpu.memory_space<vmem_shared>>) target(%dma_start3A_10 : memref<640x128xf32, #tpu.memory_space<hbm>>) target_semaphore(%run_scoped3A : memref<!tpu.dma_semaphore, #tpu.memory_space<semaphore_mem>>)
      %dma_wait3A = arith.constant 0 : i32
      %dma_wait3A_13 = tpu.memref_slice %arg5[%arg0, %mul3A_0, %dma_wait3A] : memref<2x10240x128xf32, #tpu.memory_space<hbm>> -> memref<1x640x128xf32, #tpu.memory_space<hbm>>
      %dma_wait3A_14 = tpu.memref_squeeze %dma_wait3A_13 : memref<1x640x128xf32, #tpu.memory_space<hbm>> -> memref<640x128xf32, #tpu.memory_space<hbm>>
      %dma_wait3A_15 = arith.constant 0 : i32
      %dma_wait3A_16 = tpu.memref_slice %arg10[%mul3A_0, %dma_wait3A_15] : memref<10240x128xf32, #tpu.memory_space<vmem_shared>> -> memref<640x128xf32, #tpu.memory_space<vmem_shared>>
      tpu.wait_dma2 semaphore(%run_scoped3A : memref<!tpu.dma_semaphore, #tpu.memory_space<semaphore_mem>>) src(%dma_wait3A_16 : memref<640x128xf32, #tpu.memory_space<vmem_shared>>) dst(%dma_wait3A_14 : memref<640x128xf32, #tpu.memory_space<hbm>>)
      tpu.yield
    }) : () -> ()
    return
  }
}

module attributes {stable_mosaic.version = 14 : i64} {
  func.func @_prep_body(%arg0: i32, %arg1: memref<512x48xf32, #tpu.memory_space<vmem>>, %arg2: memref<2x512x128xf32, #tpu.memory_space<vmem>>, %arg3: memref<2x512x128xf32, #tpu.memory_space<vmem>>) attributes {dimension_semantics = [#tpu.dimension_semantics<arbitrary>], iteration_bounds = array<i64: 20>, scalar_prefetch = 0 : i64, scratch_operands = 0 : i64, tpu.core_type = #tpu.core_type<tc>, window_params = [{transform_indices = @transform_0, window_bounds = array<i64: 512, 48>}, {transform_indices = @transform_1, window_bounds = array<i64: 2, 512, 128>}, {transform_indices = @transform_2, window_bounds = array<i64: 2, 512, 128>}]} {
    %get3A = arith.constant 0 : index
    %get3A_0 = arith.constant 0 : index
    %get3A_1 = arith.constant 0 : index
    %get3A_2 = vector.load %arg2[%get3A, %get3A_0, %get3A_1] : memref<2x512x128xf32, #tpu.memory_space<vmem>>, vector<1x512x1xf32>
    %get3A_3 = vector.shape_cast %get3A_2 : vector<1x512x1xf32> to vector<512x1xf32>
    %max3A = arith.constant 1.000000e+00 : f32
    %max3A_4 = vector.broadcast %max3A : f32 to vector<512x1xf32>
    %max3A_5 = arith.maximumf %get3A_3, %max3A_4 : vector<512x1xf32>
    %rsqrt3A = math.rsqrt %max3A_5 : vector<512x1xf32>
    %get3A_6 = arith.constant 0 : index
    %get3A_7 = arith.constant 0 : index
    %get3A_8 = vector.load %arg1[%get3A_6, %get3A_7] : memref<512x48xf32, #tpu.memory_space<vmem>>, vector<512x48xf32>
    %mul3A = vector.broadcast %rsqrt3A : vector<512x1xf32> to vector<512x48xf32>
    %mul3A_9 = arith.mulf %get3A_8, %mul3A : vector<512x48xf32>
    %broadcast_in_dim3A = arith.constant 0.000000e+00 : f32
    %broadcast_in_dim3A_10 = vector.broadcast %broadcast_in_dim3A : f32 to vector<512x104xf32>
    %slice3A = vector.extract_strided_slice %mul3A_9 {offsets = [0, 0], sizes = [512, 24], strides = [1, 1]} : vector<512x48xf32> to vector<512x24xf32>
    %concatenate3A = tpu.concatenate %slice3A, %broadcast_in_dim3A_10 in 1 : vector<512x24xf32>, vector<512x104xf32> -> vector<512x128xf32>
    %swap3A = arith.constant 0 : index
    %swap3A_11 = arith.constant 0 : index
    %swap3A_12 = arith.constant 0 : index
    %swap3A_13 = vector.load %arg3[%swap3A, %swap3A_11, %swap3A_12] : memref<2x512x128xf32, #tpu.memory_space<vmem>>, vector<1x512x128xf32>
    %swap3A_14 = vector.shape_cast %swap3A_13 : vector<1x512x128xf32> to vector<512x128xf32>
    %swap3A_15 = vector.shape_cast %concatenate3A : vector<512x128xf32> to vector<1x512x128xf32>
    tpu.vector_store %arg3[%swap3A, %swap3A_11, %swap3A_12], %swap3A_15 {strides = array<i32>} : memref<2x512x128xf32, #tpu.memory_space<vmem>>, vector<1x512x128xf32>,
    %slice3A_16 = vector.extract_strided_slice %mul3A_9 {offsets = [0, 24], sizes = [512, 24], strides = [1, 1]} : vector<512x48xf32> to vector<512x24xf32>
    %concatenate3A_17 = tpu.concatenate %slice3A_16, %broadcast_in_dim3A_10 in 1 : vector<512x24xf32>, vector<512x104xf32> -> vector<512x128xf32>
    %swap3A_18 = arith.constant 1 : index
    %swap3A_19 = arith.constant 0 : index
    %swap3A_20 = arith.constant 0 : index
    %swap3A_21 = vector.load %arg3[%swap3A_18, %swap3A_19, %swap3A_20] : memref<2x512x128xf32, #tpu.memory_space<vmem>>, vector<1x512x128xf32>
    %swap3A_22 = vector.shape_cast %swap3A_21 : vector<1x512x128xf32> to vector<512x128xf32>
    %swap3A_23 = vector.shape_cast %concatenate3A_17 : vector<512x128xf32> to vector<1x512x128xf32>
    tpu.vector_store %arg3[%swap3A_18, %swap3A_19, %swap3A_20], %swap3A_23 {strides = array<i32>} : memref<2x512x128xf32, #tpu.memory_space<vmem>>, vector<1x512x128xf32>,
    return
  }
  func.func @transform_0(%arg0: i32) -> (i32, i32) {
    %c0_i32 = arith.constant 0 : i32
    %c0_i32_0 = arith.constant 0 : i32
    return %arg0, %c0_i32 : i32, i32
  }
  func.func @transform_1(%arg0: i32) -> (i32, i32, i32) {
    %c0_i32 = arith.constant 0 : i32
    %c0_i32_0 = arith.constant 0 : i32
    %c0_i32_1 = arith.constant 0 : i32
    return %c0_i32, %arg0, %c0_i32_0 : i32, i32, i32
  }
  func.func @transform_2(%arg0: i32) -> (i32, i32, i32) {
    %c0_i32 = arith.constant 0 : i32
    %c0_i32_0 = arith.constant 0 : i32
    %c0_i32_1 = arith.constant 0 : i32
    return %c0_i32, %arg0, %c0_i32_0 : i32, i32, i32
  }
}

module attributes {stable_mosaic.version = 14 : i64} {
  func.func @_mm_body(%arg0: i32, %arg1: memref<2x512x128xf32, #tpu.memory_space<vmem>>, %arg2: memref<2x512x128xf32, #tpu.memory_space<vmem>>, %arg3: memref<48x256xf32, #tpu.memory_space<vmem>>, %arg4: memref<1x256xf32, #tpu.memory_space<vmem>>, %arg5: memref<2x512x128xf32, #tpu.memory_space<vmem>>) attributes {dimension_semantics = [#tpu.dimension_semantics<arbitrary>], iteration_bounds = array<i64: 20>, scalar_prefetch = 0 : i64, scratch_operands = 0 : i64, tpu.core_type = #tpu.core_type<tc>, window_params = [{transform_indices = @transform_0, window_bounds = array<i64: 2, 512, 128>}, {transform_indices = @transform_1, window_bounds = array<i64: 2, 512, 128>}, {pipeline_mode = #tpu.pipeline_mode<synchronous>, transform_indices = @transform_2, window_bounds = array<i64: 48, 256>}, {pipeline_mode = #tpu.pipeline_mode<synchronous>, transform_indices = @transform_3, window_bounds = array<i64: 1, 256>}, {transform_indices = @transform_4, window_bounds = array<i64: 2, 512, 128>}]} {
    %get3A = arith.constant 0 : index
    %get3A_0 = arith.constant 0 : index
    %get3A_1 = arith.constant 0 : index
    %get3A_2 = vector.load %arg1[%get3A, %get3A_0, %get3A_1] : memref<2x512x128xf32, #tpu.memory_space<vmem>>, vector<1x512x128xf32>
    %get3A_3 = vector.shape_cast %get3A_2 : vector<1x512x128xf32> to vector<512x128xf32>
    %slice3A = vector.extract_strided_slice %get3A_3 {offsets = [0, 0], sizes = [512, 24], strides = [1, 1]} : vector<512x128xf32> to vector<512x24xf32>
    %get3A_4 = arith.constant 1 : index
    %get3A_5 = arith.constant 0 : index
    %get3A_6 = arith.constant 0 : index
    %get3A_7 = vector.load %arg1[%get3A_4, %get3A_5, %get3A_6] : memref<2x512x128xf32, #tpu.memory_space<vmem>>, vector<1x512x128xf32>
    %get3A_8 = vector.shape_cast %get3A_7 : vector<1x512x128xf32> to vector<512x128xf32>
    %slice3A_9 = vector.extract_strided_slice %get3A_8 {offsets = [0, 0], sizes = [512, 24], strides = [1, 1]} : vector<512x128xf32> to vector<512x24xf32>
    %concatenate3A = tpu.concatenate %slice3A, %slice3A_9 in 1 : vector<512x24xf32>, vector<512x24xf32> -> vector<512x48xf32>
    %get3A_10 = arith.constant 1 : index
    %get3A_11 = arith.constant 0 : index
    %get3A_12 = arith.constant 0 : index
    %get3A_13 = vector.load %arg2[%get3A_10, %get3A_11, %get3A_12] : memref<2x512x128xf32, #tpu.memory_space<vmem>>, vector<1x512x1xf32>
    %get3A_14 = vector.shape_cast %get3A_13 : vector<1x512x1xf32> to vector<512x1xf32>
    %max3A = arith.constant 1.000000e+00 : f32
    %max3A_15 = vector.broadcast %max3A : f32 to vector<512x1xf32>
    %max3A_16 = arith.maximumf %get3A_14, %max3A_15 : vector<512x1xf32>
    %rsqrt3A = math.rsqrt %max3A_16 : vector<512x1xf32>
    %mul3A = vector.broadcast %rsqrt3A : vector<512x1xf32> to vector<512x48xf32>
    %mul3A_17 = arith.mulf %concatenate3A, %mul3A : vector<512x48xf32>
    %get3A_18 = arith.constant 0 : index
    %get3A_19 = arith.constant 0 : index
    %get3A_20 = vector.load %arg3[%get3A_18, %get3A_19] : memref<48x256xf32, #tpu.memory_space<vmem>>, vector<48x256xf32>
    %dot_general3A = arith.constant dense<0.000000e+00> : vector<512x256xf32>
    %dot_general3A_21 = tpu.matmul %mul3A_17, %get3A_20, %dot_general3A {dimension_numbers = #tpu.dot_dimension_numbers<[1], [0], [0], [1], [0, 0, 1, 1], [], []>, transpose_lhs_hint = false} : vector<512x48xf32>, vector<48x256xf32>, vector<512x256xf32> -> vector<512x256xf32>
    %get3A_22 = arith.constant 0 : index
    %get3A_23 = arith.constant 0 : index
    %get3A_24 = vector.load %arg4[%get3A_22, %get3A_23] : memref<1x256xf32, #tpu.memory_space<vmem>>, vector<1x256xf32>
    %add3A = vector.broadcast %get3A_24 : vector<1x256xf32> to vector<512x256xf32>
    %add3A_25 = arith.addf %dot_general3A_21, %add3A : vector<512x256xf32>
    %max3A_26 = arith.constant 0.000000e+00 : f32
    %max3A_27 = vector.broadcast %max3A_26 : f32 to vector<512x256xf32>
    %max3A_28 = arith.maximumf %add3A_25, %max3A_27 : vector<512x256xf32>
    %get3A_29 = arith.constant 0 : index
    %get3A_30 = arith.constant 0 : index
    %get3A_31 = arith.constant 0 : index
    %get3A_32 = vector.load %arg2[%get3A_29, %get3A_30, %get3A_31] : memref<2x512x128xf32, #tpu.memory_space<vmem>>, vector<1x512x1xf32>
    %get3A_33 = vector.shape_cast %get3A_32 : vector<1x512x1xf32> to vector<512x1xf32>
    %max3A_34 = arith.constant 1.000000e+00 : f32
    %max3A_35 = vector.broadcast %max3A_34 : f32 to vector<512x1xf32>
    %max3A_36 = arith.maximumf %get3A_33, %max3A_35 : vector<512x1xf32>
    %rsqrt3A_37 = math.rsqrt %max3A_36 : vector<512x1xf32>
    %mul3A_38 = vector.broadcast %rsqrt3A_37 : vector<512x1xf32> to vector<512x256xf32>
    %mul3A_39 = arith.mulf %max3A_28, %mul3A_38 : vector<512x256xf32>
    %slice3A_40 = vector.extract_strided_slice %mul3A_39 {offsets = [0, 0], sizes = [512, 128], strides = [1, 1]} : vector<512x256xf32> to vector<512x128xf32>
    %swap3A = arith.constant 0 : index
    %swap3A_41 = arith.constant 0 : index
    %swap3A_42 = arith.constant 0 : index
    %swap3A_43 = vector.load %arg5[%swap3A, %swap3A_41, %swap3A_42] : memref<2x512x128xf32, #tpu.memory_space<vmem>>, vector<1x512x128xf32>
    %swap3A_44 = vector.shape_cast %swap3A_43 : vector<1x512x128xf32> to vector<512x128xf32>
    %swap3A_45 = vector.shape_cast %slice3A_40 : vector<512x128xf32> to vector<1x512x128xf32>
    tpu.vector_store %arg5[%swap3A, %swap3A_41, %swap3A_42], %swap3A_45 {strides = array<i32>} : memref<2x512x128xf32, #tpu.memory_space<vmem>>, vector<1x512x128xf32>,
    %slice3A_46 = vector.extract_strided_slice %mul3A_39 {offsets = [0, 128], sizes = [512, 128], strides = [1, 1]} : vector<512x256xf32> to vector<512x128xf32>
    %swap3A_47 = arith.constant 1 : index
    %swap3A_48 = arith.constant 0 : index
    %swap3A_49 = arith.constant 0 : index
    %swap3A_50 = vector.load %arg5[%swap3A_47, %swap3A_48, %swap3A_49] : memref<2x512x128xf32, #tpu.memory_space<vmem>>, vector<1x512x128xf32>
    %swap3A_51 = vector.shape_cast %swap3A_50 : vector<1x512x128xf32> to vector<512x128xf32>
    %swap3A_52 = vector.shape_cast %slice3A_46 : vector<512x128xf32> to vector<1x512x128xf32>
    tpu.vector_store %arg5[%swap3A_47, %swap3A_48, %swap3A_49], %swap3A_52 {strides = array<i32>} : memref<2x512x128xf32, #tpu.memory_space<vmem>>, vector<1x512x128xf32>,
    return
  }
  func.func @transform_0(%arg0: i32) -> (i32, i32, i32) {
    %c0_i32 = arith.constant 0 : i32
    %c0_i32_0 = arith.constant 0 : i32
    %c0_i32_1 = arith.constant 0 : i32
    return %c0_i32, %arg0, %c0_i32_0 : i32, i32, i32
  }
  func.func @transform_1(%arg0: i32) -> (i32, i32, i32) {
    %c0_i32 = arith.constant 0 : i32
    %c0_i32_0 = arith.constant 0 : i32
    %c0_i32_1 = arith.constant 0 : i32
    return %c0_i32, %arg0, %c0_i32_0 : i32, i32, i32
  }
  func.func @transform_2(%arg0: i32) -> (i32, i32) {
    %c0_i32 = arith.constant 0 : i32
    %c0_i32_0 = arith.constant 0 : i32
    %c0_i32_1 = arith.constant 0 : i32
    return %c0_i32, %c0_i32_0 : i32, i32
  }
  func.func @transform_3(%arg0: i32) -> (i32, i32) {
    %c0_i32 = arith.constant 0 : i32
    %c0_i32_0 = arith.constant 0 : i32
    %c0_i32_1 = arith.constant 0 : i32
    return %c0_i32, %c0_i32_0 : i32, i32
  }
  func.func @transform_4(%arg0: i32) -> (i32, i32, i32) {
    %c0_i32 = arith.constant 0 : i32
    %c0_i32_0 = arith.constant 0 : i32
    %c0_i32_1 = arith.constant 0 : i32
    return %c0_i32, %arg0, %c0_i32_0 : i32, i32, i32
  }
}

module attributes {stable_mosaic.version = 14 : i64} {
  func.func @_mm_body(%arg0: i32, %arg1: memref<2x512x128xf32, #tpu.memory_space<vmem>>, %arg2: memref<2x512x128xf32, #tpu.memory_space<vmem>>, %arg3: memref<256x256xf32, #tpu.memory_space<vmem>>, %arg4: memref<1x256xf32, #tpu.memory_space<vmem>>, %arg5: memref<2x512x128xf32, #tpu.memory_space<vmem>>) attributes {dimension_semantics = [#tpu.dimension_semantics<arbitrary>], iteration_bounds = array<i64: 20>, scalar_prefetch = 0 : i64, scratch_operands = 0 : i64, tpu.core_type = #tpu.core_type<tc>, window_params = [{transform_indices = @transform_0, window_bounds = array<i64: 2, 512, 128>}, {transform_indices = @transform_1, window_bounds = array<i64: 2, 512, 128>}, {pipeline_mode = #tpu.pipeline_mode<synchronous>, transform_indices = @transform_2, window_bounds = array<i64: 256, 256>}, {pipeline_mode = #tpu.pipeline_mode<synchronous>, transform_indices = @transform_3, window_bounds = array<i64: 1, 256>}, {transform_indices = @transform_4, window_bounds = array<i64: 2, 512, 128>}]} {
    %get3A = arith.constant 0 : index
    %get3A_0 = arith.constant 0 : index
    %get3A_1 = arith.constant 0 : index
    %get3A_2 = vector.load %arg1[%get3A, %get3A_0, %get3A_1] : memref<2x512x128xf32, #tpu.memory_space<vmem>>, vector<1x512x128xf32>
    %get3A_3 = vector.shape_cast %get3A_2 : vector<1x512x128xf32> to vector<512x128xf32>
    %get3A_4 = arith.constant 1 : index
    %get3A_5 = arith.constant 0 : index
    %get3A_6 = arith.constant 0 : index
    %get3A_7 = vector.load %arg1[%get3A_4, %get3A_5, %get3A_6] : memref<2x512x128xf32, #tpu.memory_space<vmem>>, vector<1x512x128xf32>
    %get3A_8 = vector.shape_cast %get3A_7 : vector<1x512x128xf32> to vector<512x128xf32>
    %concatenate3A = tpu.concatenate %get3A_3, %get3A_8 in 1 : vector<512x128xf32>, vector<512x128xf32> -> vector<512x256xf32>
    %get3A_9 = arith.constant 1 : index
    %get3A_10 = arith.constant 0 : index
    %get3A_11 = arith.constant 0 : index
    %get3A_12 = vector.load %arg2[%get3A_9, %get3A_10, %get3A_11] : memref<2x512x128xf32, #tpu.memory_space<vmem>>, vector<1x512x1xf32>
    %get3A_13 = vector.shape_cast %get3A_12 : vector<1x512x1xf32> to vector<512x1xf32>
    %max3A = arith.constant 1.000000e+00 : f32
    %max3A_14 = vector.broadcast %max3A : f32 to vector<512x1xf32>
    %max3A_15 = arith.maximumf %get3A_13, %max3A_14 : vector<512x1xf32>
    %rsqrt3A = math.rsqrt %max3A_15 : vector<512x1xf32>
    %mul3A = vector.broadcast %rsqrt3A : vector<512x1xf32> to vector<512x256xf32>
    %mul3A_16 = arith.mulf %concatenate3A, %mul3A : vector<512x256xf32>
    %get3A_17 = arith.constant 0 : index
    %get3A_18 = arith.constant 0 : index
    %get3A_19 = vector.load %arg3[%get3A_17, %get3A_18] : memref<256x256xf32, #tpu.memory_space<vmem>>, vector<256x256xf32>
    %dot_general3A = arith.constant dense<0.000000e+00> : vector<512x256xf32>
    %dot_general3A_20 = tpu.matmul %mul3A_16, %get3A_19, %dot_general3A {dimension_numbers = #tpu.dot_dimension_numbers<[1], [0], [0], [1], [0, 0, 1, 1], [], []>, transpose_lhs_hint = false} : vector<512x256xf32>, vector<256x256xf32>, vector<512x256xf32> -> vector<512x256xf32>
    %get3A_21 = arith.constant 0 : index
    %get3A_22 = arith.constant 0 : index
    %get3A_23 = vector.load %arg4[%get3A_21, %get3A_22] : memref<1x256xf32, #tpu.memory_space<vmem>>, vector<1x256xf32>
    %add3A = vector.broadcast %get3A_23 : vector<1x256xf32> to vector<512x256xf32>
    %add3A_24 = arith.addf %dot_general3A_20, %add3A : vector<512x256xf32>
    %max3A_25 = arith.constant 0.000000e+00 : f32
    %max3A_26 = vector.broadcast %max3A_25 : f32 to vector<512x256xf32>
    %max3A_27 = arith.maximumf %add3A_24, %max3A_26 : vector<512x256xf32>
    %get3A_28 = arith.constant 0 : index
    %get3A_29 = arith.constant 0 : index
    %get3A_30 = arith.constant 0 : index
    %get3A_31 = vector.load %arg2[%get3A_28, %get3A_29, %get3A_30] : memref<2x512x128xf32, #tpu.memory_space<vmem>>, vector<1x512x1xf32>
    %get3A_32 = vector.shape_cast %get3A_31 : vector<1x512x1xf32> to vector<512x1xf32>
    %max3A_33 = arith.constant 1.000000e+00 : f32
    %max3A_34 = vector.broadcast %max3A_33 : f32 to vector<512x1xf32>
    %max3A_35 = arith.maximumf %get3A_32, %max3A_34 : vector<512x1xf32>
    %rsqrt3A_36 = math.rsqrt %max3A_35 : vector<512x1xf32>
    %mul3A_37 = vector.broadcast %rsqrt3A_36 : vector<512x1xf32> to vector<512x256xf32>
    %mul3A_38 = arith.mulf %max3A_27, %mul3A_37 : vector<512x256xf32>
    %slice3A = vector.extract_strided_slice %mul3A_38 {offsets = [0, 0], sizes = [512, 128], strides = [1, 1]} : vector<512x256xf32> to vector<512x128xf32>
    %swap3A = arith.constant 0 : index
    %swap3A_39 = arith.constant 0 : index
    %swap3A_40 = arith.constant 0 : index
    %swap3A_41 = vector.load %arg5[%swap3A, %swap3A_39, %swap3A_40] : memref<2x512x128xf32, #tpu.memory_space<vmem>>, vector<1x512x128xf32>
    %swap3A_42 = vector.shape_cast %swap3A_41 : vector<1x512x128xf32> to vector<512x128xf32>
    %swap3A_43 = vector.shape_cast %slice3A : vector<512x128xf32> to vector<1x512x128xf32>
    tpu.vector_store %arg5[%swap3A, %swap3A_39, %swap3A_40], %swap3A_43 {strides = array<i32>} : memref<2x512x128xf32, #tpu.memory_space<vmem>>, vector<1x512x128xf32>,
    %slice3A_44 = vector.extract_strided_slice %mul3A_38 {offsets = [0, 128], sizes = [512, 128], strides = [1, 1]} : vector<512x256xf32> to vector<512x128xf32>
    %swap3A_45 = arith.constant 1 : index
    %swap3A_46 = arith.constant 0 : index
    %swap3A_47 = arith.constant 0 : index
    %swap3A_48 = vector.load %arg5[%swap3A_45, %swap3A_46, %swap3A_47] : memref<2x512x128xf32, #tpu.memory_space<vmem>>, vector<1x512x128xf32>
    %swap3A_49 = vector.shape_cast %swap3A_48 : vector<1x512x128xf32> to vector<512x128xf32>
    %swap3A_50 = vector.shape_cast %slice3A_44 : vector<512x128xf32> to vector<1x512x128xf32>
    tpu.vector_store %arg5[%swap3A_45, %swap3A_46, %swap3A_47], %swap3A_50 {strides = array<i32>} : memref<2x512x128xf32, #tpu.memory_space<vmem>>, vector<1x512x128xf32>,
    return
  }
  func.func @transform_0(%arg0: i32) -> (i32, i32, i32) {
    %c0_i32 = arith.constant 0 : i32
    %c0_i32_0 = arith.constant 0 : i32
    %c0_i32_1 = arith.constant 0 : i32
    return %c0_i32, %arg0, %c0_i32_0 : i32, i32, i32
  }
  func.func @transform_1(%arg0: i32) -> (i32, i32, i32) {
    %c0_i32 = arith.constant 0 : i32
    %c0_i32_0 = arith.constant 0 : i32
    %c0_i32_1 = arith.constant 0 : i32
    return %c0_i32, %arg0, %c0_i32_0 : i32, i32, i32
  }
  func.func @transform_2(%arg0: i32) -> (i32, i32) {
    %c0_i32 = arith.constant 0 : i32
    %c0_i32_0 = arith.constant 0 : i32
    %c0_i32_1 = arith.constant 0 : i32
    return %c0_i32, %c0_i32_0 : i32, i32
  }
  func.func @transform_3(%arg0: i32) -> (i32, i32) {
    %c0_i32 = arith.constant 0 : i32
    %c0_i32_0 = arith.constant 0 : i32
    %c0_i32_1 = arith.constant 0 : i32
    return %c0_i32, %c0_i32_0 : i32, i32
  }
  func.func @transform_4(%arg0: i32) -> (i32, i32, i32) {
    %c0_i32 = arith.constant 0 : i32
    %c0_i32_0 = arith.constant 0 : i32
    %c0_i32_1 = arith.constant 0 : i32
    return %c0_i32, %arg0, %c0_i32_0 : i32, i32, i32
  }
}

module attributes {stable_mosaic.version = 14 : i64} {
  func.func @_fin_body(%arg0: i32, %arg1: memref<2x512x128xf32, #tpu.memory_space<vmem>>, %arg2: memref<2x512x128xf32, #tpu.memory_space<vmem>>, %arg3: memref<256x256xf32, #tpu.memory_space<vmem>>, %arg4: memref<1x256xf32, #tpu.memory_space<vmem>>, %arg5: memref<1x256xf32, #tpu.memory_space<vmem>>) attributes {dimension_semantics = [#tpu.dimension_semantics<arbitrary>], iteration_bounds = array<i64: 20>, scalar_prefetch = 0 : i64, scratch_operands = 0 : i64, tpu.core_type = #tpu.core_type<tc>, window_params = [{transform_indices = @transform_0, window_bounds = array<i64: 2, 512, 128>}, {transform_indices = @transform_1, window_bounds = array<i64: 2, 512, 128>}, {pipeline_mode = #tpu.pipeline_mode<synchronous>, transform_indices = @transform_2, window_bounds = array<i64: 256, 256>}, {pipeline_mode = #tpu.pipeline_mode<synchronous>, transform_indices = @transform_3, window_bounds = array<i64: 1, 256>}, {pipeline_mode = #tpu.pipeline_mode<synchronous>, transform_indices = @transform_4, window_bounds = array<i64: 1, 256>}]} {
    %get3A = arith.constant 0 : index
    %get3A_0 = arith.constant 0 : index
    %get3A_1 = arith.constant 0 : index
    %get3A_2 = vector.load %arg1[%get3A, %get3A_0, %get3A_1] : memref<2x512x128xf32, #tpu.memory_space<vmem>>, vector<1x512x128xf32>
    %get3A_3 = vector.shape_cast %get3A_2 : vector<1x512x128xf32> to vector<512x128xf32>
    %get3A_4 = arith.constant 1 : index
    %get3A_5 = arith.constant 0 : index
    %get3A_6 = arith.constant 0 : index
    %get3A_7 = vector.load %arg1[%get3A_4, %get3A_5, %get3A_6] : memref<2x512x128xf32, #tpu.memory_space<vmem>>, vector<1x512x128xf32>
    %get3A_8 = vector.shape_cast %get3A_7 : vector<1x512x128xf32> to vector<512x128xf32>
    %concatenate3A = tpu.concatenate %get3A_3, %get3A_8 in 1 : vector<512x128xf32>, vector<512x128xf32> -> vector<512x256xf32>
    %get3A_9 = arith.constant 1 : index
    %get3A_10 = arith.constant 0 : index
    %get3A_11 = arith.constant 0 : index
    %get3A_12 = vector.load %arg2[%get3A_9, %get3A_10, %get3A_11] : memref<2x512x128xf32, #tpu.memory_space<vmem>>, vector<1x512x1xf32>
    %get3A_13 = vector.shape_cast %get3A_12 : vector<1x512x1xf32> to vector<512x1xf32>
    %max3A = arith.constant 1.000000e+00 : f32
    %max3A_14 = vector.broadcast %max3A : f32 to vector<512x1xf32>
    %max3A_15 = arith.maximumf %get3A_13, %max3A_14 : vector<512x1xf32>
    %rsqrt3A = math.rsqrt %max3A_15 : vector<512x1xf32>
    %mul3A = vector.broadcast %rsqrt3A : vector<512x1xf32> to vector<512x256xf32>
    %mul3A_16 = arith.mulf %concatenate3A, %mul3A : vector<512x256xf32>
    %get3A_17 = arith.constant 0 : index
    %get3A_18 = arith.constant 0 : index
    %get3A_19 = vector.load %arg3[%get3A_17, %get3A_18] : memref<256x256xf32, #tpu.memory_space<vmem>>, vector<256x256xf32>
    %dot_general3A = arith.constant dense<0.000000e+00> : vector<512x256xf32>
    %dot_general3A_20 = tpu.matmul %mul3A_16, %get3A_19, %dot_general3A {dimension_numbers = #tpu.dot_dimension_numbers<[1], [0], [0], [1], [0, 0, 1, 1], [], []>, transpose_lhs_hint = false} : vector<512x256xf32>, vector<256x256xf32>, vector<512x256xf32> -> vector<512x256xf32>
    %get3A_21 = arith.constant 0 : index
    %get3A_22 = arith.constant 0 : index
    %get3A_23 = vector.load %arg4[%get3A_21, %get3A_22] : memref<1x256xf32, #tpu.memory_space<vmem>>, vector<1x256xf32>
    %add3A = vector.broadcast %get3A_23 : vector<1x256xf32> to vector<512x256xf32>
    %add3A_24 = arith.addf %dot_general3A_20, %add3A : vector<512x256xf32>
    %max3A_25 = arith.constant 0.000000e+00 : f32
    %max3A_26 = vector.broadcast %max3A_25 : f32 to vector<512x256xf32>
    %max3A_27 = arith.maximumf %add3A_24, %max3A_26 : vector<512x256xf32>
    %mul3A_28 = arith.constant 512 : i32
    %mul3A_29 = arith.muli %arg0, %mul3A_28 : i32
    %iota3A = tpu.iota {dimensions = array<i32: 0>} : vector<512x1xi32>
    %add3A_30 = vector.broadcast %mul3A_29 : i32 to vector<512x1xi32>
    %add3A_31 = arith.addi %add3A_30, %iota3A : vector<512x1xi32>
    %lt3A = arith.constant 10000 : i32
    %lt3A_32 = vector.broadcast %lt3A : i32 to vector<512x1xi32>
    %lt3A_33 = arith.cmpi slt, %add3A_31, %lt3A_32 : vector<512x1xi32>
    %jit3A = arith.constant 0.000000e+00 : f32
    %broadcast_in_dim3A = vector.shape_cast %lt3A_33 : vector<512x1xi1> to vector<512x1xi1>
    %broadcast_in_dim3A_34 = vector.broadcast %broadcast_in_dim3A : vector<512x1xi1> to vector<512x256xi1>
    %broadcast_in_dim3A_35 = vector.broadcast %jit3A : f32 to vector<512x256xf32>
    %select_n3A = arith.select %broadcast_in_dim3A_34, %max3A_27, %broadcast_in_dim3A_35 : vector<512x256xi1>, vector<512x256xf32>
    %eq3A = arith.constant 0 : i32
    %eq3A_36 = arith.cmpi eq, %arg0, %eq3A : i32
    %convert_element_type3A = arith.extui %eq3A_36 : i1 to i32
    %cond3A = arith.constant 0 : i32
    %cond3A_37 = arith.cmpi ne, %convert_element_type3A, %cond3A : i32
    scf.if %cond3A_37 {
      %broadcast_in_dim3A_46 = arith.constant 0.000000e+00 : f32
      %broadcast_in_dim3A_47 = vector.broadcast %broadcast_in_dim3A_46 : f32 to vector<1x256xf32>
      %swap3A_48 = arith.constant 0 : index
      %swap3A_49 = arith.constant 0 : index
      %swap3A_50 = vector.load %arg5[%swap3A_48, %swap3A_49] : memref<1x256xf32, #tpu.memory_space<vmem>>, vector<1x256xf32>
      tpu.vector_store %arg5[%swap3A_48, %swap3A_49], %broadcast_in_dim3A_47 {strides = array<i32>} : memref<1x256xf32, #tpu.memory_space<vmem>>, vector<1x256xf32>,
    } else {
    }
    %get3A_38 = arith.constant 0 : index
    %get3A_39 = arith.constant 0 : index
    %get3A_40 = vector.load %arg5[%get3A_38, %get3A_39] : memref<1x256xf32, #tpu.memory_space<vmem>>, vector<1x256xf32>
    %reduce_sum3A = arith.constant dense<0.000000e+00> : vector<256xf32>
    %reduce_sum3A_41 = vector.multi_reduction <add>, %select_n3A, %reduce_sum3A [0] : vector<512x256xf32> to vector<256xf32>
    %broadcast_in_dim3A_42 = vector.shape_cast %reduce_sum3A_41 : vector<256xf32> to vector<1x256xf32>
    %add3A_43 = arith.addf %get3A_40, %broadcast_in_dim3A_42 : vector<1x256xf32>
    %swap3A = arith.constant 0 : index
    %swap3A_44 = arith.constant 0 : index
    %swap3A_45 = vector.load %arg5[%swap3A, %swap3A_44] : memref<1x256xf32, #tpu.memory_space<vmem>>, vector<1x256xf32>
    tpu.vector_store %arg5[%swap3A, %swap3A_44], %add3A_43 {strides = array<i32>} : memref<1x256xf32, #tpu.memory_space<vmem>>, vector<1x256xf32>,
    return
  }
  func.func @transform_0(%arg0: i32) -> (i32, i32, i32) {
    %c0_i32 = arith.constant 0 : i32
    %c0_i32_0 = arith.constant 0 : i32
    %c0_i32_1 = arith.constant 0 : i32
    return %c0_i32, %arg0, %c0_i32_0 : i32, i32, i32
  }
  func.func @transform_1(%arg0: i32) -> (i32, i32, i32) {
    %c0_i32 = arith.constant 0 : i32
    %c0_i32_0 = arith.constant 0 : i32
    %c0_i32_1 = arith.constant 0 : i32
    return %c0_i32, %arg0, %c0_i32_0 : i32, i32, i32
  }
  func.func @transform_2(%arg0: i32) -> (i32, i32) {
    %c0_i32 = arith.constant 0 : i32
    %c0_i32_0 = arith.constant 0 : i32
    %c0_i32_1 = arith.constant 0 : i32
    return %c0_i32, %c0_i32_0 : i32, i32
  }
  func.func @transform_3(%arg0: i32) -> (i32, i32) {
    %c0_i32 = arith.constant 0 : i32
    %c0_i32_0 = arith.constant 0 : i32
    %c0_i32_1 = arith.constant 0 : i32
    return %c0_i32, %c0_i32_0 : i32, i32
  }
  func.func @transform_4(%arg0: i32) -> (i32, i32) {
    %c0_i32 = arith.constant 0 : i32
    %c0_i32_0 = arith.constant 0 : i32
    %c0_i32_1 = arith.constant 0 : i32
    return %c0_i32, %c0_i32_0 : i32, i32
  }
}

module attributes {stable_mosaic.version = 14 : i64} {
  func.func @_head_body(%arg0: memref<8x32xf32, #tpu.memory_space<vmem>>, %arg1: memref<8x64xf32, #tpu.memory_space<vmem>>, %arg2: memref<32x32xf32, #tpu.memory_space<vmem>>, %arg3: memref<1x32xf32, #tpu.memory_space<vmem>>, %arg4: memref<58x512xf32, #tpu.memory_space<vmem>>, %arg5: memref<1x512xf32, #tpu.memory_space<vmem>>, %arg6: memref<58x512xf32, #tpu.memory_space<vmem>>, %arg7: memref<1x512xf32, #tpu.memory_space<vmem>>, %arg8: memref<8x512xf32, #tpu.memory_space<vmem>>, %arg9: memref<8x512xf32, #tpu.memory_space<vmem>>) attributes {dimension_semantics = [], scalar_prefetch = 0 : i64, scratch_operands = 0 : i64, tpu.core_type = #tpu.core_type<tc>} {
    %get3A = arith.constant 0 : index
    %get3A_0 = arith.constant 0 : index
    %get3A_1 = vector.load %arg0[%get3A, %get3A_0] : memref<8x32xf32, #tpu.memory_space<vmem>>, vector<8x32xf32>
    %mul3A = arith.constant 9.99999974E-5 : f32
    %mul3A_2 = vector.broadcast %mul3A : f32 to vector<8x32xf32>
    %mul3A_3 = arith.mulf %get3A_1, %mul3A_2 : vector<8x32xf32>
    %get3A_4 = arith.constant 0 : index
    %get3A_5 = arith.constant 0 : index
    %get3A_6 = vector.load %arg2[%get3A_4, %get3A_5] : memref<32x32xf32, #tpu.memory_space<vmem>>, vector<32x32xf32>
    %dot_general3A = arith.constant dense<0.000000e+00> : vector<8x32xf32>
    %dot_general3A_7 = tpu.matmul %mul3A_3, %get3A_6, %dot_general3A {dimension_numbers = #tpu.dot_dimension_numbers<[1], [0], [0], [1], [0, 0, 1, 1], [], []>, transpose_lhs_hint = false} : vector<8x32xf32>, vector<32x32xf32>, vector<8x32xf32> -> vector<8x32xf32>
    %get3A_8 = arith.constant 0 : index
    %get3A_9 = arith.constant 0 : index
    %get3A_10 = vector.load %arg3[%get3A_8, %get3A_9] : memref<1x32xf32, #tpu.memory_space<vmem>>, vector<1x32xf32>
    %add3A = vector.broadcast %get3A_10 : vector<1x32xf32> to vector<8x32xf32>
    %add3A_11 = arith.addf %dot_general3A_7, %add3A : vector<8x32xf32>
    %get3A_12 = arith.constant 0 : index
    %get3A_13 = arith.constant 0 : index
    %get3A_14 = vector.load %arg1[%get3A_12, %get3A_13] : memref<8x64xf32, #tpu.memory_space<vmem>>, vector<8x26xf32>
    %concatenate3A = tpu.concatenate %get3A_14, %add3A_11 in 1 : vector<8x26xf32>, vector<8x32xf32> -> vector<8x58xf32>
    %get3A_15 = arith.constant 0 : index
    %get3A_16 = arith.constant 0 : index
    %get3A_17 = vector.load %arg4[%get3A_15, %get3A_16] : memref<58x512xf32, #tpu.memory_space<vmem>>, vector<58x512xf32>
    %dot_general3A_18 = arith.constant dense<0.000000e+00> : vector<8x512xf32>
    %dot_general3A_19 = tpu.matmul %concatenate3A, %get3A_17, %dot_general3A_18 {dimension_numbers = #tpu.dot_dimension_numbers<[1], [0], [0], [1], [0, 0, 1, 1], [], []>, transpose_lhs_hint = false} : vector<8x58xf32>, vector<58x512xf32>, vector<8x512xf32> -> vector<8x512xf32>
    %get3A_20 = arith.constant 0 : index
    %get3A_21 = arith.constant 0 : index
    %get3A_22 = vector.load %arg5[%get3A_20, %get3A_21] : memref<1x512xf32, #tpu.memory_space<vmem>>, vector<1x512xf32>
    %add3A_23 = vector.broadcast %get3A_22 : vector<1x512xf32> to vector<8x512xf32>
    %add3A_24 = arith.addf %dot_general3A_19, %add3A_23 : vector<8x512xf32>
    %max3A = arith.constant 0.000000e+00 : f32
    %max3A_25 = vector.broadcast %max3A : f32 to vector<8x512xf32>
    %max3A_26 = arith.maximumf %add3A_24, %max3A_25 : vector<8x512xf32>
    %swap3A = arith.constant 0 : index
    %swap3A_27 = arith.constant 0 : index
    %swap3A_28 = vector.load %arg8[%swap3A, %swap3A_27] : memref<8x512xf32, #tpu.memory_space<vmem>>, vector<8x512xf32>
    tpu.vector_store %arg8[%swap3A, %swap3A_27], %max3A_26 {strides = array<i32>} : memref<8x512xf32, #tpu.memory_space<vmem>>, vector<8x512xf32>,
    %get3A_29 = arith.constant 0 : index
    %get3A_30 = arith.constant 0 : index
    %get3A_31 = vector.load %arg6[%get3A_29, %get3A_30] : memref<58x512xf32, #tpu.memory_space<vmem>>, vector<58x512xf32>
    %dot_general3A_32 = arith.constant dense<0.000000e+00> : vector<8x512xf32>
    %dot_general3A_33 = tpu.matmul %concatenate3A, %get3A_31, %dot_general3A_32 {dimension_numbers = #tpu.dot_dimension_numbers<[1], [0], [0], [1], [0, 0, 1, 1], [], []>, transpose_lhs_hint = false} : vector<8x58xf32>, vector<58x512xf32>, vector<8x512xf32> -> vector<8x512xf32>
    %get3A_34 = arith.constant 0 : index
    %get3A_35 = arith.constant 0 : index
    %get3A_36 = vector.load %arg7[%get3A_34, %get3A_35] : memref<1x512xf32, #tpu.memory_space<vmem>>, vector<1x512xf32>
    %add3A_37 = vector.broadcast %get3A_36 : vector<1x512xf32> to vector<8x512xf32>
    %add3A_38 = arith.addf %dot_general3A_33, %add3A_37 : vector<8x512xf32>
    %max3A_39 = arith.constant 0.000000e+00 : f32
    %max3A_40 = vector.broadcast %max3A_39 : f32 to vector<8x512xf32>
    %max3A_41 = arith.maximumf %add3A_38, %max3A_40 : vector<8x512xf32>
    %swap3A_42 = arith.constant 0 : index
    %swap3A_43 = arith.constant 0 : index
    %swap3A_44 = vector.load %arg9[%swap3A_42, %swap3A_43] : memref<8x512xf32, #tpu.memory_space<vmem>>, vector<8x512xf32>
    tpu.vector_store %arg9[%swap3A_42, %swap3A_43], %max3A_41 {strides = array<i32>} : memref<8x512xf32, #tpu.memory_space<vmem>>, vector<8x512xf32>,
    return
  }
}

</mosaic_0001>

<sc_bundles>
// kernel: kernel.11.cloned.1.call-start
scs
__scs_entry_jumppad:
0x0: {  	(pc) =	sbr.rel $0x88, $3  }
0x1: {  	(tag) =	ssettag $0x0;
	lr =	simm.s32 $0x1  }
0x2: {  	[smem:$0x3F92] =	sst lr;
	_ =	strace $0xD0000000  }
0x3: {  	_ = 	snop  }
0x4: {  	_ = 	snop  }
0x5: {  	_ = 	snop  }
0x6: {  	_ = 	snop  }
0x7: {  	_ = 	snop  }
__scs_overlays_trampoline_lowered:
0x8: {  	[smem:$0x3FA1] =	sst s0  }
0x9: {  	[smem:$0x3FA2] =	sst s1  }
0xa: {  	[smem:$0x3FA3] =	sst s2  }
0xb: {  	[smem:$0x3FA4] =	sst s3  }
0xc: {  	[smem:$0x3FA5] =	sst s4  }
0xd: {  	[smem:$0x3FA6] =	sst s5  }
0xe: {  	[smem:$0x3FA7] =	sst s6  }
0xf: {  	[smem:$0x3FA8] =	sst s7  }
0x10: {  	[smem:$0x3FA9] =	sst s8  }
0x11: {  	[smem:$0x3FAA] =	sst s9;
	s0 =	simm.s32 @!p0 $0x0  }
0x12: {  	s1 =	sld [smem:$0x3F90];
	s0 =	simm.s32 @p0 $0x1  }
0x13: {  	[smem:$0x3FAB] =	sst s0;
	s0 =	simm.s32 @!p1 $0x0  }
0x14: {  	s2 =	sld [smem:$0x3F8F];
	s0 =	simm.s32 @p1 $0x1  }
0x15: {  	[smem:$0x3FAC] =	sst s0;
	s0 =	simm.s32 @!p2 $0x0  }
0x16: {  	s3 =	sld [smem:$0x3FDB];
	s0 =	simm.s32 @p2 $0x1  }
0x17: {  	s4 =	simm.s32 $0x1BF5;
	[smem:$0x3FAE] =	sst s0  }
0x18: {  	s0 =	sld [smem:$0x3F91];
	_ =	swait.ge [sflag:s4], $0x0  }
0x19: {  	s7 =	sld [smem:$0x3F92]  }
0x1a: {  	s8 =	sadd.s32 $0xFFFFE003, lr  }
0x1b: {  	s9 =	sadd.s32 $0xFFFFFEF7, lr;
	s5 =	simm.s32 $0xFFFFFFFF;
	p2 =	slt.u32 s8, $0xFFFFF086  }
0x1c: {  	p1 =	slt.u32 s9, $0xF7A;
	s5 =	simm.s32 @!p2 $0x0  }
0x1d: {  	s5 =	simm.s32 @p1 $0x1;
	p0 =	seq.s32 s7, s2  }
0x1e: {  	s7 =	smul.u32 @!p0 $0xF7A, s2;
	p2 =	seq.s32 @!p0 s5, $0x0  }
0x1f: {  	s9 =	smul.u32 $0xF7A, s1;
	s8 =	simm.s32 @!p0 $0x1BF5;
	p2 =	por !p2, p0  }
0x20: {  	[sflag:s8] =	ssyncset.s32 @!p0 $0xFFFFF086;
	s6 =	sadd.s32 @!p0 s3, s7;
	s7 =	simm.s32 @!p0 $0x108  }
0x21: {  	s3 =	sadd.s32 s3, s9;
	s6 =	sadd.s32 @!p0 $0x88, s6;
	s7 =	simm.s32 @p2 $0x1082  }
0x22: {  	[simem:s7], [sflag:s8] =	dma.local @!p0 [hbm:s6], $0xF7A  }
0x23: {  	s9 =	sor.u32 $0xD0000000, s2;
	s6 =	simm.s32 $0x108;
	_ =	swait.ge @!p0 [sflag:s8], $0x0  }
0x24: {  	s3 =	sadd.s32 $0x88, s3;
	s6 =	simm.s32 @!p1 $0x1082;
	[sflag:s4] =	ssyncset.s32 $0xFFFFF086  }
0x25: {  	[simem:s6], [sflag:s4] =	dma.local [hbm:s3], $0xF7A  }
0x26: {  	[smem:$0x3F92] =	sst s1;
	(tag) =	ssettag s2;
	_ =	strace s9  }
0x27: {  	s1 =	sld [smem:$0x3FA2]  }
0x28: {  	s2 =	sld [smem:$0x3FA3]  }
0x29: {  	s4 =	sld [smem:$0x3FA5]  }
0x2a: {  	p0 =	seq.s32 s5, $0x0;
	s5 =	sld [smem:$0x3FA6]  }
0x2b: {  	s6 =	sld [smem:$0x3FA7]  }
0x2c: {  	s7 =	sld [smem:$0x3FA8]  }
0x2d: {  	s3 =	simm.s32 $0x108;
	s8 =	sld [smem:$0x3FA9]  }
0x2e: {  	s3 =	simm.s32 @!p0 $0x1082;
	s9 =	sld [smem:$0x3FAA]  }
0x2f: {  	lr =	sadd.s32 s0, s3;
	s0 =	sld [smem:$0x3FA1]  }
0x30: {  	s3 =	sld [smem:$0x3FA4]  }
0x31: {  	[smem:$0x3FAD] =	sst s10  }
0x32: {  	s10 =	sld [smem:$0x3FAB];
	_ =	sdelay $0x3  }
0x33: {  	p0 =	seq.s32 s10, $0x1;
	s10 =	sld [smem:$0x3FAD];
	_ =	sdelay $0x3  }
0x34: {  	[smem:$0x3FAD] =	sst s10  }
0x35: {  	s10 =	sld [smem:$0x3FAC];
	_ =	sdelay $0x3  }
0x36: {  	p1 =	seq.s32 s10, $0x1;
	s10 =	sld [smem:$0x3FAD];
	_ =	sdelay $0x3  }
0x37: {  	[smem:$0x3FAD] =	sst s10  }
0x38: {  	s10 =	sld [smem:$0x3FAE]  }
0x39: {  	_ = 	snop;
	(pc) =	sbr.ind lr, $3  }
0x3a: {  	_ = 	snop  }
0x3b: {  	_ = 	snop  }
0x3c: {  	p2 =	seq.s32 s10, $0x1;
	s10 =	sld [smem:$0x3FAD]  }
0x3d: {  	_ =	shalt  }
0x3e: {  	_ =	shalt  }
0x3f: {  	_ =	shalt  }
0x40: {  	_ =	shalt  }
0x41: {  	_ =	shalt  }
0x42: {  	_ =	shalt  }
0x43: {  	_ =	shalt  }
0x44: {  	_ =	shalt  }
0x45: {  	_ =	shalt  }
0x46: {  	_ =	shalt  }
0x47: {  	_ =	shalt  }
0x48: {  	_ =	shalt  }
0x49: {  	_ =	shalt  }
0x4a: {  	_ =	shalt  }
0x4b: {  	_ =	shalt  }
0x4c: {  	_ =	shalt  }
0x4d: {  	_ =	shalt  }
0x4e: {  	_ =	shalt  }
0x4f: {  	_ =	shalt  }
0x50: {  	_ =	shalt  }
0x51: {  	_ =	shalt  }
0x52: {  	_ =	shalt  }
0x53: {  	_ =	shalt  }
0x54: {  	_ =	shalt  }
0x55: {  	_ =	shalt  }
0x56: {  	_ =	shalt  }
0x57: {  	_ =	shalt  }
0x58: {  	_ =	shalt  }
0x59: {  	_ =	shalt  }
0x5a: {  	_ =	shalt  }
0x5b: {  	_ =	shalt  }
0x5c: {  	_ =	shalt  }
0x5d: {  	_ =	shalt  }
0x5e: {  	_ =	shalt  }
0x5f: {  	_ =	shalt  }
0x60: {  	_ =	shalt  }
0x61: {  	_ =	shalt  }
0x62: {  	_ =	shalt  }
0x63: {  	_ =	shalt  }
0x64: {  	_ =	shalt  }
0x65: {  	_ =	shalt  }
0x66: {  	_ =	shalt  }
0x67: {  	_ =	shalt  }
0x68: {  	_ =	shalt  }
0x69: {  	_ =	shalt  }
0x6a: {  	_ =	shalt  }
0x6b: {  	_ =	shalt  }
0x6c: {  	_ =	shalt  }
0x6d: {  	_ =	shalt  }
0x6e: {  	_ =	shalt  }
0x6f: {  	_ =	shalt  }
0x70: {  	_ =	shalt  }
0x71: {  	_ =	shalt  }
0x72: {  	_ =	shalt  }
0x73: {  	_ =	shalt  }
0x74: {  	_ =	shalt  }
0x75: {  	_ =	shalt  }
0x76: {  	_ =	shalt  }
0x77: {  	_ =	shalt  }
0x78: {  	_ =	shalt  }
0x79: {  	_ =	shalt  }
0x7a: {  	_ =	shalt  }
0x7b: {  	_ =	shalt  }
0x7c: {  	_ =	shalt  }
0x7d: {  	_ =	shalt  }
0x7e: {  	_ =	shalt  }
0x7f: {  	_ =	shalt  }
0x80: {  	_ =	shalt  }
0x81: {  	_ =	shalt  }
0x82: {  	_ =	shalt  }
0x83: {  	_ =	shalt  }
0x84: {  	_ =	shalt  }
0x85: {  	_ =	shalt  }
0x86: {  	_ =	shalt  }
0x87: {  	_ =	shalt  }
.Lfunc_end0:
.L_simem_size_0:
called_computation_lowered:
.L_overlay_start_0:
0x88: {  	s2 =	sld [smem:$0x3FD9]  }
0x89: {  	s3 =	sld [smem:$0x3FFE];
	_ =	sdelay $0x1  }
0x8a: {  	s1 =	srdreg.scid  }
0x8b: {  	s0 =	sand.u32 $0x1, s1  }
0x8c: {  	s16 =	sshll.u32 s0, $0xA;
	s2 =	sadd.s32 s3, s2  }
0x8d: {  	s2 =	sadd.s32 s2, s16  }
0x8e: {  	[smem:$0x3FB9] =	sst s2  }
0x8f: {  	_ = 	snop  }
0x90: {  	(tm) =	ssettm $0x1  }
0x91: {  	s17 =	sld [smem:$0x3FFB];
	_ =	sdelay $0x3  }
0x92: {  	_ =	strace s17  }
0x93: {  	s2 =	sld [smem:$0x3FFC];
	_ =	sdelay $0x3  }
0x94: {  	_ =	strace s2  }
0x95: {  	s2 =	sld [smem:$0x3FFD];
	_ =	sdelay $0x3  }
0x96: {  	_ =	strace s2  }
0x97: {  	_ =	strace $0x8FFFFFFF  }
0x98: {  	s18 =	sld [smem:$0x3FDB];
	_ =	sdelay $0x1  }
0x99: {  	s19 =	simm.s32 $_scs_section_size  }
0x9a: {  	s4 =	simm.s32 $_size__tile_overlayer_lowered;
	s5 =	simm.s32 $_tile_overlayer_lowered  }
0x9b: {  	s22 =	simm.s32 $0x1BFF;
	s21 =	sshll.u32 s5, $0x1;
	s2 =	sadd.s32 s19, s18  }
0x9c: {  	s6 =	simm.s32 $0x0;
	s20 =	sshll.u32 s4, $0x1;
	s4 =	sadd.s32 s21, s2  }
0x9d: {  	[timem:s6], [sflag:s22] =	dma.local [hbm:s4], s20  }
0x9e: {  	_ =	swait.ge [sflag:s22], s20  }
0x9f: {  	s3 =	ssub.s32 $0x0, s20;
	[sflag:s22] =	ssyncset.done $0x0  }
0xa0: {  	[sflag:s22] =	ssyncadd.s32 s3;
	_ =	sdelay $0x1  }
0xa1: {  	s23 =	simm.s32 $0x1B8B  }
0xa2: {  	_ =	swait.ge [sflag:s23], $0x1  }
0xa3: {  	[sflag:s23] =	ssyncset.done $0x0  }
0xa4: {  	s25 =	simm.s32 $0x1B8E;
	s24 =	sld [smem:$0x3FFE];
	[sflag:s23] =	ssyncadd.s32 $0xFFFFFFFF  }
0xa5: {  	s26 =	simm.s32 $execute0_lowered;
	[smem:$0x3FD2] =	sst s25  }
0xa6: {  	s4 =	sshll.u32 s26, $0x1;
	_ =	strace $0x80000046;
	[dreg:$0x1] =	wrdreg $0xFFFFFFFF  }
0xa7: {  	s28 =	simm.s32 $_size_execute0_lowered;
	s2 =	sadd.s32 s2, s4;
	[dreg:$0x0] =	wrdreg $0x0  }
0xa8: {  	s4 =	sshll.u32 s28, $0x1;
	[dreg:$0x2] =	wrdreg s2  }
0xa9: {  	[dreg:$0x3] =	wrdreg s4  }
0xaa: {  	[dreg:$0x4] =	wrdreg $0xC0  }
0xab: {  	_ =	task [dreg:s6], $0x5FFFF  }
0xac: {  	[dreg:$0x1] =	wrdreg $0xFFFFFFFF  }
0xad: {  	[dreg:$0x0] =	wrdreg $0x60  }
0xae: {  	[dreg:$0x2] =	wrdreg s24  }
0xaf: {  	[dreg:$0x3] =	wrdreg $0x90000  }
0xb0: {  	[dreg:$0x4] =	wrdreg $0x9  }
0xb1: {  	_ =	task.clear_ibuf [dreg:s6], $0x5FFFF;
	_ =	strace $0x90000046  }
0xb2: {  	s29 =	simm.s32 $0x9;
	_ =	strace $0x80000048  }
0xb3: {  	_ =	swait.ge [sflag:s29], $0x1  }
0xb4: {  	[sflag:s29] =	ssyncadd.s32 $0xFFFFFFFF  }
0xb5: {  	_ =	strace $0x90000048  }
0xb6: {  	_ =	sfence  }
0xb7: {  	s30 =	sld [smem:$0x0];
	_ =	sdelay $0x2  }
0xb8: {  	s31 =	sshll.u32 s1, $0xD;
	s1 =	sshrl.u32 s1, $0x2  }
0xb9: {  	s3 =	sand.u32 $0x4000, s31;
	s1 =	sadd.s32 s1, s30  }
0xba: {  	s0 =	sor.u32 s3, s0;
	s1 =	sshll.u32 s1, $0x11  }
0xbb: {  	s0 =	sor.u32 s1, s0  }
0xbc: {  	s0 =	sadd.s32 $0x8F2B, s0  }
0xbd: {  	[sflag:s0] =	ssyncadd.remote.s32 $0x1  }
0xbe: {  	_ =	sfence.sel $0xFFFF  }
0xbf: {  	[dreg:$0x0] =	wrdreg $0xFFFFFFFF;
	(pc) =	sbr.abs _section_cstart, $3  }
0xc0: {  	[dreg:$0x1] =	wrdreg $0xFFFFFFFF  }
0xc1: {  	_ =	task.clear_ibuf [dreg:s6], $0x2FFFF;
	_ =	strace $0x9FFFFFFF  }
0xc2: {  	(tm) =	ssettm $0x7FFFFFFF  }
0xc3: {  	_ =	shalt  }
tec
execute0_lowered:
.L_overlay_start_1:
0x0: {  	(tag) =	ssettag $0x1  }
0x1: {  	s0 =	srdreg.scid;
	s5 =	rddreg [dreg:$0x0]  }
0x2: {  	s2 =	rddreg [dreg:$0x1];
	s4 =	sand.u32 $0x1, s0  }
0x3: {  	s0 =	stileid.u32;
	s6 =	smul.u32 $0x50000, s4  }
0x4: {  	s1 =	rddreg [dreg:$0x2];
	s7 =	smul.u32 $0x5000, s0  }
0x5: {  	s3 =	simm.s32 $0x0;
	s13 =	simm.s32 $0x80;
	s8 =	smul.u32 $0x14000, s0  }
0x6: {  	s14 =	simm.s32 $0x0;
	[smem:$0x7FF] =	sst s3;
	s24 =	smul.u32 $0x140000, s4  }
0x7: {  	_ =	strace $0x80000047;
	s26 =	ssub.s32 $0x2, s4;
	s10 =	smul.u32 $0x50000, s0  }
0x8: {  	s4 =	sadd.s32 $0x18400, s5;
	s31 =	sshll.u32 s0, $0x6;
	s28 =	sshrl.u32 s26, $0x1  }
0x9: {  	s6 =	sadd.s32 s7, s6;
	s25 =	sadd.s32 s8, s24;
	s12 =	ssub.s32 s26, s28  }
0xa: {  	s29 =	sshrl.u32 s10, $0x2;
	s30 =	sshrl.u32 s8, $0x3;
	s6 =	sshrl.u32 s6, $0x3  }
0xb: {  	s10 =	sadd.s32 s29, s2;
	s9 =	sadd.s32 s6, s5;
	s6 =	sshrl.u32 s25, $0x3  }
0xc: {  	s10 =	sshrl.u32 s10, $0x3;
	s11 =	sadd.s32 s6, s5;
	s5 =	sadd.s32 s4, s30  }
0xd: {  	s6 =	sor.u32 $0x1C01, s31;
	s7 =	sadd.s32 $0x4400, s9;
	s9 =	smax.u32 s12, $0x1  }
0xe: {  	s12 =	simm.s32 $0x5000;
	s8 =	sadd.s32 $0x40400, s11;
	s11 =	simm.s32 $0x1  }
.LBB2_1:
0xf: {  	[spmem:s10], [sflag:s6] =	dma.local [hbm:s5], $0x2800  }
0x10: {  	_ =	swait.ge [sflag:s11], $0x2800  }
0x11: {  	[sflag:s11] =	ssyncset.done $0x0  }
0x12: {  	[sflag:s11] =	ssyncadd.s32 $0xFFFFD800  }
0x13: {  	[tilespmem:s12], [sflag:$0x1] =	stream.linear.gather [hbm4b:s4+s3], $0x4000, $0x38;
	[tilespmem:$0x1D000] =	vst v63  }
0x14: {  	_ =	swait.ge [sflag:s11], $0x4000  }
0x15: {  	[sflag:s11] =	ssyncset.done $0x0  }
0x16: {  	[sflag:s11] =	ssyncadd.s32 $0xFFFFC000  }
0x17: {  	[tilespmem:s3], [sflag:$0x1] =	stream.linear.gather [hbm4b:s7+s3], $0x5000, $0x38;
	[tilespmem:$0x1D000] =	vst v63  }
0x18: {  	_ =	swait.ge [sflag:s11], $0x5000  }
0x19: {  	[sflag:s11] =	ssyncset.done $0x0  }
0x1a: {  	[sflag:s11] =	ssyncadd.s32 $0xFFFFB000  }
0x1b: {  	s15 =	simm.s32 $0x0;
	[bflag:$0x0] =	sbarrier.arrive $0xFFFF  }
0x1c: {  	[spmem:s2] =	stream.indirect.scatter.add.f32 [tilespmem:s12], [sflag:$0x1], $0x80, s15, s13, $0xb8;
	[tilespmem:$0x1D000] =	vst v63  }
0x1d: {  	_ =	swait.ge [sflag:s11], $0x4000  }
0x1e: {  	s15 =	simm.s32 $0x200;
	[sflag:s11] =	ssyncset.done $0x0  }
.LBB2_2:
0x1f: {  	s16 =	sshra.s32 s15, $0x2;
	[sflag:s11] =	ssyncadd.s32 $0xFFFFC000;
	p0 =	sne.s32 s15, $0x13E00  }
0x20: {  	[spmem:s2] =	stream.indirect.scatter.add.f32 [tilespmem:s12], [sflag:$0x1], $0x80, s16, s13, $0xb8;
	[tilespmem:$0x1D000] =	vst v63  }
.Ltmp0:
0x21: {  	_ = 	snop;
	(pc) =	sbr.rel @p0 .LBB2_2-.Ltmp0, $4  }
0x22: {  	_ = 	snop  }
0x23: {  	s15 =	sadd.s32 $0x200, s15  }
0x24: {  	_ =	swait.ge [sflag:s11], $0x4000  }
0x25: {  	[sflag:s11] =	ssyncset.done $0x0  }
0x26: {  	s14 =	sadd.s32 $0x1, s14  }
0x27: {  	[sflag:s11] =	ssyncadd.s32 $0xFFFFC000;
	p0 =	sne.s32 s14, s9  }
.Ltmp1:
0x28: {  	[bflag:$0x0] =	sbarrier.arrive $0xFFFF;
	(pc) =	sbr.rel @p0 .LBB2_1-.Ltmp1, $4  }
0x29: {  	[hbm:s8], [sflag:s6] =	dma.local [spmem:s10], $0x2800  }
0x2a: {  	_ =	swait.ge [sflag:s11], $0x2800  }
0x2b: {  	[sflag:s11] =	ssyncset.done $0x0  }
0x2c: {  	[sflag:s11] =	ssyncadd.s32 $0xFFFFD800  }
0x2d: {  	_ =	sfence.sel $0x180000  }
0x2e: {  	[bflag:$0x0] =	sbarrier.arrive $0xFFFF  }
0x2f: {  	p0 =	sne.s32 s0, $0x0;
	_ =	strace $0x90000047  }
0x30: {  	s0 =	sadd.s32 @!p0 $0x100000, s1;
	[bflag:$0x2] =	sbarrier.arrive $0xFFFF  }
0x31: {  	[sflag:s0] =	ssyncadd.tile.s32 @!p0 $0x1;
	_ =	shalt  }
.Lfunc_end2:
_tile_overlayer_lowered:
.L_overlay_start_2:
0x32: {  	(tag) =	ssettag $0x2  }
0x33: {  	s0 =	rddreg [dreg:$0x0];
	s2 =	stileid.u32  }
0x34: {  	s1 =	rddreg [dreg:$0x1];
	p0 =	sne.s32 s2, $0x0  }
0x35: {  	s3 =	rddreg [dreg:$0x2];
	[bflag:$0x3] =	sbarrier.arrive $0xFFFF;
	s2 =	simm.s32 @!p0 $0x1C01  }
0x36: {  	[timem:s3], [sflag:s2] =	dma.local @!p0 [hbm:s0], s1  }
0x37: {  	s0 =	simm.s32 @!p0 $0x1  }
0x38: {  	_ =	swait.ge @!p0 [sflag:s0], s1  }
0x39: {  	s1 =	ssub.s32 @!p0 $0x0, s1;
	[sflag:s0] =	ssyncset.done @!p0 $0x0  }
0x3a: {  	[sflag:s0] =	ssyncadd.s32 @!p0 s1  }
0x3b: {  	[bflag:$0x3] =	sbarrier.arrive $0xFFFF  }
0x3c: {  	_ =	shalt  }

// kernel: kernel.14.cloned.1.call-start
scs
__scs_entry_jumppad:
0x0: {  	(pc) =	sbr.rel $0x88, $3  }
0x1: {  	(tag) =	ssettag $0x0;
	lr =	simm.s32 $0x1  }
0x2: {  	[smem:$0x3F92] =	sst lr;
	_ =	strace $0xD0000000  }
0x3: {  	_ = 	snop  }
0x4: {  	_ = 	snop  }
0x5: {  	_ = 	snop  }
0x6: {  	_ = 	snop  }
0x7: {  	_ = 	snop  }
__scs_overlays_trampoline_lowered:
0x8: {  	[smem:$0x3FA1] =	sst s0  }
0x9: {  	[smem:$0x3FA2] =	sst s1  }
0xa: {  	[smem:$0x3FA3] =	sst s2  }
0xb: {  	[smem:$0x3FA4] =	sst s3  }
0xc: {  	[smem:$0x3FA5] =	sst s4  }
0xd: {  	[smem:$0x3FA6] =	sst s5  }
0xe: {  	[smem:$0x3FA7] =	sst s6  }
0xf: {  	[smem:$0x3FA8] =	sst s7  }
0x10: {  	[smem:$0x3FA9] =	sst s8  }
0x11: {  	[smem:$0x3FAA] =	sst s9;
	s0 =	simm.s32 @!p0 $0x0  }
0x12: {  	s1 =	sld [smem:$0x3F90];
	s0 =	simm.s32 @p0 $0x1  }
0x13: {  	[smem:$0x3FAB] =	sst s0;
	s0 =	simm.s32 @!p1 $0x0  }
0x14: {  	s2 =	sld [smem:$0x3F8F];
	s0 =	simm.s32 @p1 $0x1  }
0x15: {  	[smem:$0x3FAC] =	sst s0;
	s0 =	simm.s32 @!p2 $0x0  }
0x16: {  	s3 =	sld [smem:$0x3FDB];
	s0 =	simm.s32 @p2 $0x1  }
0x17: {  	s4 =	simm.s32 $0x1BF5;
	[smem:$0x3FAE] =	sst s0  }
0x18: {  	s0 =	sld [smem:$0x3F91];
	_ =	swait.ge [sflag:s4], $0x0  }
0x19: {  	s7 =	sld [smem:$0x3F92]  }
0x1a: {  	s8 =	sadd.s32 $0xFFFFE003, lr  }
0x1b: {  	s9 =	sadd.s32 $0xFFFFFEF7, lr;
	s5 =	simm.s32 $0xFFFFFFFF;
	p2 =	slt.u32 s8, $0xFFFFF086  }
0x1c: {  	p1 =	slt.u32 s9, $0xF7A;
	s5 =	simm.s32 @!p2 $0x0  }
0x1d: {  	s5 =	simm.s32 @p1 $0x1;
	p0 =	seq.s32 s7, s2  }
0x1e: {  	s7 =	smul.u32 @!p0 $0xF7A, s2;
	p2 =	seq.s32 @!p0 s5, $0x0  }
0x1f: {  	s9 =	smul.u32 $0xF7A, s1;
	s8 =	simm.s32 @!p0 $0x1BF5;
	p2 =	por !p2, p0  }
0x20: {  	[sflag:s8] =	ssyncset.s32 @!p0 $0xFFFFF086;
	s6 =	sadd.s32 @!p0 s3, s7;
	s7 =	simm.s32 @!p0 $0x108  }
0x21: {  	s3 =	sadd.s32 s3, s9;
	s6 =	sadd.s32 @!p0 $0x88, s6;
	s7 =	simm.s32 @p2 $0x1082  }
0x22: {  	[simem:s7], [sflag:s8] =	dma.local @!p0 [hbm:s6], $0xF7A  }
0x23: {  	s9 =	sor.u32 $0xD0000000, s2;
	s6 =	simm.s32 $0x108;
	_ =	swait.ge @!p0 [sflag:s8], $0x0  }
0x24: {  	s3 =	sadd.s32 $0x88, s3;
	s6 =	simm.s32 @!p1 $0x1082;
	[sflag:s4] =	ssyncset.s32 $0xFFFFF086  }
0x25: {  	[simem:s6], [sflag:s4] =	dma.local [hbm:s3], $0xF7A  }
0x26: {  	[smem:$0x3F92] =	sst s1;
	(tag) =	ssettag s2;
	_ =	strace s9  }
0x27: {  	s1 =	sld [smem:$0x3FA2]  }
0x28: {  	s2 =	sld [smem:$0x3FA3]  }
0x29: {  	s4 =	sld [smem:$0x3FA5]  }
0x2a: {  	p0 =	seq.s32 s5, $0x0;
	s5 =	sld [smem:$0x3FA6]  }
0x2b: {  	s6 =	sld [smem:$0x3FA7]  }
0x2c: {  	s7 =	sld [smem:$0x3FA8]  }
0x2d: {  	s3 =	simm.s32 $0x108;
	s8 =	sld [smem:$0x3FA9]  }
0x2e: {  	s3 =	simm.s32 @!p0 $0x1082;
	s9 =	sld [smem:$0x3FAA]  }
0x2f: {  	lr =	sadd.s32 s0, s3;
	s0 =	sld [smem:$0x3FA1]  }
0x30: {  	s3 =	sld [smem:$0x3FA4]  }
0x31: {  	[smem:$0x3FAD] =	sst s10  }
0x32: {  	s10 =	sld [smem:$0x3FAB];
	_ =	sdelay $0x3  }
0x33: {  	p0 =	seq.s32 s10, $0x1;
	s10 =	sld [smem:$0x3FAD];
	_ =	sdelay $0x3  }
0x34: {  	[smem:$0x3FAD] =	sst s10  }
0x35: {  	s10 =	sld [smem:$0x3FAC];
	_ =	sdelay $0x3  }
0x36: {  	p1 =	seq.s32 s10, $0x1;
	s10 =	sld [smem:$0x3FAD];
	_ =	sdelay $0x3  }
0x37: {  	[smem:$0x3FAD] =	sst s10  }
0x38: {  	s10 =	sld [smem:$0x3FAE]  }
0x39: {  	_ = 	snop;
	(pc) =	sbr.ind lr, $3  }
0x3a: {  	_ = 	snop  }
0x3b: {  	_ = 	snop  }
0x3c: {  	p2 =	seq.s32 s10, $0x1;
	s10 =	sld [smem:$0x3FAD]  }
0x3d: {  	_ =	shalt  }
0x3e: {  	_ =	shalt  }
0x3f: {  	_ =	shalt  }
0x40: {  	_ =	shalt  }
0x41: {  	_ =	shalt  }
0x42: {  	_ =	shalt  }
0x43: {  	_ =	shalt  }
0x44: {  	_ =	shalt  }
0x45: {  	_ =	shalt  }
0x46: {  	_ =	shalt  }
0x47: {  	_ =	shalt  }
0x48: {  	_ =	shalt  }
0x49: {  	_ =	shalt  }
0x4a: {  	_ =	shalt  }
0x4b: {  	_ =	shalt  }
0x4c: {  	_ =	shalt  }
0x4d: {  	_ =	shalt  }
0x4e: {  	_ =	shalt  }
0x4f: {  	_ =	shalt  }
0x50: {  	_ =	shalt  }
0x51: {  	_ =	shalt  }
0x52: {  	_ =	shalt  }
0x53: {  	_ =	shalt  }
0x54: {  	_ =	shalt  }
0x55: {  	_ =	shalt  }
0x56: {  	_ =	shalt  }
0x57: {  	_ =	shalt  }
0x58: {  	_ =	shalt  }
0x59: {  	_ =	shalt  }
0x5a: {  	_ =	shalt  }
0x5b: {  	_ =	shalt  }
0x5c: {  	_ =	shalt  }
0x5d: {  	_ =	shalt  }
0x5e: {  	_ =	shalt  }
0x5f: {  	_ =	shalt  }
0x60: {  	_ =	shalt  }
0x61: {  	_ =	shalt  }
0x62: {  	_ =	shalt  }
0x63: {  	_ =	shalt  }
0x64: {  	_ =	shalt  }
0x65: {  	_ =	shalt  }
0x66: {  	_ =	shalt  }
0x67: {  	_ =	shalt  }
0x68: {  	_ =	shalt  }
0x69: {  	_ =	shalt  }
0x6a: {  	_ =	shalt  }
0x6b: {  	_ =	shalt  }
0x6c: {  	_ =	shalt  }
0x6d: {  	_ =	shalt  }
0x6e: {  	_ =	shalt  }
0x6f: {  	_ =	shalt  }
0x70: {  	_ =	shalt  }
0x71: {  	_ =	shalt  }
0x72: {  	_ =	shalt  }
0x73: {  	_ =	shalt  }
0x74: {  	_ =	shalt  }
0x75: {  	_ =	shalt  }
0x76: {  	_ =	shalt  }
0x77: {  	_ =	shalt  }
0x78: {  	_ =	shalt  }
0x79: {  	_ =	shalt  }
0x7a: {  	_ =	shalt  }
0x7b: {  	_ =	shalt  }
0x7c: {  	_ =	shalt  }
0x7d: {  	_ =	shalt  }
0x7e: {  	_ =	shalt  }
0x7f: {  	_ =	shalt  }
0x80: {  	_ =	shalt  }
0x81: {  	_ =	shalt  }
0x82: {  	_ =	shalt  }
0x83: {  	_ =	shalt  }
0x84: {  	_ =	shalt  }
0x85: {  	_ =	shalt  }
0x86: {  	_ =	shalt  }
0x87: {  	_ =	shalt  }
.Lfunc_end0:
.L_simem_size_0:
called_computation.1_lowered:
.L_overlay_start_0:
0x88: {  	s2 =	sld [smem:$0x3FD9]  }
0x89: {  	s3 =	sld [smem:$0x3FFE];
	_ =	sdelay $0x1  }
0x8a: {  	s1 =	srdreg.scid  }
0x8b: {  	s0 =	sand.u32 $0x1, s1  }
0x8c: {  	s16 =	sshll.u32 s0, $0xA;
	s2 =	sadd.s32 s3, s2  }
0x8d: {  	s2 =	sadd.s32 s2, s16  }
0x8e: {  	[smem:$0x3FB9] =	sst s2  }
0x8f: {  	_ = 	snop  }
0x90: {  	(tm) =	ssettm $0x1  }
0x91: {  	s17 =	sld [smem:$0x3FFB];
	_ =	sdelay $0x3  }
0x92: {  	_ =	strace s17  }
0x93: {  	s2 =	sld [smem:$0x3FFC];
	_ =	sdelay $0x3  }
0x94: {  	_ =	strace s2  }
0x95: {  	s2 =	sld [smem:$0x3FFD];
	_ =	sdelay $0x3  }
0x96: {  	_ =	strace s2  }
0x97: {  	_ =	strace $0x8FFFFFFF  }
0x98: {  	s18 =	sld [smem:$0x3FDB];
	_ =	sdelay $0x1  }
0x99: {  	s19 =	simm.s32 $_scs_section_size  }
0x9a: {  	s4 =	simm.s32 $_size__tile_overlayer_lowered;
	s5 =	simm.s32 $_tile_overlayer_lowered  }
0x9b: {  	s22 =	simm.s32 $0x1BFF;
	s21 =	sshll.u32 s5, $0x1;
	s2 =	sadd.s32 s19, s18  }
0x9c: {  	s6 =	simm.s32 $0x0;
	s20 =	sshll.u32 s4, $0x1;
	s4 =	sadd.s32 s21, s2  }
0x9d: {  	[timem:s6], [sflag:s22] =	dma.local [hbm:s4], s20  }
0x9e: {  	_ =	swait.ge [sflag:s22], s20  }
0x9f: {  	s3 =	ssub.s32 $0x0, s20;
	[sflag:s22] =	ssyncset.done $0x0  }
0xa0: {  	[sflag:s22] =	ssyncadd.s32 s3;
	_ =	sdelay $0x1  }
0xa1: {  	s23 =	simm.s32 $0x1B8B  }
0xa2: {  	_ =	swait.ge [sflag:s23], $0x1  }
0xa3: {  	[sflag:s23] =	ssyncset.done $0x0  }
0xa4: {  	s25 =	simm.s32 $0x1B8E;
	s24 =	sld [smem:$0x3FFE];
	[sflag:s23] =	ssyncadd.s32 $0xFFFFFFFF  }
0xa5: {  	s26 =	simm.s32 $execute0_lowered;
	[smem:$0x3FD2] =	sst s25  }
0xa6: {  	s4 =	sshll.u32 s26, $0x1;
	_ =	strace $0x80000049;
	[dreg:$0x1] =	wrdreg $0xFFFFFFFF  }
0xa7: {  	s28 =	simm.s32 $_size_execute0_lowered;
	s2 =	sadd.s32 s2, s4;
	[dreg:$0x0] =	wrdreg $0x0  }
0xa8: {  	s4 =	sshll.u32 s28, $0x1;
	[dreg:$0x2] =	wrdreg s2  }
0xa9: {  	[dreg:$0x3] =	wrdreg s4  }
0xaa: {  	[dreg:$0x4] =	wrdreg $0xC0  }
0xab: {  	_ =	task [dreg:s6], $0x5FFFF  }
0xac: {  	[dreg:$0x1] =	wrdreg $0xFFFFFFFF  }
0xad: {  	[dreg:$0x0] =	wrdreg $0x60  }
0xae: {  	[dreg:$0x2] =	wrdreg s24  }
0xaf: {  	[dreg:$0x3] =	wrdreg $0x90000  }
0xb0: {  	[dreg:$0x4] =	wrdreg $0x9  }
0xb1: {  	_ =	task.clear_ibuf [dreg:s6], $0x5FFFF;
	_ =	strace $0x90000049  }
0xb2: {  	s29 =	simm.s32 $0x9;
	_ =	strace $0x8000004B  }
0xb3: {  	_ =	swait.ge [sflag:s29], $0x1  }
0xb4: {  	[sflag:s29] =	ssyncadd.s32 $0xFFFFFFFF  }
0xb5: {  	_ =	strace $0x9000004B  }
0xb6: {  	_ =	sfence  }
0xb7: {  	s30 =	sld [smem:$0x0];
	_ =	sdelay $0x2  }
0xb8: {  	s31 =	sshll.u32 s1, $0xD;
	s1 =	sshrl.u32 s1, $0x2  }
0xb9: {  	s3 =	sand.u32 $0x4000, s31;
	s1 =	sadd.s32 s1, s30  }
0xba: {  	s0 =	sor.u32 s3, s0;
	s1 =	sshll.u32 s1, $0x11  }
0xbb: {  	s0 =	sor.u32 s1, s0  }
0xbc: {  	s0 =	sadd.s32 $0x8F2B, s0  }
0xbd: {  	[sflag:s0] =	ssyncadd.remote.s32 $0x1  }
0xbe: {  	_ =	sfence.sel $0xFFFF  }
0xbf: {  	[dreg:$0x0] =	wrdreg $0xFFFFFFFF;
	(pc) =	sbr.abs _section_cstart, $3  }
0xc0: {  	[dreg:$0x1] =	wrdreg $0xFFFFFFFF  }
0xc1: {  	_ =	task.clear_ibuf [dreg:s6], $0x2FFFF;
	_ =	strace $0x9FFFFFFF  }
0xc2: {  	(tm) =	ssettm $0x7FFFFFFF  }
0xc3: {  	_ =	shalt  }
tec
execute0_lowered:
.L_overlay_start_1:
0x0: {  	(tag) =	ssettag $0x1  }
0x1: {  	s0 =	srdreg.scid;
	s5 =	rddreg [dreg:$0x0]  }
0x2: {  	s9 =	stileid.u32;
	s2 =	rddreg [dreg:$0x1];
	s3 =	simm.s32 $0x0  }
0x3: {  	s8 =	simm.s32 $0x100;
	s10 =	simm.s32 $0x140;
	[smem:$0x7FF] =	sst s3  }
0x4: {  	s11 =	simm.s32 $0x880;
	_ =	strace $0x8000004A;
	[dreg:$0x6] =	wrdreg s8  }
0x5: {  	s12 =	simm.s32 $0x180;
	s13 =	simm.s32 $0x1C0;
	[dreg:$0x7] =	wrdreg s10  }
0x6: {  	s15 =	simm.s32 $0x900;
	s17 =	simm.s32 $0x200;
	[dreg:$0x8] =	wrdreg s11  }
0x7: {  	s18 =	simm.s32 $0x240;
	s19 =	simm.s32 $0x980;
	[dreg:$0x9] =	wrdreg s12  }
0x8: {  	s21 =	simm.s32 $0x280;
	s22 =	simm.s32 $0x2C0;
	[dreg:$0xa] =	wrdreg s13  }
0x9: {  	s24 =	simm.s32 $0xA00;
	s4 =	smul.u32 $0x5000, s9;
	[dreg:$0xb] =	wrdreg s15  }
0xa: {  	s28 =	simm.s32 $0x700;
	s6 =	smul.u32 $0xA00, s9;
	[dreg:$0xc] =	wrdreg s17  }
0xb: {  	s29 =	simm.s32 $0x740;
	s7 =	smul.u32 $0x14000, s9;
	[dreg:$0xd] =	wrdreg s18  }
0xc: {  	s0 =	sand.u32 $0x1, s0;
	s23 =	smul.u32 $0x2800, s9;
	[dreg:$0xe] =	wrdreg s19  }
0xd: {  	s30 =	simm.s32 $0xE80;
	s1 =	smul.u32 $0x50000, s0;
	[dreg:$0xf] =	wrdreg s21  }
0xe: {  	s31 =	simm.s32 $0x780;
	s26 =	smul.u32 $0x140000, s0;
	[dreg:$0x10] =	wrdreg s22  }
0xf: {  	s14 =	ssub.s32 $0x2, s0;
	[dreg:$0x11] =	wrdreg s24;
	s10 =	simm.s32 $0x3C0  }
0x10: {  	s8 =	smul.u32 $0x50000, s9;
	s12 =	simm.s32 $0xB00;
	[dreg:$0x16] =	wrdreg s10  }
0x11: {  	s0 =	smul.u32 $0x28000, s0;
	s15 =	simm.s32 $0x440;
	[dreg:$0x17] =	wrdreg s12  }
0x12: {  	s17 =	simm.s32 $0x480;
	s18 =	simm.s32 $0x4C0;
	[dreg:$0x19] =	wrdreg s15  }
0x13: {  	s19 =	simm.s32 $0xC00;
	s21 =	simm.s32 $0x540;
	[dreg:$0x1b] =	wrdreg s17  }
0x14: {  	s22 =	simm.s32 $0xC80;
	s24 =	simm.s32 $0x5C0;
	[dreg:$0x1c] =	wrdreg s18  }
0x15: {  	s25 =	sadd.s32 s6, s5;
	s16 =	sshrl.u32 s14, $0x1;
	[dreg:$0x1d] =	wrdreg s19  }
0x16: {  	s10 =	simm.s32 $0x5;
	s12 =	simm.s32 $0x40;
	[dreg:$0x1f] =	wrdreg s21  }
0x17: {  	s15 =	simm.s32 $0x80;
	s17 =	simm.s32 $0x7000;
	[smem:$0x7F7] =	sst s22  }
0x18: {  	s18 =	simm.s32 $0x1;
	s19 =	simm.s32 $0x2;
	[smem:$0x7F9] =	sst s24  }
0x19: {  	s21 =	simm.s32 $0x4;
	s22 =	simm.s32 $0x640;
	s24 =	simm.s32 $0x680  }
0x1a: {  	s1 =	sadd.s32 s1, s4;
	s4 =	sadd.s32 $0xE400, s25;
	s6 =	sadd.s32 s7, s26  }
0x1b: {  	s20 =	sshrl.u32 s8, $0x2;
	s25 =	simm.s32 $0x300;
	s0 =	sadd.s32 s23, s0  }
0x1c: {  	s26 =	simm.s32 $0x340;
	s8 =	sshll.u32 s9, $0x6;
	[dreg:$0x3] =	wrdreg s4  }
0x1d: {  	s9 =	simm.s32 $0x380;
	s23 =	simm.s32 $0x580;
	[dreg:$0x12] =	wrdreg s25  }
0x1e: {  	s1 =	sshrl.u32 s1, $0x3;
	s4 =	simm.s32 $0xC0;
	[dreg:$0x13] =	wrdreg s26  }
0x1f: {  	s6 =	sshrl.u32 s6, $0x3;
	s7 =	sadd.s32 s20, s2;
	[dreg:$0x15] =	wrdreg s9  }
0x20: {  	s8 =	sor.u32 $0x1C05, s8;
	s20 =	simm.s32 $0x500;
	[smem:$0x7F8] =	sst s23  }
0x21: {  	s25 =	simm.s32 $0xD00;
	s26 =	simm.s32 $0x600;
	[dreg:$0x5] =	wrdreg s4  }
0x22: {  	s23 =	simm.s32 $0xD80;
	s9 =	simm.s32 $0x0;
	[dreg:$0x1e] =	wrdreg s20  }
0x23: {  	s1 =	sadd.s32 s1, s5;
	s4 =	sadd.s32 $0xA4400, s5;
	[smem:$0x7FA] =	sst s25  }
0x24: {  	s5 =	sadd.s32 s6, s5;
	s6 =	ssub.s32 s14, s16;
	[smem:$0x7FB] =	sst s26  }
0x25: {  	s14 =	simm.s32 $0x400;
	s7 =	sshrl.u32 s7, $0x3;
	[smem:$0x7FC] =	sst s8  }
0x26: {  	s16 =	simm.s32 $0xB80;
	s20 =	simm.s32 $0x3;
	[dreg:$0x18] =	wrdreg s14  }
0x27: {  	s25 =	simm.s32 $0x6C0;
	s26 =	simm.s32 $0xE00;
	[dreg:$0x1a] =	wrdreg s16  }
0x28: {  	s1 =	sadd.s32 $0x90400, s1;
	s0 =	sadd.s32 s4, s0;
	[smem:$0x7FD] =	sst s7  }
0x29: {  	s11 =	sadd.s32 $0xF4400, s5;
	s13 =	smax.u32 s6, $0x1;
	[dreg:$0x4] =	wrdreg s1  }
0x2a: {  	s14 =	simm.s32 $0x3000;
	s16 =	simm.s32 $0x5000;
	[smem:$0x7F4] =	sst s0  }
0x2b: {  	s5 =	simm.s32 $0xF80;
	s1 =	simm.s32 $0xA80;
	[smem:$0x7F5] =	sst s11  }
0x2c: {  	[smem:$0x7F6] =	sst s13;
	s11 =	simm.s32 $0x800;
	s13 =	simm.s32 $0x1000  }
0x2d: {  	s0 =	simm.s32 $0xF00;
	[dreg:$0x14] =	wrdreg s1;
	s1 =	simm.s32 $0x7C0  }
.LBB2_1:
0x2e: {  	s6 =	sld [smem:$0x7F4];
	_ =	sdelay $0x1  }
0x2f: {  	[smem:$0x7F3] =	sst s9  }
0x30: {  	[spmem:s7], [sflag:s8] =	dma.local [hbm:s6], $0x2800  }
0x31: {  	_ =	swait.ge [sflag:s10], $0x2800  }
0x32: {  	[sflag:s10] =	ssyncset.done $0x0  }
0x33: {  	[sflag:s10] =	ssyncadd.s32 $0xFFFFD800  }
0x34: {  	[bflag:$0x0] =	sbarrier.arrive $0xFFFF  }
0x35: {  	s9 =	rddreg [dreg:$0x4]  }
0x36: {  	s6 =	sadd.s32 $0x0, s9  }
0x37: {  	[tilespmem:s3], [sflag:$0x5] =	stream.linear.gather [hbm4b:s6+s3], $0x800, $0x38;
	[tilespmem:$0x1D000] =	vst v63  }
0x38: {  	_ =	swait.ge [sflag:s10], $0x800  }
0x39: {  	s7 =	rddreg [dreg:$0x3];
	[sflag:s10] =	ssyncset.done $0x0  }
0x3a: {  	[sflag:s10] =	ssyncadd.s32 $0xFFFFF800;
	s6 =	sadd.s32 $0x0, s7  }
0x3b: {  	[tilespmem:s11], [sflag:$0x5] =	stream.linear.gather [hbm4b:s6+s3], $0x800, $0x38;
	[tilespmem:$0x1D000] =	vst v63  }
0x3c: {  	_ =	swait.ge [sflag:s10], $0x800  }
0x3d: {  	[sflag:s10] =	ssyncset.done $0x0  }
0x3e: {  	[sflag:s10] =	ssyncadd.s32 $0xFFFFF800  }
0x3f: {  	[tilespmem:s13], [sflag:$0x1] =	stream.indirect.gather [hbm4b:s4+s12], $0x80, s3, s12, $0xb8;
	[tilespmem:$0x1D000] =	vst v63  }
0x40: {  	_ = 	snop  }
0x41: {  	[tilespmem:s14], [sflag:$0x2] =	stream.indirect.gather [hbm4b:s4+s12], $0x80, s12, s12, $0xb8;
	[tilespmem:$0x1D000] =	vst v63  }
0x42: {  	_ = 	snop  }
0x43: {  	[tilespmem:s16], [sflag:$0x3] =	stream.indirect.gather [hbm4b:s4+s12], $0x80, s15, s12, $0xb8;
	[tilespmem:$0x1D000] =	vst v63  }
0x44: {  	s8 =	rddreg [dreg:$0x5]  }
0x45: {  	[tilespmem:s17], [sflag:$0x4] =	stream.indirect.gather [hbm4b:s4+s12], $0x80, s8, s12, $0xb8;
	[tilespmem:$0x1D000] =	vst v63  }
0x46: {  	_ =	swait.ge [sflag:s18], $0x2000  }
0x47: {  	[sflag:s18] =	ssyncset.done $0x0  }
0x48: {  	[sflag:s18] =	ssyncadd.s32 $0xFFFFE000  }
0x49: {  	_ =	swait.ge [sflag:s19], $0x2000  }
0x4a: {  	[sflag:s19] =	ssyncset.done $0x0  }
0x4b: {  	[sflag:s19] =	ssyncadd.s32 $0xFFFFE000  }
0x4c: {  	[spmem:s2] =	stream.indirect.scatter.add.f32 [tilespmem:s13], [sflag:$0x5], $0x80, s11, s15, $0xb8;
	[tilespmem:$0x1D000] =	vst v63  }
0x4d: {  	_ =	swait.ge [sflag:s10], $0x4000  }
0x4e: {  	[sflag:s10] =	ssyncset.done $0x0  }
0x4f: {  	s9 =	rddreg [dreg:$0x6];
	[sflag:s10] =	ssyncadd.s32 $0xFFFFC000  }
0x50: {  	[tilespmem:s13], [sflag:$0x1] =	stream.indirect.gather [hbm4b:s4+s12], $0x80, s9, s12, $0xb8;
	[tilespmem:$0x1D000] =	vst v63  }
0x51: {  	s7 =	rddreg [dreg:$0x7]  }
0x52: {  	[tilespmem:s14], [sflag:$0x2] =	stream.indirect.gather [hbm4b:s4+s12], $0x80, s7, s12, $0xb8;
	[tilespmem:$0x1D000] =	vst v63  }
0x53: {  	_ =	swait.ge [sflag:s20], $0x2000  }
0x54: {  	[sflag:s20] =	ssyncset.done $0x0  }
0x55: {  	[sflag:s20] =	ssyncadd.s32 $0xFFFFE000  }
0x56: {  	_ =	swait.ge [sflag:s21], $0x2000  }
0x57: {  	[sflag:s21] =	ssyncset.done $0x0  }
0x58: {  	s8 =	rddreg [dreg:$0x8];
	[sflag:s21] =	ssyncadd.s32 $0xFFFFE000  }
0x59: {  	[spmem:s2] =	stream.indirect.scatter.add.f32 [tilespmem:s16], [sflag:$0x5], $0x80, s8, s15, $0xb8;
	[tilespmem:$0x1D000] =	vst v63  }
0x5a: {  	_ =	swait.ge [sflag:s10], $0x4000  }
0x5b: {  	[sflag:s10] =	ssyncset.done $0x0  }
0x5c: {  	s9 =	rddreg [dreg:$0x9];
	[sflag:s10] =	ssyncadd.s32 $0xFFFFC000  }
0x5d: {  	[tilespmem:s16], [sflag:$0x3] =	stream.indirect.gather [hbm4b:s4+s12], $0x80, s9, s12, $0xb8;
	[tilespmem:$0x1D000] =	vst v63  }
0x5e: {  	s7 =	rddreg [dreg:$0xa]  }
0x5f: {  	[tilespmem:s17], [sflag:$0x4] =	stream.indirect.gather [hbm4b:s4+s12], $0x80, s7, s12, $0xb8;
	[tilespmem:$0x1D000] =	vst v63  }
0x60: {  	_ =	swait.ge [sflag:s18], $0x2000  }
0x61: {  	[sflag:s18] =	ssyncset.done $0x0  }
0x62: {  	[sflag:s18] =	ssyncadd.s32 $0xFFFFE000  }
0x63: {  	_ =	swait.ge [sflag:s19], $0x2000  }
0x64: {  	[sflag:s19] =	ssyncset.done $0x0  }
0x65: {  	s8 =	rddreg [dreg:$0xb];
	[sflag:s19] =	ssyncadd.s32 $0xFFFFE000  }
0x66: {  	[spmem:s2] =	stream.indirect.scatter.add.f32 [tilespmem:s13], [sflag:$0x5], $0x80, s8, s15, $0xb8;
	[tilespmem:$0x1D000] =	vst v63  }
0x67: {  	_ =	swait.ge [sflag:s10], $0x4000  }
0x68: {  	[sflag:s10] =	ssyncset.done $0x0  }
0x69: {  	s9 =	rddreg [dreg:$0xc];
	[sflag:s10] =	ssyncadd.s32 $0xFFFFC000  }
0x6a: {  	[tilespmem:s13], [sflag:$0x1] =	stream.indirect.gather [hbm4b:s4+s12], $0x80, s9, s12, $0xb8;
	[tilespmem:$0x1D000] =	vst v63  }
0x6b: {  	s7 =	rddreg [dreg:$0xd]  }
0x6c: {  	[tilespmem:s14], [sflag:$0x2] =	stream.indirect.gather [hbm4b:s4+s12], $0x80, s7, s12, $0xb8;
	[tilespmem:$0x1D000] =	vst v63  }
0x6d: {  	_ =	swait.ge [sflag:s20], $0x2000  }
0x6e: {  	[sflag:s20] =	ssyncset.done $0x0  }
0x6f: {  	[sflag:s20] =	ssyncadd.s32 $0xFFFFE000  }
0x70: {  	_ =	swait.ge [sflag:s21], $0x2000  }
0x71: {  	[sflag:s21] =	ssyncset.done $0x0  }
0x72: {  	s8 =	rddreg [dreg:$0xe];
	[sflag:s21] =	ssyncadd.s32 $0xFFFFE000  }
0x73: {  	[spmem:s2] =	stream.indirect.scatter.add.f32 [tilespmem:s16], [sflag:$0x5], $0x80, s8, s15, $0xb8;
	[tilespmem:$0x1D000] =	vst v63  }
0x74: {  	_ =	swait.ge [sflag:s10], $0x4000  }
0x75: {  	[sflag:s10] =	ssyncset.done $0x0  }
0x76: {  	s9 =	rddreg [dreg:$0xf];
	[sflag:s10] =	ssyncadd.s32 $0xFFFFC000  }
0x77: {  	[tilespmem:s16], [sflag:$0x3] =	stream.indirect.gather [hbm4b:s4+s12], $0x80, s9, s12, $0xb8;
	[tilespmem:$0x1D000] =	vst v63  }
0x78: {  	s7 =	rddreg [dreg:$0x10]  }
0x79: {  	[tilespmem:s17], [sflag:$0x4] =	stream.indirect.gather [hbm4b:s4+s12], $0x80, s7, s12, $0xb8;
	[tilespmem:$0x1D000] =	vst v63  }
0x7a: {  	_ =	swait.ge [sflag:s18], $0x2000  }
0x7b: {  	[sflag:s18] =	ssyncset.done $0x0  }
0x7c: {  	[sflag:s18] =	ssyncadd.s32 $0xFFFFE000  }
0x7d: {  	_ =	swait.ge [sflag:s19], $0x2000  }
0x7e: {  	[sflag:s19] =	ssyncset.done $0x0  }
0x7f: {  	s8 =	rddreg [dreg:$0x11];
	[sflag:s19] =	ssyncadd.s32 $0xFFFFE000  }
0x80: {  	[spmem:s2] =	stream.indirect.scatter.add.f32 [tilespmem:s13], [sflag:$0x5], $0x80, s8, s15, $0xb8;
	[tilespmem:$0x1D000] =	vst v63  }
0x81: {  	_ =	swait.ge [sflag:s10], $0x4000  }
0x82: {  	[sflag:s10] =	ssyncset.done $0x0  }
0x83: {  	s9 =	rddreg [dreg:$0x12];
	[sflag:s10] =	ssyncadd.s32 $0xFFFFC000  }
0x84: {  	[tilespmem:s13], [sflag:$0x1] =	stream.indirect.gather [hbm4b:s4+s12], $0x80, s9, s12, $0xb8;
	[tilespmem:$0x1D000] =	vst v63  }
0x85: {  	s7 =	rddreg [dreg:$0x13]  }
0x86: {  	[tilespmem:s14], [sflag:$0x2] =	stream.indirect.gather [hbm4b:s4+s12], $0x80, s7, s12, $0xb8;
	[tilespmem:$0x1D000] =	vst v63  }
0x87: {  	_ =	swait.ge [sflag:s20], $0x2000  }
0x88: {  	[sflag:s20] =	ssyncset.done $0x0  }
0x89: {  	[sflag:s20] =	ssyncadd.s32 $0xFFFFE000  }
0x8a: {  	_ =	swait.ge [sflag:s21], $0x2000  }
0x8b: {  	[sflag:s21] =	ssyncset.done $0x0  }
0x8c: {  	s8 =	rddreg [dreg:$0x14];
	[sflag:s21] =	ssyncadd.s32 $0xFFFFE000  }
0x8d: {  	[spmem:s2] =	stream.indirect.scatter.add.f32 [tilespmem:s16], [sflag:$0x5], $0x80, s8, s15, $0xb8;
	[tilespmem:$0x1D000] =	vst v63  }
0x8e: {  	_ =	swait.ge [sflag:s10], $0x4000  }
0x8f: {  	[sflag:s10] =	ssyncset.done $0x0  }
0x90: {  	s9 =	rddreg [dreg:$0x15];
	[sflag:s10] =	ssyncadd.s32 $0xFFFFC000  }
0x91: {  	[tilespmem:s16], [sflag:$0x3] =	stream.indirect.gather [hbm4b:s4+s12], $0x80, s9, s12, $0xb8;
	[tilespmem:$0x1D000] =	vst v63  }
0x92: {  	s7 =	rddreg [dreg:$0x16]  }
0x93: {  	[tilespmem:s17], [sflag:$0x4] =	stream.indirect.gather [hbm4b:s4+s12], $0x80, s7, s12, $0xb8;
	[tilespmem:$0x1D000] =	vst v63  }
0x94: {  	_ =	swait.ge [sflag:s18], $0x2000  }
0x95: {  	[sflag:s18] =	ssyncset.done $0x0  }
0x96: {  	[sflag:s18] =	ssyncadd.s32 $0xFFFFE000  }
0x97: {  	_ =	swait.ge [sflag:s19], $0x2000  }
0x98: {  	[sflag:s19] =	ssyncset.done $0x0  }
0x99: {  	s8 =	rddreg [dreg:$0x17];
	[sflag:s19] =	ssyncadd.s32 $0xFFFFE000  }
0x9a: {  	[spmem:s2] =	stream.indirect.scatter.add.f32 [tilespmem:s13], [sflag:$0x5], $0x80, s8, s15, $0xb8;
	[tilespmem:$0x1D000] =	vst v63  }
0x9b: {  	_ =	swait.ge [sflag:s10], $0x4000  }
0x9c: {  	[sflag:s10] =	ssyncset.done $0x0  }
0x9d: {  	s9 =	rddreg [dreg:$0x18];
	[sflag:s10] =	ssyncadd.s32 $0xFFFFC000  }
0x9e: {  	[tilespmem:s13], [sflag:$0x1] =	stream.indirect.gather [hbm4b:s4+s12], $0x80, s9, s12, $0xb8;
	[tilespmem:$0x1D000] =	vst v63  }
0x9f: {  	s7 =	rddreg [dreg:$0x19]  }
0xa0: {  	[tilespmem:s14], [sflag:$0x2] =	stream.indirect.gather [hbm4b:s4+s12], $0x80, s7, s12, $0xb8;
	[tilespmem:$0x1D000] =	vst v63  }
0xa1: {  	_ =	swait.ge [sflag:s20], $0x2000  }
0xa2: {  	[sflag:s20] =	ssyncset.done $0x0  }
0xa3: {  	[sflag:s20] =	ssyncadd.s32 $0xFFFFE000  }
0xa4: {  	_ =	swait.ge [sflag:s21], $0x2000  }
0xa5: {  	[sflag:s21] =	ssyncset.done $0x0  }
0xa6: {  	s8 =	rddreg [dreg:$0x1a];
	[sflag:s21] =	ssyncadd.s32 $0xFFFFE000  }
0xa7: {  	[spmem:s2] =	stream.indirect.scatter.add.f32 [tilespmem:s16], [sflag:$0x5], $0x80, s8, s15, $0xb8;
	[tilespmem:$0x1D000] =	vst v63  }
0xa8: {  	_ =	swait.ge [sflag:s10], $0x4000  }
0xa9: {  	[sflag:s10] =	ssyncset.done $0x0  }
0xaa: {  	s9 =	rddreg [dreg:$0x1b];
	[sflag:s10] =	ssyncadd.s32 $0xFFFFC000  }
0xab: {  	[tilespmem:s16], [sflag:$0x3] =	stream.indirect.gather [hbm4b:s4+s12], $0x80, s9, s12, $0xb8;
	[tilespmem:$0x1D000] =	vst v63  }
0xac: {  	s7 =	rddreg [dreg:$0x1c]  }
0xad: {  	[tilespmem:s17], [sflag:$0x4] =	stream.indirect.gather [hbm4b:s4+s12], $0x80, s7, s12, $0xb8;
	[tilespmem:$0x1D000] =	vst v63  }
0xae: {  	_ =	swait.ge [sflag:s18], $0x2000  }
0xaf: {  	[sflag:s18] =	ssyncset.done $0x0  }
0xb0: {  	[sflag:s18] =	ssyncadd.s32 $0xFFFFE000  }
0xb1: {  	_ =	swait.ge [sflag:s19], $0x2000  }
0xb2: {  	[sflag:s19] =	ssyncset.done $0x0  }
0xb3: {  	s8 =	rddreg [dreg:$0x1d];
	[sflag:s19] =	ssyncadd.s32 $0xFFFFE000  }
0xb4: {  	[spmem:s2] =	stream.indirect.scatter.add.f32 [tilespmem:s13], [sflag:$0x5], $0x80, s8, s15, $0xb8;
	[tilespmem:$0x1D000] =	vst v63  }
0xb5: {  	_ =	swait.ge [sflag:s10], $0x4000  }
0xb6: {  	[sflag:s10] =	ssyncset.done $0x0  }
0xb7: {  	s9 =	rddreg [dreg:$0x1e];
	[sflag:s10] =	ssyncadd.s32 $0xFFFFC000  }
0xb8: {  	[tilespmem:s13], [sflag:$0x1] =	stream.indirect.gather [hbm4b:s4+s12], $0x80, s9, s12, $0xb8;
	[tilespmem:$0x1D000] =	vst v63  }
0xb9: {  	s7 =	rddreg [dreg:$0x1f]  }
0xba: {  	[tilespmem:s14], [sflag:$0x2] =	stream.indirect.gather [hbm4b:s4+s12], $0x80, s7, s12, $0xb8;
	[tilespmem:$0x1D000] =	vst v63  }
0xbb: {  	_ =	swait.ge [sflag:s20], $0x2000  }
0xbc: {  	[sflag:s20] =	ssyncset.done $0x0  }
0xbd: {  	[sflag:s20] =	ssyncadd.s32 $0xFFFFE000  }
0xbe: {  	_ =	swait.ge [sflag:s21], $0x2000  }
0xbf: {  	s8 =	sld [smem:$0x7F7]  }
0xc0: {  	[sflag:s21] =	ssyncset.done $0x0  }
0xc1: {  	[sflag:s21] =	ssyncadd.s32 $0xFFFFE000  }
0xc2: {  	[spmem:s2] =	stream.indirect.scatter.add.f32 [tilespmem:s16], [sflag:$0x5], $0x80, s8, s15, $0xb8;
	[tilespmem:$0x1D000] =	vst v63  }
0xc3: {  	_ =	swait.ge [sflag:s10], $0x4000  }
0xc4: {  	s9 =	sld [smem:$0x7F8]  }
0xc5: {  	[sflag:s10] =	ssyncset.done $0x0  }
0xc6: {  	s7 =	sld [smem:$0x7F9];
	[sflag:s10] =	ssyncadd.s32 $0xFFFFC000  }
0xc7: {  	[tilespmem:s16], [sflag:$0x3] =	stream.indirect.gather [hbm4b:s4+s12], $0x80, s9, s12, $0xb8;
	[tilespmem:$0x1D000] =	vst v63  }
0xc8: {  	_ = 	snop  }
0xc9: {  	[tilespmem:s17], [sflag:$0x4] =	stream.indirect.gather [hbm4b:s4+s12], $0x80, s7, s12, $0xb8;
	[tilespmem:$0x1D000] =	vst v63  }
0xca: {  	_ =	swait.ge [sflag:s18], $0x2000  }
0xcb: {  	[sflag:s18] =	ssyncset.done $0x0  }
0xcc: {  	[sflag:s18] =	ssyncadd.s32 $0xFFFFE000  }
0xcd: {  	_ =	swait.ge [sflag:s19], $0x2000  }
0xce: {  	s8 =	sld [smem:$0x7FA]  }
0xcf: {  	[sflag:s19] =	ssyncset.done $0x0  }
0xd0: {  	[sflag:s19] =	ssyncadd.s32 $0xFFFFE000  }
0xd1: {  	[spmem:s2] =	stream.indirect.scatter.add.f32 [tilespmem:s13], [sflag:$0x5], $0x80, s8, s15, $0xb8;
	[tilespmem:$0x1D000] =	vst v63  }
0xd2: {  	_ =	swait.ge [sflag:s10], $0x4000  }
0xd3: {  	s9 =	sld [smem:$0x7FB]  }
0xd4: {  	[sflag:s10] =	ssyncset.done $0x0  }
0xd5: {  	[sflag:s10] =	ssyncadd.s32 $0xFFFFC000  }
0xd6: {  	[tilespmem:s13], [sflag:$0x1] =	stream.indirect.gather [hbm4b:s4+s12], $0x80, s9, s12, $0xb8;
	[tilespmem:$0x1D000] =	vst v63  }
0xd7: {  	_ = 	snop  }
0xd8: {  	[tilespmem:s14], [sflag:$0x2] =	stream.indirect.gather [hbm4b:s4+s12], $0x80, s22, s12, $0xb8;
	[tilespmem:$0x1D000] =	vst v63  }
0xd9: {  	_ =	swait.ge [sflag:s20], $0x2000  }
0xda: {  	[sflag:s20] =	ssyncset.done $0x0  }
0xdb: {  	[sflag:s20] =	ssyncadd.s32 $0xFFFFE000  }
0xdc: {  	_ =	swait.ge [sflag:s21], $0x2000  }
0xdd: {  	[sflag:s21] =	ssyncset.done $0x0  }
0xde: {  	[sflag:s21] =	ssyncadd.s32 $0xFFFFE000  }
0xdf: {  	[spmem:s2] =	stream.indirect.scatter.add.f32 [tilespmem:s16], [sflag:$0x5], $0x80, s23, s15, $0xb8;
	[tilespmem:$0x1D000] =	vst v63  }
0xe0: {  	_ =	swait.ge [sflag:s10], $0x4000  }
0xe1: {  	[sflag:s10] =	ssyncset.done $0x0  }
0xe2: {  	[sflag:s10] =	ssyncadd.s32 $0xFFFFC000  }
0xe3: {  	[tilespmem:s16], [sflag:$0x3] =	stream.indirect.gather [hbm4b:s4+s12], $0x80, s24, s12, $0xb8;
	[tilespmem:$0x1D000] =	vst v63  }
0xe4: {  	_ = 	snop  }
0xe5: {  	[tilespmem:s17], [sflag:$0x4] =	stream.indirect.gather [hbm4b:s4+s12], $0x80, s25, s12, $0xb8;
	[tilespmem:$0x1D000] =	vst v63  }
0xe6: {  	_ =	swait.ge [sflag:s18], $0x2000  }
0xe7: {  	[sflag:s18] =	ssyncset.done $0x0  }
0xe8: {  	[sflag:s18] =	ssyncadd.s32 $0xFFFFE000  }
0xe9: {  	_ =	swait.ge [sflag:s19], $0x2000  }
0xea: {  	[sflag:s19] =	ssyncset.done $0x0  }
0xeb: {  	[sflag:s19] =	ssyncadd.s32 $0xFFFFE000  }
0xec: {  	[spmem:s2] =	stream.indirect.scatter.add.f32 [tilespmem:s13], [sflag:$0x5], $0x80, s26, s15, $0xb8;
	[tilespmem:$0x1D000] =	vst v63  }
0xed: {  	_ =	swait.ge [sflag:s10], $0x4000  }
0xee: {  	[sflag:s10] =	ssyncset.done $0x0  }
0xef: {  	[sflag:s10] =	ssyncadd.s32 $0xFFFFC000  }
0xf0: {  	[tilespmem:s13], [sflag:$0x1] =	stream.indirect.gather [hbm4b:s4+s12], $0x80, s28, s12, $0xb8;
	[tilespmem:$0x1D000] =	vst v63  }
0xf1: {  	_ = 	snop  }
0xf2: {  	[tilespmem:s14], [sflag:$0x2] =	stream.indirect.gather [hbm4b:s4+s12], $0x80, s29, s12, $0xb8;
	[tilespmem:$0x1D000] =	vst v63  }
0xf3: {  	_ =	swait.ge [sflag:s20], $0x2000  }
0xf4: {  	[sflag:s20] =	ssyncset.done $0x0  }
0xf5: {  	[sflag:s20] =	ssyncadd.s32 $0xFFFFE000  }
0xf6: {  	_ =	swait.ge [sflag:s21], $0x2000  }
0xf7: {  	[sflag:s21] =	ssyncset.done $0x0  }
0xf8: {  	[sflag:s21] =	ssyncadd.s32 $0xFFFFE000  }
0xf9: {  	[spmem:s2] =	stream.indirect.scatter.add.f32 [tilespmem:s16], [sflag:$0x5], $0x80, s30, s15, $0xb8;
	[tilespmem:$0x1D000] =	vst v63  }
0xfa: {  	_ =	swait.ge [sflag:s10], $0x4000  }
0xfb: {  	[sflag:s10] =	ssyncset.done $0x0  }
0xfc: {  	[sflag:s10] =	ssyncadd.s32 $0xFFFFC000  }
0xfd: {  	[tilespmem:s16], [sflag:$0x3] =	stream.indirect.gather [hbm4b:s4+s12], $0x80, s31, s12, $0xb8;
	[tilespmem:$0x1D000] =	vst v63  }
0xfe: {  	_ = 	snop  }
0xff: {  	[tilespmem:s17], [sflag:$0x4] =	stream.indirect.gather [hbm4b:s4+s12], $0x80, s1, s12, $0xb8;
	[tilespmem:$0x1D000] =	vst v63  }
0x100: {  	_ =	swait.ge [sflag:s18], $0x2000  }
0x101: {  	[sflag:s18] =	ssyncset.done $0x0  }
0x102: {  	[sflag:s18] =	ssyncadd.s32 $0xFFFFE000  }
0x103: {  	_ =	swait.ge [sflag:s19], $0x2000  }
0x104: {  	[sflag:s19] =	ssyncset.done $0x0  }
0x105: {  	[sflag:s19] =	ssyncadd.s32 $0xFFFFE000  }
0x106: {  	[spmem:s2] =	stream.indirect.scatter.add.f32 [tilespmem:s13], [sflag:$0x5], $0x80, s0, s15, $0xb8;
	[tilespmem:$0x1D000] =	vst v63  }
0x107: {  	_ =	swait.ge [sflag:s10], $0x4000  }
0x108: {  	[sflag:s10] =	ssyncset.done $0x0  }
0x109: {  	[sflag:s10] =	ssyncadd.s32 $0xFFFFC000  }
0x10a: {  	_ =	swait.ge [sflag:s20], $0x2000  }
0x10b: {  	[sflag:s20] =	ssyncset.done $0x0  }
0x10c: {  	[sflag:s20] =	ssyncadd.s32 $0xFFFFE000  }
0x10d: {  	_ =	swait.ge [sflag:s21], $0x2000  }
0x10e: {  	[sflag:s21] =	ssyncset.done $0x0  }
0x10f: {  	[sflag:s21] =	ssyncadd.s32 $0xFFFFE000  }
0x110: {  	[spmem:s2] =	stream.indirect.scatter.add.f32 [tilespmem:s16], [sflag:$0x5], $0x80, s5, s15, $0xb8;
	[tilespmem:$0x1D000] =	vst v63  }
0x111: {  	s6 =	simm.s32 $0x200;
	_ =	swait.ge [sflag:s10], $0x4000  }
0x112: {  	s8 =	simm.s32 $0x100;
	s9 =	rddreg [dreg:$0x4];
	[sflag:s10] =	ssyncset.done $0x0  }
.LBB2_2:
0x113: {  	[sflag:s10] =	ssyncadd.s32 $0xFFFFC000;
	s9 =	sadd.s32 s8, s9  }
0x114: {  	[tilespmem:s3], [sflag:$0x5] =	stream.linear.gather [hbm4b:s9+s3], $0x800, $0x38;
	[tilespmem:$0x1D000] =	vst v63  }
0x115: {  	_ =	swait.ge [sflag:s10], $0x800  }
0x116: {  	s9 =	rddreg [dreg:$0x3];
	[sflag:s10] =	ssyncset.done $0x0  }
0x117: {  	[sflag:s10] =	ssyncadd.s32 $0xFFFFF800;
	s9 =	sadd.s32 s8, s9  }
0x118: {  	[tilespmem:s11], [sflag:$0x5] =	stream.linear.gather [hbm4b:s9+s3], $0x800, $0x38;
	[tilespmem:$0x1D000] =	vst v63  }
0x119: {  	_ =	swait.ge [sflag:s10], $0x800  }
0x11a: {  	[sflag:s10] =	ssyncset.done $0x0  }
0x11b: {  	[sflag:s10] =	ssyncadd.s32 $0xFFFFF800  }
0x11c: {  	[tilespmem:s13], [sflag:$0x1] =	stream.indirect.gather [hbm4b:s4+s12], $0x80, s3, s12, $0xb8;
	[tilespmem:$0x1D000] =	vst v63  }
0x11d: {  	_ = 	snop  }
0x11e: {  	[tilespmem:s14], [sflag:$0x2] =	stream.indirect.gather [hbm4b:s4+s12], $0x80, s12, s12, $0xb8;
	[tilespmem:$0x1D000] =	vst v63  }
0x11f: {  	_ = 	snop  }
0x120: {  	[tilespmem:s16], [sflag:$0x3] =	stream.indirect.gather [hbm4b:s4+s12], $0x80, s15, s12, $0xb8;
	[tilespmem:$0x1D000] =	vst v63  }
0x121: {  	s9 =	rddreg [dreg:$0x5]  }
0x122: {  	[tilespmem:s17], [sflag:$0x4] =	stream.indirect.gather [hbm4b:s4+s12], $0x80, s9, s12, $0xb8;
	[tilespmem:$0x1D000] =	vst v63  }
0x123: {  	_ =	swait.ge [sflag:s18], $0x2000  }
0x124: {  	[sflag:s18] =	ssyncset.done $0x0  }
0x125: {  	[sflag:s18] =	ssyncadd.s32 $0xFFFFE000  }
0x126: {  	_ =	swait.ge [sflag:s19], $0x2000  }
0x127: {  	[sflag:s19] =	ssyncset.done $0x0  }
0x128: {  	[sflag:s19] =	ssyncadd.s32 $0xFFFFE000  }
0x129: {  	[spmem:s2] =	stream.indirect.scatter.add.f32 [tilespmem:s13], [sflag:$0x5], $0x80, s11, s15, $0xb8;
	[tilespmem:$0x1D000] =	vst v63  }
0x12a: {  	_ =	swait.ge [sflag:s10], $0x4000  }
0x12b: {  	s7 =	smov.u32 s6;
	[sflag:s10] =	ssyncset.done $0x0  }
0x12c: {  	s8 =	smov.u32 s7;
	s7 =	rddreg [dreg:$0x6];
	[sflag:s10] =	ssyncadd.s32 $0xFFFFC000  }
0x12d: {  	[tilespmem:s13], [sflag:$0x1] =	stream.indirect.gather [hbm4b:s4+s12], $0x80, s7, s12, $0xb8;
	[tilespmem:$0x1D000] =	vst v63  }
0x12e: {  	s9 =	rddreg [dreg:$0x7]  }
0x12f: {  	[tilespmem:s14], [sflag:$0x2] =	stream.indirect.gather [hbm4b:s4+s12], $0x80, s9, s12, $0xb8;
	[tilespmem:$0x1D000] =	vst v63  }
0x130: {  	_ =	swait.ge [sflag:s20], $0x2000  }
0x131: {  	[sflag:s20] =	ssyncset.done $0x0  }
0x132: {  	[sflag:s20] =	ssyncadd.s32 $0xFFFFE000  }
0x133: {  	_ =	swait.ge [sflag:s21], $0x2000  }
0x134: {  	[sflag:s21] =	ssyncset.done $0x0  }
0x135: {  	s9 =	rddreg [dreg:$0x8];
	[sflag:s21] =	ssyncadd.s32 $0xFFFFE000  }
0x136: {  	[spmem:s2] =	stream.indirect.scatter.add.f32 [tilespmem:s16], [sflag:$0x5], $0x80, s9, s15, $0xb8;
	[tilespmem:$0x1D000] =	vst v63  }
0x137: {  	_ =	swait.ge [sflag:s10], $0x4000  }
0x138: {  	[sflag:s10] =	ssyncset.done $0x0  }
0x139: {  	s7 =	rddreg [dreg:$0x9];
	[sflag:s10] =	ssyncadd.s32 $0xFFFFC000  }
0x13a: {  	[tilespmem:s16], [sflag:$0x3] =	stream.indirect.gather [hbm4b:s4+s12], $0x80, s7, s12, $0xb8;
	[tilespmem:$0x1D000] =	vst v63  }
0x13b: {  	s9 =	rddreg [dreg:$0xa]  }
0x13c: {  	[tilespmem:s17], [sflag:$0x4] =	stream.indirect.gather [hbm4b:s4+s12], $0x80, s9, s12, $0xb8;
	[tilespmem:$0x1D000] =	vst v63  }
0x13d: {  	_ =	swait.ge [sflag:s18], $0x2000  }
0x13e: {  	[sflag:s18] =	ssyncset.done $0x0  }
0x13f: {  	[sflag:s18] =	ssyncadd.s32 $0xFFFFE000  }
0x140: {  	_ =	swait.ge [sflag:s19], $0x2000  }
0x141: {  	[sflag:s19] =	ssyncset.done $0x0  }
0x142: {  	s9 =	rddreg [dreg:$0xb];
	[sflag:s19] =	ssyncadd.s32 $0xFFFFE000  }
0x143: {  	[spmem:s2] =	stream.indirect.scatter.add.f32 [tilespmem:s13], [sflag:$0x5], $0x80, s9, s15, $0xb8;
	[tilespmem:$0x1D000] =	vst v63  }
0x144: {  	_ =	swait.ge [sflag:s10], $0x4000  }
0x145: {  	[sflag:s10] =	ssyncset.done $0x0  }
0x146: {  	s7 =	rddreg [dreg:$0xc];
	[sflag:s10] =	ssyncadd.s32 $0xFFFFC000  }
0x147: {  	[tilespmem:s13], [sflag:$0x1] =	stream.indirect.gather [hbm4b:s4+s12], $0x80, s7, s12, $0xb8;
	[tilespmem:$0x1D000] =	vst v63  }
0x148: {  	s9 =	rddreg [dreg:$0xd]  }
0x149: {  	[tilespmem:s14], [sflag:$0x2] =	stream.indirect.gather [hbm4b:s4+s12], $0x80, s9, s12, $0xb8;
	[tilespmem:$0x1D000] =	vst v63  }
0x14a: {  	_ =	swait.ge [sflag:s20], $0x2000  }
0x14b: {  	[sflag:s20] =	ssyncset.done $0x0  }
0x14c: {  	[sflag:s20] =	ssyncadd.s32 $0xFFFFE000  }
0x14d: {  	_ =	swait.ge [sflag:s21], $0x2000  }
0x14e: {  	[sflag:s21] =	ssyncset.done $0x0  }
0x14f: {  	s9 =	rddreg [dreg:$0xe];
	[sflag:s21] =	ssyncadd.s32 $0xFFFFE000  }
0x150: {  	[spmem:s2] =	stream.indirect.scatter.add.f32 [tilespmem:s16], [sflag:$0x5], $0x80, s9, s15, $0xb8;
	[tilespmem:$0x1D000] =	vst v63  }
0x151: {  	_ =	swait.ge [sflag:s10], $0x4000  }
0x152: {  	[sflag:s10] =	ssyncset.done $0x0  }
0x153: {  	s7 =	rddreg [dreg:$0xf];
	[sflag:s10] =	ssyncadd.s32 $0xFFFFC000  }
0x154: {  	[tilespmem:s16], [sflag:$0x3] =	stream.indirect.gather [hbm4b:s4+s12], $0x80, s7, s12, $0xb8;
	[tilespmem:$0x1D000] =	vst v63  }
0x155: {  	s9 =	rddreg [dreg:$0x10]  }
0x156: {  	[tilespmem:s17], [sflag:$0x4] =	stream.indirect.gather [hbm4b:s4+s12], $0x80, s9, s12, $0xb8;
	[tilespmem:$0x1D000] =	vst v63  }
0x157: {  	_ =	swait.ge [sflag:s18], $0x2000  }
0x158: {  	[sflag:s18] =	ssyncset.done $0x0  }
0x159: {  	[sflag:s18] =	ssyncadd.s32 $0xFFFFE000  }
0x15a: {  	_ =	swait.ge [sflag:s19], $0x2000  }
0x15b: {  	[sflag:s19] =	ssyncset.done $0x0  }
0x15c: {  	s9 =	rddreg [dreg:$0x11];
	[sflag:s19] =	ssyncadd.s32 $0xFFFFE000  }
0x15d: {  	[spmem:s2] =	stream.indirect.scatter.add.f32 [tilespmem:s13], [sflag:$0x5], $0x80, s9, s15, $0xb8;
	[tilespmem:$0x1D000] =	vst v63  }
0x15e: {  	_ =	swait.ge [sflag:s10], $0x4000  }
0x15f: {  	[sflag:s10] =	ssyncset.done $0x0  }
0x160: {  	s7 =	rddreg [dreg:$0x12];
	[sflag:s10] =	ssyncadd.s32 $0xFFFFC000  }
0x161: {  	[tilespmem:s13], [sflag:$0x1] =	stream.indirect.gather [hbm4b:s4+s12], $0x80, s7, s12, $0xb8;
	[tilespmem:$0x1D000] =	vst v63  }
0x162: {  	s9 =	rddreg [dreg:$0x13]  }
0x163: {  	[tilespmem:s14], [sflag:$0x2] =	stream.indirect.gather [hbm4b:s4+s12], $0x80, s9, s12, $0xb8;
	[tilespmem:$0x1D000] =	vst v63  }
0x164: {  	_ =	swait.ge [sflag:s20], $0x2000  }
0x165: {  	[sflag:s20] =	ssyncset.done $0x0  }
0x166: {  	[sflag:s20] =	ssyncadd.s32 $0xFFFFE000  }
0x167: {  	_ =	swait.ge [sflag:s21], $0x2000  }
0x168: {  	[sflag:s21] =	ssyncset.done $0x0  }
0x169: {  	s9 =	rddreg [dreg:$0x14];
	[sflag:s21] =	ssyncadd.s32 $0xFFFFE000  }
0x16a: {  	[spmem:s2] =	stream.indirect.scatter.add.f32 [tilespmem:s16], [sflag:$0x5], $0x80, s9, s15, $0xb8;
	[tilespmem:$0x1D000] =	vst v63  }
0x16b: {  	_ =	swait.ge [sflag:s10], $0x4000  }
0x16c: {  	[sflag:s10] =	ssyncset.done $0x0  }
0x16d: {  	s7 =	rddreg [dreg:$0x15];
	[sflag:s10] =	ssyncadd.s32 $0xFFFFC000  }
0x16e: {  	[tilespmem:s16], [sflag:$0x3] =	stream.indirect.gather [hbm4b:s4+s12], $0x80, s7, s12, $0xb8;
	[tilespmem:$0x1D000] =	vst v63  }
0x16f: {  	s9 =	rddreg [dreg:$0x16]  }
0x170: {  	[tilespmem:s17], [sflag:$0x4] =	stream.indirect.gather [hbm4b:s4+s12], $0x80, s9, s12, $0xb8;
	[tilespmem:$0x1D000] =	vst v63  }
0x171: {  	_ =	swait.ge [sflag:s18], $0x2000  }
0x172: {  	[sflag:s18] =	ssyncset.done $0x0  }
0x173: {  	[sflag:s18] =	ssyncadd.s32 $0xFFFFE000  }
0x174: {  	_ =	swait.ge [sflag:s19], $0x2000  }
0x175: {  	[sflag:s19] =	ssyncset.done $0x0  }
0x176: {  	s9 =	rddreg [dreg:$0x17];
	[sflag:s19] =	ssyncadd.s32 $0xFFFFE000  }
0x177: {  	[spmem:s2] =	stream.indirect.scatter.add.f32 [tilespmem:s13], [sflag:$0x5], $0x80, s9, s15, $0xb8;
	[tilespmem:$0x1D000] =	vst v63  }
0x178: {  	_ =	swait.ge [sflag:s10], $0x4000  }
0x179: {  	[sflag:s10] =	ssyncset.done $0x0  }
0x17a: {  	s7 =	rddreg [dreg:$0x18];
	[sflag:s10] =	ssyncadd.s32 $0xFFFFC000  }
0x17b: {  	[tilespmem:s13], [sflag:$0x1] =	stream.indirect.gather [hbm4b:s4+s12], $0x80, s7, s12, $0xb8;
	[tilespmem:$0x1D000] =	vst v63  }
0x17c: {  	s9 =	rddreg [dreg:$0x19]  }
0x17d: {  	[tilespmem:s14], [sflag:$0x2] =	stream.indirect.gather [hbm4b:s4+s12], $0x80, s9, s12, $0xb8;
	[tilespmem:$0x1D000] =	vst v63  }
0x17e: {  	_ =	swait.ge [sflag:s20], $0x2000  }
0x17f: {  	[sflag:s20] =	ssyncset.done $0x0  }
0x180: {  	[sflag:s20] =	ssyncadd.s32 $0xFFFFE000  }
0x181: {  	_ =	swait.ge [sflag:s21], $0x2000  }
0x182: {  	[sflag:s21] =	ssyncset.done $0x0  }
0x183: {  	s9 =	rddreg [dreg:$0x1a];
	[sflag:s21] =	ssyncadd.s32 $0xFFFFE000  }
0x184: {  	[spmem:s2] =	stream.indirect.scatter.add.f32 [tilespmem:s16], [sflag:$0x5], $0x80, s9, s15, $0xb8;
	[tilespmem:$0x1D000] =	vst v63  }
0x185: {  	_ =	swait.ge [sflag:s10], $0x4000  }
0x186: {  	[sflag:s10] =	ssyncset.done $0x0  }
0x187: {  	s7 =	rddreg [dreg:$0x1b];
	[sflag:s10] =	ssyncadd.s32 $0xFFFFC000  }
0x188: {  	[tilespmem:s16], [sflag:$0x3] =	stream.indirect.gather [hbm4b:s4+s12], $0x80, s7, s12, $0xb8;
	[tilespmem:$0x1D000] =	vst v63  }
0x189: {  	s9 =	rddreg [dreg:$0x1c]  }
0x18a: {  	[tilespmem:s17], [sflag:$0x4] =	stream.indirect.gather [hbm4b:s4+s12], $0x80, s9, s12, $0xb8;
	[tilespmem:$0x1D000] =	vst v63  }
0x18b: {  	_ =	swait.ge [sflag:s18], $0x2000  }
0x18c: {  	[sflag:s18] =	ssyncset.done $0x0  }
0x18d: {  	[sflag:s18] =	ssyncadd.s32 $0xFFFFE000  }
0x18e: {  	_ =	swait.ge [sflag:s19], $0x2000  }
0x18f: {  	[sflag:s19] =	ssyncset.done $0x0  }
0x190: {  	s9 =	rddreg [dreg:$0x1d];
	[sflag:s19] =	ssyncadd.s32 $0xFFFFE000  }
0x191: {  	[spmem:s2] =	stream.indirect.scatter.add.f32 [tilespmem:s13], [sflag:$0x5], $0x80, s9, s15, $0xb8;
	[tilespmem:$0x1D000] =	vst v63  }
0x192: {  	_ =	swait.ge [sflag:s10], $0x4000  }
0x193: {  	[sflag:s10] =	ssyncset.done $0x0  }
0x194: {  	s7 =	rddreg [dreg:$0x1e];
	[sflag:s10] =	ssyncadd.s32 $0xFFFFC000  }
0x195: {  	[tilespmem:s13], [sflag:$0x1] =	stream.indirect.gather [hbm4b:s4+s12], $0x80, s7, s12, $0xb8;
	[tilespmem:$0x1D000] =	vst v63  }
0x196: {  	s9 =	rddreg [dreg:$0x1f]  }
0x197: {  	[tilespmem:s14], [sflag:$0x2] =	stream.indirect.gather [hbm4b:s4+s12], $0x80, s9, s12, $0xb8;
	[tilespmem:$0x1D000] =	vst v63  }
0x198: {  	_ =	swait.ge [sflag:s20], $0x2000  }
0x199: {  	[sflag:s20] =	ssyncset.done $0x0  }
0x19a: {  	[sflag:s20] =	ssyncadd.s32 $0xFFFFE000  }
0x19b: {  	_ =	swait.ge [sflag:s21], $0x2000  }
0x19c: {  	s9 =	sld [smem:$0x7F7]  }
0x19d: {  	[sflag:s21] =	ssyncset.done $0x0  }
0x19e: {  	[sflag:s21] =	ssyncadd.s32 $0xFFFFE000  }
0x19f: {  	[spmem:s2] =	stream.indirect.scatter.add.f32 [tilespmem:s16], [sflag:$0x5], $0x80, s9, s15, $0xb8;
	[tilespmem:$0x1D000] =	vst v63  }
0x1a0: {  	_ =	swait.ge [sflag:s10], $0x4000  }
0x1a1: {  	s7 =	sld [smem:$0x7F8]  }
0x1a2: {  	[sflag:s10] =	ssyncset.done $0x0  }
0x1a3: {  	s9 =	sld [smem:$0x7F9];
	[sflag:s10] =	ssyncadd.s32 $0xFFFFC000  }
0x1a4: {  	[tilespmem:s16], [sflag:$0x3] =	stream.indirect.gather [hbm4b:s4+s12], $0x80, s7, s12, $0xb8;
	[tilespmem:$0x1D000] =	vst v63  }
0x1a5: {  	_ = 	snop  }
0x1a6: {  	[tilespmem:s17], [sflag:$0x4] =	stream.indirect.gather [hbm4b:s4+s12], $0x80, s9, s12, $0xb8;
	[tilespmem:$0x1D000] =	vst v63  }
0x1a7: {  	_ =	swait.ge [sflag:s18], $0x2000  }
0x1a8: {  	[sflag:s18] =	ssyncset.done $0x0  }
0x1a9: {  	[sflag:s18] =	ssyncadd.s32 $0xFFFFE000  }
0x1aa: {  	_ =	swait.ge [sflag:s19], $0x2000  }
0x1ab: {  	s9 =	sld [smem:$0x7FA]  }
0x1ac: {  	[sflag:s19] =	ssyncset.done $0x0  }
0x1ad: {  	[sflag:s19] =	ssyncadd.s32 $0xFFFFE000  }
0x1ae: {  	[spmem:s2] =	stream.indirect.scatter.add.f32 [tilespmem:s13], [sflag:$0x5], $0x80, s9, s15, $0xb8;
	[tilespmem:$0x1D000] =	vst v63  }
0x1af: {  	_ =	swait.ge [sflag:s10], $0x4000  }
0x1b0: {  	s9 =	sld [smem:$0x7FB]  }
0x1b1: {  	[sflag:s10] =	ssyncset.done $0x0  }
0x1b2: {  	[sflag:s10] =	ssyncadd.s32 $0xFFFFC000  }
0x1b3: {  	[tilespmem:s13], [sflag:$0x1] =	stream.indirect.gather [hbm4b:s4+s12], $0x80, s9, s12, $0xb8;
	[tilespmem:$0x1D000] =	vst v63  }
0x1b4: {  	_ = 	snop  }
0x1b5: {  	[tilespmem:s14], [sflag:$0x2] =	stream.indirect.gather [hbm4b:s4+s12], $0x80, s22, s12, $0xb8;
	[tilespmem:$0x1D000] =	vst v63  }
0x1b6: {  	_ =	swait.ge [sflag:s20], $0x2000  }
0x1b7: {  	[sflag:s20] =	ssyncset.done $0x0  }
0x1b8: {  	[sflag:s20] =	ssyncadd.s32 $0xFFFFE000  }
0x1b9: {  	_ =	swait.ge [sflag:s21], $0x2000  }
0x1ba: {  	[sflag:s21] =	ssyncset.done $0x0  }
0x1bb: {  	[sflag:s21] =	ssyncadd.s32 $0xFFFFE000  }
0x1bc: {  	[spmem:s2] =	stream.indirect.scatter.add.f32 [tilespmem:s16], [sflag:$0x5], $0x80, s23, s15, $0xb8;
	[tilespmem:$0x1D000] =	vst v63  }
0x1bd: {  	_ =	swait.ge [sflag:s10], $0x4000  }
0x1be: {  	[sflag:s10] =	ssyncset.done $0x0  }
0x1bf: {  	[sflag:s10] =	ssyncadd.s32 $0xFFFFC000  }
0x1c0: {  	[tilespmem:s16], [sflag:$0x3] =	stream.indirect.gather [hbm4b:s4+s12], $0x80, s24, s12, $0xb8;
	[tilespmem:$0x1D000] =	vst v63  }
0x1c1: {  	_ = 	snop  }
0x1c2: {  	[tilespmem:s17], [sflag:$0x4] =	stream.indirect.gather [hbm4b:s4+s12], $0x80, s25, s12, $0xb8;
	[tilespmem:$0x1D000] =	vst v63  }
0x1c3: {  	_ =	swait.ge [sflag:s18], $0x2000  }
0x1c4: {  	[sflag:s18] =	ssyncset.done $0x0  }
0x1c5: {  	[sflag:s18] =	ssyncadd.s32 $0xFFFFE000  }
0x1c6: {  	_ =	swait.ge [sflag:s19], $0x2000  }
0x1c7: {  	[sflag:s19] =	ssyncset.done $0x0  }
0x1c8: {  	[sflag:s19] =	ssyncadd.s32 $0xFFFFE000  }
0x1c9: {  	[spmem:s2] =	stream.indirect.scatter.add.f32 [tilespmem:s13], [sflag:$0x5], $0x80, s26, s15, $0xb8;
	[tilespmem:$0x1D000] =	vst v63  }
0x1ca: {  	_ =	swait.ge [sflag:s10], $0x4000  }
0x1cb: {  	[sflag:s10] =	ssyncset.done $0x0  }
0x1cc: {  	[sflag:s10] =	ssyncadd.s32 $0xFFFFC000  }
0x1cd: {  	[tilespmem:s13], [sflag:$0x1] =	stream.indirect.gather [hbm4b:s4+s12], $0x80, s28, s12, $0xb8;
	[tilespmem:$0x1D000] =	vst v63  }
0x1ce: {  	_ = 	snop  }
0x1cf: {  	[tilespmem:s14], [sflag:$0x2] =	stream.indirect.gather [hbm4b:s4+s12], $0x80, s29, s12, $0xb8;
	[tilespmem:$0x1D000] =	vst v63  }
0x1d0: {  	_ =	swait.ge [sflag:s20], $0x2000  }
0x1d1: {  	[sflag:s20] =	ssyncset.done $0x0  }
0x1d2: {  	[sflag:s20] =	ssyncadd.s32 $0xFFFFE000  }
0x1d3: {  	_ =	swait.ge [sflag:s21], $0x2000  }
0x1d4: {  	[sflag:s21] =	ssyncset.done $0x0  }
0x1d5: {  	[sflag:s21] =	ssyncadd.s32 $0xFFFFE000  }
0x1d6: {  	[spmem:s2] =	stream.indirect.scatter.add.f32 [tilespmem:s16], [sflag:$0x5], $0x80, s30, s15, $0xb8;
	[tilespmem:$0x1D000] =	vst v63  }
0x1d7: {  	_ =	swait.ge [sflag:s10], $0x4000  }
0x1d8: {  	[sflag:s10] =	ssyncset.done $0x0  }
0x1d9: {  	[sflag:s10] =	ssyncadd.s32 $0xFFFFC000  }
0x1da: {  	[tilespmem:s16], [sflag:$0x3] =	stream.indirect.gather [hbm4b:s4+s12], $0x80, s31, s12, $0xb8;
	[tilespmem:$0x1D000] =	vst v63  }
0x1db: {  	_ = 	snop  }
0x1dc: {  	[tilespmem:s17], [sflag:$0x4] =	stream.indirect.gather [hbm4b:s4+s12], $0x80, s1, s12, $0xb8;
	[tilespmem:$0x1D000] =	vst v63  }
0x1dd: {  	_ =	swait.ge [sflag:s18], $0x2000  }
0x1de: {  	[sflag:s18] =	ssyncset.done $0x0  }
0x1df: {  	[sflag:s18] =	ssyncadd.s32 $0xFFFFE000  }
0x1e0: {  	_ =	swait.ge [sflag:s19], $0x2000  }
0x1e1: {  	[sflag:s19] =	ssyncset.done $0x0  }
0x1e2: {  	[sflag:s19] =	ssyncadd.s32 $0xFFFFE000  }
0x1e3: {  	[spmem:s2] =	stream.indirect.scatter.add.f32 [tilespmem:s13], [sflag:$0x5], $0x80, s0, s15, $0xb8;
	[tilespmem:$0x1D000] =	vst v63  }
0x1e4: {  	_ =	swait.ge [sflag:s10], $0x4000  }
0x1e5: {  	[sflag:s10] =	ssyncset.done $0x0  }
0x1e6: {  	[sflag:s10] =	ssyncadd.s32 $0xFFFFC000  }
0x1e7: {  	_ =	swait.ge [sflag:s20], $0x2000  }
0x1e8: {  	[sflag:s20] =	ssyncset.done $0x0  }
0x1e9: {  	[sflag:s20] =	ssyncadd.s32 $0xFFFFE000  }
0x1ea: {  	p0 =	sne.s32 s6, $0x900;
	_ =	swait.ge [sflag:s21], $0x2000  }
.Ltmp0:
0x1eb: {  	[sflag:s21] =	ssyncset.done $0x0;
	(pc) =	sbr.rel @p0 .LBB2_2-.Ltmp0, $4  }
0x1ec: {  	[sflag:s21] =	ssyncadd.s32 $0xFFFFE000  }
0x1ed: {  	[spmem:s2] =	stream.indirect.scatter.add.f32 [tilespmem:s16], [sflag:$0x5], $0x80, s5, s15, $0xb8;
	[tilespmem:$0x1D000] =	vst v63  }
0x1ee: {  	_ =	swait.ge [sflag:s10], $0x4000  }
0x1ef: {  	s6 =	sadd.s32 $0x100, s6;
	s9 =	rddreg [dreg:$0x4];
	[sflag:s10] =	ssyncset.done $0x0  }
0x1f0: {  	[sflag:s10] =	ssyncadd.s32 $0xFFFFC000;
	s6 =	sadd.s32 s8, s9  }
0x1f1: {  	[tilespmem:s3], [sflag:$0x5] =	stream.linear.gather [hbm4b:s6+s3], $0x800, $0x38;
	[tilespmem:$0x1D000] =	vst v63  }
0x1f2: {  	_ =	swait.ge [sflag:s10], $0x800  }
0x1f3: {  	s7 =	rddreg [dreg:$0x3];
	[sflag:s10] =	ssyncset.done $0x0  }
0x1f4: {  	[sflag:s10] =	ssyncadd.s32 $0xFFFFF800;
	s6 =	sadd.s32 s8, s7  }
0x1f5: {  	[tilespmem:s11], [sflag:$0x5] =	stream.linear.gather [hbm4b:s6+s3], $0x800, $0x38;
	[tilespmem:$0x1D000] =	vst v63  }
0x1f6: {  	_ =	swait.ge [sflag:s10], $0x800  }
0x1f7: {  	[sflag:s10] =	ssyncset.done $0x0  }
0x1f8: {  	[sflag:s10] =	ssyncadd.s32 $0xFFFFF800  }
0x1f9: {  	[tilespmem:s13], [sflag:$0x1] =	stream.indirect.gather [hbm4b:s4+s12], $0x80, s3, s12, $0xb8;
	[tilespmem:$0x1D000] =	vst v63  }
0x1fa: {  	_ = 	snop  }
0x1fb: {  	[tilespmem:s14], [sflag:$0x2] =	stream.indirect.gather [hbm4b:s4+s12], $0x80, s12, s12, $0xb8;
	[tilespmem:$0x1D000] =	vst v63  }
0x1fc: {  	_ = 	snop  }
0x1fd: {  	[tilespmem:s16], [sflag:$0x3] =	stream.indirect.gather [hbm4b:s4+s12], $0x80, s15, s12, $0xb8;
	[tilespmem:$0x1D000] =	vst v63  }
0x1fe: {  	s8 =	rddreg [dreg:$0x5]  }
0x1ff: {  	[tilespmem:s17], [sflag:$0x4] =	stream.indirect.gather [hbm4b:s4+s12], $0x80, s8, s12, $0xb8;
	[tilespmem:$0x1D000] =	vst v63  }
0x200: {  	_ =	swait.ge [sflag:s18], $0x2000  }
0x201: {  	[sflag:s18] =	ssyncset.done $0x0  }
0x202: {  	[sflag:s18] =	ssyncadd.s32 $0xFFFFE000  }
0x203: {  	_ =	swait.ge [sflag:s19], $0x2000  }
0x204: {  	[sflag:s19] =	ssyncset.done $0x0  }
0x205: {  	[sflag:s19] =	ssyncadd.s32 $0xFFFFE000  }
0x206: {  	[spmem:s2] =	stream.indirect.scatter.add.f32 [tilespmem:s13], [sflag:$0x5], $0x80, s11, s15, $0xb8;
	[tilespmem:$0x1D000] =	vst v63  }
0x207: {  	_ =	swait.ge [sflag:s10], $0x4000  }
0x208: {  	[sflag:s10] =	ssyncset.done $0x0  }
0x209: {  	s9 =	rddreg [dreg:$0x6];
	[sflag:s10] =	ssyncadd.s32 $0xFFFFC000  }
0x20a: {  	[tilespmem:s13], [sflag:$0x1] =	stream.indirect.gather [hbm4b:s4+s12], $0x80, s9, s12, $0xb8;
	[tilespmem:$0x1D000] =	vst v63  }
0x20b: {  	s7 =	rddreg [dreg:$0x7]  }
0x20c: {  	[tilespmem:s14], [sflag:$0x2] =	stream.indirect.gather [hbm4b:s4+s12], $0x80, s7, s12, $0xb8;
	[tilespmem:$0x1D000] =	vst v63  }
0x20d: {  	_ =	swait.ge [sflag:s20], $0x2000  }
0x20e: {  	[sflag:s20] =	ssyncset.done $0x0  }
0x20f: {  	[sflag:s20] =	ssyncadd.s32 $0xFFFFE000  }
0x210: {  	_ =	swait.ge [sflag:s21], $0x2000  }
0x211: {  	[sflag:s21] =	ssyncset.done $0x0  }
0x212: {  	s7 =	rddreg [dreg:$0x8];
	[sflag:s21] =	ssyncadd.s32 $0xFFFFE000  }
0x213: {  	[spmem:s2] =	stream.indirect.scatter.add.f32 [tilespmem:s16], [sflag:$0x5], $0x80, s7, s15, $0xb8;
	[tilespmem:$0x1D000] =	vst v63  }
0x214: {  	_ =	swait.ge [sflag:s10], $0x4000  }
0x215: {  	[sflag:s10] =	ssyncset.done $0x0  }
0x216: {  	s8 =	rddreg [dreg:$0x9];
	[sflag:s10] =	ssyncadd.s32 $0xFFFFC000  }
0x217: {  	[tilespmem:s16], [sflag:$0x3] =	stream.indirect.gather [hbm4b:s4+s12], $0x80, s8, s12, $0xb8;
	[tilespmem:$0x1D000] =	vst v63  }
0x218: {  	s9 =	rddreg [dreg:$0xa]  }
0x219: {  	[tilespmem:s17], [sflag:$0x4] =	stream.indirect.gather [hbm4b:s4+s12], $0x80, s9, s12, $0xb8;
	[tilespmem:$0x1D000] =	vst v63  }
0x21a: {  	_ =	swait.ge [sflag:s18], $0x2000  }
0x21b: {  	[sflag:s18] =	ssyncset.done $0x0  }
0x21c: {  	[sflag:s18] =	ssyncadd.s32 $0xFFFFE000  }
0x21d: {  	_ =	swait.ge [sflag:s19], $0x2000  }
0x21e: {  	[sflag:s19] =	ssyncset.done $0x0  }
0x21f: {  	s7 =	rddreg [dreg:$0xb];
	[sflag:s19] =	ssyncadd.s32 $0xFFFFE000  }
0x220: {  	[spmem:s2] =	stream.indirect.scatter.add.f32 [tilespmem:s13], [sflag:$0x5], $0x80, s7, s15, $0xb8;
	[tilespmem:$0x1D000] =	vst v63  }
0x221: {  	_ =	swait.ge [sflag:s10], $0x4000  }
0x222: {  	[sflag:s10] =	ssyncset.done $0x0  }
0x223: {  	s8 =	rddreg [dreg:$0xc];
	[sflag:s10] =	ssyncadd.s32 $0xFFFFC000  }
0x224: {  	[tilespmem:s13], [sflag:$0x1] =	stream.indirect.gather [hbm4b:s4+s12], $0x80, s8, s12, $0xb8;
	[tilespmem:$0x1D000] =	vst v63  }
0x225: {  	s9 =	rddreg [dreg:$0xd]  }
0x226: {  	[tilespmem:s14], [sflag:$0x2] =	stream.indirect.gather [hbm4b:s4+s12], $0x80, s9, s12, $0xb8;
	[tilespmem:$0x1D000] =	vst v63  }
0x227: {  	_ =	swait.ge [sflag:s20], $0x2000  }
0x228: {  	[sflag:s20] =	ssyncset.done $0x0  }
0x229: {  	[sflag:s20] =	ssyncadd.s32 $0xFFFFE000  }
0x22a: {  	_ =	swait.ge [sflag:s21], $0x2000  }
0x22b: {  	[sflag:s21] =	ssyncset.done $0x0  }
0x22c: {  	s7 =	rddreg [dreg:$0xe];
	[sflag:s21] =	ssyncadd.s32 $0xFFFFE000  }
0x22d: {  	[spmem:s2] =	stream.indirect.scatter.add.f32 [tilespmem:s16], [sflag:$0x5], $0x80, s7, s15, $0xb8;
	[tilespmem:$0x1D000] =	vst v63  }
0x22e: {  	_ =	swait.ge [sflag:s10], $0x4000  }
0x22f: {  	[sflag:s10] =	ssyncset.done $0x0  }
0x230: {  	s8 =	rddreg [dreg:$0xf];
	[sflag:s10] =	ssyncadd.s32 $0xFFFFC000  }
0x231: {  	[tilespmem:s16], [sflag:$0x3] =	stream.indirect.gather [hbm4b:s4+s12], $0x80, s8, s12, $0xb8;
	[tilespmem:$0x1D000] =	vst v63  }
0x232: {  	s9 =	rddreg [dreg:$0x10]  }
0x233: {  	[tilespmem:s17], [sflag:$0x4] =	stream.indirect.gather [hbm4b:s4+s12], $0x80, s9, s12, $0xb8;
	[tilespmem:$0x1D000] =	vst v63  }
0x234: {  	_ =	swait.ge [sflag:s18], $0x2000  }
0x235: {  	[sflag:s18] =	ssyncset.done $0x0  }
0x236: {  	[sflag:s18] =	ssyncadd.s32 $0xFFFFE000  }
0x237: {  	_ =	swait.ge [sflag:s19], $0x2000  }
0x238: {  	[sflag:s19] =	ssyncset.done $0x0  }
0x239: {  	s7 =	rddreg [dreg:$0x11];
	[sflag:s19] =	ssyncadd.s32 $0xFFFFE000  }
0x23a: {  	[spmem:s2] =	stream.indirect.scatter.add.f32 [tilespmem:s13], [sflag:$0x5], $0x80, s7, s15, $0xb8;
	[tilespmem:$0x1D000] =	vst v63  }
0x23b: {  	_ =	swait.ge [sflag:s10], $0x4000  }
0x23c: {  	[sflag:s10] =	ssyncset.done $0x0  }
0x23d: {  	s8 =	rddreg [dreg:$0x12];
	[sflag:s10] =	ssyncadd.s32 $0xFFFFC000  }
0x23e: {  	[tilespmem:s13], [sflag:$0x1] =	stream.indirect.gather [hbm4b:s4+s12], $0x80, s8, s12, $0xb8;
	[tilespmem:$0x1D000] =	vst v63  }
0x23f: {  	s9 =	rddreg [dreg:$0x13]  }
0x240: {  	[tilespmem:s14], [sflag:$0x2] =	stream.indirect.gather [hbm4b:s4+s12], $0x80, s9, s12, $0xb8;
	[tilespmem:$0x1D000] =	vst v63  }
0x241: {  	_ =	swait.ge [sflag:s20], $0x2000  }
0x242: {  	[sflag:s20] =	ssyncset.done $0x0  }
0x243: {  	[sflag:s20] =	ssyncadd.s32 $0xFFFFE000  }
0x244: {  	_ =	swait.ge [sflag:s21], $0x2000  }
0x245: {  	[sflag:s21] =	ssyncset.done $0x0  }
0x246: {  	s7 =	rddreg [dreg:$0x14];
	[sflag:s21] =	ssyncadd.s32 $0xFFFFE000  }
0x247: {  	[spmem:s2] =	stream.indirect.scatter.add.f32 [tilespmem:s16], [sflag:$0x5], $0x80, s7, s15, $0xb8;
	[tilespmem:$0x1D000] =	vst v63  }
0x248: {  	_ =	swait.ge [sflag:s10], $0x4000  }
0x249: {  	[sflag:s10] =	ssyncset.done $0x0  }
0x24a: {  	s8 =	rddreg [dreg:$0x15];
	[sflag:s10] =	ssyncadd.s32 $0xFFFFC000  }
0x24b: {  	[tilespmem:s16], [sflag:$0x3] =	stream.indirect.gather [hbm4b:s4+s12], $0x80, s8, s12, $0xb8;
	[tilespmem:$0x1D000] =	vst v63  }
0x24c: {  	s9 =	rddreg [dreg:$0x16]  }
0x24d: {  	[tilespmem:s17], [sflag:$0x4] =	stream.indirect.gather [hbm4b:s4+s12], $0x80, s9, s12, $0xb8;
	[tilespmem:$0x1D000] =	vst v63  }
0x24e: {  	_ =	swait.ge [sflag:s18], $0x2000  }
0x24f: {  	[sflag:s18] =	ssyncset.done $0x0  }
0x250: {  	[sflag:s18] =	ssyncadd.s32 $0xFFFFE000  }
0x251: {  	_ =	swait.ge [sflag:s19], $0x2000  }
0x252: {  	[sflag:s19] =	ssyncset.done $0x0  }
0x253: {  	s7 =	rddreg [dreg:$0x17];
	[sflag:s19] =	ssyncadd.s32 $0xFFFFE000  }
0x254: {  	[spmem:s2] =	stream.indirect.scatter.add.f32 [tilespmem:s13], [sflag:$0x5], $0x80, s7, s15, $0xb8;
	[tilespmem:$0x1D000] =	vst v63  }
0x255: {  	_ =	swait.ge [sflag:s10], $0x4000  }
0x256: {  	[sflag:s10] =	ssyncset.done $0x0  }
0x257: {  	s8 =	rddreg [dreg:$0x18];
	[sflag:s10] =	ssyncadd.s32 $0xFFFFC000  }
0x258: {  	[tilespmem:s13], [sflag:$0x1] =	stream.indirect.gather [hbm4b:s4+s12], $0x80, s8, s12, $0xb8;
	[tilespmem:$0x1D000] =	vst v63  }
0x259: {  	s9 =	rddreg [dreg:$0x19]  }
0x25a: {  	[tilespmem:s14], [sflag:$0x2] =	stream.indirect.gather [hbm4b:s4+s12], $0x80, s9, s12, $0xb8;
	[tilespmem:$0x1D000] =	vst v63  }
0x25b: {  	_ =	swait.ge [sflag:s20], $0x2000  }
0x25c: {  	[sflag:s20] =	ssyncset.done $0x0  }
0x25d: {  	[sflag:s20] =	ssyncadd.s32 $0xFFFFE000  }
0x25e: {  	_ =	swait.ge [sflag:s21], $0x2000  }
0x25f: {  	[sflag:s21] =	ssyncset.done $0x0  }
0x260: {  	s7 =	rddreg [dreg:$0x1a];
	[sflag:s21] =	ssyncadd.s32 $0xFFFFE000  }
0x261: {  	[spmem:s2] =	stream.indirect.scatter.add.f32 [tilespmem:s16], [sflag:$0x5], $0x80, s7, s15, $0xb8;
	[tilespmem:$0x1D000] =	vst v63  }
0x262: {  	_ =	swait.ge [sflag:s10], $0x4000  }
0x263: {  	[sflag:s10] =	ssyncset.done $0x0  }
0x264: {  	s8 =	rddreg [dreg:$0x1b];
	[sflag:s10] =	ssyncadd.s32 $0xFFFFC000  }
0x265: {  	[tilespmem:s16], [sflag:$0x3] =	stream.indirect.gather [hbm4b:s4+s12], $0x80, s8, s12, $0xb8;
	[tilespmem:$0x1D000] =	vst v63  }
0x266: {  	s9 =	rddreg [dreg:$0x1c]  }
0x267: {  	[tilespmem:s17], [sflag:$0x4] =	stream.indirect.gather [hbm4b:s4+s12], $0x80, s9, s12, $0xb8;
	[tilespmem:$0x1D000] =	vst v63  }
0x268: {  	_ =	swait.ge [sflag:s18], $0x2000  }
0x269: {  	[sflag:s18] =	ssyncset.done $0x0  }
0x26a: {  	[sflag:s18] =	ssyncadd.s32 $0xFFFFE000  }
0x26b: {  	_ =	swait.ge [sflag:s19], $0x2000  }
0x26c: {  	[sflag:s19] =	ssyncset.done $0x0  }
0x26d: {  	s7 =	rddreg [dreg:$0x1d];
	[sflag:s19] =	ssyncadd.s32 $0xFFFFE000  }
0x26e: {  	[spmem:s2] =	stream.indirect.scatter.add.f32 [tilespmem:s13], [sflag:$0x5], $0x80, s7, s15, $0xb8;
	[tilespmem:$0x1D000] =	vst v63  }
0x26f: {  	_ =	swait.ge [sflag:s10], $0x4000  }
0x270: {  	[sflag:s10] =	ssyncset.done $0x0  }
0x271: {  	s8 =	rddreg [dreg:$0x1e];
	[sflag:s10] =	ssyncadd.s32 $0xFFFFC000  }
0x272: {  	[tilespmem:s13], [sflag:$0x1] =	stream.indirect.gather [hbm4b:s4+s12], $0x80, s8, s12, $0xb8;
	[tilespmem:$0x1D000] =	vst v63  }
0x273: {  	s9 =	rddreg [dreg:$0x1f]  }
0x274: {  	[tilespmem:s14], [sflag:$0x2] =	stream.indirect.gather [hbm4b:s4+s12], $0x80, s9, s12, $0xb8;
	[tilespmem:$0x1D000] =	vst v63  }
0x275: {  	_ =	swait.ge [sflag:s20], $0x2000  }
0x276: {  	[sflag:s20] =	ssyncset.done $0x0  }
0x277: {  	[sflag:s20] =	ssyncadd.s32 $0xFFFFE000  }
0x278: {  	_ =	swait.ge [sflag:s21], $0x2000  }
0x279: {  	s7 =	sld [smem:$0x7F7]  }
0x27a: {  	[sflag:s21] =	ssyncset.done $0x0  }
0x27b: {  	[sflag:s21] =	ssyncadd.s32 $0xFFFFE000  }
0x27c: {  	[spmem:s2] =	stream.indirect.scatter.add.f32 [tilespmem:s16], [sflag:$0x5], $0x80, s7, s15, $0xb8;
	[tilespmem:$0x1D000] =	vst v63  }
0x27d: {  	_ =	swait.ge [sflag:s10], $0x4000  }
0x27e: {  	s8 =	sld [smem:$0x7F8]  }
0x27f: {  	[sflag:s10] =	ssyncset.done $0x0  }
0x280: {  	s9 =	sld [smem:$0x7F9];
	[sflag:s10] =	ssyncadd.s32 $0xFFFFC000  }
0x281: {  	[tilespmem:s16], [sflag:$0x3] =	stream.indirect.gather [hbm4b:s4+s12], $0x80, s8, s12, $0xb8;
	[tilespmem:$0x1D000] =	vst v63  }
0x282: {  	_ = 	snop  }
0x283: {  	[tilespmem:s17], [sflag:$0x4] =	stream.indirect.gather [hbm4b:s4+s12], $0x80, s9, s12, $0xb8;
	[tilespmem:$0x1D000] =	vst v63  }
0x284: {  	_ =	swait.ge [sflag:s18], $0x2000  }
0x285: {  	[sflag:s18] =	ssyncset.done $0x0  }
0x286: {  	[sflag:s18] =	ssyncadd.s32 $0xFFFFE000  }
0x287: {  	_ =	swait.ge [sflag:s19], $0x2000  }
0x288: {  	s7 =	sld [smem:$0x7FA]  }
0x289: {  	[sflag:s19] =	ssyncset.done $0x0  }
0x28a: {  	[sflag:s19] =	ssyncadd.s32 $0xFFFFE000  }
0x28b: {  	[spmem:s2] =	stream.indirect.scatter.add.f32 [tilespmem:s13], [sflag:$0x5], $0x80, s7, s15, $0xb8;
	[tilespmem:$0x1D000] =	vst v63  }
0x28c: {  	_ =	swait.ge [sflag:s10], $0x4000  }
0x28d: {  	s8 =	sld [smem:$0x7FB]  }
0x28e: {  	[sflag:s10] =	ssyncset.done $0x0  }
0x28f: {  	[sflag:s10] =	ssyncadd.s32 $0xFFFFC000  }
0x290: {  	[tilespmem:s13], [sflag:$0x1] =	stream.indirect.gather [hbm4b:s4+s12], $0x80, s8, s12, $0xb8;
	[tilespmem:$0x1D000] =	vst v63  }
0x291: {  	_ = 	snop  }
0x292: {  	[tilespmem:s14], [sflag:$0x2] =	stream.indirect.gather [hbm4b:s4+s12], $0x80, s22, s12, $0xb8;
	[tilespmem:$0x1D000] =	vst v63  }
0x293: {  	_ =	swait.ge [sflag:s20], $0x2000  }
0x294: {  	[sflag:s20] =	ssyncset.done $0x0  }
0x295: {  	[sflag:s20] =	ssyncadd.s32 $0xFFFFE000  }
0x296: {  	_ =	swait.ge [sflag:s21], $0x2000  }
0x297: {  	[sflag:s21] =	ssyncset.done $0x0  }
0x298: {  	[sflag:s21] =	ssyncadd.s32 $0xFFFFE000  }
0x299: {  	[spmem:s2] =	stream.indirect.scatter.add.f32 [tilespmem:s16], [sflag:$0x5], $0x80, s23, s15, $0xb8;
	[tilespmem:$0x1D000] =	vst v63  }
0x29a: {  	_ =	swait.ge [sflag:s10], $0x4000  }
0x29b: {  	[sflag:s10] =	ssyncset.done $0x0  }
0x29c: {  	[sflag:s10] =	ssyncadd.s32 $0xFFFFC000  }
0x29d: {  	[tilespmem:s16], [sflag:$0x3] =	stream.indirect.gather [hbm4b:s4+s12], $0x80, s24, s12, $0xb8;
	[tilespmem:$0x1D000] =	vst v63  }
0x29e: {  	_ = 	snop  }
0x29f: {  	[tilespmem:s17], [sflag:$0x4] =	stream.indirect.gather [hbm4b:s4+s12], $0x80, s25, s12, $0xb8;
	[tilespmem:$0x1D000] =	vst v63  }
0x2a0: {  	_ =	swait.ge [sflag:s18], $0x2000  }
0x2a1: {  	[sflag:s18] =	ssyncset.done $0x0  }
0x2a2: {  	[sflag:s18] =	ssyncadd.s32 $0xFFFFE000  }
0x2a3: {  	_ =	swait.ge [sflag:s19], $0x2000  }
0x2a4: {  	[sflag:s19] =	ssyncset.done $0x0  }
0x2a5: {  	[sflag:s19] =	ssyncadd.s32 $0xFFFFE000  }
0x2a6: {  	[spmem:s2] =	stream.indirect.scatter.add.f32 [tilespmem:s13], [sflag:$0x5], $0x80, s26, s15, $0xb8;
	[tilespmem:$0x1D000] =	vst v63  }
0x2a7: {  	_ =	swait.ge [sflag:s10], $0x4000  }
0x2a8: {  	[sflag:s10] =	ssyncset.done $0x0  }
0x2a9: {  	[sflag:s10] =	ssyncadd.s32 $0xFFFFC000  }
0x2aa: {  	[tilespmem:s13], [sflag:$0x1] =	stream.indirect.gather [hbm4b:s4+s12], $0x80, s28, s12, $0xb8;
	[tilespmem:$0x1D000] =	vst v63  }
0x2ab: {  	_ = 	snop  }
0x2ac: {  	[tilespmem:s14], [sflag:$0x2] =	stream.indirect.gather [hbm4b:s4+s12], $0x80, s29, s12, $0xb8;
	[tilespmem:$0x1D000] =	vst v63  }
0x2ad: {  	_ =	swait.ge [sflag:s20], $0x2000  }
0x2ae: {  	[sflag:s20] =	ssyncset.done $0x0  }
0x2af: {  	[sflag:s20] =	ssyncadd.s32 $0xFFFFE000  }
0x2b0: {  	_ =	swait.ge [sflag:s21], $0x2000  }
0x2b1: {  	[sflag:s21] =	ssyncset.done $0x0  }
0x2b2: {  	[sflag:s21] =	ssyncadd.s32 $0xFFFFE000  }
0x2b3: {  	[spmem:s2] =	stream.indirect.scatter.add.f32 [tilespmem:s16], [sflag:$0x5], $0x80, s30, s15, $0xb8;
	[tilespmem:$0x1D000] =	vst v63  }
0x2b4: {  	_ =	swait.ge [sflag:s10], $0x4000  }
0x2b5: {  	[sflag:s10] =	ssyncset.done $0x0  }
0x2b6: {  	[sflag:s10] =	ssyncadd.s32 $0xFFFFC000  }
0x2b7: {  	[tilespmem:s16], [sflag:$0x3] =	stream.indirect.gather [hbm4b:s4+s12], $0x80, s31, s12, $0xb8;
	[tilespmem:$0x1D000] =	vst v63  }
0x2b8: {  	_ = 	snop  }
0x2b9: {  	[tilespmem:s17], [sflag:$0x4] =	stream.indirect.gather [hbm4b:s4+s12], $0x80, s1, s12, $0xb8;
	[tilespmem:$0x1D000] =	vst v63  }
0x2ba: {  	_ =	swait.ge [sflag:s18], $0x2000  }
0x2bb: {  	[sflag:s18] =	ssyncset.done $0x0  }
0x2bc: {  	[sflag:s18] =	ssyncadd.s32 $0xFFFFE000  }
0x2bd: {  	_ =	swait.ge [sflag:s19], $0x2000  }
0x2be: {  	[sflag:s19] =	ssyncset.done $0x0  }
0x2bf: {  	[sflag:s19] =	ssyncadd.s32 $0xFFFFE000  }
0x2c0: {  	[spmem:s2] =	stream.indirect.scatter.add.f32 [tilespmem:s13], [sflag:$0x5], $0x80, s0, s15, $0xb8;
	[tilespmem:$0x1D000] =	vst v63  }
0x2c1: {  	_ =	swait.ge [sflag:s10], $0x4000  }
0x2c2: {  	[sflag:s10] =	ssyncset.done $0x0  }
0x2c3: {  	[sflag:s10] =	ssyncadd.s32 $0xFFFFC000  }
0x2c4: {  	_ =	swait.ge [sflag:s20], $0x2000  }
0x2c5: {  	[sflag:s20] =	ssyncset.done $0x0  }
0x2c6: {  	[sflag:s20] =	ssyncadd.s32 $0xFFFFE000  }
0x2c7: {  	_ =	swait.ge [sflag:s21], $0x2000  }
0x2c8: {  	[sflag:s21] =	ssyncset.done $0x0  }
0x2c9: {  	[sflag:s21] =	ssyncadd.s32 $0xFFFFE000  }
0x2ca: {  	[spmem:s2] =	stream.indirect.scatter.add.f32 [tilespmem:s16], [sflag:$0x5], $0x80, s5, s15, $0xb8;
	[tilespmem:$0x1D000] =	vst v63  }
0x2cb: {  	_ =	swait.ge [sflag:s10], $0x4000  }
0x2cc: {  	[sflag:s10] =	ssyncset.done $0x0  }
0x2cd: {  	[sflag:s10] =	ssyncadd.s32 $0xFFFFC000  }
0x2ce: {  	[bflag:$0x0] =	sbarrier.arrive $0xFFFF  }
0x2cf: {  	s8 =	sld [smem:$0x7FC]  }
0x2d0: {  	s9 =	sld [smem:$0x7F5]  }
0x2d1: {  	s7 =	sld [smem:$0x7FD];
	_ =	sdelay $0x2  }
0x2d2: {  	[hbm:s9], [sflag:s8] =	dma.local [spmem:s7], $0x2800  }
0x2d3: {  	_ =	swait.ge [sflag:s10], $0x2800  }
0x2d4: {  	s6 =	sld [smem:$0x7F3];
	_ =	sdelay $0x2  }
0x2d5: {  	s9 =	sadd.s32 $0x1, s6;
	s6 =	sld [smem:$0x7F6];
	_ =	sdelay $0x2  }
0x2d6: {  	p0 =	sne.s32 s9, s6  }
.Ltmp1:
0x2d7: {  	_ = 	snop;
	(pc) =	sbr.rel @p0 .LBB2_1-.Ltmp1, $3  }
0x2d8: {  	_ =	sdelay $0x1  }
0x2d9: {  	[sflag:s10] =	ssyncset.done $0x0  }
0x2da: {  	[sflag:s10] =	ssyncadd.s32 $0xFFFFD800  }
0x2db: {  	_ =	sfence.sel $0x180000  }
0x2dc: {  	[bflag:$0x0] =	sbarrier.arrive $0xFFFF  }
0x2dd: {  	_ =	strace $0x9000004A  }
0x2de: {  	s0 =	stileid.u32;
	[bflag:$0x2] =	sbarrier.arrive $0xFFFF  }
0x2df: {  	p0 =	sne.s32 s0, $0x0;
	s0 =	rddreg [dreg:$0x2]  }
0x2e0: {  	s0 =	sadd.s32 @!p0 $0x100000, s0  }
0x2e1: {  	[sflag:s0] =	ssyncadd.tile.s32 @!p0 $0x1;
	_ =	shalt  }
.Lfunc_end2:
_tile_overlayer_lowered:
.L_overlay_start_2:
0x2e2: {  	(tag) =	ssettag $0x2  }
0x2e3: {  	s0 =	rddreg [dreg:$0x0];
	s2 =	stileid.u32  }
0x2e4: {  	s1 =	rddreg [dreg:$0x1];
	p0 =	sne.s32 s2, $0x0  }
0x2e5: {  	s3 =	rddreg [dreg:$0x2];
	[bflag:$0x3] =	sbarrier.arrive $0xFFFF;
	s2 =	simm.s32 @!p0 $0x1C05  }
0x2e6: {  	[timem:s3], [sflag:s2] =	dma.local @!p0 [hbm:s0], s1  }
0x2e7: {  	s0 =	simm.s32 @!p0 $0x5  }
0x2e8: {  	_ =	swait.ge @!p0 [sflag:s0], s1  }
0x2e9: {  	s1 =	ssub.s32 @!p0 $0x0, s1;
	[sflag:s0] =	ssyncset.done @!p0 $0x0  }
0x2ea: {  	[sflag:s0] =	ssyncadd.s32 @!p0 s1  }
0x2eb: {  	[bflag:$0x3] =	sbarrier.arrive $0xFFFF  }
0x2ec: {  	_ =	shalt  }

// kernel: kernel.17.cloned.1.call-start
scs
__scs_entry_jumppad:
0x0: {  	(pc) =	sbr.rel $0x88, $3  }
0x1: {  	(tag) =	ssettag $0x0;
	lr =	simm.s32 $0x1  }
0x2: {  	[smem:$0x3F92] =	sst lr;
	_ =	strace $0xD0000000  }
0x3: {  	_ = 	snop  }
0x4: {  	_ = 	snop  }
0x5: {  	_ = 	snop  }
0x6: {  	_ = 	snop  }
0x7: {  	_ = 	snop  }
__scs_overlays_trampoline_lowered:
0x8: {  	[smem:$0x3FA1] =	sst s0  }
0x9: {  	[smem:$0x3FA2] =	sst s1  }
0xa: {  	[smem:$0x3FA3] =	sst s2  }
0xb: {  	[smem:$0x3FA4] =	sst s3  }
0xc: {  	[smem:$0x3FA5] =	sst s4  }
0xd: {  	[smem:$0x3FA6] =	sst s5  }
0xe: {  	[smem:$0x3FA7] =	sst s6  }
0xf: {  	[smem:$0x3FA8] =	sst s7  }
0x10: {  	[smem:$0x3FA9] =	sst s8  }
0x11: {  	[smem:$0x3FAA] =	sst s9;
	s0 =	simm.s32 @!p0 $0x0  }
0x12: {  	s1 =	sld [smem:$0x3F90];
	s0 =	simm.s32 @p0 $0x1  }
0x13: {  	[smem:$0x3FAB] =	sst s0;
	s0 =	simm.s32 @!p1 $0x0  }
0x14: {  	s2 =	sld [smem:$0x3F8F];
	s0 =	simm.s32 @p1 $0x1  }
0x15: {  	[smem:$0x3FAC] =	sst s0;
	s0 =	simm.s32 @!p2 $0x0  }
0x16: {  	s3 =	sld [smem:$0x3FDB];
	s0 =	simm.s32 @p2 $0x1  }
0x17: {  	s4 =	simm.s32 $0x1BF5;
	[smem:$0x3FAE] =	sst s0  }
0x18: {  	s0 =	sld [smem:$0x3F91];
	_ =	swait.ge [sflag:s4], $0x0  }
0x19: {  	s7 =	sld [smem:$0x3F92]  }
0x1a: {  	s8 =	sadd.s32 $0xFFFFE003, lr  }
0x1b: {  	s9 =	sadd.s32 $0xFFFFFEF7, lr;
	s5 =	simm.s32 $0xFFFFFFFF;
	p2 =	slt.u32 s8, $0xFFFFF086  }
0x1c: {  	p1 =	slt.u32 s9, $0xF7A;
	s5 =	simm.s32 @!p2 $0x0  }
0x1d: {  	s5 =	simm.s32 @p1 $0x1;
	p0 =	seq.s32 s7, s2  }
0x1e: {  	s7 =	smul.u32 @!p0 $0xF7A, s2;
	p2 =	seq.s32 @!p0 s5, $0x0  }
0x1f: {  	s9 =	smul.u32 $0xF7A, s1;
	s8 =	simm.s32 @!p0 $0x1BF5;
	p2 =	por !p2, p0  }
0x20: {  	[sflag:s8] =	ssyncset.s32 @!p0 $0xFFFFF086;
	s6 =	sadd.s32 @!p0 s3, s7;
	s7 =	simm.s32 @!p0 $0x108  }
0x21: {  	s3 =	sadd.s32 s3, s9;
	s6 =	sadd.s32 @!p0 $0x88, s6;
	s7 =	simm.s32 @p2 $0x1082  }
0x22: {  	[simem:s7], [sflag:s8] =	dma.local @!p0 [hbm:s6], $0xF7A  }
0x23: {  	s9 =	sor.u32 $0xD0000000, s2;
	s6 =	simm.s32 $0x108;
	_ =	swait.ge @!p0 [sflag:s8], $0x0  }
0x24: {  	s3 =	sadd.s32 $0x88, s3;
	s6 =	simm.s32 @!p1 $0x1082;
	[sflag:s4] =	ssyncset.s32 $0xFFFFF086  }
0x25: {  	[simem:s6], [sflag:s4] =	dma.local [hbm:s3], $0xF7A  }
0x26: {  	[smem:$0x3F92] =	sst s1;
	(tag) =	ssettag s2;
	_ =	strace s9  }
0x27: {  	s1 =	sld [smem:$0x3FA2]  }
0x28: {  	s2 =	sld [smem:$0x3FA3]  }
0x29: {  	s4 =	sld [smem:$0x3FA5]  }
0x2a: {  	p0 =	seq.s32 s5, $0x0;
	s5 =	sld [smem:$0x3FA6]  }
0x2b: {  	s6 =	sld [smem:$0x3FA7]  }
0x2c: {  	s7 =	sld [smem:$0x3FA8]  }
0x2d: {  	s3 =	simm.s32 $0x108;
	s8 =	sld [smem:$0x3FA9]  }
0x2e: {  	s3 =	simm.s32 @!p0 $0x1082;
	s9 =	sld [smem:$0x3FAA]  }
0x2f: {  	lr =	sadd.s32 s0, s3;
	s0 =	sld [smem:$0x3FA1]  }
0x30: {  	s3 =	sld [smem:$0x3FA4]  }
0x31: {  	[smem:$0x3FAD] =	sst s10  }
0x32: {  	s10 =	sld [smem:$0x3FAB];
	_ =	sdelay $0x3  }
0x33: {  	p0 =	seq.s32 s10, $0x1;
	s10 =	sld [smem:$0x3FAD];
	_ =	sdelay $0x3  }
0x34: {  	[smem:$0x3FAD] =	sst s10  }
0x35: {  	s10 =	sld [smem:$0x3FAC];
	_ =	sdelay $0x3  }
0x36: {  	p1 =	seq.s32 s10, $0x1;
	s10 =	sld [smem:$0x3FAD];
	_ =	sdelay $0x3  }
0x37: {  	[smem:$0x3FAD] =	sst s10  }
0x38: {  	s10 =	sld [smem:$0x3FAE]  }
0x39: {  	_ = 	snop;
	(pc) =	sbr.ind lr, $3  }
0x3a: {  	_ = 	snop  }
0x3b: {  	_ = 	snop  }
0x3c: {  	p2 =	seq.s32 s10, $0x1;
	s10 =	sld [smem:$0x3FAD]  }
0x3d: {  	_ =	shalt  }
0x3e: {  	_ =	shalt  }
0x3f: {  	_ =	shalt  }
0x40: {  	_ =	shalt  }
0x41: {  	_ =	shalt  }
0x42: {  	_ =	shalt  }
0x43: {  	_ =	shalt  }
0x44: {  	_ =	shalt  }
0x45: {  	_ =	shalt  }
0x46: {  	_ =	shalt  }
0x47: {  	_ =	shalt  }
0x48: {  	_ =	shalt  }
0x49: {  	_ =	shalt  }
0x4a: {  	_ =	shalt  }
0x4b: {  	_ =	shalt  }
0x4c: {  	_ =	shalt  }
0x4d: {  	_ =	shalt  }
0x4e: {  	_ =	shalt  }
0x4f: {  	_ =	shalt  }
0x50: {  	_ =	shalt  }
0x51: {  	_ =	shalt  }
0x52: {  	_ =	shalt  }
0x53: {  	_ =	shalt  }
0x54: {  	_ =	shalt  }
0x55: {  	_ =	shalt  }
0x56: {  	_ =	shalt  }
0x57: {  	_ =	shalt  }
0x58: {  	_ =	shalt  }
0x59: {  	_ =	shalt  }
0x5a: {  	_ =	shalt  }
0x5b: {  	_ =	shalt  }
0x5c: {  	_ =	shalt  }
0x5d: {  	_ =	shalt  }
0x5e: {  	_ =	shalt  }
0x5f: {  	_ =	shalt  }
0x60: {  	_ =	shalt  }
0x61: {  	_ =	shalt  }
0x62: {  	_ =	shalt  }
0x63: {  	_ =	shalt  }
0x64: {  	_ =	shalt  }
0x65: {  	_ =	shalt  }
0x66: {  	_ =	shalt  }
0x67: {  	_ =	shalt  }
0x68: {  	_ =	shalt  }
0x69: {  	_ =	shalt  }
0x6a: {  	_ =	shalt  }
0x6b: {  	_ =	shalt  }
0x6c: {  	_ =	shalt  }
0x6d: {  	_ =	shalt  }
0x6e: {  	_ =	shalt  }
0x6f: {  	_ =	shalt  }
0x70: {  	_ =	shalt  }
0x71: {  	_ =	shalt  }
0x72: {  	_ =	shalt  }
0x73: {  	_ =	shalt  }
0x74: {  	_ =	shalt  }
0x75: {  	_ =	shalt  }
0x76: {  	_ =	shalt  }
0x77: {  	_ =	shalt  }
0x78: {  	_ =	shalt  }
0x79: {  	_ =	shalt  }
0x7a: {  	_ =	shalt  }
0x7b: {  	_ =	shalt  }
0x7c: {  	_ =	shalt  }
0x7d: {  	_ =	shalt  }
0x7e: {  	_ =	shalt  }
0x7f: {  	_ =	shalt  }
0x80: {  	_ =	shalt  }
0x81: {  	_ =	shalt  }
0x82: {  	_ =	shalt  }
0x83: {  	_ =	shalt  }
0x84: {  	_ =	shalt  }
0x85: {  	_ =	shalt  }
0x86: {  	_ =	shalt  }
0x87: {  	_ =	shalt  }
.Lfunc_end0:
.L_simem_size_0:
called_computation.2_lowered:
.L_overlay_start_0:
0x88: {  	s2 =	sld [smem:$0x3FD9]  }
0x89: {  	s3 =	sld [smem:$0x3FFE];
	_ =	sdelay $0x1  }
0x8a: {  	s1 =	srdreg.scid  }
0x8b: {  	s0 =	sand.u32 $0x1, s1  }
0x8c: {  	s16 =	sshll.u32 s0, $0xA;
	s2 =	sadd.s32 s3, s2  }
0x8d: {  	s2 =	sadd.s32 s2, s16  }
0x8e: {  	[smem:$0x3FB9] =	sst s2  }
0x8f: {  	_ = 	snop  }
0x90: {  	(tm) =	ssettm $0x1  }
0x91: {  	s17 =	sld [smem:$0x3FFB];
	_ =	sdelay $0x3  }
0x92: {  	_ =	strace s17  }
0x93: {  	s2 =	sld [smem:$0x3FFC];
	_ =	sdelay $0x3  }
0x94: {  	_ =	strace s2  }
0x95: {  	s2 =	sld [smem:$0x3FFD];
	_ =	sdelay $0x3  }
0x96: {  	_ =	strace s2  }
0x97: {  	_ =	strace $0x8FFFFFFF  }
0x98: {  	s18 =	sld [smem:$0x3FDB];
	_ =	sdelay $0x1  }
0x99: {  	s19 =	simm.s32 $_scs_section_size  }
0x9a: {  	s4 =	simm.s32 $_size__tile_overlayer_lowered;
	s5 =	simm.s32 $_tile_overlayer_lowered  }
0x9b: {  	s22 =	simm.s32 $0x1BFF;
	s21 =	sshll.u32 s5, $0x1;
	s2 =	sadd.s32 s19, s18  }
0x9c: {  	s6 =	simm.s32 $0x0;
	s20 =	sshll.u32 s4, $0x1;
	s4 =	sadd.s32 s21, s2  }
0x9d: {  	[timem:s6], [sflag:s22] =	dma.local [hbm:s4], s20  }
0x9e: {  	_ =	swait.ge [sflag:s22], s20  }
0x9f: {  	s3 =	ssub.s32 $0x0, s20;
	[sflag:s22] =	ssyncset.done $0x0  }
0xa0: {  	[sflag:s22] =	ssyncadd.s32 s3;
	_ =	sdelay $0x1  }
0xa1: {  	s23 =	simm.s32 $0x1B8B  }
0xa2: {  	_ =	swait.ge [sflag:s23], $0x1  }
0xa3: {  	[sflag:s23] =	ssyncset.done $0x0  }
0xa4: {  	s25 =	simm.s32 $0x1B8E;
	s24 =	sld [smem:$0x3FFE];
	[sflag:s23] =	ssyncadd.s32 $0xFFFFFFFF  }
0xa5: {  	s26 =	simm.s32 $execute0_lowered;
	[smem:$0x3FD2] =	sst s25  }
0xa6: {  	s4 =	sshll.u32 s26, $0x1;
	_ =	strace $0x8000004C;
	[dreg:$0x1] =	wrdreg $0xFFFFFFFF  }
0xa7: {  	s28 =	simm.s32 $_size_execute0_lowered;
	s2 =	sadd.s32 s2, s4;
	[dreg:$0x0] =	wrdreg $0x0  }
0xa8: {  	s4 =	sshll.u32 s28, $0x1;
	[dreg:$0x2] =	wrdreg s2  }
0xa9: {  	[dreg:$0x3] =	wrdreg s4  }
0xaa: {  	[dreg:$0x4] =	wrdreg $0xC0  }
0xab: {  	_ =	task [dreg:s6], $0x5FFFF  }
0xac: {  	[dreg:$0x1] =	wrdreg $0xFFFFFFFF  }
0xad: {  	[dreg:$0x0] =	wrdreg $0x60  }
0xae: {  	[dreg:$0x2] =	wrdreg s24  }
0xaf: {  	[dreg:$0x3] =	wrdreg $0x90000  }
0xb0: {  	[dreg:$0x4] =	wrdreg $0x9  }
0xb1: {  	_ =	task.clear_ibuf [dreg:s6], $0x5FFFF;
	_ =	strace $0x9000004C  }
0xb2: {  	s29 =	simm.s32 $0x9;
	_ =	strace $0x8000004E  }
0xb3: {  	_ =	swait.ge [sflag:s29], $0x1  }
0xb4: {  	[sflag:s29] =	ssyncadd.s32 $0xFFFFFFFF  }
0xb5: {  	_ =	strace $0x9000004E  }
0xb6: {  	_ =	sfence  }
0xb7: {  	s30 =	sld [smem:$0x0];
	_ =	sdelay $0x2  }
0xb8: {  	s31 =	sshll.u32 s1, $0xD;
	s1 =	sshrl.u32 s1, $0x2  }
0xb9: {  	s3 =	sand.u32 $0x4000, s31;
	s1 =	sadd.s32 s1, s30  }
0xba: {  	s0 =	sor.u32 s3, s0;
	s1 =	sshll.u32 s1, $0x11  }
0xbb: {  	s0 =	sor.u32 s1, s0  }
0xbc: {  	s0 =	sadd.s32 $0x8F2B, s0  }
0xbd: {  	[sflag:s0] =	ssyncadd.remote.s32 $0x1  }
0xbe: {  	_ =	sfence.sel $0xFFFF  }
0xbf: {  	[dreg:$0x0] =	wrdreg $0xFFFFFFFF;
	(pc) =	sbr.abs _section_cstart, $3  }
0xc0: {  	[dreg:$0x1] =	wrdreg $0xFFFFFFFF  }
0xc1: {  	_ =	task.clear_ibuf [dreg:s6], $0x2FFFF;
	_ =	strace $0x9FFFFFFF  }
0xc2: {  	(tm) =	ssettm $0x7FFFFFFF  }
0xc3: {  	_ =	shalt  }
tec
execute0_lowered:
.L_overlay_start_1:
0x0: {  	(tag) =	ssettag $0x1  }
0x1: {  	s0 =	srdreg.scid;
	s5 =	rddreg [dreg:$0x0]  }
0x2: {  	s9 =	stileid.u32;
	s2 =	rddreg [dreg:$0x1];
	s3 =	simm.s32 $0x0  }
0x3: {  	s8 =	simm.s32 $0x100;
	s10 =	simm.s32 $0x140;
	[smem:$0x7FF] =	sst s3  }
0x4: {  	s11 =	simm.s32 $0x880;
	_ =	strace $0x8000004D;
	[dreg:$0x6] =	wrdreg s8  }
0x5: {  	s12 =	simm.s32 $0x180;
	s13 =	simm.s32 $0x1C0;
	[dreg:$0x7] =	wrdreg s10  }
0x6: {  	s15 =	simm.s32 $0x900;
	s17 =	simm.s32 $0x200;
	[dreg:$0x8] =	wrdreg s11  }
0x7: {  	s18 =	simm.s32 $0x240;
	s19 =	simm.s32 $0x980;
	[dreg:$0x9] =	wrdreg s12  }
0x8: {  	s21 =	simm.s32 $0x280;
	s22 =	simm.s32 $0x2C0;
	[dreg:$0xa] =	wrdreg s13  }
0x9: {  	s24 =	simm.s32 $0xA00;
	s4 =	smul.u32 $0x5000, s9;
	[dreg:$0xb] =	wrdreg s15  }
0xa: {  	s28 =	simm.s32 $0x700;
	s6 =	smul.u32 $0xA00, s9;
	[dreg:$0xc] =	wrdreg s17  }
0xb: {  	s29 =	simm.s32 $0x740;
	s7 =	smul.u32 $0x14000, s9;
	[dreg:$0xd] =	wrdreg s18  }
0xc: {  	s0 =	sand.u32 $0x1, s0;
	s23 =	smul.u32 $0x2800, s9;
	[dreg:$0xe] =	wrdreg s19  }
0xd: {  	s30 =	simm.s32 $0xE80;
	s1 =	smul.u32 $0x50000, s0;
	[dreg:$0xf] =	wrdreg s21  }
0xe: {  	s31 =	simm.s32 $0x780;
	s26 =	smul.u32 $0x140000, s0;
	[dreg:$0x10] =	wrdreg s22  }
0xf: {  	s14 =	ssub.s32 $0x2, s0;
	[dreg:$0x11] =	wrdreg s24;
	s10 =	simm.s32 $0x3C0  }
0x10: {  	s8 =	smul.u32 $0x50000, s9;
	s12 =	simm.s32 $0xB00;
	[dreg:$0x16] =	wrdreg s10  }
0x11: {  	s0 =	smul.u32 $0x28000, s0;
	s15 =	simm.s32 $0x440;
	[dreg:$0x17] =	wrdreg s12  }
0x12: {  	s17 =	simm.s32 $0x480;
	s18 =	simm.s32 $0x4C0;
	[dreg:$0x19] =	wrdreg s15  }
0x13: {  	s19 =	simm.s32 $0xC00;
	s21 =	simm.s32 $0x540;
	[dreg:$0x1b] =	wrdreg s17  }
0x14: {  	s22 =	simm.s32 $0xC80;
	s24 =	simm.s32 $0x5C0;
	[dreg:$0x1c] =	wrdreg s18  }
0x15: {  	s25 =	sadd.s32 s6, s5;
	s16 =	sshrl.u32 s14, $0x1;
	[dreg:$0x1d] =	wrdreg s19  }
0x16: {  	s10 =	simm.s32 $0x5;
	s12 =	simm.s32 $0x40;
	[dreg:$0x1f] =	wrdreg s21  }
0x17: {  	s15 =	simm.s32 $0x80;
	s17 =	simm.s32 $0x7000;
	[smem:$0x7F7] =	sst s22  }
0x18: {  	s18 =	simm.s32 $0x1;
	s19 =	simm.s32 $0x2;
	[smem:$0x7F9] =	sst s24  }
0x19: {  	s21 =	simm.s32 $0x4;
	s22 =	simm.s32 $0x640;
	s24 =	simm.s32 $0x680  }
0x1a: {  	s1 =	sadd.s32 s1, s4;
	s4 =	sadd.s32 $0xE400, s25;
	s6 =	sadd.s32 s7, s26  }
0x1b: {  	s20 =	sshrl.u32 s8, $0x2;
	s25 =	simm.s32 $0x300;
	s0 =	sadd.s32 s23, s0  }
0x1c: {  	s26 =	simm.s32 $0x340;
	s8 =	sshll.u32 s9, $0x6;
	[dreg:$0x3] =	wrdreg s4  }
0x1d: {  	s9 =	simm.s32 $0x380;
	s23 =	simm.s32 $0x580;
	[dreg:$0x12] =	wrdreg s25  }
0x1e: {  	s1 =	sshrl.u32 s1, $0x3;
	s4 =	simm.s32 $0xC0;
	[dreg:$0x13] =	wrdreg s26  }
0x1f: {  	s6 =	sshrl.u32 s6, $0x3;
	s7 =	sadd.s32 s20, s2;
	[dreg:$0x15] =	wrdreg s9  }
0x20: {  	s8 =	sor.u32 $0x1C05, s8;
	s20 =	simm.s32 $0x500;
	[smem:$0x7F8] =	sst s23  }
0x21: {  	s25 =	simm.s32 $0xD00;
	s26 =	simm.s32 $0x600;
	[dreg:$0x5] =	wrdreg s4  }
0x22: {  	s23 =	simm.s32 $0xD80;
	s9 =	simm.s32 $0x0;
	[dreg:$0x1e] =	wrdreg s20  }
0x23: {  	s1 =	sadd.s32 s1, s5;
	s4 =	sadd.s32 $0xA4400, s5;
	[smem:$0x7FA] =	sst s25  }
0x24: {  	s5 =	sadd.s32 s6, s5;
	s6 =	ssub.s32 s14, s16;
	[smem:$0x7FB] =	sst s26  }
0x25: {  	s14 =	simm.s32 $0x400;
	s7 =	sshrl.u32 s7, $0x3;
	[smem:$0x7FC] =	sst s8  }
0x26: {  	s16 =	simm.s32 $0xB80;
	s20 =	simm.s32 $0x3;
	[dreg:$0x18] =	wrdreg s14  }
0x27: {  	s25 =	simm.s32 $0x6C0;
	s26 =	simm.s32 $0xE00;
	[dreg:$0x1a] =	wrdreg s16  }
0x28: {  	s1 =	sadd.s32 $0x90400, s1;
	s0 =	sadd.s32 s4, s0;
	[smem:$0x7FD] =	sst s7  }
0x29: {  	s11 =	sadd.s32 $0xF4400, s5;
	s13 =	smax.u32 s6, $0x1;
	[dreg:$0x4] =	wrdreg s1  }
0x2a: {  	s14 =	simm.s32 $0x3000;
	s16 =	simm.s32 $0x5000;
	[smem:$0x7F4] =	sst s0  }
0x2b: {  	s5 =	simm.s32 $0xF80;
	s1 =	simm.s32 $0xA80;
	[smem:$0x7F5] =	sst s11  }
0x2c: {  	[smem:$0x7F6] =	sst s13;
	s11 =	simm.s32 $0x800;
	s13 =	simm.s32 $0x1000  }
0x2d: {  	s0 =	simm.s32 $0xF00;
	[dreg:$0x14] =	wrdreg s1;
	s1 =	simm.s32 $0x7C0  }
.LBB2_1:
0x2e: {  	s6 =	sld [smem:$0x7F4];
	_ =	sdelay $0x1  }
0x2f: {  	[smem:$0x7F3] =	sst s9  }
0x30: {  	[spmem:s7], [sflag:s8] =	dma.local [hbm:s6], $0x2800  }
0x31: {  	_ =	swait.ge [sflag:s10], $0x2800  }
0x32: {  	[sflag:s10] =	ssyncset.done $0x0  }
0x33: {  	[sflag:s10] =	ssyncadd.s32 $0xFFFFD800  }
0x34: {  	[bflag:$0x0] =	sbarrier.arrive $0xFFFF  }
0x35: {  	s9 =	rddreg [dreg:$0x4]  }
0x36: {  	s6 =	sadd.s32 $0x0, s9  }
0x37: {  	[tilespmem:s3], [sflag:$0x5] =	stream.linear.gather [hbm4b:s6+s3], $0x800, $0x38;
	[tilespmem:$0x1D000] =	vst v63  }
0x38: {  	_ =	swait.ge [sflag:s10], $0x800  }
0x39: {  	s7 =	rddreg [dreg:$0x3];
	[sflag:s10] =	ssyncset.done $0x0  }
0x3a: {  	[sflag:s10] =	ssyncadd.s32 $0xFFFFF800;
	s6 =	sadd.s32 $0x0, s7  }
0x3b: {  	[tilespmem:s11], [sflag:$0x5] =	stream.linear.gather [hbm4b:s6+s3], $0x800, $0x38;
	[tilespmem:$0x1D000] =	vst v63  }
0x3c: {  	_ =	swait.ge [sflag:s10], $0x800  }
0x3d: {  	[sflag:s10] =	ssyncset.done $0x0  }
0x3e: {  	[sflag:s10] =	ssyncadd.s32 $0xFFFFF800  }
0x3f: {  	[tilespmem:s13], [sflag:$0x1] =	stream.indirect.gather [hbm4b:s4+s12], $0x80, s3, s12, $0xb8;
	[tilespmem:$0x1D000] =	vst v63  }
0x40: {  	_ = 	snop  }
0x41: {  	[tilespmem:s14], [sflag:$0x2] =	stream.indirect.gather [hbm4b:s4+s12], $0x80, s12, s12, $0xb8;
	[tilespmem:$0x1D000] =	vst v63  }
0x42: {  	_ = 	snop  }
0x43: {  	[tilespmem:s16], [sflag:$0x3] =	stream.indirect.gather [hbm4b:s4+s12], $0x80, s15, s12, $0xb8;
	[tilespmem:$0x1D000] =	vst v63  }
0x44: {  	s8 =	rddreg [dreg:$0x5]  }
0x45: {  	[tilespmem:s17], [sflag:$0x4] =	stream.indirect.gather [hbm4b:s4+s12], $0x80, s8, s12, $0xb8;
	[tilespmem:$0x1D000] =	vst v63  }
0x46: {  	_ =	swait.ge [sflag:s18], $0x2000  }
0x47: {  	[sflag:s18] =	ssyncset.done $0x0  }
0x48: {  	[sflag:s18] =	ssyncadd.s32 $0xFFFFE000  }
0x49: {  	_ =	swait.ge [sflag:s19], $0x2000  }
0x4a: {  	[sflag:s19] =	ssyncset.done $0x0  }
0x4b: {  	[sflag:s19] =	ssyncadd.s32 $0xFFFFE000  }
0x4c: {  	[spmem:s2] =	stream.indirect.scatter.add.f32 [tilespmem:s13], [sflag:$0x5], $0x80, s11, s15, $0xb8;
	[tilespmem:$0x1D000] =	vst v63  }
0x4d: {  	_ =	swait.ge [sflag:s10], $0x4000  }
0x4e: {  	[sflag:s10] =	ssyncset.done $0x0  }
0x4f: {  	s9 =	rddreg [dreg:$0x6];
	[sflag:s10] =	ssyncadd.s32 $0xFFFFC000  }
0x50: {  	[tilespmem:s13], [sflag:$0x1] =	stream.indirect.gather [hbm4b:s4+s12], $0x80, s9, s12, $0xb8;
	[tilespmem:$0x1D000] =	vst v63  }
0x51: {  	s7 =	rddreg [dreg:$0x7]  }
0x52: {  	[tilespmem:s14], [sflag:$0x2] =	stream.indirect.gather [hbm4b:s4+s12], $0x80, s7, s12, $0xb8;
	[tilespmem:$0x1D000] =	vst v63  }
0x53: {  	_ =	swait.ge [sflag:s20], $0x2000  }
0x54: {  	[sflag:s20] =	ssyncset.done $0x0  }
0x55: {  	[sflag:s20] =	ssyncadd.s32 $0xFFFFE000  }
0x56: {  	_ =	swait.ge [sflag:s21], $0x2000  }
0x57: {  	[sflag:s21] =	ssyncset.done $0x0  }
0x58: {  	s8 =	rddreg [dreg:$0x8];
	[sflag:s21] =	ssyncadd.s32 $0xFFFFE000  }
0x59: {  	[spmem:s2] =	stream.indirect.scatter.add.f32 [tilespmem:s16], [sflag:$0x5], $0x80, s8, s15, $0xb8;
	[tilespmem:$0x1D000] =	vst v63  }
0x5a: {  	_ =	swait.ge [sflag:s10], $0x4000  }
0x5b: {  	[sflag:s10] =	ssyncset.done $0x0  }
0x5c: {  	s9 =	rddreg [dreg:$0x9];
	[sflag:s10] =	ssyncadd.s32 $0xFFFFC000  }
0x5d: {  	[tilespmem:s16], [sflag:$0x3] =	stream.indirect.gather [hbm4b:s4+s12], $0x80, s9, s12, $0xb8;
	[tilespmem:$0x1D000] =	vst v63  }
0x5e: {  	s7 =	rddreg [dreg:$0xa]  }
0x5f: {  	[tilespmem:s17], [sflag:$0x4] =	stream.indirect.gather [hbm4b:s4+s12], $0x80, s7, s12, $0xb8;
	[tilespmem:$0x1D000] =	vst v63  }
0x60: {  	_ =	swait.ge [sflag:s18], $0x2000  }
0x61: {  	[sflag:s18] =	ssyncset.done $0x0  }
0x62: {  	[sflag:s18] =	ssyncadd.s32 $0xFFFFE000  }
0x63: {  	_ =	swait.ge [sflag:s19], $0x2000  }
0x64: {  	[sflag:s19] =	ssyncset.done $0x0  }
0x65: {  	s8 =	rddreg [dreg:$0xb];
	[sflag:s19] =	ssyncadd.s32 $0xFFFFE000  }
0x66: {  	[spmem:s2] =	stream.indirect.scatter.add.f32 [tilespmem:s13], [sflag:$0x5], $0x80, s8, s15, $0xb8;
	[tilespmem:$0x1D000] =	vst v63  }
0x67: {  	_ =	swait.ge [sflag:s10], $0x4000  }
0x68: {  	[sflag:s10] =	ssyncset.done $0x0  }
0x69: {  	s9 =	rddreg [dreg:$0xc];
	[sflag:s10] =	ssyncadd.s32 $0xFFFFC000  }
0x6a: {  	[tilespmem:s13], [sflag:$0x1] =	stream.indirect.gather [hbm4b:s4+s12], $0x80, s9, s12, $0xb8;
	[tilespmem:$0x1D000] =	vst v63  }
0x6b: {  	s7 =	rddreg [dreg:$0xd]  }
0x6c: {  	[tilespmem:s14], [sflag:$0x2] =	stream.indirect.gather [hbm4b:s4+s12], $0x80, s7, s12, $0xb8;
	[tilespmem:$0x1D000] =	vst v63  }
0x6d: {  	_ =	swait.ge [sflag:s20], $0x2000  }
0x6e: {  	[sflag:s20] =	ssyncset.done $0x0  }
0x6f: {  	[sflag:s20] =	ssyncadd.s32 $0xFFFFE000  }
0x70: {  	_ =	swait.ge [sflag:s21], $0x2000  }
0x71: {  	[sflag:s21] =	ssyncset.done $0x0  }
0x72: {  	s8 =	rddreg [dreg:$0xe];
	[sflag:s21] =	ssyncadd.s32 $0xFFFFE000  }
0x73: {  	[spmem:s2] =	stream.indirect.scatter.add.f32 [tilespmem:s16], [sflag:$0x5], $0x80, s8, s15, $0xb8;
	[tilespmem:$0x1D000] =	vst v63  }
0x74: {  	_ =	swait.ge [sflag:s10], $0x4000  }
0x75: {  	[sflag:s10] =	ssyncset.done $0x0  }
0x76: {  	s9 =	rddreg [dreg:$0xf];
	[sflag:s10] =	ssyncadd.s32 $0xFFFFC000  }
0x77: {  	[tilespmem:s16], [sflag:$0x3] =	stream.indirect.gather [hbm4b:s4+s12], $0x80, s9, s12, $0xb8;
	[tilespmem:$0x1D000] =	vst v63  }
0x78: {  	s7 =	rddreg [dreg:$0x10]  }
0x79: {  	[tilespmem:s17], [sflag:$0x4] =	stream.indirect.gather [hbm4b:s4+s12], $0x80, s7, s12, $0xb8;
	[tilespmem:$0x1D000] =	vst v63  }
0x7a: {  	_ =	swait.ge [sflag:s18], $0x2000  }
0x7b: {  	[sflag:s18] =	ssyncset.done $0x0  }
0x7c: {  	[sflag:s18] =	ssyncadd.s32 $0xFFFFE000  }
0x7d: {  	_ =	swait.ge [sflag:s19], $0x2000  }
0x7e: {  	[sflag:s19] =	ssyncset.done $0x0  }
0x7f: {  	s8 =	rddreg [dreg:$0x11];
	[sflag:s19] =	ssyncadd.s32 $0xFFFFE000  }
0x80: {  	[spmem:s2] =	stream.indirect.scatter.add.f32 [tilespmem:s13], [sflag:$0x5], $0x80, s8, s15, $0xb8;
	[tilespmem:$0x1D000] =	vst v63  }
0x81: {  	_ =	swait.ge [sflag:s10], $0x4000  }
0x82: {  	[sflag:s10] =	ssyncset.done $0x0  }
0x83: {  	s9 =	rddreg [dreg:$0x12];
	[sflag:s10] =	ssyncadd.s32 $0xFFFFC000  }
0x84: {  	[tilespmem:s13], [sflag:$0x1] =	stream.indirect.gather [hbm4b:s4+s12], $0x80, s9, s12, $0xb8;
	[tilespmem:$0x1D000] =	vst v63  }
0x85: {  	s7 =	rddreg [dreg:$0x13]  }
0x86: {  	[tilespmem:s14], [sflag:$0x2] =	stream.indirect.gather [hbm4b:s4+s12], $0x80, s7, s12, $0xb8;
	[tilespmem:$0x1D000] =	vst v63  }
0x87: {  	_ =	swait.ge [sflag:s20], $0x2000  }
0x88: {  	[sflag:s20] =	ssyncset.done $0x0  }
0x89: {  	[sflag:s20] =	ssyncadd.s32 $0xFFFFE000  }
0x8a: {  	_ =	swait.ge [sflag:s21], $0x2000  }
0x8b: {  	[sflag:s21] =	ssyncset.done $0x0  }
0x8c: {  	s8 =	rddreg [dreg:$0x14];
	[sflag:s21] =	ssyncadd.s32 $0xFFFFE000  }
0x8d: {  	[spmem:s2] =	stream.indirect.scatter.add.f32 [tilespmem:s16], [sflag:$0x5], $0x80, s8, s15, $0xb8;
	[tilespmem:$0x1D000] =	vst v63  }
0x8e: {  	_ =	swait.ge [sflag:s10], $0x4000  }
0x8f: {  	[sflag:s10] =	ssyncset.done $0x0  }
0x90: {  	s9 =	rddreg [dreg:$0x15];
	[sflag:s10] =	ssyncadd.s32 $0xFFFFC000  }
0x91: {  	[tilespmem:s16], [sflag:$0x3] =	stream.indirect.gather [hbm4b:s4+s12], $0x80, s9, s12, $0xb8;
	[tilespmem:$0x1D000] =	vst v63  }
0x92: {  	s7 =	rddreg [dreg:$0x16]  }
0x93: {  	[tilespmem:s17], [sflag:$0x4] =	stream.indirect.gather [hbm4b:s4+s12], $0x80, s7, s12, $0xb8;
	[tilespmem:$0x1D000] =	vst v63  }
0x94: {  	_ =	swait.ge [sflag:s18], $0x2000  }
0x95: {  	[sflag:s18] =	ssyncset.done $0x0  }
0x96: {  	[sflag:s18] =	ssyncadd.s32 $0xFFFFE000  }
0x97: {  	_ =	swait.ge [sflag:s19], $0x2000  }
0x98: {  	[sflag:s19] =	ssyncset.done $0x0  }
0x99: {  	s8 =	rddreg [dreg:$0x17];
	[sflag:s19] =	ssyncadd.s32 $0xFFFFE000  }
0x9a: {  	[spmem:s2] =	stream.indirect.scatter.add.f32 [tilespmem:s13], [sflag:$0x5], $0x80, s8, s15, $0xb8;
	[tilespmem:$0x1D000] =	vst v63  }
0x9b: {  	_ =	swait.ge [sflag:s10], $0x4000  }
0x9c: {  	[sflag:s10] =	ssyncset.done $0x0  }
0x9d: {  	s9 =	rddreg [dreg:$0x18];
	[sflag:s10] =	ssyncadd.s32 $0xFFFFC000  }
0x9e: {  	[tilespmem:s13], [sflag:$0x1] =	stream.indirect.gather [hbm4b:s4+s12], $0x80, s9, s12, $0xb8;
	[tilespmem:$0x1D000] =	vst v63  }
0x9f: {  	s7 =	rddreg [dreg:$0x19]  }
0xa0: {  	[tilespmem:s14], [sflag:$0x2] =	stream.indirect.gather [hbm4b:s4+s12], $0x80, s7, s12, $0xb8;
	[tilespmem:$0x1D000] =	vst v63  }
0xa1: {  	_ =	swait.ge [sflag:s20], $0x2000  }
0xa2: {  	[sflag:s20] =	ssyncset.done $0x0  }
0xa3: {  	[sflag:s20] =	ssyncadd.s32 $0xFFFFE000  }
0xa4: {  	_ =	swait.ge [sflag:s21], $0x2000  }
0xa5: {  	[sflag:s21] =	ssyncset.done $0x0  }
0xa6: {  	s8 =	rddreg [dreg:$0x1a];
	[sflag:s21] =	ssyncadd.s32 $0xFFFFE000  }
0xa7: {  	[spmem:s2] =	stream.indirect.scatter.add.f32 [tilespmem:s16], [sflag:$0x5], $0x80, s8, s15, $0xb8;
	[tilespmem:$0x1D000] =	vst v63  }
0xa8: {  	_ =	swait.ge [sflag:s10], $0x4000  }
0xa9: {  	[sflag:s10] =	ssyncset.done $0x0  }
0xaa: {  	s9 =	rddreg [dreg:$0x1b];
	[sflag:s10] =	ssyncadd.s32 $0xFFFFC000  }
0xab: {  	[tilespmem:s16], [sflag:$0x3] =	stream.indirect.gather [hbm4b:s4+s12], $0x80, s9, s12, $0xb8;
	[tilespmem:$0x1D000] =	vst v63  }
0xac: {  	s7 =	rddreg [dreg:$0x1c]  }
0xad: {  	[tilespmem:s17], [sflag:$0x4] =	stream.indirect.gather [hbm4b:s4+s12], $0x80, s7, s12, $0xb8;
	[tilespmem:$0x1D000] =	vst v63  }
0xae: {  	_ =	swait.ge [sflag:s18], $0x2000  }
0xaf: {  	[sflag:s18] =	ssyncset.done $0x0  }
0xb0: {  	[sflag:s18] =	ssyncadd.s32 $0xFFFFE000  }
0xb1: {  	_ =	swait.ge [sflag:s19], $0x2000  }
0xb2: {  	[sflag:s19] =	ssyncset.done $0x0  }
0xb3: {  	s8 =	rddreg [dreg:$0x1d];
	[sflag:s19] =	ssyncadd.s32 $0xFFFFE000  }
0xb4: {  	[spmem:s2] =	stream.indirect.scatter.add.f32 [tilespmem:s13], [sflag:$0x5], $0x80, s8, s15, $0xb8;
	[tilespmem:$0x1D000] =	vst v63  }
0xb5: {  	_ =	swait.ge [sflag:s10], $0x4000  }
0xb6: {  	[sflag:s10] =	ssyncset.done $0x0  }
0xb7: {  	s9 =	rddreg [dreg:$0x1e];
	[sflag:s10] =	ssyncadd.s32 $0xFFFFC000  }
0xb8: {  	[tilespmem:s13], [sflag:$0x1] =	stream.indirect.gather [hbm4b:s4+s12], $0x80, s9, s12, $0xb8;
	[tilespmem:$0x1D000] =	vst v63  }
0xb9: {  	s7 =	rddreg [dreg:$0x1f]  }
0xba: {  	[tilespmem:s14], [sflag:$0x2] =	stream.indirect.gather [hbm4b:s4+s12], $0x80, s7, s12, $0xb8;
	[tilespmem:$0x1D000] =	vst v63  }
0xbb: {  	_ =	swait.ge [sflag:s20], $0x2000  }
0xbc: {  	[sflag:s20] =	ssyncset.done $0x0  }
0xbd: {  	[sflag:s20] =	ssyncadd.s32 $0xFFFFE000  }
0xbe: {  	_ =	swait.ge [sflag:s21], $0x2000  }
0xbf: {  	s8 =	sld [smem:$0x7F7]  }
0xc0: {  	[sflag:s21] =	ssyncset.done $0x0  }
0xc1: {  	[sflag:s21] =	ssyncadd.s32 $0xFFFFE000  }
0xc2: {  	[spmem:s2] =	stream.indirect.scatter.add.f32 [tilespmem:s16], [sflag:$0x5], $0x80, s8, s15, $0xb8;
	[tilespmem:$0x1D000] =	vst v63  }
0xc3: {  	_ =	swait.ge [sflag:s10], $0x4000  }
0xc4: {  	s9 =	sld [smem:$0x7F8]  }
0xc5: {  	[sflag:s10] =	ssyncset.done $0x0  }
0xc6: {  	s7 =	sld [smem:$0x7F9];
	[sflag:s10] =	ssyncadd.s32 $0xFFFFC000  }
0xc7: {  	[tilespmem:s16], [sflag:$0x3] =	stream.indirect.gather [hbm4b:s4+s12], $0x80, s9, s12, $0xb8;
	[tilespmem:$0x1D000] =	vst v63  }
0xc8: {  	_ = 	snop  }
0xc9: {  	[tilespmem:s17], [sflag:$0x4] =	stream.indirect.gather [hbm4b:s4+s12], $0x80, s7, s12, $0xb8;
	[tilespmem:$0x1D000] =	vst v63  }
0xca: {  	_ =	swait.ge [sflag:s18], $0x2000  }
0xcb: {  	[sflag:s18] =	ssyncset.done $0x0  }
0xcc: {  	[sflag:s18] =	ssyncadd.s32 $0xFFFFE000  }
0xcd: {  	_ =	swait.ge [sflag:s19], $0x2000  }
0xce: {  	s8 =	sld [smem:$0x7FA]  }
0xcf: {  	[sflag:s19] =	ssyncset.done $0x0  }
0xd0: {  	[sflag:s19] =	ssyncadd.s32 $0xFFFFE000  }
0xd1: {  	[spmem:s2] =	stream.indirect.scatter.add.f32 [tilespmem:s13], [sflag:$0x5], $0x80, s8, s15, $0xb8;
	[tilespmem:$0x1D000] =	vst v63  }
0xd2: {  	_ =	swait.ge [sflag:s10], $0x4000  }
0xd3: {  	s9 =	sld [smem:$0x7FB]  }
0xd4: {  	[sflag:s10] =	ssyncset.done $0x0  }
0xd5: {  	[sflag:s10] =	ssyncadd.s32 $0xFFFFC000  }
0xd6: {  	[tilespmem:s13], [sflag:$0x1] =	stream.indirect.gather [hbm4b:s4+s12], $0x80, s9, s12, $0xb8;
	[tilespmem:$0x1D000] =	vst v63  }
0xd7: {  	_ = 	snop  }
0xd8: {  	[tilespmem:s14], [sflag:$0x2] =	stream.indirect.gather [hbm4b:s4+s12], $0x80, s22, s12, $0xb8;
	[tilespmem:$0x1D000] =	vst v63  }
0xd9: {  	_ =	swait.ge [sflag:s20], $0x2000  }
0xda: {  	[sflag:s20] =	ssyncset.done $0x0  }
0xdb: {  	[sflag:s20] =	ssyncadd.s32 $0xFFFFE000  }
0xdc: {  	_ =	swait.ge [sflag:s21], $0x2000  }
0xdd: {  	[sflag:s21] =	ssyncset.done $0x0  }
0xde: {  	[sflag:s21] =	ssyncadd.s32 $0xFFFFE000  }
0xdf: {  	[spmem:s2] =	stream.indirect.scatter.add.f32 [tilespmem:s16], [sflag:$0x5], $0x80, s23, s15, $0xb8;
	[tilespmem:$0x1D000] =	vst v63  }
0xe0: {  	_ =	swait.ge [sflag:s10], $0x4000  }
0xe1: {  	[sflag:s10] =	ssyncset.done $0x0  }
0xe2: {  	[sflag:s10] =	ssyncadd.s32 $0xFFFFC000  }
0xe3: {  	[tilespmem:s16], [sflag:$0x3] =	stream.indirect.gather [hbm4b:s4+s12], $0x80, s24, s12, $0xb8;
	[tilespmem:$0x1D000] =	vst v63  }
0xe4: {  	_ = 	snop  }
0xe5: {  	[tilespmem:s17], [sflag:$0x4] =	stream.indirect.gather [hbm4b:s4+s12], $0x80, s25, s12, $0xb8;
	[tilespmem:$0x1D000] =	vst v63  }
0xe6: {  	_ =	swait.ge [sflag:s18], $0x2000  }
0xe7: {  	[sflag:s18] =	ssyncset.done $0x0  }
0xe8: {  	[sflag:s18] =	ssyncadd.s32 $0xFFFFE000  }
0xe9: {  	_ =	swait.ge [sflag:s19], $0x2000  }
0xea: {  	[sflag:s19] =	ssyncset.done $0x0  }
0xeb: {  	[sflag:s19] =	ssyncadd.s32 $0xFFFFE000  }
0xec: {  	[spmem:s2] =	stream.indirect.scatter.add.f32 [tilespmem:s13], [sflag:$0x5], $0x80, s26, s15, $0xb8;
	[tilespmem:$0x1D000] =	vst v63  }
0xed: {  	_ =	swait.ge [sflag:s10], $0x4000  }
0xee: {  	[sflag:s10] =	ssyncset.done $0x0  }
0xef: {  	[sflag:s10] =	ssyncadd.s32 $0xFFFFC000  }
0xf0: {  	[tilespmem:s13], [sflag:$0x1] =	stream.indirect.gather [hbm4b:s4+s12], $0x80, s28, s12, $0xb8;
	[tilespmem:$0x1D000] =	vst v63  }
0xf1: {  	_ = 	snop  }
0xf2: {  	[tilespmem:s14], [sflag:$0x2] =	stream.indirect.gather [hbm4b:s4+s12], $0x80, s29, s12, $0xb8;
	[tilespmem:$0x1D000] =	vst v63  }
0xf3: {  	_ =	swait.ge [sflag:s20], $0x2000  }
0xf4: {  	[sflag:s20] =	ssyncset.done $0x0  }
0xf5: {  	[sflag:s20] =	ssyncadd.s32 $0xFFFFE000  }
0xf6: {  	_ =	swait.ge [sflag:s21], $0x2000  }
0xf7: {  	[sflag:s21] =	ssyncset.done $0x0  }
0xf8: {  	[sflag:s21] =	ssyncadd.s32 $0xFFFFE000  }
0xf9: {  	[spmem:s2] =	stream.indirect.scatter.add.f32 [tilespmem:s16], [sflag:$0x5], $0x80, s30, s15, $0xb8;
	[tilespmem:$0x1D000] =	vst v63  }
0xfa: {  	_ =	swait.ge [sflag:s10], $0x4000  }
0xfb: {  	[sflag:s10] =	ssyncset.done $0x0  }
0xfc: {  	[sflag:s10] =	ssyncadd.s32 $0xFFFFC000  }
0xfd: {  	[tilespmem:s16], [sflag:$0x3] =	stream.indirect.gather [hbm4b:s4+s12], $0x80, s31, s12, $0xb8;
	[tilespmem:$0x1D000] =	vst v63  }
0xfe: {  	_ = 	snop  }
0xff: {  	[tilespmem:s17], [sflag:$0x4] =	stream.indirect.gather [hbm4b:s4+s12], $0x80, s1, s12, $0xb8;
	[tilespmem:$0x1D000] =	vst v63  }
0x100: {  	_ =	swait.ge [sflag:s18], $0x2000  }
0x101: {  	[sflag:s18] =	ssyncset.done $0x0  }
0x102: {  	[sflag:s18] =	ssyncadd.s32 $0xFFFFE000  }
0x103: {  	_ =	swait.ge [sflag:s19], $0x2000  }
0x104: {  	[sflag:s19] =	ssyncset.done $0x0  }
0x105: {  	[sflag:s19] =	ssyncadd.s32 $0xFFFFE000  }
0x106: {  	[spmem:s2] =	stream.indirect.scatter.add.f32 [tilespmem:s13], [sflag:$0x5], $0x80, s0, s15, $0xb8;
	[tilespmem:$0x1D000] =	vst v63  }
0x107: {  	_ =	swait.ge [sflag:s10], $0x4000  }
0x108: {  	[sflag:s10] =	ssyncset.done $0x0  }
0x109: {  	[sflag:s10] =	ssyncadd.s32 $0xFFFFC000  }
0x10a: {  	_ =	swait.ge [sflag:s20], $0x2000  }
0x10b: {  	[sflag:s20] =	ssyncset.done $0x0  }
0x10c: {  	[sflag:s20] =	ssyncadd.s32 $0xFFFFE000  }
0x10d: {  	_ =	swait.ge [sflag:s21], $0x2000  }
0x10e: {  	[sflag:s21] =	ssyncset.done $0x0  }
0x10f: {  	[sflag:s21] =	ssyncadd.s32 $0xFFFFE000  }
0x110: {  	[spmem:s2] =	stream.indirect.scatter.add.f32 [tilespmem:s16], [sflag:$0x5], $0x80, s5, s15, $0xb8;
	[tilespmem:$0x1D000] =	vst v63  }
0x111: {  	s6 =	simm.s32 $0x200;
	_ =	swait.ge [sflag:s10], $0x4000  }
0x112: {  	s8 =	simm.s32 $0x100;
	s9 =	rddreg [dreg:$0x4];
	[sflag:s10] =	ssyncset.done $0x0  }
.LBB2_2:
0x113: {  	[sflag:s10] =	ssyncadd.s32 $0xFFFFC000;
	s9 =	sadd.s32 s8, s9  }
0x114: {  	[tilespmem:s3], [sflag:$0x5] =	stream.linear.gather [hbm4b:s9+s3], $0x800, $0x38;
	[tilespmem:$0x1D000] =	vst v63  }
0x115: {  	_ =	swait.ge [sflag:s10], $0x800  }
0x116: {  	s9 =	rddreg [dreg:$0x3];
	[sflag:s10] =	ssyncset.done $0x0  }
0x117: {  	[sflag:s10] =	ssyncadd.s32 $0xFFFFF800;
	s9 =	sadd.s32 s8, s9  }
0x118: {  	[tilespmem:s11], [sflag:$0x5] =	stream.linear.gather [hbm4b:s9+s3], $0x800, $0x38;
	[tilespmem:$0x1D000] =	vst v63  }
0x119: {  	_ =	swait.ge [sflag:s10], $0x800  }
0x11a: {  	[sflag:s10] =	ssyncset.done $0x0  }
0x11b: {  	[sflag:s10] =	ssyncadd.s32 $0xFFFFF800  }
0x11c: {  	[tilespmem:s13], [sflag:$0x1] =	stream.indirect.gather [hbm4b:s4+s12], $0x80, s3, s12, $0xb8;
	[tilespmem:$0x1D000] =	vst v63  }
0x11d: {  	_ = 	snop  }
0x11e: {  	[tilespmem:s14], [sflag:$0x2] =	stream.indirect.gather [hbm4b:s4+s12], $0x80, s12, s12, $0xb8;
	[tilespmem:$0x1D000] =	vst v63  }
0x11f: {  	_ = 	snop  }
0x120: {  	[tilespmem:s16], [sflag:$0x3] =	stream.indirect.gather [hbm4b:s4+s12], $0x80, s15, s12, $0xb8;
	[tilespmem:$0x1D000] =	vst v63  }
0x121: {  	s9 =	rddreg [dreg:$0x5]  }
0x122: {  	[tilespmem:s17], [sflag:$0x4] =	stream.indirect.gather [hbm4b:s4+s12], $0x80, s9, s12, $0xb8;
	[tilespmem:$0x1D000] =	vst v63  }
0x123: {  	_ =	swait.ge [sflag:s18], $0x2000  }
0x124: {  	[sflag:s18] =	ssyncset.done $0x0  }
0x125: {  	[sflag:s18] =	ssyncadd.s32 $0xFFFFE000  }
0x126: {  	_ =	swait.ge [sflag:s19], $0x2000  }
0x127: {  	[sflag:s19] =	ssyncset.done $0x0  }
0x128: {  	[sflag:s19] =	ssyncadd.s32 $0xFFFFE000  }
0x129: {  	[spmem:s2] =	stream.indirect.scatter.add.f32 [tilespmem:s13], [sflag:$0x5], $0x80, s11, s15, $0xb8;
	[tilespmem:$0x1D000] =	vst v63  }
0x12a: {  	_ =	swait.ge [sflag:s10], $0x4000  }
0x12b: {  	s7 =	smov.u32 s6;
	[sflag:s10] =	ssyncset.done $0x0  }
0x12c: {  	s8 =	smov.u32 s7;
	s7 =	rddreg [dreg:$0x6];
	[sflag:s10] =	ssyncadd.s32 $0xFFFFC000  }
0x12d: {  	[tilespmem:s13], [sflag:$0x1] =	stream.indirect.gather [hbm4b:s4+s12], $0x80, s7, s12, $0xb8;
	[tilespmem:$0x1D000] =	vst v63  }
0x12e: {  	s9 =	rddreg [dreg:$0x7]  }
0x12f: {  	[tilespmem:s14], [sflag:$0x2] =	stream.indirect.gather [hbm4b:s4+s12], $0x80, s9, s12, $0xb8;
	[tilespmem:$0x1D000] =	vst v63  }
0x130: {  	_ =	swait.ge [sflag:s20], $0x2000  }
0x131: {  	[sflag:s20] =	ssyncset.done $0x0  }
0x132: {  	[sflag:s20] =	ssyncadd.s32 $0xFFFFE000  }
0x133: {  	_ =	swait.ge [sflag:s21], $0x2000  }
0x134: {  	[sflag:s21] =	ssyncset.done $0x0  }
0x135: {  	s9 =	rddreg [dreg:$0x8];
	[sflag:s21] =	ssyncadd.s32 $0xFFFFE000  }
0x136: {  	[spmem:s2] =	stream.indirect.scatter.add.f32 [tilespmem:s16], [sflag:$0x5], $0x80, s9, s15, $0xb8;
	[tilespmem:$0x1D000] =	vst v63  }
0x137: {  	_ =	swait.ge [sflag:s10], $0x4000  }
0x138: {  	[sflag:s10] =	ssyncset.done $0x0  }
0x139: {  	s7 =	rddreg [dreg:$0x9];
	[sflag:s10] =	ssyncadd.s32 $0xFFFFC000  }
0x13a: {  	[tilespmem:s16], [sflag:$0x3] =	stream.indirect.gather [hbm4b:s4+s12], $0x80, s7, s12, $0xb8;
	[tilespmem:$0x1D000] =	vst v63  }
0x13b: {  	s9 =	rddreg [dreg:$0xa]  }
0x13c: {  	[tilespmem:s17], [sflag:$0x4] =	stream.indirect.gather [hbm4b:s4+s12], $0x80, s9, s12, $0xb8;
	[tilespmem:$0x1D000] =	vst v63  }
0x13d: {  	_ =	swait.ge [sflag:s18], $0x2000  }
0x13e: {  	[sflag:s18] =	ssyncset.done $0x0  }
0x13f: {  	[sflag:s18] =	ssyncadd.s32 $0xFFFFE000  }
0x140: {  	_ =	swait.ge [sflag:s19], $0x2000  }
0x141: {  	[sflag:s19] =	ssyncset.done $0x0  }
0x142: {  	s9 =	rddreg [dreg:$0xb];
	[sflag:s19] =	ssyncadd.s32 $0xFFFFE000  }
0x143: {  	[spmem:s2] =	stream.indirect.scatter.add.f32 [tilespmem:s13], [sflag:$0x5], $0x80, s9, s15, $0xb8;
	[tilespmem:$0x1D000] =	vst v63  }
0x144: {  	_ =	swait.ge [sflag:s10], $0x4000  }
0x145: {  	[sflag:s10] =	ssyncset.done $0x0  }
0x146: {  	s7 =	rddreg [dreg:$0xc];
	[sflag:s10] =	ssyncadd.s32 $0xFFFFC000  }
0x147: {  	[tilespmem:s13], [sflag:$0x1] =	stream.indirect.gather [hbm4b:s4+s12], $0x80, s7, s12, $0xb8;
	[tilespmem:$0x1D000] =	vst v63  }
0x148: {  	s9 =	rddreg [dreg:$0xd]  }
0x149: {  	[tilespmem:s14], [sflag:$0x2] =	stream.indirect.gather [hbm4b:s4+s12], $0x80, s9, s12, $0xb8;
	[tilespmem:$0x1D000] =	vst v63  }
0x14a: {  	_ =	swait.ge [sflag:s20], $0x2000  }
0x14b: {  	[sflag:s20] =	ssyncset.done $0x0  }
0x14c: {  	[sflag:s20] =	ssyncadd.s32 $0xFFFFE000  }
0x14d: {  	_ =	swait.ge [sflag:s21], $0x2000  }
0x14e: {  	[sflag:s21] =	ssyncset.done $0x0  }
0x14f: {  	s9 =	rddreg [dreg:$0xe];
	[sflag:s21] =	ssyncadd.s32 $0xFFFFE000  }
0x150: {  	[spmem:s2] =	stream.indirect.scatter.add.f32 [tilespmem:s16], [sflag:$0x5], $0x80, s9, s15, $0xb8;
	[tilespmem:$0x1D000] =	vst v63  }
0x151: {  	_ =	swait.ge [sflag:s10], $0x4000  }
0x152: {  	[sflag:s10] =	ssyncset.done $0x0  }
0x153: {  	s7 =	rddreg [dreg:$0xf];
	[sflag:s10] =	ssyncadd.s32 $0xFFFFC000  }
0x154: {  	[tilespmem:s16], [sflag:$0x3] =	stream.indirect.gather [hbm4b:s4+s12], $0x80, s7, s12, $0xb8;
	[tilespmem:$0x1D000] =	vst v63  }
0x155: {  	s9 =	rddreg [dreg:$0x10]  }
0x156: {  	[tilespmem:s17], [sflag:$0x4] =	stream.indirect.gather [hbm4b:s4+s12], $0x80, s9, s12, $0xb8;
	[tilespmem:$0x1D000] =	vst v63  }
0x157: {  	_ =	swait.ge [sflag:s18], $0x2000  }
0x158: {  	[sflag:s18] =	ssyncset.done $0x0  }
0x159: {  	[sflag:s18] =	ssyncadd.s32 $0xFFFFE000  }
0x15a: {  	_ =	swait.ge [sflag:s19], $0x2000  }
0x15b: {  	[sflag:s19] =	ssyncset.done $0x0  }
0x15c: {  	s9 =	rddreg [dreg:$0x11];
	[sflag:s19] =	ssyncadd.s32 $0xFFFFE000  }
0x15d: {  	[spmem:s2] =	stream.indirect.scatter.add.f32 [tilespmem:s13], [sflag:$0x5], $0x80, s9, s15, $0xb8;
	[tilespmem:$0x1D000] =	vst v63  }
0x15e: {  	_ =	swait.ge [sflag:s10], $0x4000  }
0x15f: {  	[sflag:s10] =	ssyncset.done $0x0  }
0x160: {  	s7 =	rddreg [dreg:$0x12];
	[sflag:s10] =	ssyncadd.s32 $0xFFFFC000  }
0x161: {  	[tilespmem:s13], [sflag:$0x1] =	stream.indirect.gather [hbm4b:s4+s12], $0x80, s7, s12, $0xb8;
	[tilespmem:$0x1D000] =	vst v63  }
0x162: {  	s9 =	rddreg [dreg:$0x13]  }
0x163: {  	[tilespmem:s14], [sflag:$0x2] =	stream.indirect.gather [hbm4b:s4+s12], $0x80, s9, s12, $0xb8;
	[tilespmem:$0x1D000] =	vst v63  }
0x164: {  	_ =	swait.ge [sflag:s20], $0x2000  }
0x165: {  	[sflag:s20] =	ssyncset.done $0x0  }
0x166: {  	[sflag:s20] =	ssyncadd.s32 $0xFFFFE000  }
0x167: {  	_ =	swait.ge [sflag:s21], $0x2000  }
0x168: {  	[sflag:s21] =	ssyncset.done $0x0  }
0x169: {  	s9 =	rddreg [dreg:$0x14];
	[sflag:s21] =	ssyncadd.s32 $0xFFFFE000  }
0x16a: {  	[spmem:s2] =	stream.indirect.scatter.add.f32 [tilespmem:s16], [sflag:$0x5], $0x80, s9, s15, $0xb8;
	[tilespmem:$0x1D000] =	vst v63  }
0x16b: {  	_ =	swait.ge [sflag:s10], $0x4000  }
0x16c: {  	[sflag:s10] =	ssyncset.done $0x0  }
0x16d: {  	s7 =	rddreg [dreg:$0x15];
	[sflag:s10] =	ssyncadd.s32 $0xFFFFC000  }
0x16e: {  	[tilespmem:s16], [sflag:$0x3] =	stream.indirect.gather [hbm4b:s4+s12], $0x80, s7, s12, $0xb8;
	[tilespmem:$0x1D000] =	vst v63  }
0x16f: {  	s9 =	rddreg [dreg:$0x16]  }
0x170: {  	[tilespmem:s17], [sflag:$0x4] =	stream.indirect.gather [hbm4b:s4+s12], $0x80, s9, s12, $0xb8;
	[tilespmem:$0x1D000] =	vst v63  }
0x171: {  	_ =	swait.ge [sflag:s18], $0x2000  }
0x172: {  	[sflag:s18] =	ssyncset.done $0x0  }
0x173: {  	[sflag:s18] =	ssyncadd.s32 $0xFFFFE000  }
0x174: {  	_ =	swait.ge [sflag:s19], $0x2000  }
0x175: {  	[sflag:s19] =	ssyncset.done $0x0  }
0x176: {  	s9 =	rddreg [dreg:$0x17];
	[sflag:s19] =	ssyncadd.s32 $0xFFFFE000  }
0x177: {  	[spmem:s2] =	stream.indirect.scatter.add.f32 [tilespmem:s13], [sflag:$0x5], $0x80, s9, s15, $0xb8;
	[tilespmem:$0x1D000] =	vst v63  }
0x178: {  	_ =	swait.ge [sflag:s10], $0x4000  }
0x179: {  	[sflag:s10] =	ssyncset.done $0x0  }
0x17a: {  	s7 =	rddreg [dreg:$0x18];
	[sflag:s10] =	ssyncadd.s32 $0xFFFFC000  }
0x17b: {  	[tilespmem:s13], [sflag:$0x1] =	stream.indirect.gather [hbm4b:s4+s12], $0x80, s7, s12, $0xb8;
	[tilespmem:$0x1D000] =	vst v63  }
0x17c: {  	s9 =	rddreg [dreg:$0x19]  }
0x17d: {  	[tilespmem:s14], [sflag:$0x2] =	stream.indirect.gather [hbm4b:s4+s12], $0x80, s9, s12, $0xb8;
	[tilespmem:$0x1D000] =	vst v63  }
0x17e: {  	_ =	swait.ge [sflag:s20], $0x2000  }
0x17f: {  	[sflag:s20] =	ssyncset.done $0x0  }
0x180: {  	[sflag:s20] =	ssyncadd.s32 $0xFFFFE000  }
0x181: {  	_ =	swait.ge [sflag:s21], $0x2000  }
0x182: {  	[sflag:s21] =	ssyncset.done $0x0  }
0x183: {  	s9 =	rddreg [dreg:$0x1a];
	[sflag:s21] =	ssyncadd.s32 $0xFFFFE000  }
0x184: {  	[spmem:s2] =	stream.indirect.scatter.add.f32 [tilespmem:s16], [sflag:$0x5], $0x80, s9, s15, $0xb8;
	[tilespmem:$0x1D000] =	vst v63  }
0x185: {  	_ =	swait.ge [sflag:s10], $0x4000  }
0x186: {  	[sflag:s10] =	ssyncset.done $0x0  }
0x187: {  	s7 =	rddreg [dreg:$0x1b];
	[sflag:s10] =	ssyncadd.s32 $0xFFFFC000  }
0x188: {  	[tilespmem:s16], [sflag:$0x3] =	stream.indirect.gather [hbm4b:s4+s12], $0x80, s7, s12, $0xb8;
	[tilespmem:$0x1D000] =	vst v63  }
0x189: {  	s9 =	rddreg [dreg:$0x1c]  }
0x18a: {  	[tilespmem:s17], [sflag:$0x4] =	stream.indirect.gather [hbm4b:s4+s12], $0x80, s9, s12, $0xb8;
	[tilespmem:$0x1D000] =	vst v63  }
0x18b: {  	_ =	swait.ge [sflag:s18], $0x2000  }
0x18c: {  	[sflag:s18] =	ssyncset.done $0x0  }
0x18d: {  	[sflag:s18] =	ssyncadd.s32 $0xFFFFE000  }
0x18e: {  	_ =	swait.ge [sflag:s19], $0x2000  }
0x18f: {  	[sflag:s19] =	ssyncset.done $0x0  }
0x190: {  	s9 =	rddreg [dreg:$0x1d];
	[sflag:s19] =	ssyncadd.s32 $0xFFFFE000  }
0x191: {  	[spmem:s2] =	stream.indirect.scatter.add.f32 [tilespmem:s13], [sflag:$0x5], $0x80, s9, s15, $0xb8;
	[tilespmem:$0x1D000] =	vst v63  }
0x192: {  	_ =	swait.ge [sflag:s10], $0x4000  }
0x193: {  	[sflag:s10] =	ssyncset.done $0x0  }
0x194: {  	s7 =	rddreg [dreg:$0x1e];
	[sflag:s10] =	ssyncadd.s32 $0xFFFFC000  }
0x195: {  	[tilespmem:s13], [sflag:$0x1] =	stream.indirect.gather [hbm4b:s4+s12], $0x80, s7, s12, $0xb8;
	[tilespmem:$0x1D000] =	vst v63  }
0x196: {  	s9 =	rddreg [dreg:$0x1f]  }
0x197: {  	[tilespmem:s14], [sflag:$0x2] =	stream.indirect.gather [hbm4b:s4+s12], $0x80, s9, s12, $0xb8;
	[tilespmem:$0x1D000] =	vst v63  }
0x198: {  	_ =	swait.ge [sflag:s20], $0x2000  }
0x199: {  	[sflag:s20] =	ssyncset.done $0x0  }
0x19a: {  	[sflag:s20] =	ssyncadd.s32 $0xFFFFE000  }
0x19b: {  	_ =	swait.ge [sflag:s21], $0x2000  }
0x19c: {  	s9 =	sld [smem:$0x7F7]  }
0x19d: {  	[sflag:s21] =	ssyncset.done $0x0  }
0x19e: {  	[sflag:s21] =	ssyncadd.s32 $0xFFFFE000  }
0x19f: {  	[spmem:s2] =	stream.indirect.scatter.add.f32 [tilespmem:s16], [sflag:$0x5], $0x80, s9, s15, $0xb8;
	[tilespmem:$0x1D000] =	vst v63  }
0x1a0: {  	_ =	swait.ge [sflag:s10], $0x4000  }
0x1a1: {  	s7 =	sld [smem:$0x7F8]  }
0x1a2: {  	[sflag:s10] =	ssyncset.done $0x0  }
0x1a3: {  	s9 =	sld [smem:$0x7F9];
	[sflag:s10] =	ssyncadd.s32 $0xFFFFC000  }
0x1a4: {  	[tilespmem:s16], [sflag:$0x3] =	stream.indirect.gather [hbm4b:s4+s12], $0x80, s7, s12, $0xb8;
	[tilespmem:$0x1D000] =	vst v63  }
0x1a5: {  	_ = 	snop  }
0x1a6: {  	[tilespmem:s17], [sflag:$0x4] =	stream.indirect.gather [hbm4b:s4+s12], $0x80, s9, s12, $0xb8;
	[tilespmem:$0x1D000] =	vst v63  }
0x1a7: {  	_ =	swait.ge [sflag:s18], $0x2000  }
0x1a8: {  	[sflag:s18] =	ssyncset.done $0x0  }
0x1a9: {  	[sflag:s18] =	ssyncadd.s32 $0xFFFFE000  }
0x1aa: {  	_ =	swait.ge [sflag:s19], $0x2000  }
0x1ab: {  	s9 =	sld [smem:$0x7FA]  }
0x1ac: {  	[sflag:s19] =	ssyncset.done $0x0  }
0x1ad: {  	[sflag:s19] =	ssyncadd.s32 $0xFFFFE000  }
0x1ae: {  	[spmem:s2] =	stream.indirect.scatter.add.f32 [tilespmem:s13], [sflag:$0x5], $0x80, s9, s15, $0xb8;
	[tilespmem:$0x1D000] =	vst v63  }
0x1af: {  	_ =	swait.ge [sflag:s10], $0x4000  }
0x1b0: {  	s9 =	sld [smem:$0x7FB]  }
0x1b1: {  	[sflag:s10] =	ssyncset.done $0x0  }
0x1b2: {  	[sflag:s10] =	ssyncadd.s32 $0xFFFFC000  }
0x1b3: {  	[tilespmem:s13], [sflag:$0x1] =	stream.indirect.gather [hbm4b:s4+s12], $0x80, s9, s12, $0xb8;
	[tilespmem:$0x1D000] =	vst v63  }
0x1b4: {  	_ = 	snop  }
0x1b5: {  	[tilespmem:s14], [sflag:$0x2] =	stream.indirect.gather [hbm4b:s4+s12], $0x80, s22, s12, $0xb8;
	[tilespmem:$0x1D000] =	vst v63  }
0x1b6: {  	_ =	swait.ge [sflag:s20], $0x2000  }
0x1b7: {  	[sflag:s20] =	ssyncset.done $0x0  }
0x1b8: {  	[sflag:s20] =	ssyncadd.s32 $0xFFFFE000  }
0x1b9: {  	_ =	swait.ge [sflag:s21], $0x2000  }
0x1ba: {  	[sflag:s21] =	ssyncset.done $0x0  }
0x1bb: {  	[sflag:s21] =	ssyncadd.s32 $0xFFFFE000  }
0x1bc: {  	[spmem:s2] =	stream.indirect.scatter.add.f32 [tilespmem:s16], [sflag:$0x5], $0x80, s23, s15, $0xb8;
	[tilespmem:$0x1D000] =	vst v63  }
0x1bd: {  	_ =	swait.ge [sflag:s10], $0x4000  }
0x1be: {  	[sflag:s10] =	ssyncset.done $0x0  }
0x1bf: {  	[sflag:s10] =	ssyncadd.s32 $0xFFFFC000  }
0x1c0: {  	[tilespmem:s16], [sflag:$0x3] =	stream.indirect.gather [hbm4b:s4+s12], $0x80, s24, s12, $0xb8;
	[tilespmem:$0x1D000] =	vst v63  }
0x1c1: {  	_ = 	snop  }
0x1c2: {  	[tilespmem:s17], [sflag:$0x4] =	stream.indirect.gather [hbm4b:s4+s12], $0x80, s25, s12, $0xb8;
	[tilespmem:$0x1D000] =	vst v63  }
0x1c3: {  	_ =	swait.ge [sflag:s18], $0x2000  }
0x1c4: {  	[sflag:s18] =	ssyncset.done $0x0  }
0x1c5: {  	[sflag:s18] =	ssyncadd.s32 $0xFFFFE000  }
0x1c6: {  	_ =	swait.ge [sflag:s19], $0x2000  }
0x1c7: {  	[sflag:s19] =	ssyncset.done $0x0  }
0x1c8: {  	[sflag:s19] =	ssyncadd.s32 $0xFFFFE000  }
0x1c9: {  	[spmem:s2] =	stream.indirect.scatter.add.f32 [tilespmem:s13], [sflag:$0x5], $0x80, s26, s15, $0xb8;
	[tilespmem:$0x1D000] =	vst v63  }
0x1ca: {  	_ =	swait.ge [sflag:s10], $0x4000  }
0x1cb: {  	[sflag:s10] =	ssyncset.done $0x0  }
0x1cc: {  	[sflag:s10] =	ssyncadd.s32 $0xFFFFC000  }
0x1cd: {  	[tilespmem:s13], [sflag:$0x1] =	stream.indirect.gather [hbm4b:s4+s12], $0x80, s28, s12, $0xb8;
	[tilespmem:$0x1D000] =	vst v63  }
0x1ce: {  	_ = 	snop  }
0x1cf: {  	[tilespmem:s14], [sflag:$0x2] =	stream.indirect.gather [hbm4b:s4+s12], $0x80, s29, s12, $0xb8;
	[tilespmem:$0x1D000] =	vst v63  }
0x1d0: {  	_ =	swait.ge [sflag:s20], $0x2000  }
0x1d1: {  	[sflag:s20] =	ssyncset.done $0x0  }
0x1d2: {  	[sflag:s20] =	ssyncadd.s32 $0xFFFFE000  }
0x1d3: {  	_ =	swait.ge [sflag:s21], $0x2000  }
0x1d4: {  	[sflag:s21] =	ssyncset.done $0x0  }
0x1d5: {  	[sflag:s21] =	ssyncadd.s32 $0xFFFFE000  }
0x1d6: {  	[spmem:s2] =	stream.indirect.scatter.add.f32 [tilespmem:s16], [sflag:$0x5], $0x80, s30, s15, $0xb8;
	[tilespmem:$0x1D000] =	vst v63  }
0x1d7: {  	_ =	swait.ge [sflag:s10], $0x4000  }
0x1d8: {  	[sflag:s10] =	ssyncset.done $0x0  }
0x1d9: {  	[sflag:s10] =	ssyncadd.s32 $0xFFFFC000  }
0x1da: {  	[tilespmem:s16], [sflag:$0x3] =	stream.indirect.gather [hbm4b:s4+s12], $0x80, s31, s12, $0xb8;
	[tilespmem:$0x1D000] =	vst v63  }
0x1db: {  	_ = 	snop  }
0x1dc: {  	[tilespmem:s17], [sflag:$0x4] =	stream.indirect.gather [hbm4b:s4+s12], $0x80, s1, s12, $0xb8;
	[tilespmem:$0x1D000] =	vst v63  }
0x1dd: {  	_ =	swait.ge [sflag:s18], $0x2000  }
0x1de: {  	[sflag:s18] =	ssyncset.done $0x0  }
0x1df: {  	[sflag:s18] =	ssyncadd.s32 $0xFFFFE000  }
0x1e0: {  	_ =	swait.ge [sflag:s19], $0x2000  }
0x1e1: {  	[sflag:s19] =	ssyncset.done $0x0  }
0x1e2: {  	[sflag:s19] =	ssyncadd.s32 $0xFFFFE000  }
0x1e3: {  	[spmem:s2] =	stream.indirect.scatter.add.f32 [tilespmem:s13], [sflag:$0x5], $0x80, s0, s15, $0xb8;
	[tilespmem:$0x1D000] =	vst v63  }
0x1e4: {  	_ =	swait.ge [sflag:s10], $0x4000  }
0x1e5: {  	[sflag:s10] =	ssyncset.done $0x0  }
0x1e6: {  	[sflag:s10] =	ssyncadd.s32 $0xFFFFC000  }
0x1e7: {  	_ =	swait.ge [sflag:s20], $0x2000  }
0x1e8: {  	[sflag:s20] =	ssyncset.done $0x0  }
0x1e9: {  	[sflag:s20] =	ssyncadd.s32 $0xFFFFE000  }
0x1ea: {  	p0 =	sne.s32 s6, $0x900;
	_ =	swait.ge [sflag:s21], $0x2000  }
.Ltmp0:
0x1eb: {  	[sflag:s21] =	ssyncset.done $0x0;
	(pc) =	sbr.rel @p0 .LBB2_2-.Ltmp0, $4  }
0x1ec: {  	[sflag:s21] =	ssyncadd.s32 $0xFFFFE000  }
0x1ed: {  	[spmem:s2] =	stream.indirect.scatter.add.f32 [tilespmem:s16], [sflag:$0x5], $0x80, s5, s15, $0xb8;
	[tilespmem:$0x1D000] =	vst v63  }
0x1ee: {  	_ =	swait.ge [sflag:s10], $0x4000  }
0x1ef: {  	s6 =	sadd.s32 $0x100, s6;
	s9 =	rddreg [dreg:$0x4];
	[sflag:s10] =	ssyncset.done $0x0  }
0x1f0: {  	[sflag:s10] =	ssyncadd.s32 $0xFFFFC000;
	s6 =	sadd.s32 s8, s9  }
0x1f1: {  	[tilespmem:s3], [sflag:$0x5] =	stream.linear.gather [hbm4b:s6+s3], $0x800, $0x38;
	[tilespmem:$0x1D000] =	vst v63  }
0x1f2: {  	_ =	swait.ge [sflag:s10], $0x800  }
0x1f3: {  	s7 =	rddreg [dreg:$0x3];
	[sflag:s10] =	ssyncset.done $0x0  }
0x1f4: {  	[sflag:s10] =	ssyncadd.s32 $0xFFFFF800;
	s6 =	sadd.s32 s8, s7  }
0x1f5: {  	[tilespmem:s11], [sflag:$0x5] =	stream.linear.gather [hbm4b:s6+s3], $0x800, $0x38;
	[tilespmem:$0x1D000] =	vst v63  }
0x1f6: {  	_ =	swait.ge [sflag:s10], $0x800  }
0x1f7: {  	[sflag:s10] =	ssyncset.done $0x0  }
0x1f8: {  	[sflag:s10] =	ssyncadd.s32 $0xFFFFF800  }
0x1f9: {  	[tilespmem:s13], [sflag:$0x1] =	stream.indirect.gather [hbm4b:s4+s12], $0x80, s3, s12, $0xb8;
	[tilespmem:$0x1D000] =	vst v63  }
0x1fa: {  	_ = 	snop  }
0x1fb: {  	[tilespmem:s14], [sflag:$0x2] =	stream.indirect.gather [hbm4b:s4+s12], $0x80, s12, s12, $0xb8;
	[tilespmem:$0x1D000] =	vst v63  }
0x1fc: {  	_ = 	snop  }
0x1fd: {  	[tilespmem:s16], [sflag:$0x3] =	stream.indirect.gather [hbm4b:s4+s12], $0x80, s15, s12, $0xb8;
	[tilespmem:$0x1D000] =	vst v63  }
0x1fe: {  	s8 =	rddreg [dreg:$0x5]  }
0x1ff: {  	[tilespmem:s17], [sflag:$0x4] =	stream.indirect.gather [hbm4b:s4+s12], $0x80, s8, s12, $0xb8;
	[tilespmem:$0x1D000] =	vst v63  }
0x200: {  	_ =	swait.ge [sflag:s18], $0x2000  }
0x201: {  	[sflag:s18] =	ssyncset.done $0x0  }
0x202: {  	[sflag:s18] =	ssyncadd.s32 $0xFFFFE000  }
0x203: {  	_ =	swait.ge [sflag:s19], $0x2000  }
0x204: {  	[sflag:s19] =	ssyncset.done $0x0  }
0x205: {  	[sflag:s19] =	ssyncadd.s32 $0xFFFFE000  }
0x206: {  	[spmem:s2] =	stream.indirect.scatter.add.f32 [tilespmem:s13], [sflag:$0x5], $0x80, s11, s15, $0xb8;
	[tilespmem:$0x1D000] =	vst v63  }
0x207: {  	_ =	swait.ge [sflag:s10], $0x4000  }
0x208: {  	[sflag:s10] =	ssyncset.done $0x0  }
0x209: {  	s9 =	rddreg [dreg:$0x6];
	[sflag:s10] =	ssyncadd.s32 $0xFFFFC000  }
0x20a: {  	[tilespmem:s13], [sflag:$0x1] =	stream.indirect.gather [hbm4b:s4+s12], $0x80, s9, s12, $0xb8;
	[tilespmem:$0x1D000] =	vst v63  }
0x20b: {  	s7 =	rddreg [dreg:$0x7]  }
0x20c: {  	[tilespmem:s14], [sflag:$0x2] =	stream.indirect.gather [hbm4b:s4+s12], $0x80, s7, s12, $0xb8;
	[tilespmem:$0x1D000] =	vst v63  }
0x20d: {  	_ =	swait.ge [sflag:s20], $0x2000  }
0x20e: {  	[sflag:s20] =	ssyncset.done $0x0  }
0x20f: {  	[sflag:s20] =	ssyncadd.s32 $0xFFFFE000  }
0x210: {  	_ =	swait.ge [sflag:s21], $0x2000  }
0x211: {  	[sflag:s21] =	ssyncset.done $0x0  }
0x212: {  	s7 =	rddreg [dreg:$0x8];
	[sflag:s21] =	ssyncadd.s32 $0xFFFFE000  }
0x213: {  	[spmem:s2] =	stream.indirect.scatter.add.f32 [tilespmem:s16], [sflag:$0x5], $0x80, s7, s15, $0xb8;
	[tilespmem:$0x1D000] =	vst v63  }
0x214: {  	_ =	swait.ge [sflag:s10], $0x4000  }
0x215: {  	[sflag:s10] =	ssyncset.done $0x0  }
0x216: {  	s8 =	rddreg [dreg:$0x9];
	[sflag:s10] =	ssyncadd.s32 $0xFFFFC000  }
0x217: {  	[tilespmem:s16], [sflag:$0x3] =	stream.indirect.gather [hbm4b:s4+s12], $0x80, s8, s12, $0xb8;
	[tilespmem:$0x1D000] =	vst v63  }
0x218: {  	s9 =	rddreg [dreg:$0xa]  }
0x219: {  	[tilespmem:s17], [sflag:$0x4] =	stream.indirect.gather [hbm4b:s4+s12], $0x80, s9, s12, $0xb8;
	[tilespmem:$0x1D000] =	vst v63  }
0x21a: {  	_ =	swait.ge [sflag:s18], $0x2000  }
0x21b: {  	[sflag:s18] =	ssyncset.done $0x0  }
0x21c: {  	[sflag:s18] =	ssyncadd.s32 $0xFFFFE000  }
0x21d: {  	_ =	swait.ge [sflag:s19], $0x2000  }
0x21e: {  	[sflag:s19] =	ssyncset.done $0x0  }
0x21f: {  	s7 =	rddreg [dreg:$0xb];
	[sflag:s19] =	ssyncadd.s32 $0xFFFFE000  }
0x220: {  	[spmem:s2] =	stream.indirect.scatter.add.f32 [tilespmem:s13], [sflag:$0x5], $0x80, s7, s15, $0xb8;
	[tilespmem:$0x1D000] =	vst v63  }
0x221: {  	_ =	swait.ge [sflag:s10], $0x4000  }
0x222: {  	[sflag:s10] =	ssyncset.done $0x0  }
0x223: {  	s8 =	rddreg [dreg:$0xc];
	[sflag:s10] =	ssyncadd.s32 $0xFFFFC000  }
0x224: {  	[tilespmem:s13], [sflag:$0x1] =	stream.indirect.gather [hbm4b:s4+s12], $0x80, s8, s12, $0xb8;
	[tilespmem:$0x1D000] =	vst v63  }
0x225: {  	s9 =	rddreg [dreg:$0xd]  }
0x226: {  	[tilespmem:s14], [sflag:$0x2] =	stream.indirect.gather [hbm4b:s4+s12], $0x80, s9, s12, $0xb8;
	[tilespmem:$0x1D000] =	vst v63  }
0x227: {  	_ =	swait.ge [sflag:s20], $0x2000  }
0x228: {  	[sflag:s20] =	ssyncset.done $0x0  }
0x229: {  	[sflag:s20] =	ssyncadd.s32 $0xFFFFE000  }
0x22a: {  	_ =	swait.ge [sflag:s21], $0x2000  }
0x22b: {  	[sflag:s21] =	ssyncset.done $0x0  }
0x22c: {  	s7 =	rddreg [dreg:$0xe];
	[sflag:s21] =	ssyncadd.s32 $0xFFFFE000  }
0x22d: {  	[spmem:s2] =	stream.indirect.scatter.add.f32 [tilespmem:s16], [sflag:$0x5], $0x80, s7, s15, $0xb8;
	[tilespmem:$0x1D000] =	vst v63  }
0x22e: {  	_ =	swait.ge [sflag:s10], $0x4000  }
0x22f: {  	[sflag:s10] =	ssyncset.done $0x0  }
0x230: {  	s8 =	rddreg [dreg:$0xf];
	[sflag:s10] =	ssyncadd.s32 $0xFFFFC000  }
0x231: {  	[tilespmem:s16], [sflag:$0x3] =	stream.indirect.gather [hbm4b:s4+s12], $0x80, s8, s12, $0xb8;
	[tilespmem:$0x1D000] =	vst v63  }
0x232: {  	s9 =	rddreg [dreg:$0x10]  }
0x233: {  	[tilespmem:s17], [sflag:$0x4] =	stream.indirect.gather [hbm4b:s4+s12], $0x80, s9, s12, $0xb8;
	[tilespmem:$0x1D000] =	vst v63  }
0x234: {  	_ =	swait.ge [sflag:s18], $0x2000  }
0x235: {  	[sflag:s18] =	ssyncset.done $0x0  }
0x236: {  	[sflag:s18] =	ssyncadd.s32 $0xFFFFE000  }
0x237: {  	_ =	swait.ge [sflag:s19], $0x2000  }
0x238: {  	[sflag:s19] =	ssyncset.done $0x0  }
0x239: {  	s7 =	rddreg [dreg:$0x11];
	[sflag:s19] =	ssyncadd.s32 $0xFFFFE000  }
0x23a: {  	[spmem:s2] =	stream.indirect.scatter.add.f32 [tilespmem:s13], [sflag:$0x5], $0x80, s7, s15, $0xb8;
	[tilespmem:$0x1D000] =	vst v63  }
0x23b: {  	_ =	swait.ge [sflag:s10], $0x4000  }
0x23c: {  	[sflag:s10] =	ssyncset.done $0x0  }
0x23d: {  	s8 =	rddreg [dreg:$0x12];
	[sflag:s10] =	ssyncadd.s32 $0xFFFFC000  }
0x23e: {  	[tilespmem:s13], [sflag:$0x1] =	stream.indirect.gather [hbm4b:s4+s12], $0x80, s8, s12, $0xb8;
	[tilespmem:$0x1D000] =	vst v63  }
0x23f: {  	s9 =	rddreg [dreg:$0x13]  }
0x240: {  	[tilespmem:s14], [sflag:$0x2] =	stream.indirect.gather [hbm4b:s4+s12], $0x80, s9, s12, $0xb8;
	[tilespmem:$0x1D000] =	vst v63  }
0x241: {  	_ =	swait.ge [sflag:s20], $0x2000  }
0x242: {  	[sflag:s20] =	ssyncset.done $0x0  }
0x243: {  	[sflag:s20] =	ssyncadd.s32 $0xFFFFE000  }
0x244: {  	_ =	swait.ge [sflag:s21], $0x2000  }
0x245: {  	[sflag:s21] =	ssyncset.done $0x0  }
0x246: {  	s7 =	rddreg [dreg:$0x14];
	[sflag:s21] =	ssyncadd.s32 $0xFFFFE000  }
0x247: {  	[spmem:s2] =	stream.indirect.scatter.add.f32 [tilespmem:s16], [sflag:$0x5], $0x80, s7, s15, $0xb8;
	[tilespmem:$0x1D000] =	vst v63  }
0x248: {  	_ =	swait.ge [sflag:s10], $0x4000  }
0x249: {  	[sflag:s10] =	ssyncset.done $0x0  }
0x24a: {  	s8 =	rddreg [dreg:$0x15];
	[sflag:s10] =	ssyncadd.s32 $0xFFFFC000  }
0x24b: {  	[tilespmem:s16], [sflag:$0x3] =	stream.indirect.gather [hbm4b:s4+s12], $0x80, s8, s12, $0xb8;
	[tilespmem:$0x1D000] =	vst v63  }
0x24c: {  	s9 =	rddreg [dreg:$0x16]  }
0x24d: {  	[tilespmem:s17], [sflag:$0x4] =	stream.indirect.gather [hbm4b:s4+s12], $0x80, s9, s12, $0xb8;
	[tilespmem:$0x1D000] =	vst v63  }
0x24e: {  	_ =	swait.ge [sflag:s18], $0x2000  }
0x24f: {  	[sflag:s18] =	ssyncset.done $0x0  }
0x250: {  	[sflag:s18] =	ssyncadd.s32 $0xFFFFE000  }
0x251: {  	_ =	swait.ge [sflag:s19], $0x2000  }
0x252: {  	[sflag:s19] =	ssyncset.done $0x0  }
0x253: {  	s7 =	rddreg [dreg:$0x17];
	[sflag:s19] =	ssyncadd.s32 $0xFFFFE000  }
0x254: {  	[spmem:s2] =	stream.indirect.scatter.add.f32 [tilespmem:s13], [sflag:$0x5], $0x80, s7, s15, $0xb8;
	[tilespmem:$0x1D000] =	vst v63  }
0x255: {  	_ =	swait.ge [sflag:s10], $0x4000  }
0x256: {  	[sflag:s10] =	ssyncset.done $0x0  }
0x257: {  	s8 =	rddreg [dreg:$0x18];
	[sflag:s10] =	ssyncadd.s32 $0xFFFFC000  }
0x258: {  	[tilespmem:s13], [sflag:$0x1] =	stream.indirect.gather [hbm4b:s4+s12], $0x80, s8, s12, $0xb8;
	[tilespmem:$0x1D000] =	vst v63  }
0x259: {  	s9 =	rddreg [dreg:$0x19]  }
0x25a: {  	[tilespmem:s14], [sflag:$0x2] =	stream.indirect.gather [hbm4b:s4+s12], $0x80, s9, s12, $0xb8;
	[tilespmem:$0x1D000] =	vst v63  }
0x25b: {  	_ =	swait.ge [sflag:s20], $0x2000  }
0x25c: {  	[sflag:s20] =	ssyncset.done $0x0  }
0x25d: {  	[sflag:s20] =	ssyncadd.s32 $0xFFFFE000  }
0x25e: {  	_ =	swait.ge [sflag:s21], $0x2000  }
0x25f: {  	[sflag:s21] =	ssyncset.done $0x0  }
0x260: {  	s7 =	rddreg [dreg:$0x1a];
	[sflag:s21] =	ssyncadd.s32 $0xFFFFE000  }
0x261: {  	[spmem:s2] =	stream.indirect.scatter.add.f32 [tilespmem:s16], [sflag:$0x5], $0x80, s7, s15, $0xb8;
	[tilespmem:$0x1D000] =	vst v63  }
0x262: {  	_ =	swait.ge [sflag:s10], $0x4000  }
0x263: {  	[sflag:s10] =	ssyncset.done $0x0  }
0x264: {  	s8 =	rddreg [dreg:$0x1b];
	[sflag:s10] =	ssyncadd.s32 $0xFFFFC000  }
0x265: {  	[tilespmem:s16], [sflag:$0x3] =	stream.indirect.gather [hbm4b:s4+s12], $0x80, s8, s12, $0xb8;
	[tilespmem:$0x1D000] =	vst v63  }
0x266: {  	s9 =	rddreg [dreg:$0x1c]  }
0x267: {  	[tilespmem:s17], [sflag:$0x4] =	stream.indirect.gather [hbm4b:s4+s12], $0x80, s9, s12, $0xb8;
	[tilespmem:$0x1D000] =	vst v63  }
0x268: {  	_ =	swait.ge [sflag:s18], $0x2000  }
0x269: {  	[sflag:s18] =	ssyncset.done $0x0  }
0x26a: {  	[sflag:s18] =	ssyncadd.s32 $0xFFFFE000  }
0x26b: {  	_ =	swait.ge [sflag:s19], $0x2000  }
0x26c: {  	[sflag:s19] =	ssyncset.done $0x0  }
0x26d: {  	s7 =	rddreg [dreg:$0x1d];
	[sflag:s19] =	ssyncadd.s32 $0xFFFFE000  }
0x26e: {  	[spmem:s2] =	stream.indirect.scatter.add.f32 [tilespmem:s13], [sflag:$0x5], $0x80, s7, s15, $0xb8;
	[tilespmem:$0x1D000] =	vst v63  }
0x26f: {  	_ =	swait.ge [sflag:s10], $0x4000  }
0x270: {  	[sflag:s10] =	ssyncset.done $0x0  }
0x271: {  	s8 =	rddreg [dreg:$0x1e];
	[sflag:s10] =	ssyncadd.s32 $0xFFFFC000  }
0x272: {  	[tilespmem:s13], [sflag:$0x1] =	stream.indirect.gather [hbm4b:s4+s12], $0x80, s8, s12, $0xb8;
	[tilespmem:$0x1D000] =	vst v63  }
0x273: {  	s9 =	rddreg [dreg:$0x1f]  }
0x274: {  	[tilespmem:s14], [sflag:$0x2] =	stream.indirect.gather [hbm4b:s4+s12], $0x80, s9, s12, $0xb8;
	[tilespmem:$0x1D000] =	vst v63  }
0x275: {  	_ =	swait.ge [sflag:s20], $0x2000  }
0x276: {  	[sflag:s20] =	ssyncset.done $0x0  }
0x277: {  	[sflag:s20] =	ssyncadd.s32 $0xFFFFE000  }
0x278: {  	_ =	swait.ge [sflag:s21], $0x2000  }
0x279: {  	s7 =	sld [smem:$0x7F7]  }
0x27a: {  	[sflag:s21] =	ssyncset.done $0x0  }
0x27b: {  	[sflag:s21] =	ssyncadd.s32 $0xFFFFE000  }
0x27c: {  	[spmem:s2] =	stream.indirect.scatter.add.f32 [tilespmem:s16], [sflag:$0x5], $0x80, s7, s15, $0xb8;
	[tilespmem:$0x1D000] =	vst v63  }
0x27d: {  	_ =	swait.ge [sflag:s10], $0x4000  }
0x27e: {  	s8 =	sld [smem:$0x7F8]  }
0x27f: {  	[sflag:s10] =	ssyncset.done $0x0  }
0x280: {  	s9 =	sld [smem:$0x7F9];
	[sflag:s10] =	ssyncadd.s32 $0xFFFFC000  }
0x281: {  	[tilespmem:s16], [sflag:$0x3] =	stream.indirect.gather [hbm4b:s4+s12], $0x80, s8, s12, $0xb8;
	[tilespmem:$0x1D000] =	vst v63  }
0x282: {  	_ = 	snop  }
0x283: {  	[tilespmem:s17], [sflag:$0x4] =	stream.indirect.gather [hbm4b:s4+s12], $0x80, s9, s12, $0xb8;
	[tilespmem:$0x1D000] =	vst v63  }
0x284: {  	_ =	swait.ge [sflag:s18], $0x2000  }
0x285: {  	[sflag:s18] =	ssyncset.done $0x0  }
0x286: {  	[sflag:s18] =	ssyncadd.s32 $0xFFFFE000  }
0x287: {  	_ =	swait.ge [sflag:s19], $0x2000  }
0x288: {  	s7 =	sld [smem:$0x7FA]  }
0x289: {  	[sflag:s19] =	ssyncset.done $0x0  }
0x28a: {  	[sflag:s19] =	ssyncadd.s32 $0xFFFFE000  }
0x28b: {  	[spmem:s2] =	stream.indirect.scatter.add.f32 [tilespmem:s13], [sflag:$0x5], $0x80, s7, s15, $0xb8;
	[tilespmem:$0x1D000] =	vst v63  }
0x28c: {  	_ =	swait.ge [sflag:s10], $0x4000  }
0x28d: {  	s8 =	sld [smem:$0x7FB]  }
0x28e: {  	[sflag:s10] =	ssyncset.done $0x0  }
0x28f: {  	[sflag:s10] =	ssyncadd.s32 $0xFFFFC000  }
0x290: {  	[tilespmem:s13], [sflag:$0x1] =	stream.indirect.gather [hbm4b:s4+s12], $0x80, s8, s12, $0xb8;
	[tilespmem:$0x1D000] =	vst v63  }
0x291: {  	_ = 	snop  }
0x292: {  	[tilespmem:s14], [sflag:$0x2] =	stream.indirect.gather [hbm4b:s4+s12], $0x80, s22, s12, $0xb8;
	[tilespmem:$0x1D000] =	vst v63  }
0x293: {  	_ =	swait.ge [sflag:s20], $0x2000  }
0x294: {  	[sflag:s20] =	ssyncset.done $0x0  }
0x295: {  	[sflag:s20] =	ssyncadd.s32 $0xFFFFE000  }
0x296: {  	_ =	swait.ge [sflag:s21], $0x2000  }
0x297: {  	[sflag:s21] =	ssyncset.done $0x0  }
0x298: {  	[sflag:s21] =	ssyncadd.s32 $0xFFFFE000  }
0x299: {  	[spmem:s2] =	stream.indirect.scatter.add.f32 [tilespmem:s16], [sflag:$0x5], $0x80, s23, s15, $0xb8;
	[tilespmem:$0x1D000] =	vst v63  }
0x29a: {  	_ =	swait.ge [sflag:s10], $0x4000  }
0x29b: {  	[sflag:s10] =	ssyncset.done $0x0  }
0x29c: {  	[sflag:s10] =	ssyncadd.s32 $0xFFFFC000  }
0x29d: {  	[tilespmem:s16], [sflag:$0x3] =	stream.indirect.gather [hbm4b:s4+s12], $0x80, s24, s12, $0xb8;
	[tilespmem:$0x1D000] =	vst v63  }
0x29e: {  	_ = 	snop  }
0x29f: {  	[tilespmem:s17], [sflag:$0x4] =	stream.indirect.gather [hbm4b:s4+s12], $0x80, s25, s12, $0xb8;
	[tilespmem:$0x1D000] =	vst v63  }
0x2a0: {  	_ =	swait.ge [sflag:s18], $0x2000  }
0x2a1: {  	[sflag:s18] =	ssyncset.done $0x0  }
0x2a2: {  	[sflag:s18] =	ssyncadd.s32 $0xFFFFE000  }
0x2a3: {  	_ =	swait.ge [sflag:s19], $0x2000  }
0x2a4: {  	[sflag:s19] =	ssyncset.done $0x0  }
0x2a5: {  	[sflag:s19] =	ssyncadd.s32 $0xFFFFE000  }
0x2a6: {  	[spmem:s2] =	stream.indirect.scatter.add.f32 [tilespmem:s13], [sflag:$0x5], $0x80, s26, s15, $0xb8;
	[tilespmem:$0x1D000] =	vst v63  }
0x2a7: {  	_ =	swait.ge [sflag:s10], $0x4000  }
0x2a8: {  	[sflag:s10] =	ssyncset.done $0x0  }
0x2a9: {  	[sflag:s10] =	ssyncadd.s32 $0xFFFFC000  }
0x2aa: {  	[tilespmem:s13], [sflag:$0x1] =	stream.indirect.gather [hbm4b:s4+s12], $0x80, s28, s12, $0xb8;
	[tilespmem:$0x1D000] =	vst v63  }
0x2ab: {  	_ = 	snop  }
0x2ac: {  	[tilespmem:s14], [sflag:$0x2] =	stream.indirect.gather [hbm4b:s4+s12], $0x80, s29, s12, $0xb8;
	[tilespmem:$0x1D000] =	vst v63  }
0x2ad: {  	_ =	swait.ge [sflag:s20], $0x2000  }
0x2ae: {  	[sflag:s20] =	ssyncset.done $0x0  }
0x2af: {  	[sflag:s20] =	ssyncadd.s32 $0xFFFFE000  }
0x2b0: {  	_ =	swait.ge [sflag:s21], $0x2000  }
0x2b1: {  	[sflag:s21] =	ssyncset.done $0x0  }
0x2b2: {  	[sflag:s21] =	ssyncadd.s32 $0xFFFFE000  }
0x2b3: {  	[spmem:s2] =	stream.indirect.scatter.add.f32 [tilespmem:s16], [sflag:$0x5], $0x80, s30, s15, $0xb8;
	[tilespmem:$0x1D000] =	vst v63  }
0x2b4: {  	_ =	swait.ge [sflag:s10], $0x4000  }
0x2b5: {  	[sflag:s10] =	ssyncset.done $0x0  }
0x2b6: {  	[sflag:s10] =	ssyncadd.s32 $0xFFFFC000  }
0x2b7: {  	[tilespmem:s16], [sflag:$0x3] =	stream.indirect.gather [hbm4b:s4+s12], $0x80, s31, s12, $0xb8;
	[tilespmem:$0x1D000] =	vst v63  }
0x2b8: {  	_ = 	snop  }
0x2b9: {  	[tilespmem:s17], [sflag:$0x4] =	stream.indirect.gather [hbm4b:s4+s12], $0x80, s1, s12, $0xb8;
	[tilespmem:$0x1D000] =	vst v63  }
0x2ba: {  	_ =	swait.ge [sflag:s18], $0x2000  }
0x2bb: {  	[sflag:s18] =	ssyncset.done $0x0  }
0x2bc: {  	[sflag:s18] =	ssyncadd.s32 $0xFFFFE000  }
0x2bd: {  	_ =	swait.ge [sflag:s19], $0x2000  }
0x2be: {  	[sflag:s19] =	ssyncset.done $0x0  }
0x2bf: {  	[sflag:s19] =	ssyncadd.s32 $0xFFFFE000  }
0x2c0: {  	[spmem:s2] =	stream.indirect.scatter.add.f32 [tilespmem:s13], [sflag:$0x5], $0x80, s0, s15, $0xb8;
	[tilespmem:$0x1D000] =	vst v63  }
0x2c1: {  	_ =	swait.ge [sflag:s10], $0x4000  }
0x2c2: {  	[sflag:s10] =	ssyncset.done $0x0  }
0x2c3: {  	[sflag:s10] =	ssyncadd.s32 $0xFFFFC000  }
0x2c4: {  	_ =	swait.ge [sflag:s20], $0x2000  }
0x2c5: {  	[sflag:s20] =	ssyncset.done $0x0  }
0x2c6: {  	[sflag:s20] =	ssyncadd.s32 $0xFFFFE000  }
0x2c7: {  	_ =	swait.ge [sflag:s21], $0x2000  }
0x2c8: {  	[sflag:s21] =	ssyncset.done $0x0  }
0x2c9: {  	[sflag:s21] =	ssyncadd.s32 $0xFFFFE000  }
0x2ca: {  	[spmem:s2] =	stream.indirect.scatter.add.f32 [tilespmem:s16], [sflag:$0x5], $0x80, s5, s15, $0xb8;
	[tilespmem:$0x1D000] =	vst v63  }
0x2cb: {  	_ =	swait.ge [sflag:s10], $0x4000  }
0x2cc: {  	[sflag:s10] =	ssyncset.done $0x0  }
0x2cd: {  	[sflag:s10] =	ssyncadd.s32 $0xFFFFC000  }
0x2ce: {  	[bflag:$0x0] =	sbarrier.arrive $0xFFFF  }
0x2cf: {  	s8 =	sld [smem:$0x7FC]  }
0x2d0: {  	s9 =	sld [smem:$0x7F5]  }
0x2d1: {  	s7 =	sld [smem:$0x7FD];
	_ =	sdelay $0x2  }
0x2d2: {  	[hbm:s9], [sflag:s8] =	dma.local [spmem:s7], $0x2800  }
0x2d3: {  	_ =	swait.ge [sflag:s10], $0x2800  }
0x2d4: {  	s6 =	sld [smem:$0x7F3];
	_ =	sdelay $0x2  }
0x2d5: {  	s9 =	sadd.s32 $0x1, s6;
	s6 =	sld [smem:$0x7F6];
	_ =	sdelay $0x2  }
0x2d6: {  	p0 =	sne.s32 s9, s6  }
.Ltmp1:
0x2d7: {  	_ = 	snop;
	(pc) =	sbr.rel @p0 .LBB2_1-.Ltmp1, $3  }
0x2d8: {  	_ =	sdelay $0x1  }
0x2d9: {  	[sflag:s10] =	ssyncset.done $0x0  }
0x2da: {  	[sflag:s10] =	ssyncadd.s32 $0xFFFFD800  }
0x2db: {  	_ =	sfence.sel $0x180000  }
0x2dc: {  	[bflag:$0x0] =	sbarrier.arrive $0xFFFF  }
0x2dd: {  	_ =	strace $0x9000004D  }
0x2de: {  	s0 =	stileid.u32;
	[bflag:$0x2] =	sbarrier.arrive $0xFFFF  }
0x2df: {  	p0 =	sne.s32 s0, $0x0;
	s0 =	rddreg [dreg:$0x2]  }
0x2e0: {  	s0 =	sadd.s32 @!p0 $0x100000, s0  }
0x2e1: {  	[sflag:s0] =	ssyncadd.tile.s32 @!p0 $0x1;
	_ =	shalt  }
.Lfunc_end2:
_tile_overlayer_lowered:
.L_overlay_start_2:
0x2e2: {  	(tag) =	ssettag $0x2  }
0x2e3: {  	s0 =	rddreg [dreg:$0x0];
	s2 =	stileid.u32  }
0x2e4: {  	s1 =	rddreg [dreg:$0x1];
	p0 =	sne.s32 s2, $0x0  }
0x2e5: {  	s3 =	rddreg [dreg:$0x2];
	[bflag:$0x3] =	sbarrier.arrive $0xFFFF;
	s2 =	simm.s32 @!p0 $0x1C05  }
0x2e6: {  	[timem:s3], [sflag:s2] =	dma.local @!p0 [hbm:s0], s1  }
0x2e7: {  	s0 =	simm.s32 @!p0 $0x5  }
0x2e8: {  	_ =	swait.ge @!p0 [sflag:s0], s1  }
0x2e9: {  	s1 =	ssub.s32 @!p0 $0x0, s1;
	[sflag:s0] =	ssyncset.done @!p0 $0x0  }
0x2ea: {  	[sflag:s0] =	ssyncadd.s32 @!p0 s1  }
0x2eb: {  	[bflag:$0x3] =	sbarrier.arrive $0xFFFF  }
0x2ec: {  	_ =	shalt  }

// kernel: kernel.20.cloned.1.call-start
scs
__scs_entry_jumppad:
0x0: {  	(pc) =	sbr.rel $0x88, $3  }
0x1: {  	(tag) =	ssettag $0x0;
	lr =	simm.s32 $0x1  }
0x2: {  	[smem:$0x3F92] =	sst lr;
	_ =	strace $0xD0000000  }
0x3: {  	_ = 	snop  }
0x4: {  	_ = 	snop  }
0x5: {  	_ = 	snop  }
0x6: {  	_ = 	snop  }
0x7: {  	_ = 	snop  }
__scs_overlays_trampoline_lowered:
0x8: {  	[smem:$0x3FA1] =	sst s0  }
0x9: {  	[smem:$0x3FA2] =	sst s1  }
0xa: {  	[smem:$0x3FA3] =	sst s2  }
0xb: {  	[smem:$0x3FA4] =	sst s3  }
0xc: {  	[smem:$0x3FA5] =	sst s4  }
0xd: {  	[smem:$0x3FA6] =	sst s5  }
0xe: {  	[smem:$0x3FA7] =	sst s6  }
0xf: {  	[smem:$0x3FA8] =	sst s7  }
0x10: {  	[smem:$0x3FA9] =	sst s8  }
0x11: {  	[smem:$0x3FAA] =	sst s9;
	s0 =	simm.s32 @!p0 $0x0  }
0x12: {  	s1 =	sld [smem:$0x3F90];
	s0 =	simm.s32 @p0 $0x1  }
0x13: {  	[smem:$0x3FAB] =	sst s0;
	s0 =	simm.s32 @!p1 $0x0  }
0x14: {  	s2 =	sld [smem:$0x3F8F];
	s0 =	simm.s32 @p1 $0x1  }
0x15: {  	[smem:$0x3FAC] =	sst s0;
	s0 =	simm.s32 @!p2 $0x0  }
0x16: {  	s3 =	sld [smem:$0x3FDB];
	s0 =	simm.s32 @p2 $0x1  }
0x17: {  	s4 =	simm.s32 $0x1BF5;
	[smem:$0x3FAE] =	sst s0  }
0x18: {  	s0 =	sld [smem:$0x3F91];
	_ =	swait.ge [sflag:s4], $0x0  }
0x19: {  	s7 =	sld [smem:$0x3F92]  }
0x1a: {  	s8 =	sadd.s32 $0xFFFFE003, lr  }
0x1b: {  	s9 =	sadd.s32 $0xFFFFFEF7, lr;
	s5 =	simm.s32 $0xFFFFFFFF;
	p2 =	slt.u32 s8, $0xFFFFF086  }
0x1c: {  	p1 =	slt.u32 s9, $0xF7A;
	s5 =	simm.s32 @!p2 $0x0  }
0x1d: {  	s5 =	simm.s32 @p1 $0x1;
	p0 =	seq.s32 s7, s2  }
0x1e: {  	s7 =	smul.u32 @!p0 $0xF7A, s2;
	p2 =	seq.s32 @!p0 s5, $0x0  }
0x1f: {  	s9 =	smul.u32 $0xF7A, s1;
	s8 =	simm.s32 @!p0 $0x1BF5;
	p2 =	por !p2, p0  }
0x20: {  	[sflag:s8] =	ssyncset.s32 @!p0 $0xFFFFF086;
	s6 =	sadd.s32 @!p0 s3, s7;
	s7 =	simm.s32 @!p0 $0x108  }
0x21: {  	s3 =	sadd.s32 s3, s9;
	s6 =	sadd.s32 @!p0 $0x88, s6;
	s7 =	simm.s32 @p2 $0x1082  }
0x22: {  	[simem:s7], [sflag:s8] =	dma.local @!p0 [hbm:s6], $0xF7A  }
0x23: {  	s9 =	sor.u32 $0xD0000000, s2;
	s6 =	simm.s32 $0x108;
	_ =	swait.ge @!p0 [sflag:s8], $0x0  }
0x24: {  	s3 =	sadd.s32 $0x88, s3;
	s6 =	simm.s32 @!p1 $0x1082;
	[sflag:s4] =	ssyncset.s32 $0xFFFFF086  }
0x25: {  	[simem:s6], [sflag:s4] =	dma.local [hbm:s3], $0xF7A  }
0x26: {  	[smem:$0x3F92] =	sst s1;
	(tag) =	ssettag s2;
	_ =	strace s9  }
0x27: {  	s1 =	sld [smem:$0x3FA2]  }
0x28: {  	s2 =	sld [smem:$0x3FA3]  }
0x29: {  	s4 =	sld [smem:$0x3FA5]  }
0x2a: {  	p0 =	seq.s32 s5, $0x0;
	s5 =	sld [smem:$0x3FA6]  }
0x2b: {  	s6 =	sld [smem:$0x3FA7]  }
0x2c: {  	s7 =	sld [smem:$0x3FA8]  }
0x2d: {  	s3 =	simm.s32 $0x108;
	s8 =	sld [smem:$0x3FA9]  }
0x2e: {  	s3 =	simm.s32 @!p0 $0x1082;
	s9 =	sld [smem:$0x3FAA]  }
0x2f: {  	lr =	sadd.s32 s0, s3;
	s0 =	sld [smem:$0x3FA1]  }
0x30: {  	s3 =	sld [smem:$0x3FA4]  }
0x31: {  	[smem:$0x3FAD] =	sst s10  }
0x32: {  	s10 =	sld [smem:$0x3FAB];
	_ =	sdelay $0x3  }
0x33: {  	p0 =	seq.s32 s10, $0x1;
	s10 =	sld [smem:$0x3FAD];
	_ =	sdelay $0x3  }
0x34: {  	[smem:$0x3FAD] =	sst s10  }
0x35: {  	s10 =	sld [smem:$0x3FAC];
	_ =	sdelay $0x3  }
0x36: {  	p1 =	seq.s32 s10, $0x1;
	s10 =	sld [smem:$0x3FAD];
	_ =	sdelay $0x3  }
0x37: {  	[smem:$0x3FAD] =	sst s10  }
0x38: {  	s10 =	sld [smem:$0x3FAE]  }
0x39: {  	_ = 	snop;
	(pc) =	sbr.ind lr, $3  }
0x3a: {  	_ = 	snop  }
0x3b: {  	_ = 	snop  }
0x3c: {  	p2 =	seq.s32 s10, $0x1;
	s10 =	sld [smem:$0x3FAD]  }
0x3d: {  	_ =	shalt  }
0x3e: {  	_ =	shalt  }
0x3f: {  	_ =	shalt  }
0x40: {  	_ =	shalt  }
0x41: {  	_ =	shalt  }
0x42: {  	_ =	shalt  }
0x43: {  	_ =	shalt  }
0x44: {  	_ =	shalt  }
0x45: {  	_ =	shalt  }
0x46: {  	_ =	shalt  }
0x47: {  	_ =	shalt  }
0x48: {  	_ =	shalt  }
0x49: {  	_ =	shalt  }
0x4a: {  	_ =	shalt  }
0x4b: {  	_ =	shalt  }
0x4c: {  	_ =	shalt  }
0x4d: {  	_ =	shalt  }
0x4e: {  	_ =	shalt  }
0x4f: {  	_ =	shalt  }
0x50: {  	_ =	shalt  }
0x51: {  	_ =	shalt  }
0x52: {  	_ =	shalt  }
0x53: {  	_ =	shalt  }
0x54: {  	_ =	shalt  }
0x55: {  	_ =	shalt  }
0x56: {  	_ =	shalt  }
0x57: {  	_ =	shalt  }
0x58: {  	_ =	shalt  }
0x59: {  	_ =	shalt  }
0x5a: {  	_ =	shalt  }
0x5b: {  	_ =	shalt  }
0x5c: {  	_ =	shalt  }
0x5d: {  	_ =	shalt  }
0x5e: {  	_ =	shalt  }
0x5f: {  	_ =	shalt  }
0x60: {  	_ =	shalt  }
0x61: {  	_ =	shalt  }
0x62: {  	_ =	shalt  }
0x63: {  	_ =	shalt  }
0x64: {  	_ =	shalt  }
0x65: {  	_ =	shalt  }
0x66: {  	_ =	shalt  }
0x67: {  	_ =	shalt  }
0x68: {  	_ =	shalt  }
0x69: {  	_ =	shalt  }
0x6a: {  	_ =	shalt  }
0x6b: {  	_ =	shalt  }
0x6c: {  	_ =	shalt  }
0x6d: {  	_ =	shalt  }
0x6e: {  	_ =	shalt  }
0x6f: {  	_ =	shalt  }
0x70: {  	_ =	shalt  }
0x71: {  	_ =	shalt  }
0x72: {  	_ =	shalt  }
0x73: {  	_ =	shalt  }
0x74: {  	_ =	shalt  }
0x75: {  	_ =	shalt  }
0x76: {  	_ =	shalt  }
0x77: {  	_ =	shalt  }
0x78: {  	_ =	shalt  }
0x79: {  	_ =	shalt  }
0x7a: {  	_ =	shalt  }
0x7b: {  	_ =	shalt  }
0x7c: {  	_ =	shalt  }
0x7d: {  	_ =	shalt  }
0x7e: {  	_ =	shalt  }
0x7f: {  	_ =	shalt  }
0x80: {  	_ =	shalt  }
0x81: {  	_ =	shalt  }
0x82: {  	_ =	shalt  }
0x83: {  	_ =	shalt  }
0x84: {  	_ =	shalt  }
0x85: {  	_ =	shalt  }
0x86: {  	_ =	shalt  }
0x87: {  	_ =	shalt  }
.Lfunc_end0:
.L_simem_size_0:
called_computation.3_lowered:
.L_overlay_start_0:
0x88: {  	s2 =	sld [smem:$0x3FD9]  }
0x89: {  	s3 =	sld [smem:$0x3FFE];
	_ =	sdelay $0x1  }
0x8a: {  	s1 =	srdreg.scid  }
0x8b: {  	s0 =	sand.u32 $0x1, s1  }
0x8c: {  	s16 =	sshll.u32 s0, $0xA;
	s2 =	sadd.s32 s3, s2  }
0x8d: {  	s2 =	sadd.s32 s2, s16  }
0x8e: {  	[smem:$0x3FB9] =	sst s2  }
0x8f: {  	_ = 	snop  }
0x90: {  	(tm) =	ssettm $0x1  }
0x91: {  	s17 =	sld [smem:$0x3FFB];
	_ =	sdelay $0x3  }
0x92: {  	_ =	strace s17  }
0x93: {  	s2 =	sld [smem:$0x3FFC];
	_ =	sdelay $0x3  }
0x94: {  	_ =	strace s2  }
0x95: {  	s2 =	sld [smem:$0x3FFD];
	_ =	sdelay $0x3  }
0x96: {  	_ =	strace s2  }
0x97: {  	_ =	strace $0x8FFFFFFF  }
0x98: {  	s18 =	sld [smem:$0x3FDB];
	_ =	sdelay $0x1  }
0x99: {  	s19 =	simm.s32 $_scs_section_size  }
0x9a: {  	s4 =	simm.s32 $_size__tile_overlayer_lowered;
	s5 =	simm.s32 $_tile_overlayer_lowered  }
0x9b: {  	s22 =	simm.s32 $0x1BFF;
	s21 =	sshll.u32 s5, $0x1;
	s2 =	sadd.s32 s19, s18  }
0x9c: {  	s6 =	simm.s32 $0x0;
	s20 =	sshll.u32 s4, $0x1;
	s4 =	sadd.s32 s21, s2  }
0x9d: {  	[timem:s6], [sflag:s22] =	dma.local [hbm:s4], s20  }
0x9e: {  	_ =	swait.ge [sflag:s22], s20  }
0x9f: {  	s3 =	ssub.s32 $0x0, s20;
	[sflag:s22] =	ssyncset.done $0x0  }
0xa0: {  	[sflag:s22] =	ssyncadd.s32 s3;
	_ =	sdelay $0x1  }
0xa1: {  	s23 =	simm.s32 $0x1B8B  }
0xa2: {  	_ =	swait.ge [sflag:s23], $0x1  }
0xa3: {  	[sflag:s23] =	ssyncset.done $0x0  }
0xa4: {  	s25 =	simm.s32 $0x1B8E;
	s24 =	sld [smem:$0x3FFE];
	[sflag:s23] =	ssyncadd.s32 $0xFFFFFFFF  }
0xa5: {  	s26 =	simm.s32 $execute0_lowered;
	[smem:$0x3FD2] =	sst s25  }
0xa6: {  	s4 =	sshll.u32 s26, $0x1;
	_ =	strace $0x8000004F;
	[dreg:$0x1] =	wrdreg $0xFFFFFFFF  }
0xa7: {  	s28 =	simm.s32 $_size_execute0_lowered;
	s2 =	sadd.s32 s2, s4;
	[dreg:$0x0] =	wrdreg $0x0  }
0xa8: {  	s4 =	sshll.u32 s28, $0x1;
	[dreg:$0x2] =	wrdreg s2  }
0xa9: {  	[dreg:$0x3] =	wrdreg s4  }
0xaa: {  	[dreg:$0x4] =	wrdreg $0xC0  }
0xab: {  	_ =	task [dreg:s6], $0x5FFFF  }
0xac: {  	[dreg:$0x1] =	wrdreg $0xFFFFFFFF  }
0xad: {  	[dreg:$0x0] =	wrdreg $0x60  }
0xae: {  	[dreg:$0x2] =	wrdreg s24  }
0xaf: {  	[dreg:$0x3] =	wrdreg $0x90000  }
0xb0: {  	[dreg:$0x4] =	wrdreg $0x9  }
0xb1: {  	_ =	task.clear_ibuf [dreg:s6], $0x5FFFF;
	_ =	strace $0x9000004F  }
0xb2: {  	s29 =	simm.s32 $0x9;
	_ =	strace $0x80000051  }
0xb3: {  	_ =	swait.ge [sflag:s29], $0x1  }
0xb4: {  	[sflag:s29] =	ssyncadd.s32 $0xFFFFFFFF  }
0xb5: {  	_ =	strace $0x90000051  }
0xb6: {  	_ =	sfence  }
0xb7: {  	s30 =	sld [smem:$0x0];
	_ =	sdelay $0x2  }
0xb8: {  	s31 =	sshll.u32 s1, $0xD;
	s1 =	sshrl.u32 s1, $0x2  }
0xb9: {  	s3 =	sand.u32 $0x4000, s31;
	s1 =	sadd.s32 s1, s30  }
0xba: {  	s0 =	sor.u32 s3, s0;
	s1 =	sshll.u32 s1, $0x11  }
0xbb: {  	s0 =	sor.u32 s1, s0  }
0xbc: {  	s0 =	sadd.s32 $0x8F2B, s0  }
0xbd: {  	[sflag:s0] =	ssyncadd.remote.s32 $0x1  }
0xbe: {  	_ =	sfence.sel $0xFFFF  }
0xbf: {  	[dreg:$0x0] =	wrdreg $0xFFFFFFFF;
	(pc) =	sbr.abs _section_cstart, $3  }
0xc0: {  	[dreg:$0x1] =	wrdreg $0xFFFFFFFF  }
0xc1: {  	_ =	task.clear_ibuf [dreg:s6], $0x2FFFF;
	_ =	strace $0x9FFFFFFF  }
0xc2: {  	(tm) =	ssettm $0x7FFFFFFF  }
0xc3: {  	_ =	shalt  }
tec
execute0_lowered:
.L_overlay_start_1:
0x0: {  	(tag) =	ssettag $0x1  }
0x1: {  	s0 =	srdreg.scid;
	s5 =	rddreg [dreg:$0x0]  }
0x2: {  	s9 =	stileid.u32;
	s2 =	rddreg [dreg:$0x1];
	s3 =	simm.s32 $0x0  }
0x3: {  	s8 =	simm.s32 $0x100;
	s10 =	simm.s32 $0x140;
	[smem:$0x7FF] =	sst s3  }
0x4: {  	s11 =	simm.s32 $0x880;
	_ =	strace $0x80000050;
	[dreg:$0x6] =	wrdreg s8  }
0x5: {  	s12 =	simm.s32 $0x180;
	s13 =	simm.s32 $0x1C0;
	[dreg:$0x7] =	wrdreg s10  }
0x6: {  	s15 =	simm.s32 $0x900;
	s17 =	simm.s32 $0x200;
	[dreg:$0x8] =	wrdreg s11  }
0x7: {  	s18 =	simm.s32 $0x240;
	s19 =	simm.s32 $0x980;
	[dreg:$0x9] =	wrdreg s12  }
0x8: {  	s21 =	simm.s32 $0x280;
	s22 =	simm.s32 $0x2C0;
	[dreg:$0xa] =	wrdreg s13  }
0x9: {  	s24 =	simm.s32 $0xA00;
	s4 =	smul.u32 $0x5000, s9;
	[dreg:$0xb] =	wrdreg s15  }
0xa: {  	s28 =	simm.s32 $0x700;
	s6 =	smul.u32 $0xA00, s9;
	[dreg:$0xc] =	wrdreg s17  }
0xb: {  	s29 =	simm.s32 $0x740;
	s7 =	smul.u32 $0x14000, s9;
	[dreg:$0xd] =	wrdreg s18  }
0xc: {  	s0 =	sand.u32 $0x1, s0;
	s23 =	smul.u32 $0x2800, s9;
	[dreg:$0xe] =	wrdreg s19  }
0xd: {  	s30 =	simm.s32 $0xE80;
	s1 =	smul.u32 $0x50000, s0;
	[dreg:$0xf] =	wrdreg s21  }
0xe: {  	s31 =	simm.s32 $0x780;
	s26 =	smul.u32 $0x140000, s0;
	[dreg:$0x10] =	wrdreg s22  }
0xf: {  	s14 =	ssub.s32 $0x2, s0;
	[dreg:$0x11] =	wrdreg s24;
	s10 =	simm.s32 $0x3C0  }
0x10: {  	s8 =	smul.u32 $0x50000, s9;
	s12 =	simm.s32 $0xB00;
	[dreg:$0x16] =	wrdreg s10  }
0x11: {  	s0 =	smul.u32 $0x28000, s0;
	s15 =	simm.s32 $0x440;
	[dreg:$0x17] =	wrdreg s12  }
0x12: {  	s17 =	simm.s32 $0x480;
	s18 =	simm.s32 $0x4C0;
	[dreg:$0x19] =	wrdreg s15  }
0x13: {  	s19 =	simm.s32 $0xC00;
	s21 =	simm.s32 $0x540;
	[dreg:$0x1b] =	wrdreg s17  }
0x14: {  	s22 =	simm.s32 $0xC80;
	s24 =	simm.s32 $0x5C0;
	[dreg:$0x1c] =	wrdreg s18  }
0x15: {  	s25 =	sadd.s32 s6, s5;
	s16 =	sshrl.u32 s14, $0x1;
	[dreg:$0x1d] =	wrdreg s19  }
0x16: {  	s10 =	simm.s32 $0x5;
	s12 =	simm.s32 $0x40;
	[dreg:$0x1f] =	wrdreg s21  }
0x17: {  	s15 =	simm.s32 $0x80;
	s17 =	simm.s32 $0x7000;
	[smem:$0x7F7] =	sst s22  }
0x18: {  	s18 =	simm.s32 $0x1;
	s19 =	simm.s32 $0x2;
	[smem:$0x7F9] =	sst s24  }
0x19: {  	s21 =	simm.s32 $0x4;
	s22 =	simm.s32 $0x640;
	s24 =	simm.s32 $0x680  }
0x1a: {  	s1 =	sadd.s32 s1, s4;
	s4 =	sadd.s32 $0xE400, s25;
	s6 =	sadd.s32 s7, s26  }
0x1b: {  	s20 =	sshrl.u32 s8, $0x2;
	s25 =	simm.s32 $0x300;
	s0 =	sadd.s32 s23, s0  }
0x1c: {  	s26 =	simm.s32 $0x340;
	s8 =	sshll.u32 s9, $0x6;
	[dreg:$0x3] =	wrdreg s4  }
0x1d: {  	s9 =	simm.s32 $0x380;
	s23 =	simm.s32 $0x580;
	[dreg:$0x12] =	wrdreg s25  }
0x1e: {  	s1 =	sshrl.u32 s1, $0x3;
	s4 =	simm.s32 $0xC0;
	[dreg:$0x13] =	wrdreg s26  }
0x1f: {  	s6 =	sshrl.u32 s6, $0x3;
	s7 =	sadd.s32 s20, s2;
	[dreg:$0x15] =	wrdreg s9  }
0x20: {  	s8 =	sor.u32 $0x1C05, s8;
	s20 =	simm.s32 $0x500;
	[smem:$0x7F8] =	sst s23  }
0x21: {  	s25 =	simm.s32 $0xD00;
	s26 =	simm.s32 $0x600;
	[dreg:$0x5] =	wrdreg s4  }
0x22: {  	s23 =	simm.s32 $0xD80;
	s9 =	simm.s32 $0x0;
	[dreg:$0x1e] =	wrdreg s20  }
0x23: {  	s1 =	sadd.s32 s1, s5;
	s4 =	sadd.s32 $0xA4400, s5;
	[smem:$0x7FA] =	sst s25  }
0x24: {  	s5 =	sadd.s32 s6, s5;
	s6 =	ssub.s32 s14, s16;
	[smem:$0x7FB] =	sst s26  }
0x25: {  	s14 =	simm.s32 $0x400;
	s7 =	sshrl.u32 s7, $0x3;
	[smem:$0x7FC] =	sst s8  }
0x26: {  	s16 =	simm.s32 $0xB80;
	s20 =	simm.s32 $0x3;
	[dreg:$0x18] =	wrdreg s14  }
0x27: {  	s25 =	simm.s32 $0x6C0;
	s26 =	simm.s32 $0xE00;
	[dreg:$0x1a] =	wrdreg s16  }
0x28: {  	s1 =	sadd.s32 $0x90400, s1;
	s0 =	sadd.s32 s4, s0;
	[smem:$0x7FD] =	sst s7  }
0x29: {  	s11 =	sadd.s32 $0xF4400, s5;
	s13 =	smax.u32 s6, $0x1;
	[dreg:$0x4] =	wrdreg s1  }
0x2a: {  	s14 =	simm.s32 $0x3000;
	s16 =	simm.s32 $0x5000;
	[smem:$0x7F4] =	sst s0  }
0x2b: {  	s5 =	simm.s32 $0xF80;
	s1 =	simm.s32 $0xA80;
	[smem:$0x7F5] =	sst s11  }
0x2c: {  	[smem:$0x7F6] =	sst s13;
	s11 =	simm.s32 $0x800;
	s13 =	simm.s32 $0x1000  }
0x2d: {  	s0 =	simm.s32 $0xF00;
	[dreg:$0x14] =	wrdreg s1;
	s1 =	simm.s32 $0x7C0  }
.LBB2_1:
0x2e: {  	s6 =	sld [smem:$0x7F4];
	_ =	sdelay $0x1  }
0x2f: {  	[smem:$0x7F3] =	sst s9  }
0x30: {  	[spmem:s7], [sflag:s8] =	dma.local [hbm:s6], $0x2800  }
0x31: {  	_ =	swait.ge [sflag:s10], $0x2800  }
0x32: {  	[sflag:s10] =	ssyncset.done $0x0  }
0x33: {  	[sflag:s10] =	ssyncadd.s32 $0xFFFFD800  }
0x34: {  	[bflag:$0x0] =	sbarrier.arrive $0xFFFF  }
0x35: {  	s9 =	rddreg [dreg:$0x4]  }
0x36: {  	s6 =	sadd.s32 $0x0, s9  }
0x37: {  	[tilespmem:s3], [sflag:$0x5] =	stream.linear.gather [hbm4b:s6+s3], $0x800, $0x38;
	[tilespmem:$0x1D000] =	vst v63  }
0x38: {  	_ =	swait.ge [sflag:s10], $0x800  }
0x39: {  	s7 =	rddreg [dreg:$0x3];
	[sflag:s10] =	ssyncset.done $0x0  }
0x3a: {  	[sflag:s10] =	ssyncadd.s32 $0xFFFFF800;
	s6 =	sadd.s32 $0x0, s7  }
0x3b: {  	[tilespmem:s11], [sflag:$0x5] =	stream.linear.gather [hbm4b:s6+s3], $0x800, $0x38;
	[tilespmem:$0x1D000] =	vst v63  }
0x3c: {  	_ =	swait.ge [sflag:s10], $0x800  }
0x3d: {  	[sflag:s10] =	ssyncset.done $0x0  }
0x3e: {  	[sflag:s10] =	ssyncadd.s32 $0xFFFFF800  }
0x3f: {  	[tilespmem:s13], [sflag:$0x1] =	stream.indirect.gather [hbm4b:s4+s12], $0x80, s3, s12, $0xb8;
	[tilespmem:$0x1D000] =	vst v63  }
0x40: {  	_ = 	snop  }
0x41: {  	[tilespmem:s14], [sflag:$0x2] =	stream.indirect.gather [hbm4b:s4+s12], $0x80, s12, s12, $0xb8;
	[tilespmem:$0x1D000] =	vst v63  }
0x42: {  	_ = 	snop  }
0x43: {  	[tilespmem:s16], [sflag:$0x3] =	stream.indirect.gather [hbm4b:s4+s12], $0x80, s15, s12, $0xb8;
	[tilespmem:$0x1D000] =	vst v63  }
0x44: {  	s8 =	rddreg [dreg:$0x5]  }
0x45: {  	[tilespmem:s17], [sflag:$0x4] =	stream.indirect.gather [hbm4b:s4+s12], $0x80, s8, s12, $0xb8;
	[tilespmem:$0x1D000] =	vst v63  }
0x46: {  	_ =	swait.ge [sflag:s18], $0x2000  }
0x47: {  	[sflag:s18] =	ssyncset.done $0x0  }
0x48: {  	[sflag:s18] =	ssyncadd.s32 $0xFFFFE000  }
0x49: {  	_ =	swait.ge [sflag:s19], $0x2000  }
0x4a: {  	[sflag:s19] =	ssyncset.done $0x0  }
0x4b: {  	[sflag:s19] =	ssyncadd.s32 $0xFFFFE000  }
0x4c: {  	[spmem:s2] =	stream.indirect.scatter.add.f32 [tilespmem:s13], [sflag:$0x5], $0x80, s11, s15, $0xb8;
	[tilespmem:$0x1D000] =	vst v63  }
0x4d: {  	_ =	swait.ge [sflag:s10], $0x4000  }
0x4e: {  	[sflag:s10] =	ssyncset.done $0x0  }
0x4f: {  	s9 =	rddreg [dreg:$0x6];
	[sflag:s10] =	ssyncadd.s32 $0xFFFFC000  }
0x50: {  	[tilespmem:s13], [sflag:$0x1] =	stream.indirect.gather [hbm4b:s4+s12], $0x80, s9, s12, $0xb8;
	[tilespmem:$0x1D000] =	vst v63  }
0x51: {  	s7 =	rddreg [dreg:$0x7]  }
0x52: {  	[tilespmem:s14], [sflag:$0x2] =	stream.indirect.gather [hbm4b:s4+s12], $0x80, s7, s12, $0xb8;
	[tilespmem:$0x1D000] =	vst v63  }
0x53: {  	_ =	swait.ge [sflag:s20], $0x2000  }
0x54: {  	[sflag:s20] =	ssyncset.done $0x0  }
0x55: {  	[sflag:s20] =	ssyncadd.s32 $0xFFFFE000  }
0x56: {  	_ =	swait.ge [sflag:s21], $0x2000  }
0x57: {  	[sflag:s21] =	ssyncset.done $0x0  }
0x58: {  	s8 =	rddreg [dreg:$0x8];
	[sflag:s21] =	ssyncadd.s32 $0xFFFFE000  }
0x59: {  	[spmem:s2] =	stream.indirect.scatter.add.f32 [tilespmem:s16], [sflag:$0x5], $0x80, s8, s15, $0xb8;
	[tilespmem:$0x1D000] =	vst v63  }
0x5a: {  	_ =	swait.ge [sflag:s10], $0x4000  }
0x5b: {  	[sflag:s10] =	ssyncset.done $0x0  }
0x5c: {  	s9 =	rddreg [dreg:$0x9];
	[sflag:s10] =	ssyncadd.s32 $0xFFFFC000  }
0x5d: {  	[tilespmem:s16], [sflag:$0x3] =	stream.indirect.gather [hbm4b:s4+s12], $0x80, s9, s12, $0xb8;
	[tilespmem:$0x1D000] =	vst v63  }
0x5e: {  	s7 =	rddreg [dreg:$0xa]  }
0x5f: {  	[tilespmem:s17], [sflag:$0x4] =	stream.indirect.gather [hbm4b:s4+s12], $0x80, s7, s12, $0xb8;
	[tilespmem:$0x1D000] =	vst v63  }
0x60: {  	_ =	swait.ge [sflag:s18], $0x2000  }
0x61: {  	[sflag:s18] =	ssyncset.done $0x0  }
0x62: {  	[sflag:s18] =	ssyncadd.s32 $0xFFFFE000  }
0x63: {  	_ =	swait.ge [sflag:s19], $0x2000  }
0x64: {  	[sflag:s19] =	ssyncset.done $0x0  }
0x65: {  	s8 =	rddreg [dreg:$0xb];
	[sflag:s19] =	ssyncadd.s32 $0xFFFFE000  }
0x66: {  	[spmem:s2] =	stream.indirect.scatter.add.f32 [tilespmem:s13], [sflag:$0x5], $0x80, s8, s15, $0xb8;
	[tilespmem:$0x1D000] =	vst v63  }
0x67: {  	_ =	swait.ge [sflag:s10], $0x4000  }
0x68: {  	[sflag:s10] =	ssyncset.done $0x0  }
0x69: {  	s9 =	rddreg [dreg:$0xc];
	[sflag:s10] =	ssyncadd.s32 $0xFFFFC000  }
0x6a: {  	[tilespmem:s13], [sflag:$0x1] =	stream.indirect.gather [hbm4b:s4+s12], $0x80, s9, s12, $0xb8;
	[tilespmem:$0x1D000] =	vst v63  }
0x6b: {  	s7 =	rddreg [dreg:$0xd]  }
0x6c: {  	[tilespmem:s14], [sflag:$0x2] =	stream.indirect.gather [hbm4b:s4+s12], $0x80, s7, s12, $0xb8;
	[tilespmem:$0x1D000] =	vst v63  }
0x6d: {  	_ =	swait.ge [sflag:s20], $0x2000  }
0x6e: {  	[sflag:s20] =	ssyncset.done $0x0  }
0x6f: {  	[sflag:s20] =	ssyncadd.s32 $0xFFFFE000  }
0x70: {  	_ =	swait.ge [sflag:s21], $0x2000  }
0x71: {  	[sflag:s21] =	ssyncset.done $0x0  }
0x72: {  	s8 =	rddreg [dreg:$0xe];
	[sflag:s21] =	ssyncadd.s32 $0xFFFFE000  }
0x73: {  	[spmem:s2] =	stream.indirect.scatter.add.f32 [tilespmem:s16], [sflag:$0x5], $0x80, s8, s15, $0xb8;
	[tilespmem:$0x1D000] =	vst v63  }
0x74: {  	_ =	swait.ge [sflag:s10], $0x4000  }
0x75: {  	[sflag:s10] =	ssyncset.done $0x0  }
0x76: {  	s9 =	rddreg [dreg:$0xf];
	[sflag:s10] =	ssyncadd.s32 $0xFFFFC000  }
0x77: {  	[tilespmem:s16], [sflag:$0x3] =	stream.indirect.gather [hbm4b:s4+s12], $0x80, s9, s12, $0xb8;
	[tilespmem:$0x1D000] =	vst v63  }
0x78: {  	s7 =	rddreg [dreg:$0x10]  }
0x79: {  	[tilespmem:s17], [sflag:$0x4] =	stream.indirect.gather [hbm4b:s4+s12], $0x80, s7, s12, $0xb8;
	[tilespmem:$0x1D000] =	vst v63  }
0x7a: {  	_ =	swait.ge [sflag:s18], $0x2000  }
0x7b: {  	[sflag:s18] =	ssyncset.done $0x0  }
0x7c: {  	[sflag:s18] =	ssyncadd.s32 $0xFFFFE000  }
0x7d: {  	_ =	swait.ge [sflag:s19], $0x2000  }
0x7e: {  	[sflag:s19] =	ssyncset.done $0x0  }
0x7f: {  	s8 =	rddreg [dreg:$0x11];
	[sflag:s19] =	ssyncadd.s32 $0xFFFFE000  }
0x80: {  	[spmem:s2] =	stream.indirect.scatter.add.f32 [tilespmem:s13], [sflag:$0x5], $0x80, s8, s15, $0xb8;
	[tilespmem:$0x1D000] =	vst v63  }
0x81: {  	_ =	swait.ge [sflag:s10], $0x4000  }
0x82: {  	[sflag:s10] =	ssyncset.done $0x0  }
0x83: {  	s9 =	rddreg [dreg:$0x12];
	[sflag:s10] =	ssyncadd.s32 $0xFFFFC000  }
0x84: {  	[tilespmem:s13], [sflag:$0x1] =	stream.indirect.gather [hbm4b:s4+s12], $0x80, s9, s12, $0xb8;
	[tilespmem:$0x1D000] =	vst v63  }
0x85: {  	s7 =	rddreg [dreg:$0x13]  }
0x86: {  	[tilespmem:s14], [sflag:$0x2] =	stream.indirect.gather [hbm4b:s4+s12], $0x80, s7, s12, $0xb8;
	[tilespmem:$0x1D000] =	vst v63  }
0x87: {  	_ =	swait.ge [sflag:s20], $0x2000  }
0x88: {  	[sflag:s20] =	ssyncset.done $0x0  }
0x89: {  	[sflag:s20] =	ssyncadd.s32 $0xFFFFE000  }
0x8a: {  	_ =	swait.ge [sflag:s21], $0x2000  }
0x8b: {  	[sflag:s21] =	ssyncset.done $0x0  }
0x8c: {  	s8 =	rddreg [dreg:$0x14];
	[sflag:s21] =	ssyncadd.s32 $0xFFFFE000  }
0x8d: {  	[spmem:s2] =	stream.indirect.scatter.add.f32 [tilespmem:s16], [sflag:$0x5], $0x80, s8, s15, $0xb8;
	[tilespmem:$0x1D000] =	vst v63  }
0x8e: {  	_ =	swait.ge [sflag:s10], $0x4000  }
0x8f: {  	[sflag:s10] =	ssyncset.done $0x0  }
0x90: {  	s9 =	rddreg [dreg:$0x15];
	[sflag:s10] =	ssyncadd.s32 $0xFFFFC000  }
0x91: {  	[tilespmem:s16], [sflag:$0x3] =	stream.indirect.gather [hbm4b:s4+s12], $0x80, s9, s12, $0xb8;
	[tilespmem:$0x1D000] =	vst v63  }
0x92: {  	s7 =	rddreg [dreg:$0x16]  }
0x93: {  	[tilespmem:s17], [sflag:$0x4] =	stream.indirect.gather [hbm4b:s4+s12], $0x80, s7, s12, $0xb8;
	[tilespmem:$0x1D000] =	vst v63  }
0x94: {  	_ =	swait.ge [sflag:s18], $0x2000  }
0x95: {  	[sflag:s18] =	ssyncset.done $0x0  }
0x96: {  	[sflag:s18] =	ssyncadd.s32 $0xFFFFE000  }
0x97: {  	_ =	swait.ge [sflag:s19], $0x2000  }
0x98: {  	[sflag:s19] =	ssyncset.done $0x0  }
0x99: {  	s8 =	rddreg [dreg:$0x17];
	[sflag:s19] =	ssyncadd.s32 $0xFFFFE000  }
0x9a: {  	[spmem:s2] =	stream.indirect.scatter.add.f32 [tilespmem:s13], [sflag:$0x5], $0x80, s8, s15, $0xb8;
	[tilespmem:$0x1D000] =	vst v63  }
0x9b: {  	_ =	swait.ge [sflag:s10], $0x4000  }
0x9c: {  	[sflag:s10] =	ssyncset.done $0x0  }
0x9d: {  	s9 =	rddreg [dreg:$0x18];
	[sflag:s10] =	ssyncadd.s32 $0xFFFFC000  }
0x9e: {  	[tilespmem:s13], [sflag:$0x1] =	stream.indirect.gather [hbm4b:s4+s12], $0x80, s9, s12, $0xb8;
	[tilespmem:$0x1D000] =	vst v63  }
0x9f: {  	s7 =	rddreg [dreg:$0x19]  }
0xa0: {  	[tilespmem:s14], [sflag:$0x2] =	stream.indirect.gather [hbm4b:s4+s12], $0x80, s7, s12, $0xb8;
	[tilespmem:$0x1D000] =	vst v63  }
0xa1: {  	_ =	swait.ge [sflag:s20], $0x2000  }
0xa2: {  	[sflag:s20] =	ssyncset.done $0x0  }
0xa3: {  	[sflag:s20] =	ssyncadd.s32 $0xFFFFE000  }
0xa4: {  	_ =	swait.ge [sflag:s21], $0x2000  }
0xa5: {  	[sflag:s21] =	ssyncset.done $0x0  }
0xa6: {  	s8 =	rddreg [dreg:$0x1a];
	[sflag:s21] =	ssyncadd.s32 $0xFFFFE000  }
0xa7: {  	[spmem:s2] =	stream.indirect.scatter.add.f32 [tilespmem:s16], [sflag:$0x5], $0x80, s8, s15, $0xb8;
	[tilespmem:$0x1D000] =	vst v63  }
0xa8: {  	_ =	swait.ge [sflag:s10], $0x4000  }
0xa9: {  	[sflag:s10] =	ssyncset.done $0x0  }
0xaa: {  	s9 =	rddreg [dreg:$0x1b];
	[sflag:s10] =	ssyncadd.s32 $0xFFFFC000  }
0xab: {  	[tilespmem:s16], [sflag:$0x3] =	stream.indirect.gather [hbm4b:s4+s12], $0x80, s9, s12, $0xb8;
	[tilespmem:$0x1D000] =	vst v63  }
0xac: {  	s7 =	rddreg [dreg:$0x1c]  }
0xad: {  	[tilespmem:s17], [sflag:$0x4] =	stream.indirect.gather [hbm4b:s4+s12], $0x80, s7, s12, $0xb8;
	[tilespmem:$0x1D000] =	vst v63  }
0xae: {  	_ =	swait.ge [sflag:s18], $0x2000  }
0xaf: {  	[sflag:s18] =	ssyncset.done $0x0  }
0xb0: {  	[sflag:s18] =	ssyncadd.s32 $0xFFFFE000  }
0xb1: {  	_ =	swait.ge [sflag:s19], $0x2000  }
0xb2: {  	[sflag:s19] =	ssyncset.done $0x0  }
0xb3: {  	s8 =	rddreg [dreg:$0x1d];
	[sflag:s19] =	ssyncadd.s32 $0xFFFFE000  }
0xb4: {  	[spmem:s2] =	stream.indirect.scatter.add.f32 [tilespmem:s13], [sflag:$0x5], $0x80, s8, s15, $0xb8;
	[tilespmem:$0x1D000] =	vst v63  }
0xb5: {  	_ =	swait.ge [sflag:s10], $0x4000  }
0xb6: {  	[sflag:s10] =	ssyncset.done $0x0  }
0xb7: {  	s9 =	rddreg [dreg:$0x1e];
	[sflag:s10] =	ssyncadd.s32 $0xFFFFC000  }
0xb8: {  	[tilespmem:s13], [sflag:$0x1] =	stream.indirect.gather [hbm4b:s4+s12], $0x80, s9, s12, $0xb8;
	[tilespmem:$0x1D000] =	vst v63  }
0xb9: {  	s7 =	rddreg [dreg:$0x1f]  }
0xba: {  	[tilespmem:s14], [sflag:$0x2] =	stream.indirect.gather [hbm4b:s4+s12], $0x80, s7, s12, $0xb8;
	[tilespmem:$0x1D000] =	vst v63  }
0xbb: {  	_ =	swait.ge [sflag:s20], $0x2000  }
0xbc: {  	[sflag:s20] =	ssyncset.done $0x0  }
0xbd: {  	[sflag:s20] =	ssyncadd.s32 $0xFFFFE000  }
0xbe: {  	_ =	swait.ge [sflag:s21], $0x2000  }
0xbf: {  	s8 =	sld [smem:$0x7F7]  }
0xc0: {  	[sflag:s21] =	ssyncset.done $0x0  }
0xc1: {  	[sflag:s21] =	ssyncadd.s32 $0xFFFFE000  }
0xc2: {  	[spmem:s2] =	stream.indirect.scatter.add.f32 [tilespmem:s16], [sflag:$0x5], $0x80, s8, s15, $0xb8;
	[tilespmem:$0x1D000] =	vst v63  }
0xc3: {  	_ =	swait.ge [sflag:s10], $0x4000  }
0xc4: {  	s9 =	sld [smem:$0x7F8]  }
0xc5: {  	[sflag:s10] =	ssyncset.done $0x0  }
0xc6: {  	s7 =	sld [smem:$0x7F9];
	[sflag:s10] =	ssyncadd.s32 $0xFFFFC000  }
0xc7: {  	[tilespmem:s16], [sflag:$0x3] =	stream.indirect.gather [hbm4b:s4+s12], $0x80, s9, s12, $0xb8;
	[tilespmem:$0x1D000] =	vst v63  }
0xc8: {  	_ = 	snop  }
0xc9: {  	[tilespmem:s17], [sflag:$0x4] =	stream.indirect.gather [hbm4b:s4+s12], $0x80, s7, s12, $0xb8;
	[tilespmem:$0x1D000] =	vst v63  }
0xca: {  	_ =	swait.ge [sflag:s18], $0x2000  }
0xcb: {  	[sflag:s18] =	ssyncset.done $0x0  }
0xcc: {  	[sflag:s18] =	ssyncadd.s32 $0xFFFFE000  }
0xcd: {  	_ =	swait.ge [sflag:s19], $0x2000  }
0xce: {  	s8 =	sld [smem:$0x7FA]  }
0xcf: {  	[sflag:s19] =	ssyncset.done $0x0  }
0xd0: {  	[sflag:s19] =	ssyncadd.s32 $0xFFFFE000  }
0xd1: {  	[spmem:s2] =	stream.indirect.scatter.add.f32 [tilespmem:s13], [sflag:$0x5], $0x80, s8, s15, $0xb8;
	[tilespmem:$0x1D000] =	vst v63  }
0xd2: {  	_ =	swait.ge [sflag:s10], $0x4000  }
0xd3: {  	s9 =	sld [smem:$0x7FB]  }
0xd4: {  	[sflag:s10] =	ssyncset.done $0x0  }
0xd5: {  	[sflag:s10] =	ssyncadd.s32 $0xFFFFC000  }
0xd6: {  	[tilespmem:s13], [sflag:$0x1] =	stream.indirect.gather [hbm4b:s4+s12], $0x80, s9, s12, $0xb8;
	[tilespmem:$0x1D000] =	vst v63  }
0xd7: {  	_ = 	snop  }
0xd8: {  	[tilespmem:s14], [sflag:$0x2] =	stream.indirect.gather [hbm4b:s4+s12], $0x80, s22, s12, $0xb8;
	[tilespmem:$0x1D000] =	vst v63  }
0xd9: {  	_ =	swait.ge [sflag:s20], $0x2000  }
0xda: {  	[sflag:s20] =	ssyncset.done $0x0  }
0xdb: {  	[sflag:s20] =	ssyncadd.s32 $0xFFFFE000  }
0xdc: {  	_ =	swait.ge [sflag:s21], $0x2000  }
0xdd: {  	[sflag:s21] =	ssyncset.done $0x0  }
0xde: {  	[sflag:s21] =	ssyncadd.s32 $0xFFFFE000  }
0xdf: {  	[spmem:s2] =	stream.indirect.scatter.add.f32 [tilespmem:s16], [sflag:$0x5], $0x80, s23, s15, $0xb8;
	[tilespmem:$0x1D000] =	vst v63  }
0xe0: {  	_ =	swait.ge [sflag:s10], $0x4000  }
0xe1: {  	[sflag:s10] =	ssyncset.done $0x0  }
0xe2: {  	[sflag:s10] =	ssyncadd.s32 $0xFFFFC000  }
0xe3: {  	[tilespmem:s16], [sflag:$0x3] =	stream.indirect.gather [hbm4b:s4+s12], $0x80, s24, s12, $0xb8;
	[tilespmem:$0x1D000] =	vst v63  }
0xe4: {  	_ = 	snop  }
0xe5: {  	[tilespmem:s17], [sflag:$0x4] =	stream.indirect.gather [hbm4b:s4+s12], $0x80, s25, s12, $0xb8;
	[tilespmem:$0x1D000] =	vst v63  }
0xe6: {  	_ =	swait.ge [sflag:s18], $0x2000  }
0xe7: {  	[sflag:s18] =	ssyncset.done $0x0  }
0xe8: {  	[sflag:s18] =	ssyncadd.s32 $0xFFFFE000  }
0xe9: {  	_ =	swait.ge [sflag:s19], $0x2000  }
0xea: {  	[sflag:s19] =	ssyncset.done $0x0  }
0xeb: {  	[sflag:s19] =	ssyncadd.s32 $0xFFFFE000  }
0xec: {  	[spmem:s2] =	stream.indirect.scatter.add.f32 [tilespmem:s13], [sflag:$0x5], $0x80, s26, s15, $0xb8;
	[tilespmem:$0x1D000] =	vst v63  }
0xed: {  	_ =	swait.ge [sflag:s10], $0x4000  }
0xee: {  	[sflag:s10] =	ssyncset.done $0x0  }
0xef: {  	[sflag:s10] =	ssyncadd.s32 $0xFFFFC000  }
0xf0: {  	[tilespmem:s13], [sflag:$0x1] =	stream.indirect.gather [hbm4b:s4+s12], $0x80, s28, s12, $0xb8;
	[tilespmem:$0x1D000] =	vst v63  }
0xf1: {  	_ = 	snop  }
0xf2: {  	[tilespmem:s14], [sflag:$0x2] =	stream.indirect.gather [hbm4b:s4+s12], $0x80, s29, s12, $0xb8;
	[tilespmem:$0x1D000] =	vst v63  }
0xf3: {  	_ =	swait.ge [sflag:s20], $0x2000  }
0xf4: {  	[sflag:s20] =	ssyncset.done $0x0  }
0xf5: {  	[sflag:s20] =	ssyncadd.s32 $0xFFFFE000  }
0xf6: {  	_ =	swait.ge [sflag:s21], $0x2000  }
0xf7: {  	[sflag:s21] =	ssyncset.done $0x0  }
0xf8: {  	[sflag:s21] =	ssyncadd.s32 $0xFFFFE000  }
0xf9: {  	[spmem:s2] =	stream.indirect.scatter.add.f32 [tilespmem:s16], [sflag:$0x5], $0x80, s30, s15, $0xb8;
	[tilespmem:$0x1D000] =	vst v63  }
0xfa: {  	_ =	swait.ge [sflag:s10], $0x4000  }
0xfb: {  	[sflag:s10] =	ssyncset.done $0x0  }
0xfc: {  	[sflag:s10] =	ssyncadd.s32 $0xFFFFC000  }
0xfd: {  	[tilespmem:s16], [sflag:$0x3] =	stream.indirect.gather [hbm4b:s4+s12], $0x80, s31, s12, $0xb8;
	[tilespmem:$0x1D000] =	vst v63  }
0xfe: {  	_ = 	snop  }
0xff: {  	[tilespmem:s17], [sflag:$0x4] =	stream.indirect.gather [hbm4b:s4+s12], $0x80, s1, s12, $0xb8;
	[tilespmem:$0x1D000] =	vst v63  }
0x100: {  	_ =	swait.ge [sflag:s18], $0x2000  }
0x101: {  	[sflag:s18] =	ssyncset.done $0x0  }
0x102: {  	[sflag:s18] =	ssyncadd.s32 $0xFFFFE000  }
0x103: {  	_ =	swait.ge [sflag:s19], $0x2000  }
0x104: {  	[sflag:s19] =	ssyncset.done $0x0  }
0x105: {  	[sflag:s19] =	ssyncadd.s32 $0xFFFFE000  }
0x106: {  	[spmem:s2] =	stream.indirect.scatter.add.f32 [tilespmem:s13], [sflag:$0x5], $0x80, s0, s15, $0xb8;
	[tilespmem:$0x1D000] =	vst v63  }
0x107: {  	_ =	swait.ge [sflag:s10], $0x4000  }
0x108: {  	[sflag:s10] =	ssyncset.done $0x0  }
0x109: {  	[sflag:s10] =	ssyncadd.s32 $0xFFFFC000  }
0x10a: {  	_ =	swait.ge [sflag:s20], $0x2000  }
0x10b: {  	[sflag:s20] =	ssyncset.done $0x0  }
0x10c: {  	[sflag:s20] =	ssyncadd.s32 $0xFFFFE000  }
0x10d: {  	_ =	swait.ge [sflag:s21], $0x2000  }
0x10e: {  	[sflag:s21] =	ssyncset.done $0x0  }
0x10f: {  	[sflag:s21] =	ssyncadd.s32 $0xFFFFE000  }
0x110: {  	[spmem:s2] =	stream.indirect.scatter.add.f32 [tilespmem:s16], [sflag:$0x5], $0x80, s5, s15, $0xb8;
	[tilespmem:$0x1D000] =	vst v63  }
0x111: {  	s6 =	simm.s32 $0x200;
	_ =	swait.ge [sflag:s10], $0x4000  }
0x112: {  	s8 =	simm.s32 $0x100;
	s9 =	rddreg [dreg:$0x4];
	[sflag:s10] =	ssyncset.done $0x0  }
.LBB2_2:
0x113: {  	[sflag:s10] =	ssyncadd.s32 $0xFFFFC000;
	s9 =	sadd.s32 s8, s9  }
0x114: {  	[tilespmem:s3], [sflag:$0x5] =	stream.linear.gather [hbm4b:s9+s3], $0x800, $0x38;
	[tilespmem:$0x1D000] =	vst v63  }
0x115: {  	_ =	swait.ge [sflag:s10], $0x800  }
0x116: {  	s9 =	rddreg [dreg:$0x3];
	[sflag:s10] =	ssyncset.done $0x0  }
0x117: {  	[sflag:s10] =	ssyncadd.s32 $0xFFFFF800;
	s9 =	sadd.s32 s8, s9  }
0x118: {  	[tilespmem:s11], [sflag:$0x5] =	stream.linear.gather [hbm4b:s9+s3], $0x800, $0x38;
	[tilespmem:$0x1D000] =	vst v63  }
0x119: {  	_ =	swait.ge [sflag:s10], $0x800  }
0x11a: {  	[sflag:s10] =	ssyncset.done $0x0  }
0x11b: {  	[sflag:s10] =	ssyncadd.s32 $0xFFFFF800  }
0x11c: {  	[tilespmem:s13], [sflag:$0x1] =	stream.indirect.gather [hbm4b:s4+s12], $0x80, s3, s12, $0xb8;
	[tilespmem:$0x1D000] =	vst v63  }
0x11d: {  	_ = 	snop  }
0x11e: {  	[tilespmem:s14], [sflag:$0x2] =	stream.indirect.gather [hbm4b:s4+s12], $0x80, s12, s12, $0xb8;
	[tilespmem:$0x1D000] =	vst v63  }
0x11f: {  	_ = 	snop  }
0x120: {  	[tilespmem:s16], [sflag:$0x3] =	stream.indirect.gather [hbm4b:s4+s12], $0x80, s15, s12, $0xb8;
	[tilespmem:$0x1D000] =	vst v63  }
0x121: {  	s9 =	rddreg [dreg:$0x5]  }
0x122: {  	[tilespmem:s17], [sflag:$0x4] =	stream.indirect.gather [hbm4b:s4+s12], $0x80, s9, s12, $0xb8;
	[tilespmem:$0x1D000] =	vst v63  }
0x123: {  	_ =	swait.ge [sflag:s18], $0x2000  }
0x124: {  	[sflag:s18] =	ssyncset.done $0x0  }
0x125: {  	[sflag:s18] =	ssyncadd.s32 $0xFFFFE000  }
0x126: {  	_ =	swait.ge [sflag:s19], $0x2000  }
0x127: {  	[sflag:s19] =	ssyncset.done $0x0  }
0x128: {  	[sflag:s19] =	ssyncadd.s32 $0xFFFFE000  }
0x129: {  	[spmem:s2] =	stream.indirect.scatter.add.f32 [tilespmem:s13], [sflag:$0x5], $0x80, s11, s15, $0xb8;
	[tilespmem:$0x1D000] =	vst v63  }
0x12a: {  	_ =	swait.ge [sflag:s10], $0x4000  }
0x12b: {  	s7 =	smov.u32 s6;
	[sflag:s10] =	ssyncset.done $0x0  }
0x12c: {  	s8 =	smov.u32 s7;
	s7 =	rddreg [dreg:$0x6];
	[sflag:s10] =	ssyncadd.s32 $0xFFFFC000  }
0x12d: {  	[tilespmem:s13], [sflag:$0x1] =	stream.indirect.gather [hbm4b:s4+s12], $0x80, s7, s12, $0xb8;
	[tilespmem:$0x1D000] =	vst v63  }
0x12e: {  	s9 =	rddreg [dreg:$0x7]  }
0x12f: {  	[tilespmem:s14], [sflag:$0x2] =	stream.indirect.gather [hbm4b:s4+s12], $0x80, s9, s12, $0xb8;
	[tilespmem:$0x1D000] =	vst v63  }
0x130: {  	_ =	swait.ge [sflag:s20], $0x2000  }
0x131: {  	[sflag:s20] =	ssyncset.done $0x0  }
0x132: {  	[sflag:s20] =	ssyncadd.s32 $0xFFFFE000  }
0x133: {  	_ =	swait.ge [sflag:s21], $0x2000  }
0x134: {  	[sflag:s21] =	ssyncset.done $0x0  }
0x135: {  	s9 =	rddreg [dreg:$0x8];
	[sflag:s21] =	ssyncadd.s32 $0xFFFFE000  }
0x136: {  	[spmem:s2] =	stream.indirect.scatter.add.f32 [tilespmem:s16], [sflag:$0x5], $0x80, s9, s15, $0xb8;
	[tilespmem:$0x1D000] =	vst v63  }
0x137: {  	_ =	swait.ge [sflag:s10], $0x4000  }
0x138: {  	[sflag:s10] =	ssyncset.done $0x0  }
0x139: {  	s7 =	rddreg [dreg:$0x9];
	[sflag:s10] =	ssyncadd.s32 $0xFFFFC000  }
0x13a: {  	[tilespmem:s16], [sflag:$0x3] =	stream.indirect.gather [hbm4b:s4+s12], $0x80, s7, s12, $0xb8;
	[tilespmem:$0x1D000] =	vst v63  }
0x13b: {  	s9 =	rddreg [dreg:$0xa]  }
0x13c: {  	[tilespmem:s17], [sflag:$0x4] =	stream.indirect.gather [hbm4b:s4+s12], $0x80, s9, s12, $0xb8;
	[tilespmem:$0x1D000] =	vst v63  }
0x13d: {  	_ =	swait.ge [sflag:s18], $0x2000  }
0x13e: {  	[sflag:s18] =	ssyncset.done $0x0  }
0x13f: {  	[sflag:s18] =	ssyncadd.s32 $0xFFFFE000  }
0x140: {  	_ =	swait.ge [sflag:s19], $0x2000  }
0x141: {  	[sflag:s19] =	ssyncset.done $0x0  }
0x142: {  	s9 =	rddreg [dreg:$0xb];
	[sflag:s19] =	ssyncadd.s32 $0xFFFFE000  }
0x143: {  	[spmem:s2] =	stream.indirect.scatter.add.f32 [tilespmem:s13], [sflag:$0x5], $0x80, s9, s15, $0xb8;
	[tilespmem:$0x1D000] =	vst v63  }
0x144: {  	_ =	swait.ge [sflag:s10], $0x4000  }
0x145: {  	[sflag:s10] =	ssyncset.done $0x0  }
0x146: {  	s7 =	rddreg [dreg:$0xc];
	[sflag:s10] =	ssyncadd.s32 $0xFFFFC000  }
0x147: {  	[tilespmem:s13], [sflag:$0x1] =	stream.indirect.gather [hbm4b:s4+s12], $0x80, s7, s12, $0xb8;
	[tilespmem:$0x1D000] =	vst v63  }
0x148: {  	s9 =	rddreg [dreg:$0xd]  }
0x149: {  	[tilespmem:s14], [sflag:$0x2] =	stream.indirect.gather [hbm4b:s4+s12], $0x80, s9, s12, $0xb8;
	[tilespmem:$0x1D000] =	vst v63  }
0x14a: {  	_ =	swait.ge [sflag:s20], $0x2000  }
0x14b: {  	[sflag:s20] =	ssyncset.done $0x0  }
0x14c: {  	[sflag:s20] =	ssyncadd.s32 $0xFFFFE000  }
0x14d: {  	_ =	swait.ge [sflag:s21], $0x2000  }
0x14e: {  	[sflag:s21] =	ssyncset.done $0x0  }
0x14f: {  	s9 =	rddreg [dreg:$0xe];
	[sflag:s21] =	ssyncadd.s32 $0xFFFFE000  }
0x150: {  	[spmem:s2] =	stream.indirect.scatter.add.f32 [tilespmem:s16], [sflag:$0x5], $0x80, s9, s15, $0xb8;
	[tilespmem:$0x1D000] =	vst v63  }
0x151: {  	_ =	swait.ge [sflag:s10], $0x4000  }
0x152: {  	[sflag:s10] =	ssyncset.done $0x0  }
0x153: {  	s7 =	rddreg [dreg:$0xf];
	[sflag:s10] =	ssyncadd.s32 $0xFFFFC000  }
0x154: {  	[tilespmem:s16], [sflag:$0x3] =	stream.indirect.gather [hbm4b:s4+s12], $0x80, s7, s12, $0xb8;
	[tilespmem:$0x1D000] =	vst v63  }
0x155: {  	s9 =	rddreg [dreg:$0x10]  }
0x156: {  	[tilespmem:s17], [sflag:$0x4] =	stream.indirect.gather [hbm4b:s4+s12], $0x80, s9, s12, $0xb8;
	[tilespmem:$0x1D000] =	vst v63  }
0x157: {  	_ =	swait.ge [sflag:s18], $0x2000  }
0x158: {  	[sflag:s18] =	ssyncset.done $0x0  }
0x159: {  	[sflag:s18] =	ssyncadd.s32 $0xFFFFE000  }
0x15a: {  	_ =	swait.ge [sflag:s19], $0x2000  }
0x15b: {  	[sflag:s19] =	ssyncset.done $0x0  }
0x15c: {  	s9 =	rddreg [dreg:$0x11];
	[sflag:s19] =	ssyncadd.s32 $0xFFFFE000  }
0x15d: {  	[spmem:s2] =	stream.indirect.scatter.add.f32 [tilespmem:s13], [sflag:$0x5], $0x80, s9, s15, $0xb8;
	[tilespmem:$0x1D000] =	vst v63  }
0x15e: {  	_ =	swait.ge [sflag:s10], $0x4000  }
0x15f: {  	[sflag:s10] =	ssyncset.done $0x0  }
0x160: {  	s7 =	rddreg [dreg:$0x12];
	[sflag:s10] =	ssyncadd.s32 $0xFFFFC000  }
0x161: {  	[tilespmem:s13], [sflag:$0x1] =	stream.indirect.gather [hbm4b:s4+s12], $0x80, s7, s12, $0xb8;
	[tilespmem:$0x1D000] =	vst v63  }
0x162: {  	s9 =	rddreg [dreg:$0x13]  }
0x163: {  	[tilespmem:s14], [sflag:$0x2] =	stream.indirect.gather [hbm4b:s4+s12], $0x80, s9, s12, $0xb8;
	[tilespmem:$0x1D000] =	vst v63  }
0x164: {  	_ =	swait.ge [sflag:s20], $0x2000  }
0x165: {  	[sflag:s20] =	ssyncset.done $0x0  }
0x166: {  	[sflag:s20] =	ssyncadd.s32 $0xFFFFE000  }
0x167: {  	_ =	swait.ge [sflag:s21], $0x2000  }
0x168: {  	[sflag:s21] =	ssyncset.done $0x0  }
0x169: {  	s9 =	rddreg [dreg:$0x14];
	[sflag:s21] =	ssyncadd.s32 $0xFFFFE000  }
0x16a: {  	[spmem:s2] =	stream.indirect.scatter.add.f32 [tilespmem:s16], [sflag:$0x5], $0x80, s9, s15, $0xb8;
	[tilespmem:$0x1D000] =	vst v63  }
0x16b: {  	_ =	swait.ge [sflag:s10], $0x4000  }
0x16c: {  	[sflag:s10] =	ssyncset.done $0x0  }
0x16d: {  	s7 =	rddreg [dreg:$0x15];
	[sflag:s10] =	ssyncadd.s32 $0xFFFFC000  }
0x16e: {  	[tilespmem:s16], [sflag:$0x3] =	stream.indirect.gather [hbm4b:s4+s12], $0x80, s7, s12, $0xb8;
	[tilespmem:$0x1D000] =	vst v63  }
0x16f: {  	s9 =	rddreg [dreg:$0x16]  }
0x170: {  	[tilespmem:s17], [sflag:$0x4] =	stream.indirect.gather [hbm4b:s4+s12], $0x80, s9, s12, $0xb8;
	[tilespmem:$0x1D000] =	vst v63  }
0x171: {  	_ =	swait.ge [sflag:s18], $0x2000  }
0x172: {  	[sflag:s18] =	ssyncset.done $0x0  }
0x173: {  	[sflag:s18] =	ssyncadd.s32 $0xFFFFE000  }
0x174: {  	_ =	swait.ge [sflag:s19], $0x2000  }
0x175: {  	[sflag:s19] =	ssyncset.done $0x0  }
0x176: {  	s9 =	rddreg [dreg:$0x17];
	[sflag:s19] =	ssyncadd.s32 $0xFFFFE000  }
0x177: {  	[spmem:s2] =	stream.indirect.scatter.add.f32 [tilespmem:s13], [sflag:$0x5], $0x80, s9, s15, $0xb8;
	[tilespmem:$0x1D000] =	vst v63  }
0x178: {  	_ =	swait.ge [sflag:s10], $0x4000  }
0x179: {  	[sflag:s10] =	ssyncset.done $0x0  }
0x17a: {  	s7 =	rddreg [dreg:$0x18];
	[sflag:s10] =	ssyncadd.s32 $0xFFFFC000  }
0x17b: {  	[tilespmem:s13], [sflag:$0x1] =	stream.indirect.gather [hbm4b:s4+s12], $0x80, s7, s12, $0xb8;
	[tilespmem:$0x1D000] =	vst v63  }
0x17c: {  	s9 =	rddreg [dreg:$0x19]  }
0x17d: {  	[tilespmem:s14], [sflag:$0x2] =	stream.indirect.gather [hbm4b:s4+s12], $0x80, s9, s12, $0xb8;
	[tilespmem:$0x1D000] =	vst v63  }
0x17e: {  	_ =	swait.ge [sflag:s20], $0x2000  }
0x17f: {  	[sflag:s20] =	ssyncset.done $0x0  }
0x180: {  	[sflag:s20] =	ssyncadd.s32 $0xFFFFE000  }
0x181: {  	_ =	swait.ge [sflag:s21], $0x2000  }
0x182: {  	[sflag:s21] =	ssyncset.done $0x0  }
0x183: {  	s9 =	rddreg [dreg:$0x1a];
	[sflag:s21] =	ssyncadd.s32 $0xFFFFE000  }
0x184: {  	[spmem:s2] =	stream.indirect.scatter.add.f32 [tilespmem:s16], [sflag:$0x5], $0x80, s9, s15, $0xb8;
	[tilespmem:$0x1D000] =	vst v63  }
0x185: {  	_ =	swait.ge [sflag:s10], $0x4000  }
0x186: {  	[sflag:s10] =	ssyncset.done $0x0  }
0x187: {  	s7 =	rddreg [dreg:$0x1b];
	[sflag:s10] =	ssyncadd.s32 $0xFFFFC000  }
0x188: {  	[tilespmem:s16], [sflag:$0x3] =	stream.indirect.gather [hbm4b:s4+s12], $0x80, s7, s12, $0xb8;
	[tilespmem:$0x1D000] =	vst v63  }
0x189: {  	s9 =	rddreg [dreg:$0x1c]  }
0x18a: {  	[tilespmem:s17], [sflag:$0x4] =	stream.indirect.gather [hbm4b:s4+s12], $0x80, s9, s12, $0xb8;
	[tilespmem:$0x1D000] =	vst v63  }
0x18b: {  	_ =	swait.ge [sflag:s18], $0x2000  }
0x18c: {  	[sflag:s18] =	ssyncset.done $0x0  }
0x18d: {  	[sflag:s18] =	ssyncadd.s32 $0xFFFFE000  }
0x18e: {  	_ =	swait.ge [sflag:s19], $0x2000  }
0x18f: {  	[sflag:s19] =	ssyncset.done $0x0  }
0x190: {  	s9 =	rddreg [dreg:$0x1d];
	[sflag:s19] =	ssyncadd.s32 $0xFFFFE000  }
0x191: {  	[spmem:s2] =	stream.indirect.scatter.add.f32 [tilespmem:s13], [sflag:$0x5], $0x80, s9, s15, $0xb8;
	[tilespmem:$0x1D000] =	vst v63  }
0x192: {  	_ =	swait.ge [sflag:s10], $0x4000  }
0x193: {  	[sflag:s10] =	ssyncset.done $0x0  }
0x194: {  	s7 =	rddreg [dreg:$0x1e];
	[sflag:s10] =	ssyncadd.s32 $0xFFFFC000  }
0x195: {  	[tilespmem:s13], [sflag:$0x1] =	stream.indirect.gather [hbm4b:s4+s12], $0x80, s7, s12, $0xb8;
	[tilespmem:$0x1D000] =	vst v63  }
0x196: {  	s9 =	rddreg [dreg:$0x1f]  }
0x197: {  	[tilespmem:s14], [sflag:$0x2] =	stream.indirect.gather [hbm4b:s4+s12], $0x80, s9, s12, $0xb8;
	[tilespmem:$0x1D000] =	vst v63  }
0x198: {  	_ =	swait.ge [sflag:s20], $0x2000  }
0x199: {  	[sflag:s20] =	ssyncset.done $0x0  }
0x19a: {  	[sflag:s20] =	ssyncadd.s32 $0xFFFFE000  }
0x19b: {  	_ =	swait.ge [sflag:s21], $0x2000  }
0x19c: {  	s9 =	sld [smem:$0x7F7]  }
0x19d: {  	[sflag:s21] =	ssyncset.done $0x0  }
0x19e: {  	[sflag:s21] =	ssyncadd.s32 $0xFFFFE000  }
0x19f: {  	[spmem:s2] =	stream.indirect.scatter.add.f32 [tilespmem:s16], [sflag:$0x5], $0x80, s9, s15, $0xb8;
	[tilespmem:$0x1D000] =	vst v63  }
0x1a0: {  	_ =	swait.ge [sflag:s10], $0x4000  }
0x1a1: {  	s7 =	sld [smem:$0x7F8]  }
0x1a2: {  	[sflag:s10] =	ssyncset.done $0x0  }
0x1a3: {  	s9 =	sld [smem:$0x7F9];
	[sflag:s10] =	ssyncadd.s32 $0xFFFFC000  }
0x1a4: {  	[tilespmem:s16], [sflag:$0x3] =	stream.indirect.gather [hbm4b:s4+s12], $0x80, s7, s12, $0xb8;
	[tilespmem:$0x1D000] =	vst v63  }
0x1a5: {  	_ = 	snop  }
0x1a6: {  	[tilespmem:s17], [sflag:$0x4] =	stream.indirect.gather [hbm4b:s4+s12], $0x80, s9, s12, $0xb8;
	[tilespmem:$0x1D000] =	vst v63  }
0x1a7: {  	_ =	swait.ge [sflag:s18], $0x2000  }
0x1a8: {  	[sflag:s18] =	ssyncset.done $0x0  }
0x1a9: {  	[sflag:s18] =	ssyncadd.s32 $0xFFFFE000  }
0x1aa: {  	_ =	swait.ge [sflag:s19], $0x2000  }
0x1ab: {  	s9 =	sld [smem:$0x7FA]  }
0x1ac: {  	[sflag:s19] =	ssyncset.done $0x0  }
0x1ad: {  	[sflag:s19] =	ssyncadd.s32 $0xFFFFE000  }
0x1ae: {  	[spmem:s2] =	stream.indirect.scatter.add.f32 [tilespmem:s13], [sflag:$0x5], $0x80, s9, s15, $0xb8;
	[tilespmem:$0x1D000] =	vst v63  }
0x1af: {  	_ =	swait.ge [sflag:s10], $0x4000  }
0x1b0: {  	s9 =	sld [smem:$0x7FB]  }
0x1b1: {  	[sflag:s10] =	ssyncset.done $0x0  }
0x1b2: {  	[sflag:s10] =	ssyncadd.s32 $0xFFFFC000  }
0x1b3: {  	[tilespmem:s13], [sflag:$0x1] =	stream.indirect.gather [hbm4b:s4+s12], $0x80, s9, s12, $0xb8;
	[tilespmem:$0x1D000] =	vst v63  }
0x1b4: {  	_ = 	snop  }
0x1b5: {  	[tilespmem:s14], [sflag:$0x2] =	stream.indirect.gather [hbm4b:s4+s12], $0x80, s22, s12, $0xb8;
	[tilespmem:$0x1D000] =	vst v63  }
0x1b6: {  	_ =	swait.ge [sflag:s20], $0x2000  }
0x1b7: {  	[sflag:s20] =	ssyncset.done $0x0  }
0x1b8: {  	[sflag:s20] =	ssyncadd.s32 $0xFFFFE000  }
0x1b9: {  	_ =	swait.ge [sflag:s21], $0x2000  }
0x1ba: {  	[sflag:s21] =	ssyncset.done $0x0  }
0x1bb: {  	[sflag:s21] =	ssyncadd.s32 $0xFFFFE000  }
0x1bc: {  	[spmem:s2] =	stream.indirect.scatter.add.f32 [tilespmem:s16], [sflag:$0x5], $0x80, s23, s15, $0xb8;
	[tilespmem:$0x1D000] =	vst v63  }
0x1bd: {  	_ =	swait.ge [sflag:s10], $0x4000  }
0x1be: {  	[sflag:s10] =	ssyncset.done $0x0  }
0x1bf: {  	[sflag:s10] =	ssyncadd.s32 $0xFFFFC000  }
0x1c0: {  	[tilespmem:s16], [sflag:$0x3] =	stream.indirect.gather [hbm4b:s4+s12], $0x80, s24, s12, $0xb8;
	[tilespmem:$0x1D000] =	vst v63  }
0x1c1: {  	_ = 	snop  }
0x1c2: {  	[tilespmem:s17], [sflag:$0x4] =	stream.indirect.gather [hbm4b:s4+s12], $0x80, s25, s12, $0xb8;
	[tilespmem:$0x1D000] =	vst v63  }
0x1c3: {  	_ =	swait.ge [sflag:s18], $0x2000  }
0x1c4: {  	[sflag:s18] =	ssyncset.done $0x0  }
0x1c5: {  	[sflag:s18] =	ssyncadd.s32 $0xFFFFE000  }
0x1c6: {  	_ =	swait.ge [sflag:s19], $0x2000  }
0x1c7: {  	[sflag:s19] =	ssyncset.done $0x0  }
0x1c8: {  	[sflag:s19] =	ssyncadd.s32 $0xFFFFE000  }
0x1c9: {  	[spmem:s2] =	stream.indirect.scatter.add.f32 [tilespmem:s13], [sflag:$0x5], $0x80, s26, s15, $0xb8;
	[tilespmem:$0x1D000] =	vst v63  }
0x1ca: {  	_ =	swait.ge [sflag:s10], $0x4000  }
0x1cb: {  	[sflag:s10] =	ssyncset.done $0x0  }
0x1cc: {  	[sflag:s10] =	ssyncadd.s32 $0xFFFFC000  }
0x1cd: {  	[tilespmem:s13], [sflag:$0x1] =	stream.indirect.gather [hbm4b:s4+s12], $0x80, s28, s12, $0xb8;
	[tilespmem:$0x1D000] =	vst v63  }
0x1ce: {  	_ = 	snop  }
0x1cf: {  	[tilespmem:s14], [sflag:$0x2] =	stream.indirect.gather [hbm4b:s4+s12], $0x80, s29, s12, $0xb8;
	[tilespmem:$0x1D000] =	vst v63  }
0x1d0: {  	_ =	swait.ge [sflag:s20], $0x2000  }
0x1d1: {  	[sflag:s20] =	ssyncset.done $0x0  }
0x1d2: {  	[sflag:s20] =	ssyncadd.s32 $0xFFFFE000  }
0x1d3: {  	_ =	swait.ge [sflag:s21], $0x2000  }
0x1d4: {  	[sflag:s21] =	ssyncset.done $0x0  }
0x1d5: {  	[sflag:s21] =	ssyncadd.s32 $0xFFFFE000  }
0x1d6: {  	[spmem:s2] =	stream.indirect.scatter.add.f32 [tilespmem:s16], [sflag:$0x5], $0x80, s30, s15, $0xb8;
	[tilespmem:$0x1D000] =	vst v63  }
0x1d7: {  	_ =	swait.ge [sflag:s10], $0x4000  }
0x1d8: {  	[sflag:s10] =	ssyncset.done $0x0  }
0x1d9: {  	[sflag:s10] =	ssyncadd.s32 $0xFFFFC000  }
0x1da: {  	[tilespmem:s16], [sflag:$0x3] =	stream.indirect.gather [hbm4b:s4+s12], $0x80, s31, s12, $0xb8;
	[tilespmem:$0x1D000] =	vst v63  }
0x1db: {  	_ = 	snop  }
0x1dc: {  	[tilespmem:s17], [sflag:$0x4] =	stream.indirect.gather [hbm4b:s4+s12], $0x80, s1, s12, $0xb8;
	[tilespmem:$0x1D000] =	vst v63  }
0x1dd: {  	_ =	swait.ge [sflag:s18], $0x2000  }
0x1de: {  	[sflag:s18] =	ssyncset.done $0x0  }
0x1df: {  	[sflag:s18] =	ssyncadd.s32 $0xFFFFE000  }
0x1e0: {  	_ =	swait.ge [sflag:s19], $0x2000  }
0x1e1: {  	[sflag:s19] =	ssyncset.done $0x0  }
0x1e2: {  	[sflag:s19] =	ssyncadd.s32 $0xFFFFE000  }
0x1e3: {  	[spmem:s2] =	stream.indirect.scatter.add.f32 [tilespmem:s13], [sflag:$0x5], $0x80, s0, s15, $0xb8;
	[tilespmem:$0x1D000] =	vst v63  }
0x1e4: {  	_ =	swait.ge [sflag:s10], $0x4000  }
0x1e5: {  	[sflag:s10] =	ssyncset.done $0x0  }
0x1e6: {  	[sflag:s10] =	ssyncadd.s32 $0xFFFFC000  }
0x1e7: {  	_ =	swait.ge [sflag:s20], $0x2000  }
0x1e8: {  	[sflag:s20] =	ssyncset.done $0x0  }
0x1e9: {  	[sflag:s20] =	ssyncadd.s32 $0xFFFFE000  }
0x1ea: {  	p0 =	sne.s32 s6, $0x900;
	_ =	swait.ge [sflag:s21], $0x2000  }
.Ltmp0:
0x1eb: {  	[sflag:s21] =	ssyncset.done $0x0;
	(pc) =	sbr.rel @p0 .LBB2_2-.Ltmp0, $4  }
0x1ec: {  	[sflag:s21] =	ssyncadd.s32 $0xFFFFE000  }
0x1ed: {  	[spmem:s2] =	stream.indirect.scatter.add.f32 [tilespmem:s16], [sflag:$0x5], $0x80, s5, s15, $0xb8;
	[tilespmem:$0x1D000] =	vst v63  }
0x1ee: {  	_ =	swait.ge [sflag:s10], $0x4000  }
0x1ef: {  	s6 =	sadd.s32 $0x100, s6;
	s9 =	rddreg [dreg:$0x4];
	[sflag:s10] =	ssyncset.done $0x0  }
0x1f0: {  	[sflag:s10] =	ssyncadd.s32 $0xFFFFC000;
	s6 =	sadd.s32 s8, s9  }
0x1f1: {  	[tilespmem:s3], [sflag:$0x5] =	stream.linear.gather [hbm4b:s6+s3], $0x800, $0x38;
	[tilespmem:$0x1D000] =	vst v63  }
0x1f2: {  	_ =	swait.ge [sflag:s10], $0x800  }
0x1f3: {  	s7 =	rddreg [dreg:$0x3];
	[sflag:s10] =	ssyncset.done $0x0  }
0x1f4: {  	[sflag:s10] =	ssyncadd.s32 $0xFFFFF800;
	s6 =	sadd.s32 s8, s7  }
0x1f5: {  	[tilespmem:s11], [sflag:$0x5] =	stream.linear.gather [hbm4b:s6+s3], $0x800, $0x38;
	[tilespmem:$0x1D000] =	vst v63  }
0x1f6: {  	_ =	swait.ge [sflag:s10], $0x800  }
0x1f7: {  	[sflag:s10] =	ssyncset.done $0x0  }
0x1f8: {  	[sflag:s10] =	ssyncadd.s32 $0xFFFFF800  }
0x1f9: {  	[tilespmem:s13], [sflag:$0x1] =	stream.indirect.gather [hbm4b:s4+s12], $0x80, s3, s12, $0xb8;
	[tilespmem:$0x1D000] =	vst v63  }
0x1fa: {  	_ = 	snop  }
0x1fb: {  	[tilespmem:s14], [sflag:$0x2] =	stream.indirect.gather [hbm4b:s4+s12], $0x80, s12, s12, $0xb8;
	[tilespmem:$0x1D000] =	vst v63  }
0x1fc: {  	_ = 	snop  }
0x1fd: {  	[tilespmem:s16], [sflag:$0x3] =	stream.indirect.gather [hbm4b:s4+s12], $0x80, s15, s12, $0xb8;
	[tilespmem:$0x1D000] =	vst v63  }
0x1fe: {  	s8 =	rddreg [dreg:$0x5]  }
0x1ff: {  	[tilespmem:s17], [sflag:$0x4] =	stream.indirect.gather [hbm4b:s4+s12], $0x80, s8, s12, $0xb8;
	[tilespmem:$0x1D000] =	vst v63  }
0x200: {  	_ =	swait.ge [sflag:s18], $0x2000  }
0x201: {  	[sflag:s18] =	ssyncset.done $0x0  }
0x202: {  	[sflag:s18] =	ssyncadd.s32 $0xFFFFE000  }
0x203: {  	_ =	swait.ge [sflag:s19], $0x2000  }
0x204: {  	[sflag:s19] =	ssyncset.done $0x0  }
0x205: {  	[sflag:s19] =	ssyncadd.s32 $0xFFFFE000  }
0x206: {  	[spmem:s2] =	stream.indirect.scatter.add.f32 [tilespmem:s13], [sflag:$0x5], $0x80, s11, s15, $0xb8;
	[tilespmem:$0x1D000] =	vst v63  }
0x207: {  	_ =	swait.ge [sflag:s10], $0x4000  }
0x208: {  	[sflag:s10] =	ssyncset.done $0x0  }
0x209: {  	s9 =	rddreg [dreg:$0x6];
	[sflag:s10] =	ssyncadd.s32 $0xFFFFC000  }
0x20a: {  	[tilespmem:s13], [sflag:$0x1] =	stream.indirect.gather [hbm4b:s4+s12], $0x80, s9, s12, $0xb8;
	[tilespmem:$0x1D000] =	vst v63  }
0x20b: {  	s7 =	rddreg [dreg:$0x7]  }
0x20c: {  	[tilespmem:s14], [sflag:$0x2] =	stream.indirect.gather [hbm4b:s4+s12], $0x80, s7, s12, $0xb8;
	[tilespmem:$0x1D000] =	vst v63  }
0x20d: {  	_ =	swait.ge [sflag:s20], $0x2000  }
0x20e: {  	[sflag:s20] =	ssyncset.done $0x0  }
0x20f: {  	[sflag:s20] =	ssyncadd.s32 $0xFFFFE000  }
0x210: {  	_ =	swait.ge [sflag:s21], $0x2000  }
0x211: {  	[sflag:s21] =	ssyncset.done $0x0  }
0x212: {  	s7 =	rddreg [dreg:$0x8];
	[sflag:s21] =	ssyncadd.s32 $0xFFFFE000  }
0x213: {  	[spmem:s2] =	stream.indirect.scatter.add.f32 [tilespmem:s16], [sflag:$0x5], $0x80, s7, s15, $0xb8;
	[tilespmem:$0x1D000] =	vst v63  }
0x214: {  	_ =	swait.ge [sflag:s10], $0x4000  }
0x215: {  	[sflag:s10] =	ssyncset.done $0x0  }
0x216: {  	s8 =	rddreg [dreg:$0x9];
	[sflag:s10] =	ssyncadd.s32 $0xFFFFC000  }
0x217: {  	[tilespmem:s16], [sflag:$0x3] =	stream.indirect.gather [hbm4b:s4+s12], $0x80, s8, s12, $0xb8;
	[tilespmem:$0x1D000] =	vst v63  }
0x218: {  	s9 =	rddreg [dreg:$0xa]  }
0x219: {  	[tilespmem:s17], [sflag:$0x4] =	stream.indirect.gather [hbm4b:s4+s12], $0x80, s9, s12, $0xb8;
	[tilespmem:$0x1D000] =	vst v63  }
0x21a: {  	_ =	swait.ge [sflag:s18], $0x2000  }
0x21b: {  	[sflag:s18] =	ssyncset.done $0x0  }
0x21c: {  	[sflag:s18] =	ssyncadd.s32 $0xFFFFE000  }
0x21d: {  	_ =	swait.ge [sflag:s19], $0x2000  }
0x21e: {  	[sflag:s19] =	ssyncset.done $0x0  }
0x21f: {  	s7 =	rddreg [dreg:$0xb];
	[sflag:s19] =	ssyncadd.s32 $0xFFFFE000  }
0x220: {  	[spmem:s2] =	stream.indirect.scatter.add.f32 [tilespmem:s13], [sflag:$0x5], $0x80, s7, s15, $0xb8;
	[tilespmem:$0x1D000] =	vst v63  }
0x221: {  	_ =	swait.ge [sflag:s10], $0x4000  }
0x222: {  	[sflag:s10] =	ssyncset.done $0x0  }
0x223: {  	s8 =	rddreg [dreg:$0xc];
	[sflag:s10] =	ssyncadd.s32 $0xFFFFC000  }
0x224: {  	[tilespmem:s13], [sflag:$0x1] =	stream.indirect.gather [hbm4b:s4+s12], $0x80, s8, s12, $0xb8;
	[tilespmem:$0x1D000] =	vst v63  }
0x225: {  	s9 =	rddreg [dreg:$0xd]  }
0x226: {  	[tilespmem:s14], [sflag:$0x2] =	stream.indirect.gather [hbm4b:s4+s12], $0x80, s9, s12, $0xb8;
	[tilespmem:$0x1D000] =	vst v63  }
0x227: {  	_ =	swait.ge [sflag:s20], $0x2000  }
0x228: {  	[sflag:s20] =	ssyncset.done $0x0  }
0x229: {  	[sflag:s20] =	ssyncadd.s32 $0xFFFFE000  }
0x22a: {  	_ =	swait.ge [sflag:s21], $0x2000  }
0x22b: {  	[sflag:s21] =	ssyncset.done $0x0  }
0x22c: {  	s7 =	rddreg [dreg:$0xe];
	[sflag:s21] =	ssyncadd.s32 $0xFFFFE000  }
0x22d: {  	[spmem:s2] =	stream.indirect.scatter.add.f32 [tilespmem:s16], [sflag:$0x5], $0x80, s7, s15, $0xb8;
	[tilespmem:$0x1D000] =	vst v63  }
0x22e: {  	_ =	swait.ge [sflag:s10], $0x4000  }
0x22f: {  	[sflag:s10] =	ssyncset.done $0x0  }
0x230: {  	s8 =	rddreg [dreg:$0xf];
	[sflag:s10] =	ssyncadd.s32 $0xFFFFC000  }
0x231: {  	[tilespmem:s16], [sflag:$0x3] =	stream.indirect.gather [hbm4b:s4+s12], $0x80, s8, s12, $0xb8;
	[tilespmem:$0x1D000] =	vst v63  }
0x232: {  	s9 =	rddreg [dreg:$0x10]  }
0x233: {  	[tilespmem:s17], [sflag:$0x4] =	stream.indirect.gather [hbm4b:s4+s12], $0x80, s9, s12, $0xb8;
	[tilespmem:$0x1D000] =	vst v63  }
0x234: {  	_ =	swait.ge [sflag:s18], $0x2000  }
0x235: {  	[sflag:s18] =	ssyncset.done $0x0  }
0x236: {  	[sflag:s18] =	ssyncadd.s32 $0xFFFFE000  }
0x237: {  	_ =	swait.ge [sflag:s19], $0x2000  }
0x238: {  	[sflag:s19] =	ssyncset.done $0x0  }
0x239: {  	s7 =	rddreg [dreg:$0x11];
	[sflag:s19] =	ssyncadd.s32 $0xFFFFE000  }
0x23a: {  	[spmem:s2] =	stream.indirect.scatter.add.f32 [tilespmem:s13], [sflag:$0x5], $0x80, s7, s15, $0xb8;
	[tilespmem:$0x1D000] =	vst v63  }
0x23b: {  	_ =	swait.ge [sflag:s10], $0x4000  }
0x23c: {  	[sflag:s10] =	ssyncset.done $0x0  }
0x23d: {  	s8 =	rddreg [dreg:$0x12];
	[sflag:s10] =	ssyncadd.s32 $0xFFFFC000  }
0x23e: {  	[tilespmem:s13], [sflag:$0x1] =	stream.indirect.gather [hbm4b:s4+s12], $0x80, s8, s12, $0xb8;
	[tilespmem:$0x1D000] =	vst v63  }
0x23f: {  	s9 =	rddreg [dreg:$0x13]  }
0x240: {  	[tilespmem:s14], [sflag:$0x2] =	stream.indirect.gather [hbm4b:s4+s12], $0x80, s9, s12, $0xb8;
	[tilespmem:$0x1D000] =	vst v63  }
0x241: {  	_ =	swait.ge [sflag:s20], $0x2000  }
0x242: {  	[sflag:s20] =	ssyncset.done $0x0  }
0x243: {  	[sflag:s20] =	ssyncadd.s32 $0xFFFFE000  }
0x244: {  	_ =	swait.ge [sflag:s21], $0x2000  }
0x245: {  	[sflag:s21] =	ssyncset.done $0x0  }
0x246: {  	s7 =	rddreg [dreg:$0x14];
	[sflag:s21] =	ssyncadd.s32 $0xFFFFE000  }
0x247: {  	[spmem:s2] =	stream.indirect.scatter.add.f32 [tilespmem:s16], [sflag:$0x5], $0x80, s7, s15, $0xb8;
	[tilespmem:$0x1D000] =	vst v63  }
0x248: {  	_ =	swait.ge [sflag:s10], $0x4000  }
0x249: {  	[sflag:s10] =	ssyncset.done $0x0  }
0x24a: {  	s8 =	rddreg [dreg:$0x15];
	[sflag:s10] =	ssyncadd.s32 $0xFFFFC000  }
0x24b: {  	[tilespmem:s16], [sflag:$0x3] =	stream.indirect.gather [hbm4b:s4+s12], $0x80, s8, s12, $0xb8;
	[tilespmem:$0x1D000] =	vst v63  }
0x24c: {  	s9 =	rddreg [dreg:$0x16]  }
0x24d: {  	[tilespmem:s17], [sflag:$0x4] =	stream.indirect.gather [hbm4b:s4+s12], $0x80, s9, s12, $0xb8;
	[tilespmem:$0x1D000] =	vst v63  }
0x24e: {  	_ =	swait.ge [sflag:s18], $0x2000  }
0x24f: {  	[sflag:s18] =	ssyncset.done $0x0  }
0x250: {  	[sflag:s18] =	ssyncadd.s32 $0xFFFFE000  }
0x251: {  	_ =	swait.ge [sflag:s19], $0x2000  }
0x252: {  	[sflag:s19] =	ssyncset.done $0x0  }
0x253: {  	s7 =	rddreg [dreg:$0x17];
	[sflag:s19] =	ssyncadd.s32 $0xFFFFE000  }
0x254: {  	[spmem:s2] =	stream.indirect.scatter.add.f32 [tilespmem:s13], [sflag:$0x5], $0x80, s7, s15, $0xb8;
	[tilespmem:$0x1D000] =	vst v63  }
0x255: {  	_ =	swait.ge [sflag:s10], $0x4000  }
0x256: {  	[sflag:s10] =	ssyncset.done $0x0  }
0x257: {  	s8 =	rddreg [dreg:$0x18];
	[sflag:s10] =	ssyncadd.s32 $0xFFFFC000  }
0x258: {  	[tilespmem:s13], [sflag:$0x1] =	stream.indirect.gather [hbm4b:s4+s12], $0x80, s8, s12, $0xb8;
	[tilespmem:$0x1D000] =	vst v63  }
0x259: {  	s9 =	rddreg [dreg:$0x19]  }
0x25a: {  	[tilespmem:s14], [sflag:$0x2] =	stream.indirect.gather [hbm4b:s4+s12], $0x80, s9, s12, $0xb8;
	[tilespmem:$0x1D000] =	vst v63  }
0x25b: {  	_ =	swait.ge [sflag:s20], $0x2000  }
0x25c: {  	[sflag:s20] =	ssyncset.done $0x0  }
0x25d: {  	[sflag:s20] =	ssyncadd.s32 $0xFFFFE000  }
0x25e: {  	_ =	swait.ge [sflag:s21], $0x2000  }
0x25f: {  	[sflag:s21] =	ssyncset.done $0x0  }
0x260: {  	s7 =	rddreg [dreg:$0x1a];
	[sflag:s21] =	ssyncadd.s32 $0xFFFFE000  }
0x261: {  	[spmem:s2] =	stream.indirect.scatter.add.f32 [tilespmem:s16], [sflag:$0x5], $0x80, s7, s15, $0xb8;
	[tilespmem:$0x1D000] =	vst v63  }
0x262: {  	_ =	swait.ge [sflag:s10], $0x4000  }
0x263: {  	[sflag:s10] =	ssyncset.done $0x0  }
0x264: {  	s8 =	rddreg [dreg:$0x1b];
	[sflag:s10] =	ssyncadd.s32 $0xFFFFC000  }
0x265: {  	[tilespmem:s16], [sflag:$0x3] =	stream.indirect.gather [hbm4b:s4+s12], $0x80, s8, s12, $0xb8;
	[tilespmem:$0x1D000] =	vst v63  }
0x266: {  	s9 =	rddreg [dreg:$0x1c]  }
0x267: {  	[tilespmem:s17], [sflag:$0x4] =	stream.indirect.gather [hbm4b:s4+s12], $0x80, s9, s12, $0xb8;
	[tilespmem:$0x1D000] =	vst v63  }
0x268: {  	_ =	swait.ge [sflag:s18], $0x2000  }
0x269: {  	[sflag:s18] =	ssyncset.done $0x0  }
0x26a: {  	[sflag:s18] =	ssyncadd.s32 $0xFFFFE000  }
0x26b: {  	_ =	swait.ge [sflag:s19], $0x2000  }
0x26c: {  	[sflag:s19] =	ssyncset.done $0x0  }
0x26d: {  	s7 =	rddreg [dreg:$0x1d];
	[sflag:s19] =	ssyncadd.s32 $0xFFFFE000  }
0x26e: {  	[spmem:s2] =	stream.indirect.scatter.add.f32 [tilespmem:s13], [sflag:$0x5], $0x80, s7, s15, $0xb8;
	[tilespmem:$0x1D000] =	vst v63  }
0x26f: {  	_ =	swait.ge [sflag:s10], $0x4000  }
0x270: {  	[sflag:s10] =	ssyncset.done $0x0  }
0x271: {  	s8 =	rddreg [dreg:$0x1e];
	[sflag:s10] =	ssyncadd.s32 $0xFFFFC000  }
0x272: {  	[tilespmem:s13], [sflag:$0x1] =	stream.indirect.gather [hbm4b:s4+s12], $0x80, s8, s12, $0xb8;
	[tilespmem:$0x1D000] =	vst v63  }
0x273: {  	s9 =	rddreg [dreg:$0x1f]  }
0x274: {  	[tilespmem:s14], [sflag:$0x2] =	stream.indirect.gather [hbm4b:s4+s12], $0x80, s9, s12, $0xb8;
	[tilespmem:$0x1D000] =	vst v63  }
0x275: {  	_ =	swait.ge [sflag:s20], $0x2000  }
0x276: {  	[sflag:s20] =	ssyncset.done $0x0  }
0x277: {  	[sflag:s20] =	ssyncadd.s32 $0xFFFFE000  }
0x278: {  	_ =	swait.ge [sflag:s21], $0x2000  }
0x279: {  	s7 =	sld [smem:$0x7F7]  }
0x27a: {  	[sflag:s21] =	ssyncset.done $0x0  }
0x27b: {  	[sflag:s21] =	ssyncadd.s32 $0xFFFFE000  }
0x27c: {  	[spmem:s2] =	stream.indirect.scatter.add.f32 [tilespmem:s16], [sflag:$0x5], $0x80, s7, s15, $0xb8;
	[tilespmem:$0x1D000] =	vst v63  }
0x27d: {  	_ =	swait.ge [sflag:s10], $0x4000  }
0x27e: {  	s8 =	sld [smem:$0x7F8]  }
0x27f: {  	[sflag:s10] =	ssyncset.done $0x0  }
0x280: {  	s9 =	sld [smem:$0x7F9];
	[sflag:s10] =	ssyncadd.s32 $0xFFFFC000  }
0x281: {  	[tilespmem:s16], [sflag:$0x3] =	stream.indirect.gather [hbm4b:s4+s12], $0x80, s8, s12, $0xb8;
	[tilespmem:$0x1D000] =	vst v63  }
0x282: {  	_ = 	snop  }
0x283: {  	[tilespmem:s17], [sflag:$0x4] =	stream.indirect.gather [hbm4b:s4+s12], $0x80, s9, s12, $0xb8;
	[tilespmem:$0x1D000] =	vst v63  }
0x284: {  	_ =	swait.ge [sflag:s18], $0x2000  }
0x285: {  	[sflag:s18] =	ssyncset.done $0x0  }
0x286: {  	[sflag:s18] =	ssyncadd.s32 $0xFFFFE000  }
0x287: {  	_ =	swait.ge [sflag:s19], $0x2000  }
0x288: {  	s7 =	sld [smem:$0x7FA]  }
0x289: {  	[sflag:s19] =	ssyncset.done $0x0  }
0x28a: {  	[sflag:s19] =	ssyncadd.s32 $0xFFFFE000  }
0x28b: {  	[spmem:s2] =	stream.indirect.scatter.add.f32 [tilespmem:s13], [sflag:$0x5], $0x80, s7, s15, $0xb8;
	[tilespmem:$0x1D000] =	vst v63  }
0x28c: {  	_ =	swait.ge [sflag:s10], $0x4000  }
0x28d: {  	s8 =	sld [smem:$0x7FB]  }
0x28e: {  	[sflag:s10] =	ssyncset.done $0x0  }
0x28f: {  	[sflag:s10] =	ssyncadd.s32 $0xFFFFC000  }
0x290: {  	[tilespmem:s13], [sflag:$0x1] =	stream.indirect.gather [hbm4b:s4+s12], $0x80, s8, s12, $0xb8;
	[tilespmem:$0x1D000] =	vst v63  }
0x291: {  	_ = 	snop  }
0x292: {  	[tilespmem:s14], [sflag:$0x2] =	stream.indirect.gather [hbm4b:s4+s12], $0x80, s22, s12, $0xb8;
	[tilespmem:$0x1D000] =	vst v63  }
0x293: {  	_ =	swait.ge [sflag:s20], $0x2000  }
0x294: {  	[sflag:s20] =	ssyncset.done $0x0  }
0x295: {  	[sflag:s20] =	ssyncadd.s32 $0xFFFFE000  }
0x296: {  	_ =	swait.ge [sflag:s21], $0x2000  }
0x297: {  	[sflag:s21] =	ssyncset.done $0x0  }
0x298: {  	[sflag:s21] =	ssyncadd.s32 $0xFFFFE000  }
0x299: {  	[spmem:s2] =	stream.indirect.scatter.add.f32 [tilespmem:s16], [sflag:$0x5], $0x80, s23, s15, $0xb8;
	[tilespmem:$0x1D000] =	vst v63  }
0x29a: {  	_ =	swait.ge [sflag:s10], $0x4000  }
0x29b: {  	[sflag:s10] =	ssyncset.done $0x0  }
0x29c: {  	[sflag:s10] =	ssyncadd.s32 $0xFFFFC000  }
0x29d: {  	[tilespmem:s16], [sflag:$0x3] =	stream.indirect.gather [hbm4b:s4+s12], $0x80, s24, s12, $0xb8;
	[tilespmem:$0x1D000] =	vst v63  }
0x29e: {  	_ = 	snop  }
0x29f: {  	[tilespmem:s17], [sflag:$0x4] =	stream.indirect.gather [hbm4b:s4+s12], $0x80, s25, s12, $0xb8;
	[tilespmem:$0x1D000] =	vst v63  }
0x2a0: {  	_ =	swait.ge [sflag:s18], $0x2000  }
0x2a1: {  	[sflag:s18] =	ssyncset.done $0x0  }
0x2a2: {  	[sflag:s18] =	ssyncadd.s32 $0xFFFFE000  }
0x2a3: {  	_ =	swait.ge [sflag:s19], $0x2000  }
0x2a4: {  	[sflag:s19] =	ssyncset.done $0x0  }
0x2a5: {  	[sflag:s19] =	ssyncadd.s32 $0xFFFFE000  }
0x2a6: {  	[spmem:s2] =	stream.indirect.scatter.add.f32 [tilespmem:s13], [sflag:$0x5], $0x80, s26, s15, $0xb8;
	[tilespmem:$0x1D000] =	vst v63  }
0x2a7: {  	_ =	swait.ge [sflag:s10], $0x4000  }
0x2a8: {  	[sflag:s10] =	ssyncset.done $0x0  }
0x2a9: {  	[sflag:s10] =	ssyncadd.s32 $0xFFFFC000  }
0x2aa: {  	[tilespmem:s13], [sflag:$0x1] =	stream.indirect.gather [hbm4b:s4+s12], $0x80, s28, s12, $0xb8;
	[tilespmem:$0x1D000] =	vst v63  }
0x2ab: {  	_ = 	snop  }
0x2ac: {  	[tilespmem:s14], [sflag:$0x2] =	stream.indirect.gather [hbm4b:s4+s12], $0x80, s29, s12, $0xb8;
	[tilespmem:$0x1D000] =	vst v63  }
0x2ad: {  	_ =	swait.ge [sflag:s20], $0x2000  }
0x2ae: {  	[sflag:s20] =	ssyncset.done $0x0  }
0x2af: {  	[sflag:s20] =	ssyncadd.s32 $0xFFFFE000  }
0x2b0: {  	_ =	swait.ge [sflag:s21], $0x2000  }
0x2b1: {  	[sflag:s21] =	ssyncset.done $0x0  }
0x2b2: {  	[sflag:s21] =	ssyncadd.s32 $0xFFFFE000  }
0x2b3: {  	[spmem:s2] =	stream.indirect.scatter.add.f32 [tilespmem:s16], [sflag:$0x5], $0x80, s30, s15, $0xb8;
	[tilespmem:$0x1D000] =	vst v63  }
0x2b4: {  	_ =	swait.ge [sflag:s10], $0x4000  }
0x2b5: {  	[sflag:s10] =	ssyncset.done $0x0  }
0x2b6: {  	[sflag:s10] =	ssyncadd.s32 $0xFFFFC000  }
0x2b7: {  	[tilespmem:s16], [sflag:$0x3] =	stream.indirect.gather [hbm4b:s4+s12], $0x80, s31, s12, $0xb8;
	[tilespmem:$0x1D000] =	vst v63  }
0x2b8: {  	_ = 	snop  }
0x2b9: {  	[tilespmem:s17], [sflag:$0x4] =	stream.indirect.gather [hbm4b:s4+s12], $0x80, s1, s12, $0xb8;
	[tilespmem:$0x1D000] =	vst v63  }
0x2ba: {  	_ =	swait.ge [sflag:s18], $0x2000  }
0x2bb: {  	[sflag:s18] =	ssyncset.done $0x0  }
0x2bc: {  	[sflag:s18] =	ssyncadd.s32 $0xFFFFE000  }
0x2bd: {  	_ =	swait.ge [sflag:s19], $0x2000  }
0x2be: {  	[sflag:s19] =	ssyncset.done $0x0  }
0x2bf: {  	[sflag:s19] =	ssyncadd.s32 $0xFFFFE000  }
0x2c0: {  	[spmem:s2] =	stream.indirect.scatter.add.f32 [tilespmem:s13], [sflag:$0x5], $0x80, s0, s15, $0xb8;
	[tilespmem:$0x1D000] =	vst v63  }
0x2c1: {  	_ =	swait.ge [sflag:s10], $0x4000  }
0x2c2: {  	[sflag:s10] =	ssyncset.done $0x0  }
0x2c3: {  	[sflag:s10] =	ssyncadd.s32 $0xFFFFC000  }
0x2c4: {  	_ =	swait.ge [sflag:s20], $0x2000  }
0x2c5: {  	[sflag:s20] =	ssyncset.done $0x0  }
0x2c6: {  	[sflag:s20] =	ssyncadd.s32 $0xFFFFE000  }
0x2c7: {  	_ =	swait.ge [sflag:s21], $0x2000  }
0x2c8: {  	[sflag:s21] =	ssyncset.done $0x0  }
0x2c9: {  	[sflag:s21] =	ssyncadd.s32 $0xFFFFE000  }
0x2ca: {  	[spmem:s2] =	stream.indirect.scatter.add.f32 [tilespmem:s16], [sflag:$0x5], $0x80, s5, s15, $0xb8;
	[tilespmem:$0x1D000] =	vst v63  }
0x2cb: {  	_ =	swait.ge [sflag:s10], $0x4000  }
0x2cc: {  	[sflag:s10] =	ssyncset.done $0x0  }
0x2cd: {  	[sflag:s10] =	ssyncadd.s32 $0xFFFFC000  }
0x2ce: {  	[bflag:$0x0] =	sbarrier.arrive $0xFFFF  }
0x2cf: {  	s8 =	sld [smem:$0x7FC]  }
0x2d0: {  	s9 =	sld [smem:$0x7F5]  }
0x2d1: {  	s7 =	sld [smem:$0x7FD];
	_ =	sdelay $0x2  }
0x2d2: {  	[hbm:s9], [sflag:s8] =	dma.local [spmem:s7], $0x2800  }
0x2d3: {  	_ =	swait.ge [sflag:s10], $0x2800  }
0x2d4: {  	s6 =	sld [smem:$0x7F3];
	_ =	sdelay $0x2  }
0x2d5: {  	s9 =	sadd.s32 $0x1, s6;
	s6 =	sld [smem:$0x7F6];
	_ =	sdelay $0x2  }
0x2d6: {  	p0 =	sne.s32 s9, s6  }
.Ltmp1:
0x2d7: {  	_ = 	snop;
	(pc) =	sbr.rel @p0 .LBB2_1-.Ltmp1, $3  }
0x2d8: {  	_ =	sdelay $0x1  }
0x2d9: {  	[sflag:s10] =	ssyncset.done $0x0  }
0x2da: {  	[sflag:s10] =	ssyncadd.s32 $0xFFFFD800  }
0x2db: {  	_ =	sfence.sel $0x180000  }
0x2dc: {  	[bflag:$0x0] =	sbarrier.arrive $0xFFFF  }
0x2dd: {  	_ =	strace $0x90000050  }
0x2de: {  	s0 =	stileid.u32;
	[bflag:$0x2] =	sbarrier.arrive $0xFFFF  }
0x2df: {  	p0 =	sne.s32 s0, $0x0;
	s0 =	rddreg [dreg:$0x2]  }
0x2e0: {  	s0 =	sadd.s32 @!p0 $0x100000, s0  }
0x2e1: {  	[sflag:s0] =	ssyncadd.tile.s32 @!p0 $0x1;
	_ =	shalt  }
.Lfunc_end2:
_tile_overlayer_lowered:
.L_overlay_start_2:
0x2e2: {  	(tag) =	ssettag $0x2  }
0x2e3: {  	s0 =	rddreg [dreg:$0x0];
	s2 =	stileid.u32  }
0x2e4: {  	s1 =	rddreg [dreg:$0x1];
	p0 =	sne.s32 s2, $0x0  }
0x2e5: {  	s3 =	rddreg [dreg:$0x2];
	[bflag:$0x3] =	sbarrier.arrive $0xFFFF;
	s2 =	simm.s32 @!p0 $0x1C05  }
0x2e6: {  	[timem:s3], [sflag:s2] =	dma.local @!p0 [hbm:s0], s1  }
0x2e7: {  	s0 =	simm.s32 @!p0 $0x5  }
0x2e8: {  	_ =	swait.ge @!p0 [sflag:s0], s1  }
0x2e9: {  	s1 =	ssub.s32 @!p0 $0x0, s1;
	[sflag:s0] =	ssyncset.done @!p0 $0x0  }
0x2ea: {  	[sflag:s0] =	ssyncadd.s32 @!p0 s1  }
0x2eb: {  	[bflag:$0x3] =	sbarrier.arrive $0xFFFF  }
0x2ec: {  	_ =	shalt  }

</sc_bundles>
